<compile_context>
chip_gen: v7x
topology: tpu7x:2x2x1
jax: 0.10.2.dev20260603
libtpu: 0.0.44.dev20260713+nightly
codegen_flags: <defaults>
</compile_context>

<pallas_src>
import functools

import jax
import jax.numpy as jnp
import numpy as np
from jax import lax
from jax.experimental import pallas as pl
from jax.experimental.pallas import tpu as pltpu
from jax.experimental.pallas import tpu_sc as plsc

N = 10000
E = 320000
D = 128
NC = 2
NS = 16
NW = NC * NS
L = 16
NPAD = 10240
EPT = E // NW
CH = 64
BCH = 16
NBLK = 10
NCHUNK = NBLK * BCH
EPTP = NCHUNK * CH
ETOT = NW * EPTP
CPT = D // NW
BK2 = 2048
NBK2 = ETOT // BK2
NPR2 = NBK2 // 2
RPT = NPAD // NS

ROWB = 512
GRID = NPAD // ROWB



def _tc1_body(x_ref, w_ref, as_ref, ad_ref, h_ref, aso_ref, ado_ref):
    h = jnp.dot(x_ref[...], w_ref[...], preferred_element_type=jnp.float32)
    h_ref[...] = h
    aso_ref[...] = jnp.sum(h * as_ref[...], axis=1, keepdims=True)
    ado_ref[...] = jnp.sum(h * ad_ref[...], axis=1, keepdims=True)


def _tc1(xp, W, asv, adv):
    return pl.pallas_call(
        _tc1_body,
        grid=(GRID,),
        in_specs=[
            pl.BlockSpec((ROWB, D), lambda i: (i, 0)),
            pl.BlockSpec((D, D), lambda i: (0, 0)),
            pl.BlockSpec((1, D), lambda i: (0, 0)),
            pl.BlockSpec((1, D), lambda i: (0, 0)),
        ],
        out_specs=[
            pl.BlockSpec((ROWB, D), lambda i: (i, 0)),
            pl.BlockSpec((ROWB, 1), lambda i: (i, 0)),
            pl.BlockSpec((ROWB, 1), lambda i: (i, 0)),
        ],
        out_shape=[
            jax.ShapeDtypeStruct((NPAD, D), jnp.float32),
            jax.ShapeDtypeStruct((NPAD, 1), jnp.float32),
            jax.ShapeDtypeStruct((NPAD, 1), jnp.float32),
        ],
    )(xp, W, asv, adv)


def _tc2_body(p_ref, d0_ref, d1_ref, b_ref, w_ref, as_ref, ad_ref,
              h_ref, aso_ref, ado_ref):
    den = d0_ref[...] + d1_ref[...]
    h1 = p_ref[...] / (den + 1e-16) + b_ref[...]
    h1 = jnp.where(h1 > 0, h1, jnp.exp(jnp.minimum(h1, 0.0)) - 1.0)
    h2 = jnp.dot(h1, w_ref[...], preferred_element_type=jnp.float32)
    h_ref[...] = h2
    aso_ref[...] = jnp.sum(h2 * as_ref[...], axis=1, keepdims=True)
    ado_ref[...] = jnp.sum(h2 * ad_ref[...], axis=1, keepdims=True)


def _tc2(p, d0, d1, b, W, asv, adv):
    return pl.pallas_call(
        _tc2_body,
        grid=(GRID,),
        in_specs=[
            pl.BlockSpec((ROWB, D), lambda i: (i, 0)),
            pl.BlockSpec((ROWB, 1), lambda i: (i, 0)),
            pl.BlockSpec((ROWB, 1), lambda i: (i, 0)),
            pl.BlockSpec((1, D), lambda i: (0, 0)),
            pl.BlockSpec((D, D), lambda i: (0, 0)),
            pl.BlockSpec((1, D), lambda i: (0, 0)),
            pl.BlockSpec((1, D), lambda i: (0, 0)),
        ],
        out_specs=[
            pl.BlockSpec((ROWB, D), lambda i: (i, 0)),
            pl.BlockSpec((ROWB, 1), lambda i: (i, 0)),
            pl.BlockSpec((ROWB, 1), lambda i: (i, 0)),
        ],
        out_shape=[
            jax.ShapeDtypeStruct((NPAD, D), jnp.float32),
            jax.ShapeDtypeStruct((NPAD, 1), jnp.float32),
            jax.ShapeDtypeStruct((NPAD, 1), jnp.float32),
        ],
    )(p, d0, d1, b, W, asv, adv)


def _tc3_body(p_ref, d0_ref, d1_ref, b_ref, o_ref):
    den = d0_ref[...] + d1_ref[...]
    o_ref[...] = p_ref[...] / (den + 1e-16) + b_ref[...]


def _tc3(p, d0, d1, b):
    return pl.pallas_call(
        _tc3_body,
        grid=(GRID,),
        in_specs=[
            pl.BlockSpec((ROWB, D), lambda i: (i, 0)),
            pl.BlockSpec((ROWB, 1), lambda i: (i, 0)),
            pl.BlockSpec((ROWB, 1), lambda i: (i, 0)),
            pl.BlockSpec((1, D), lambda i: (0, 0)),
        ],
        out_specs=pl.BlockSpec((ROWB, D), lambda i: (i, 0)),
        out_shape=jax.ShapeDtypeStruct((NPAD, D), jnp.float32),
    )(p, d0, d1, b)



def _sc_weights(src3, dst3, a_s, a_d):
    mesh = plsc.VectorSubcoreMesh(core_axis_name="c", subcore_axis_name="s")

    @functools.partial(
        pl.kernel,
        mesh=mesh,
        compiler_params=pltpu.CompilerParams(needs_layout_passes=False),
        out_type=[
            jax.ShapeDtypeStruct((NW, NCHUNK, CH), jnp.float32),
            jax.ShapeDtypeStruct((NPAD,), jnp.float32),
            jax.ShapeDtypeStruct((NPAD,), jnp.float32),
        ],
        scratch_types=[
            pltpu.VMEM((NPAD,), jnp.float32),
            pltpu.VMEM((NPAD,), jnp.float32),
            pltpu.VMEM((BCH, CH), jnp.int32),
            pltpu.VMEM((BCH, CH), jnp.int32),
            pltpu.VMEM((BCH, CH), jnp.float32),
            pltpu.VMEM((RPT,), jnp.float32),
            pltpu.VMEM_SHARED((NPAD,), jnp.float32),
            pltpu.SemaphoreType.DMA,
        ],
    )
    def ska(src_h, dst_h, as_h, ad_h, p_h, d0_h, d1_h,
            as_t, ad_t, s_blk, d_blk, p_blk, zden, den_acc, dsem):
        c = lax.axis_index("c")
        s = lax.axis_index("s")
        w = c * NS + s
        base = s * RPT

        pltpu.sync_copy(as_h, as_t)
        pltpu.sync_copy(ad_h, ad_t)

        zv = jnp.zeros((L,), jnp.float32)

        def zden_body(i, _):
            zden[pl.ds(i * L, L)] = zv
            return 0
        lax.fori_loop(0, RPT // L, zden_body, 0)
        pltpu.sync_copy(zden, den_acc.at[pl.ds(base, RPT)])
        plsc.subcore_barrier()

        def blk_body(bk, _):
            pltpu.sync_copy(src_h.at[w, pl.ds(bk * BCH, BCH)], s_blk)
            pltpu.sync_copy(dst_h.at[w, pl.ds(bk * BCH, BCH)], d_blk)

            def ch_body(k, _):
                for v in range(CH // L):
                    sl = pl.ds(v * L, L)
                    e = (plsc.load_gather(as_t, [s_blk[k, sl]])
                         + plsc.load_gather(ad_t, [d_blk[k, sl]]))
                    e = jnp.maximum(e, e * 0.2)
                    p_blk[k, sl] = jnp.exp(e)
                pltpu.async_copy(p_blk.at[k], den_acc.at[d_blk.at[k]], dsem,
                                 add=True)
                return 0
            lax.fori_loop(0, BCH, ch_body, 0)

            def drain_body(k, _):
                pltpu.make_async_copy(p_blk.at[k], den_acc.at[d_blk.at[k]],
                                      dsem).wait()
                return 0
            lax.fori_loop(0, BCH, drain_body, 0)
            pltpu.sync_copy(p_blk, p_h.at[w, pl.ds(bk * BCH, BCH)])
            return 0
        lax.fori_loop(0, NBLK, blk_body, 0)

        plsc.subcore_barrier()

        @pl.when(c == 0)
        def _():
            pltpu.sync_copy(den_acc.at[pl.ds(base, RPT)],
                            d0_h.at[pl.ds(base, RPT)])

        @pl.when(c == 1)
        def _():
            pltpu.sync_copy(den_acc.at[pl.ds(base, RPT)],
                            d1_h.at[pl.ds(base, RPT)])

    return ska(src3, dst3, a_s, a_d)



def _sc_aggregate(srcf, dstf, pf, hT):
    mesh = plsc.VectorSubcoreMesh(core_axis_name="c", subcore_axis_name="s")

    @functools.partial(
        pl.kernel,
        mesh=mesh,
        compiler_params=pltpu.CompilerParams(needs_layout_passes=False),
        out_type=jax.ShapeDtypeStruct((NW, CPT, NPAD), jnp.float32),
        scratch_types=(
            [pltpu.VMEM((NPAD,), jnp.float32) for _ in range(CPT)]
            + [pltpu.VMEM((NPAD,), jnp.float32) for _ in range(CPT)]
            + [
                pltpu.VMEM((2, BK2), jnp.int32),
                pltpu.VMEM((2, BK2), jnp.int32),
                pltpu.VMEM((2, BK2), jnp.float32),
                pltpu.SemaphoreType.DMA,
            ]
        ),
    )
    def skb(src_h, dst_h, p_h, hT_h, out_h,
            ht0, ht1, ht2, ht3, ac0, ac1, ac2, ac3, s_st, d_st, p_st, stsem):
        c = lax.axis_index("c")
        s = lax.axis_index("s")
        w = c * NS + s
        hts = [ht0, ht1, ht2, ht3]
        accs = [ac0, ac1, ac2, ac3]

        for j in range(CPT):
            pltpu.sync_copy(hT_h.at[w * CPT + j], hts[j])

        zv = jnp.zeros((L,), jnp.float32)

        def zacc_body(i, _):
            for j in range(CPT):
                accs[j][pl.ds(i * L, L)] = zv
            return 0
        lax.fori_loop(0, NPAD // L, zacc_body, 0)

        def stage(bk, db):
            pltpu.async_copy(src_h.at[bk], s_st.at[db], stsem)
            pltpu.async_copy(dst_h.at[bk], d_st.at[db], stsem)
            pltpu.async_copy(p_h.at[bk], p_st.at[db], stsem)

        def stage_wait(bk, db):
            pltpu.make_async_copy(src_h.at[bk], s_st.at[db], stsem).wait()
            pltpu.make_async_copy(dst_h.at[bk], d_st.at[db], stsem).wait()
            pltpu.make_async_copy(p_h.at[bk], p_st.at[db], stsem).wait()

        stage(0, 0)

        def pair_body(pr, _):
            for db in range(2):
                bk = pr * 2 + db
                stage_wait(bk, db)
                if db == 0:
                    stage(bk + 1, 1)
                else:
                    @pl.when(pr < NPR2 - 1)
                    def _():
                        stage(bk + 1, 0)

                def vec_body(v, _):
                    sl = pl.ds(v * L, L)
                    sv = s_st[db, sl]
                    dv = d_st[db, sl]
                    pv = p_st[db, sl]
                    hvs = [plsc.load_gather(hts[j], [sv]) for j in range(CPT)]
                    for j in range(CPT):
                        plsc.addupdate_scatter(accs[j], [dv], hvs[j] * pv)
                    return 0
                lax.fori_loop(0, BK2 // L, vec_body, 0, unroll=4)
            return 0
        lax.fori_loop(0, NPR2, pair_body, 0)

        for j in range(CPT):
            pltpu.sync_copy(accs[j], out_h.at[w, j])

    return skb(srcf, dstf, pf, hT)


def _sc_layer(src3, dst3, srcf, dstf, h, a_s, a_d):
    p3, d0, d1 = _sc_weights(src3, dst3, a_s, a_d)
    pf = p3.reshape(NBK2, BK2)
    outB = _sc_aggregate(srcf, dstf, pf, h.T)
    part = outB.reshape(D, NPAD).T
    return part, d0, d1



def kernel(x, edge_index, W1, att_src1, att_dst1, b1, W2, att_src2, att_dst2, b2):
    f32 = jnp.float32
    src = edge_index[0].reshape(NW, EPT)
    dst = edge_index[1].reshape(NW, EPT)
    pad_s = jnp.zeros((NW, EPTP - EPT), jnp.int32)
    pad_d = jnp.full((NW, EPTP - EPT), NPAD - 1, jnp.int32)
    src3 = jnp.concatenate([src, pad_s], axis=1).reshape(NW, NCHUNK, CH)
    dst3 = jnp.concatenate([dst, pad_d], axis=1).reshape(NW, NCHUNK, CH)
    srcf = src3.reshape(NBK2, BK2)
    dstf = dst3.reshape(NBK2, BK2)

    xp = jnp.zeros((NPAD, D), f32).at[:N].set(x)

    h1, a1s, a1d = _tc1(xp, W1, att_src1.reshape(1, D), att_dst1.reshape(1, D))
    part1, d0, d1 = _sc_layer(src3, dst3, srcf, dstf, h1,
                              a1s.reshape(NPAD), a1d.reshape(NPAD))
    h2, a2s, a2d = _tc2(part1, d0.reshape(NPAD, 1), d1.reshape(NPAD, 1),
                        b1.reshape(1, D), W2,
                        att_src2.reshape(1, D), att_dst2.reshape(1, D))
    part2, e0, e1 = _sc_layer(src3, dst3, srcf, dstf, h2,
                              a2s.reshape(NPAD), a2d.reshape(NPAD))
    out = _tc3(part2, e0.reshape(NPAD, 1), e1.reshape(NPAD, 1),
               b2.reshape(1, D))
    return out[:N]

# --- scband reference (transcript-rebuilt; emitter-appended) ---
"""Pipeline reference for scband-gatencoder-773094113575 (READ-ONLY COPY).

The authoritative reference and input builder live on the scoring server;
editing this copy changes nothing except your own understanding.
"""

import jax, jax.numpy as jnp
import numpy as np

N = 10000
E = 320000
D_IN = 128
D_HID = 128
D_OUT = 128
HEADS = 1


def gat_conv(x, edge_index, W, att_src, att_dst, bias, heads, out_ch, concat):
    n = x.shape[0]
    h = (x @ W).reshape(n, heads, out_ch)
    src = edge_index[0]
    dst = edge_index[1]
    a_src = jnp.sum(h * att_src, axis=-1)  # [N, H]
    a_dst = jnp.sum(h * att_dst, axis=-1)  # [N, H]
    e = a_src[src] + a_dst[dst]            # [E, H]
    e = jax.nn.leaky_relu(e, negative_slope=0.2)
    # numerically stable softmax over edges grouped by destination node
    e_max = jax.ops.segment_max(jax.lax.stop_gradient(e), dst, num_segments=n)
    e_max = jnp.where(jnp.isfinite(e_max), e_max, 0.0)
    e_exp = jnp.exp(e - e_max[dst])
    denom = jax.ops.segment_sum(e_exp, dst, num_segments=n)
    alpha = e_exp / (denom[dst] + 1e-16)   # [E, H]
    msg = h[src] * alpha[:, :, None]       # [E, H, C]
    out = jax.ops.segment_sum(msg, dst, num_segments=n)  # [N, H, C]
    if concat:
        out = out.reshape(n, heads * out_ch)
    else:
        out = out.mean(axis=1)
    return out + bias


def setup_inputs(seed: int = 0):
    key = jax.random.key(seed)
    ks = jax.random.split(key, 10)
    x = jax.random.normal(ks[0], (N, D_IN), dtype=jnp.float32)
    edge_index = jax.random.randint(ks[1], (2, E), 0, N, dtype=jnp.int32)
    s1 = float(np.sqrt(2.0 / (D_IN + D_HID)))
    W1 = jax.random.normal(ks[2], (D_IN, HEADS * D_HID), dtype=jnp.float32) * s1
    att_src1 = jax.random.normal(ks[3], (1, HEADS, D_HID), dtype=jnp.float32) * 0.1
    att_dst1 = jax.random.normal(ks[4], (1, HEADS, D_HID), dtype=jnp.float32) * 0.1
    b1 = jnp.zeros((HEADS * D_HID,), dtype=jnp.float32)
    s2 = float(np.sqrt(2.0 / (HEADS * D_HID + D_OUT)))
    W2 = jax.random.normal(ks[5], (HEADS * D_HID, D_OUT), dtype=jnp.float32) * s2
    att_src2 = jax.random.normal(ks[6], (1, 1, D_OUT), dtype=jnp.float32) * 0.1
    att_dst2 = jax.random.normal(ks[7], (1, 1, D_OUT), dtype=jnp.float32) * 0.1
    b2 = jnp.zeros((D_OUT,), dtype=jnp.float32)
    return {"x": x, "edge_index": edge_index,
            "W1": W1, "att_src1": att_src1, "att_dst1": att_dst1, "b1": b1,
            "W2": W2, "att_src2": att_src2, "att_dst2": att_dst2, "b2": b2}


def reference(x, edge_index, W1, att_src1, att_dst1, b1, W2, att_src2, att_dst2, b2):
    h = gat_conv(x, edge_index, W1, att_src1, att_dst1, b1, HEADS, D_HID, True)
    h = jax.nn.elu(h)
    out = gat_conv(h, edge_index, W2, att_src2, att_dst2, b2, 1, D_OUT, False)
    return out

if __name__ == "__main__":
    import jax
    _d = setup_inputs()
    print(jax.jit(kernel)(*tuple(_d.values())))

</pallas_src>

<mosaic_0001>
#map = affine_map<(d0, d1) -> (0, 0, 0)>
#map1 = affine_map<(d0, d1) -> (0)>
module attributes {stable_mosaic.version = 14 : i64} {
  func.func @ska(%arg0: i32, %arg1: i32, %arg2: memref<32x160x64xi32, #tpu.memory_space<hbm>>, %arg3: memref<32x160x64xi32, #tpu.memory_space<hbm>>, %arg4: memref<10240xf32, #tpu.memory_space<hbm>>, %arg5: memref<10240xf32, #tpu.memory_space<hbm>>, %arg6: memref<32x160x64xf32, #tpu.memory_space<hbm>>, %arg7: memref<10240xf32, #tpu.memory_space<hbm>>, %arg8: memref<10240xf32, #tpu.memory_space<hbm>>, %arg9: memref<10240xf32, #tpu.memory_space<vmem>>, %arg10: memref<10240xf32, #tpu.memory_space<vmem>>, %arg11: memref<16x64xi32, #tpu.memory_space<vmem>>, %arg12: memref<16x64xi32, #tpu.memory_space<vmem>>, %arg13: memref<16x64xf32, #tpu.memory_space<vmem>>, %arg14: memref<640xf32, #tpu.memory_space<vmem>>, %arg15: memref<10240xf32, #tpu.memory_space<vmem_shared>>, %arg16: memref<!tpu.dma_semaphore, #tpu.memory_space<semaphore_mem>>) attributes {dimension_semantics = [#tpu.dimension_semantics<core_parallel>, #tpu.dimension_semantics<subcore_parallel>], iteration_bounds = array<i64: 2, 16>, scalar_prefetch = 0 : i64, scratch_operands = 8 : i64, tpu.core_type = #tpu.core_type<sc_vector_subcore>, window_params = [{transform_indices = #map}, {transform_indices = #map}, {transform_indices = #map1}, {transform_indices = #map1}, {transform_indices = #map}, {transform_indices = #map1}, {transform_indices = #map1}]} {
    %mul3A = arith.constant 16 : i32
    %mul3A_0 = arith.muli %arg0, %mul3A : i32
    %add3A = arith.addi %mul3A_0, %arg1 : i32
    %mul3A_1 = arith.constant 640 : i32
    %mul3A_2 = arith.muli %arg1, %mul3A_1 : i32
    "tpu.region"() ({
      %run_scoped3A = tpu.sem_alloc : memref<!tpu.dma_semaphore, #tpu.memory_space<semaphore_mem>>
      tpu.enqueue_dma source(%arg4 : memref<10240xf32, #tpu.memory_space<hbm>>) target(%arg9 : memref<10240xf32, #tpu.memory_space<vmem>>) target_semaphore(%run_scoped3A : memref<!tpu.dma_semaphore, #tpu.memory_space<semaphore_mem>>)
      tpu.wait_dma2 semaphore(%run_scoped3A : memref<!tpu.dma_semaphore, #tpu.memory_space<semaphore_mem>>) src(%arg4 : memref<10240xf32, #tpu.memory_space<hbm>>) dst(%arg9 : memref<10240xf32, #tpu.memory_space<vmem>>)
      tpu.yield
    }) : () -> ()
    "tpu.region"() ({
      %run_scoped3A = tpu.sem_alloc : memref<!tpu.dma_semaphore, #tpu.memory_space<semaphore_mem>>
      tpu.enqueue_dma source(%arg5 : memref<10240xf32, #tpu.memory_space<hbm>>) target(%arg10 : memref<10240xf32, #tpu.memory_space<vmem>>) target_semaphore(%run_scoped3A : memref<!tpu.dma_semaphore, #tpu.memory_space<semaphore_mem>>)
      tpu.wait_dma2 semaphore(%run_scoped3A : memref<!tpu.dma_semaphore, #tpu.memory_space<semaphore_mem>>) src(%arg5 : memref<10240xf32, #tpu.memory_space<hbm>>) dst(%arg10 : memref<10240xf32, #tpu.memory_space<vmem>>)
      tpu.yield
    }) : () -> ()
    %broadcast_in_dim3A = arith.constant 0.000000e+00 : f32
    %broadcast_in_dim3A_3 = vector.broadcast %broadcast_in_dim3A : f32 to vector<16xf32>
    %scan3A = arith.constant 0 : i32
    %scan3A_4 = arith.constant 0 : i32
    %scan3A_5 = arith.constant 40 : i32
    %scan3A_6 = arith.addi %scan3A_4, %scan3A_5 : i32
    %scan3A_7 = arith.constant 1 : i32
    %scan3A_8 = scf.for %scan3A_25 = %scan3A_4 to %scan3A_6 step %scan3A_7 iter_args(%scan3A_26 = %scan3A) -> (i32)  : i32 {
      %mul3A_27 = arith.constant 16 : i32
      %mul3A_28 = arith.muli %scan3A_25, %mul3A_27 : i32
      %swap3A = arith.index_cast %mul3A_28 : i32 to index
      %swap3A_29 = tpu.vector_load %arg14[%swap3A] {strides = array<i32>} : memref<640xf32, #tpu.memory_space<vmem>>, vector<16xf32>,
      tpu.vector_store %arg14[%swap3A], %broadcast_in_dim3A_3 {strides = array<i32>} : memref<640xf32, #tpu.memory_space<vmem>>, vector<16xf32>,
      %scan3A_30 = arith.constant 0 : i32
      scf.yield %scan3A_30 : i32
    }
    %scan3A_9 = arith.constant 40 : i32
    "tpu.region"() ({
      %run_scoped3A = tpu.sem_alloc : memref<!tpu.dma_semaphore, #tpu.memory_space<semaphore_mem>>
      %dma_start3A = tpu.memref_slice %arg15[%mul3A_2] : memref<10240xf32, #tpu.memory_space<vmem_shared>> -> memref<640xf32, #tpu.memory_space<vmem_shared>>
      %dma_start3A_25 = tpu.memref_slice %arg15[%mul3A_2] : memref<10240xf32, #tpu.memory_space<vmem_shared>> -> memref<640xf32, #tpu.memory_space<vmem_shared>>
      tpu.enqueue_dma source(%arg14 : memref<640xf32, #tpu.memory_space<vmem>>) target(%dma_start3A_25 : memref<640xf32, #tpu.memory_space<vmem_shared>>) target_semaphore(%run_scoped3A : memref<!tpu.dma_semaphore, #tpu.memory_space<semaphore_mem>>)
      %dma_wait3A = tpu.memref_slice %arg15[%mul3A_2] : memref<10240xf32, #tpu.memory_space<vmem_shared>> -> memref<640xf32, #tpu.memory_space<vmem_shared>>
      %dma_wait3A_26 = tpu.memref_slice %arg15[%mul3A_2] : memref<10240xf32, #tpu.memory_space<vmem_shared>> -> memref<640xf32, #tpu.memory_space<vmem_shared>>
      tpu.wait_dma2 semaphore(%run_scoped3A : memref<!tpu.dma_semaphore, #tpu.memory_space<semaphore_mem>>) src(%arg14 : memref<640xf32, #tpu.memory_space<vmem>>) dst(%dma_wait3A_26 : memref<640xf32, #tpu.memory_space<vmem_shared>>)
      tpu.yield
    }) : () -> ()
    %barrier3A = arith.constant 0 : index
    tpu.barrier barrier_id(%barrier3A)
    %scan3A_10 = arith.constant 0 : i32
    %scan3A_11 = arith.constant 0 : i32
    %scan3A_12 = arith.constant 10 : i32
    %scan3A_13 = arith.addi %scan3A_11, %scan3A_12 : i32
    %scan3A_14 = arith.constant 1 : i32
    %scan3A_15 = scf.for %scan3A_25 = %scan3A_11 to %scan3A_13 step %scan3A_14 iter_args(%scan3A_26 = %scan3A_10) -> (i32)  : i32 {
      %mul3A_27 = arith.constant 16 : i32
      %mul3A_28 = arith.muli %scan3A_25, %mul3A_27 : i32
      "tpu.region"() ({
        %run_scoped3A = tpu.sem_alloc : memref<!tpu.dma_semaphore, #tpu.memory_space<semaphore_mem>>
        %dma_start3A = arith.constant 0 : i32
        %dma_start3A_48 = tpu.memref_slice %arg2[%add3A, %mul3A_28, %dma_start3A] : memref<32x160x64xi32, #tpu.memory_space<hbm>> -> memref<1x16x64xi32, #tpu.memory_space<hbm>>
        %dma_start3A_49 = tpu.memref_squeeze %dma_start3A_48 : memref<1x16x64xi32, #tpu.memory_space<hbm>> -> memref<16x64xi32, #tpu.memory_space<hbm>>
        %dma_start3A_50 = arith.constant 0 : i32
        %dma_start3A_51 = tpu.memref_slice %arg2[%add3A, %mul3A_28, %dma_start3A_50] : memref<32x160x64xi32, #tpu.memory_space<hbm>> -> memref<1x16x64xi32, #tpu.memory_space<hbm>>
        %dma_start3A_52 = tpu.memref_squeeze %dma_start3A_51 : memref<1x16x64xi32, #tpu.memory_space<hbm>> -> memref<16x64xi32, #tpu.memory_space<hbm>>
        tpu.enqueue_dma source(%dma_start3A_52 : memref<16x64xi32, #tpu.memory_space<hbm>>) target(%arg11 : memref<16x64xi32, #tpu.memory_space<vmem>>) target_semaphore(%run_scoped3A : memref<!tpu.dma_semaphore, #tpu.memory_space<semaphore_mem>>)
        %dma_wait3A = arith.constant 0 : i32
        %dma_wait3A_53 = tpu.memref_slice %arg2[%add3A, %mul3A_28, %dma_wait3A] : memref<32x160x64xi32, #tpu.memory_space<hbm>> -> memref<1x16x64xi32, #tpu.memory_space<hbm>>
        %dma_wait3A_54 = tpu.memref_squeeze %dma_wait3A_53 : memref<1x16x64xi32, #tpu.memory_space<hbm>> -> memref<16x64xi32, #tpu.memory_space<hbm>>
        %dma_wait3A_55 = arith.constant 0 : i32
        %dma_wait3A_56 = tpu.memref_slice %arg2[%add3A, %mul3A_28, %dma_wait3A_55] : memref<32x160x64xi32, #tpu.memory_space<hbm>> -> memref<1x16x64xi32, #tpu.memory_space<hbm>>
        %dma_wait3A_57 = tpu.memref_squeeze %dma_wait3A_56 : memref<1x16x64xi32, #tpu.memory_space<hbm>> -> memref<16x64xi32, #tpu.memory_space<hbm>>
        tpu.wait_dma2 semaphore(%run_scoped3A : memref<!tpu.dma_semaphore, #tpu.memory_space<semaphore_mem>>) src(%dma_wait3A_57 : memref<16x64xi32, #tpu.memory_space<hbm>>) dst(%arg11 : memref<16x64xi32, #tpu.memory_space<vmem>>)
        tpu.yield
      }) : () -> ()
      %mul3A_29 = arith.constant 16 : i32
      %mul3A_30 = arith.muli %scan3A_25, %mul3A_29 : i32
      "tpu.region"() ({
        %run_scoped3A = tpu.sem_alloc : memref<!tpu.dma_semaphore, #tpu.memory_space<semaphore_mem>>
        %dma_start3A = arith.constant 0 : i32
        %dma_start3A_48 = tpu.memref_slice %arg3[%add3A, %mul3A_30, %dma_start3A] : memref<32x160x64xi32, #tpu.memory_space<hbm>> -> memref<1x16x64xi32, #tpu.memory_space<hbm>>
        %dma_start3A_49 = tpu.memref_squeeze %dma_start3A_48 : memref<1x16x64xi32, #tpu.memory_space<hbm>> -> memref<16x64xi32, #tpu.memory_space<hbm>>
        %dma_start3A_50 = arith.constant 0 : i32
        %dma_start3A_51 = tpu.memref_slice %arg3[%add3A, %mul3A_30, %dma_start3A_50] : memref<32x160x64xi32, #tpu.memory_space<hbm>> -> memref<1x16x64xi32, #tpu.memory_space<hbm>>
        %dma_start3A_52 = tpu.memref_squeeze %dma_start3A_51 : memref<1x16x64xi32, #tpu.memory_space<hbm>> -> memref<16x64xi32, #tpu.memory_space<hbm>>
        tpu.enqueue_dma source(%dma_start3A_52 : memref<16x64xi32, #tpu.memory_space<hbm>>) target(%arg12 : memref<16x64xi32, #tpu.memory_space<vmem>>) target_semaphore(%run_scoped3A : memref<!tpu.dma_semaphore, #tpu.memory_space<semaphore_mem>>)
        %dma_wait3A = arith.constant 0 : i32
        %dma_wait3A_53 = tpu.memref_slice %arg3[%add3A, %mul3A_30, %dma_wait3A] : memref<32x160x64xi32, #tpu.memory_space<hbm>> -> memref<1x16x64xi32, #tpu.memory_space<hbm>>
        %dma_wait3A_54 = tpu.memref_squeeze %dma_wait3A_53 : memref<1x16x64xi32, #tpu.memory_space<hbm>> -> memref<16x64xi32, #tpu.memory_space<hbm>>
        %dma_wait3A_55 = arith.constant 0 : i32
        %dma_wait3A_56 = tpu.memref_slice %arg3[%add3A, %mul3A_30, %dma_wait3A_55] : memref<32x160x64xi32, #tpu.memory_space<hbm>> -> memref<1x16x64xi32, #tpu.memory_space<hbm>>
        %dma_wait3A_57 = tpu.memref_squeeze %dma_wait3A_56 : memref<1x16x64xi32, #tpu.memory_space<hbm>> -> memref<16x64xi32, #tpu.memory_space<hbm>>
        tpu.wait_dma2 semaphore(%run_scoped3A : memref<!tpu.dma_semaphore, #tpu.memory_space<semaphore_mem>>) src(%dma_wait3A_57 : memref<16x64xi32, #tpu.memory_space<hbm>>) dst(%arg12 : memref<16x64xi32, #tpu.memory_space<vmem>>)
        tpu.yield
      }) : () -> ()
      %scan3A_31 = arith.constant 0 : i32
      %scan3A_32 = arith.constant 0 : i32
      %scan3A_33 = arith.constant 16 : i32
      %scan3A_34 = arith.addi %scan3A_32, %scan3A_33 : i32
      %scan3A_35 = arith.constant 1 : i32
      %scan3A_36 = scf.for %scan3A_48 = %scan3A_32 to %scan3A_34 step %scan3A_35 iter_args(%scan3A_49 = %scan3A_31) -> (i32)  : i32 {
        %get3A = arith.index_cast %scan3A_48 : i32 to index
        %get3A_50 = arith.constant 0 : index
        %get3A_51 = tpu.vector_load %arg11[%get3A, %get3A_50] {strides = array<i32>} : memref<16x64xi32, #tpu.memory_space<vmem>>, vector<16xi32>,
        %gather3A = tpu.vector_load_idx %arg9[%get3A_51] : memref<10240xf32, #tpu.memory_space<vmem>>[vector<16xi32>], vector<16xf32>,
        %get3A_52 = arith.index_cast %scan3A_48 : i32 to index
        %get3A_53 = arith.constant 0 : index
        %get3A_54 = tpu.vector_load %arg12[%get3A_52, %get3A_53] {strides = array<i32>} : memref<16x64xi32, #tpu.memory_space<vmem>>, vector<16xi32>,
        %gather3A_55 = tpu.vector_load_idx %arg10[%get3A_54] : memref<10240xf32, #tpu.memory_space<vmem>>[vector<16xi32>], vector<16xf32>,
        %add3A_56 = arith.addf %gather3A, %gather3A_55 : vector<16xf32>
        %mul3A_57 = arith.constant 2.000000e-01 : f32
        %mul3A_58 = vector.broadcast %mul3A_57 : f32 to vector<16xf32>
        %mul3A_59 = arith.mulf %add3A_56, %mul3A_58 : vector<16xf32>
        %max3A = arith.maximumf %add3A_56, %mul3A_59 : vector<16xf32>
        %exp3A = math.exp %max3A : vector<16xf32>
        %swap3A = arith.index_cast %scan3A_48 : i32 to index
        %swap3A_60 = arith.constant 0 : index
        %swap3A_61 = tpu.vector_load %arg13[%swap3A, %swap3A_60] {strides = array<i32>} : memref<16x64xf32, #tpu.memory_space<vmem>>, vector<16xf32>,
        tpu.vector_store %arg13[%swap3A, %swap3A_60], %exp3A {strides = array<i32>} : memref<16x64xf32, #tpu.memory_space<vmem>>, vector<16xf32>,
        %get3A_62 = arith.index_cast %scan3A_48 : i32 to index
        %get3A_63 = arith.constant 16 : index
        %get3A_64 = tpu.vector_load %arg11[%get3A_62, %get3A_63] {strides = array<i32>} : memref<16x64xi32, #tpu.memory_space<vmem>>, vector<16xi32>,
        %gather3A_65 = tpu.vector_load_idx %arg9[%get3A_64] : memref<10240xf32, #tpu.memory_space<vmem>>[vector<16xi32>], vector<16xf32>,
        %get3A_66 = arith.index_cast %scan3A_48 : i32 to index
        %get3A_67 = arith.constant 16 : index
        %get3A_68 = tpu.vector_load %arg12[%get3A_66, %get3A_67] {strides = array<i32>} : memref<16x64xi32, #tpu.memory_space<vmem>>, vector<16xi32>,
        %gather3A_69 = tpu.vector_load_idx %arg10[%get3A_68] : memref<10240xf32, #tpu.memory_space<vmem>>[vector<16xi32>], vector<16xf32>,
        %add3A_70 = arith.addf %gather3A_65, %gather3A_69 : vector<16xf32>
        %mul3A_71 = arith.constant 2.000000e-01 : f32
        %mul3A_72 = vector.broadcast %mul3A_71 : f32 to vector<16xf32>
        %mul3A_73 = arith.mulf %add3A_70, %mul3A_72 : vector<16xf32>
        %max3A_74 = arith.maximumf %add3A_70, %mul3A_73 : vector<16xf32>
        %exp3A_75 = math.exp %max3A_74 : vector<16xf32>
        %swap3A_76 = arith.index_cast %scan3A_48 : i32 to index
        %swap3A_77 = arith.constant 16 : index
        %swap3A_78 = tpu.vector_load %arg13[%swap3A_76, %swap3A_77] {strides = array<i32>} : memref<16x64xf32, #tpu.memory_space<vmem>>, vector<16xf32>,
        tpu.vector_store %arg13[%swap3A_76, %swap3A_77], %exp3A_75 {strides = array<i32>} : memref<16x64xf32, #tpu.memory_space<vmem>>, vector<16xf32>,
        %get3A_79 = arith.index_cast %scan3A_48 : i32 to index
        %get3A_80 = arith.constant 32 : index
        %get3A_81 = tpu.vector_load %arg11[%get3A_79, %get3A_80] {strides = array<i32>} : memref<16x64xi32, #tpu.memory_space<vmem>>, vector<16xi32>,
        %gather3A_82 = tpu.vector_load_idx %arg9[%get3A_81] : memref<10240xf32, #tpu.memory_space<vmem>>[vector<16xi32>], vector<16xf32>,
        %get3A_83 = arith.index_cast %scan3A_48 : i32 to index
        %get3A_84 = arith.constant 32 : index
        %get3A_85 = tpu.vector_load %arg12[%get3A_83, %get3A_84] {strides = array<i32>} : memref<16x64xi32, #tpu.memory_space<vmem>>, vector<16xi32>,
        %gather3A_86 = tpu.vector_load_idx %arg10[%get3A_85] : memref<10240xf32, #tpu.memory_space<vmem>>[vector<16xi32>], vector<16xf32>,
        %add3A_87 = arith.addf %gather3A_82, %gather3A_86 : vector<16xf32>
        %mul3A_88 = arith.constant 2.000000e-01 : f32
        %mul3A_89 = vector.broadcast %mul3A_88 : f32 to vector<16xf32>
        %mul3A_90 = arith.mulf %add3A_87, %mul3A_89 : vector<16xf32>
        %max3A_91 = arith.maximumf %add3A_87, %mul3A_90 : vector<16xf32>
        %exp3A_92 = math.exp %max3A_91 : vector<16xf32>
        %swap3A_93 = arith.index_cast %scan3A_48 : i32 to index
        %swap3A_94 = arith.constant 32 : index
        %swap3A_95 = tpu.vector_load %arg13[%swap3A_93, %swap3A_94] {strides = array<i32>} : memref<16x64xf32, #tpu.memory_space<vmem>>, vector<16xf32>,
        tpu.vector_store %arg13[%swap3A_93, %swap3A_94], %exp3A_92 {strides = array<i32>} : memref<16x64xf32, #tpu.memory_space<vmem>>, vector<16xf32>,
        %get3A_96 = arith.index_cast %scan3A_48 : i32 to index
        %get3A_97 = arith.constant 48 : index
        %get3A_98 = tpu.vector_load %arg11[%get3A_96, %get3A_97] {strides = array<i32>} : memref<16x64xi32, #tpu.memory_space<vmem>>, vector<16xi32>,
        %gather3A_99 = tpu.vector_load_idx %arg9[%get3A_98] : memref<10240xf32, #tpu.memory_space<vmem>>[vector<16xi32>], vector<16xf32>,
        %get3A_100 = arith.index_cast %scan3A_48 : i32 to index
        %get3A_101 = arith.constant 48 : index
        %get3A_102 = tpu.vector_load %arg12[%get3A_100, %get3A_101] {strides = array<i32>} : memref<16x64xi32, #tpu.memory_space<vmem>>, vector<16xi32>,
        %gather3A_103 = tpu.vector_load_idx %arg10[%get3A_102] : memref<10240xf32, #tpu.memory_space<vmem>>[vector<16xi32>], vector<16xf32>,
        %add3A_104 = arith.addf %gather3A_99, %gather3A_103 : vector<16xf32>
        %mul3A_105 = arith.constant 2.000000e-01 : f32
        %mul3A_106 = vector.broadcast %mul3A_105 : f32 to vector<16xf32>
        %mul3A_107 = arith.mulf %add3A_104, %mul3A_106 : vector<16xf32>
        %max3A_108 = arith.maximumf %add3A_104, %mul3A_107 : vector<16xf32>
        %exp3A_109 = math.exp %max3A_108 : vector<16xf32>
        %swap3A_110 = arith.index_cast %scan3A_48 : i32 to index
        %swap3A_111 = arith.constant 48 : index
        %swap3A_112 = tpu.vector_load %arg13[%swap3A_110, %swap3A_111] {strides = array<i32>} : memref<16x64xf32, #tpu.memory_space<vmem>>, vector<16xf32>,
        tpu.vector_store %arg13[%swap3A_110, %swap3A_111], %exp3A_109 {strides = array<i32>} : memref<16x64xf32, #tpu.memory_space<vmem>>, vector<16xf32>,
        %dma_start3A = arith.constant 0 : i32
        %dma_start3A_113 = tpu.memref_slice %arg13[%scan3A_48, %dma_start3A] : memref<16x64xf32, #tpu.memory_space<vmem>> -> memref<1x64xf32, #tpu.memory_space<vmem>>
        %dma_start3A_114 = tpu.memref_squeeze %dma_start3A_113 : memref<1x64xf32, #tpu.memory_space<vmem>> -> memref<64xf32, #tpu.memory_space<vmem>>
        %dma_start3A_115 = arith.constant 0 : i32
        %dma_start3A_116 = tpu.memref_slice %arg12[%scan3A_48, %dma_start3A_115] : memref<16x64xi32, #tpu.memory_space<vmem>> -> memref<1x64xi32, #tpu.memory_space<vmem>>
        %dma_start3A_117 = tpu.memref_squeeze %dma_start3A_116 : memref<1x64xi32, #tpu.memory_space<vmem>> -> memref<64xi32, #tpu.memory_space<vmem>>
        %dma_start3A_118 = arith.constant 0 : i32
        %dma_start3A_119 = tpu.memref_slice %arg15[%dma_start3A_118] : memref<10240xf32, #tpu.memory_space<vmem_shared>> -> memref<10240xf32, #tpu.memory_space<vmem_shared>>
        tpu.enqueue_indirect_dma source(%dma_start3A_114 : memref<64xf32, #tpu.memory_space<vmem>>) target(%dma_start3A_119 : memref<10240xf32, #tpu.memory_space<vmem_shared>>) offsets(%dma_start3A_117 : memref<64xi32, #tpu.memory_space<vmem>>) semaphore(%arg16 : memref<!tpu.dma_semaphore, #tpu.memory_space<semaphore_mem>>) {add = true}
        %scan3A_120 = arith.constant 0 : i32
        scf.yield %scan3A_120 : i32
      }
      %scan3A_37 = arith.constant 16 : i32
      %scan3A_38 = arith.constant 0 : i32
      %scan3A_39 = arith.constant 0 : i32
      %scan3A_40 = arith.constant 16 : i32
      %scan3A_41 = arith.addi %scan3A_39, %scan3A_40 : i32
      %scan3A_42 = arith.constant 1 : i32
      %scan3A_43 = scf.for %scan3A_48 = %scan3A_39 to %scan3A_41 step %scan3A_42 iter_args(%scan3A_49 = %scan3A_38) -> (i32)  : i32 {
        %dma_wait3A = arith.constant 0 : i32
        %dma_wait3A_50 = tpu.memref_slice %arg13[%scan3A_48, %dma_wait3A] : memref<16x64xf32, #tpu.memory_space<vmem>> -> memref<1x64xf32, #tpu.memory_space<vmem>>
        %dma_wait3A_51 = tpu.memref_squeeze %dma_wait3A_50 : memref<1x64xf32, #tpu.memory_space<vmem>> -> memref<64xf32, #tpu.memory_space<vmem>>
        %dma_wait3A_52 = arith.constant 0 : i32
        %dma_wait3A_53 = tpu.memref_slice %arg12[%scan3A_48, %dma_wait3A_52] : memref<16x64xi32, #tpu.memory_space<vmem>> -> memref<1x64xi32, #tpu.memory_space<vmem>>
        %dma_wait3A_54 = tpu.memref_squeeze %dma_wait3A_53 : memref<1x64xi32, #tpu.memory_space<vmem>> -> memref<64xi32, #tpu.memory_space<vmem>>
        %dma_wait3A_55 = arith.constant 0 : i32
        %dma_wait3A_56 = tpu.memref_slice %arg15[%dma_wait3A_55] : memref<10240xf32, #tpu.memory_space<vmem_shared>> -> memref<10240xf32, #tpu.memory_space<vmem_shared>>
        tpu.wait_indirect_dma semaphore(%arg16 : memref<!tpu.dma_semaphore, #tpu.memory_space<semaphore_mem>>) src(%dma_wait3A_51 : memref<64xf32, #tpu.memory_space<vmem>>) dst(%dma_wait3A_56 : memref<10240xf32, #tpu.memory_space<vmem_shared>>)
        %scan3A_57 = arith.constant 0 : i32
        scf.yield %scan3A_57 : i32
      }
      %scan3A_44 = arith.constant 16 : i32
      %mul3A_45 = arith.constant 16 : i32
      %mul3A_46 = arith.muli %scan3A_25, %mul3A_45 : i32
      "tpu.region"() ({
        %run_scoped3A = tpu.sem_alloc : memref<!tpu.dma_semaphore, #tpu.memory_space<semaphore_mem>>
        %dma_start3A = arith.constant 0 : i32
        %dma_start3A_48 = tpu.memref_slice %arg6[%add3A, %mul3A_46, %dma_start3A] : memref<32x160x64xf32, #tpu.memory_space<hbm>> -> memref<1x16x64xf32, #tpu.memory_space<hbm>>
        %dma_start3A_49 = tpu.memref_squeeze %dma_start3A_48 : memref<1x16x64xf32, #tpu.memory_space<hbm>> -> memref<16x64xf32, #tpu.memory_space<hbm>>
        %dma_start3A_50 = arith.constant 0 : i32
        %dma_start3A_51 = tpu.memref_slice %arg6[%add3A, %mul3A_46, %dma_start3A_50] : memref<32x160x64xf32, #tpu.memory_space<hbm>> -> memref<1x16x64xf32, #tpu.memory_space<hbm>>
        %dma_start3A_52 = tpu.memref_squeeze %dma_start3A_51 : memref<1x16x64xf32, #tpu.memory_space<hbm>> -> memref<16x64xf32, #tpu.memory_space<hbm>>
        tpu.enqueue_dma source(%arg13 : memref<16x64xf32, #tpu.memory_space<vmem>>) target(%dma_start3A_52 : memref<16x64xf32, #tpu.memory_space<hbm>>) target_semaphore(%run_scoped3A : memref<!tpu.dma_semaphore, #tpu.memory_space<semaphore_mem>>)
        %dma_wait3A = arith.constant 0 : i32
        %dma_wait3A_53 = tpu.memref_slice %arg6[%add3A, %mul3A_46, %dma_wait3A] : memref<32x160x64xf32, #tpu.memory_space<hbm>> -> memref<1x16x64xf32, #tpu.memory_space<hbm>>
        %dma_wait3A_54 = tpu.memref_squeeze %dma_wait3A_53 : memref<1x16x64xf32, #tpu.memory_space<hbm>> -> memref<16x64xf32, #tpu.memory_space<hbm>>
        %dma_wait3A_55 = arith.constant 0 : i32
        %dma_wait3A_56 = tpu.memref_slice %arg6[%add3A, %mul3A_46, %dma_wait3A_55] : memref<32x160x64xf32, #tpu.memory_space<hbm>> -> memref<1x16x64xf32, #tpu.memory_space<hbm>>
        %dma_wait3A_57 = tpu.memref_squeeze %dma_wait3A_56 : memref<1x16x64xf32, #tpu.memory_space<hbm>> -> memref<16x64xf32, #tpu.memory_space<hbm>>
        tpu.wait_dma2 semaphore(%run_scoped3A : memref<!tpu.dma_semaphore, #tpu.memory_space<semaphore_mem>>) src(%arg13 : memref<16x64xf32, #tpu.memory_space<vmem>>) dst(%dma_wait3A_57 : memref<16x64xf32, #tpu.memory_space<hbm>>)
        tpu.yield
      }) : () -> ()
      %scan3A_47 = arith.constant 0 : i32
      scf.yield %scan3A_47 : i32
    }
    %scan3A_16 = arith.constant 10 : i32
    %barrier3A_17 = arith.constant 0 : index
    tpu.barrier barrier_id(%barrier3A_17)
    %eq3A = arith.constant 0 : i32
    %eq3A_18 = arith.cmpi eq, %arg0, %eq3A : i32
    %convert_element_type3A = arith.extui %eq3A_18 : i1 to i32
    %cond3A = arith.constant 0 : i32
    %cond3A_19 = arith.cmpi ne, %convert_element_type3A, %cond3A : i32
    scf.if %cond3A_19 {
      "tpu.region"() ({
        %run_scoped3A = tpu.sem_alloc : memref<!tpu.dma_semaphore, #tpu.memory_space<semaphore_mem>>
        %dma_start3A = tpu.memref_slice %arg7[%mul3A_2] : memref<10240xf32, #tpu.memory_space<hbm>> -> memref<640xf32, #tpu.memory_space<hbm>>
        %dma_start3A_25 = tpu.memref_slice %arg15[%mul3A_2] : memref<10240xf32, #tpu.memory_space<vmem_shared>> -> memref<640xf32, #tpu.memory_space<vmem_shared>>
        tpu.enqueue_dma source(%dma_start3A_25 : memref<640xf32, #tpu.memory_space<vmem_shared>>) target(%dma_start3A : memref<640xf32, #tpu.memory_space<hbm>>) target_semaphore(%run_scoped3A : memref<!tpu.dma_semaphore, #tpu.memory_space<semaphore_mem>>)
        %dma_wait3A = tpu.memref_slice %arg7[%mul3A_2] : memref<10240xf32, #tpu.memory_space<hbm>> -> memref<640xf32, #tpu.memory_space<hbm>>
        %dma_wait3A_26 = tpu.memref_slice %arg15[%mul3A_2] : memref<10240xf32, #tpu.memory_space<vmem_shared>> -> memref<640xf32, #tpu.memory_space<vmem_shared>>
        tpu.wait_dma2 semaphore(%run_scoped3A : memref<!tpu.dma_semaphore, #tpu.memory_space<semaphore_mem>>) src(%dma_wait3A_26 : memref<640xf32, #tpu.memory_space<vmem_shared>>) dst(%dma_wait3A : memref<640xf32, #tpu.memory_space<hbm>>)
        tpu.yield
      }) : () -> ()
    } else {
    }
    %eq3A_20 = arith.constant 1 : i32
    %eq3A_21 = arith.cmpi eq, %arg0, %eq3A_20 : i32
    %convert_element_type3A_22 = arith.extui %eq3A_21 : i1 to i32
    %cond3A_23 = arith.constant 0 : i32
    %cond3A_24 = arith.cmpi ne, %convert_element_type3A_22, %cond3A_23 : i32
    scf.if %cond3A_24 {
      "tpu.region"() ({
        %run_scoped3A = tpu.sem_alloc : memref<!tpu.dma_semaphore, #tpu.memory_space<semaphore_mem>>
        %dma_start3A = tpu.memref_slice %arg8[%mul3A_2] : memref<10240xf32, #tpu.memory_space<hbm>> -> memref<640xf32, #tpu.memory_space<hbm>>
        %dma_start3A_25 = tpu.memref_slice %arg15[%mul3A_2] : memref<10240xf32, #tpu.memory_space<vmem_shared>> -> memref<640xf32, #tpu.memory_space<vmem_shared>>
        tpu.enqueue_dma source(%dma_start3A_25 : memref<640xf32, #tpu.memory_space<vmem_shared>>) target(%dma_start3A : memref<640xf32, #tpu.memory_space<hbm>>) target_semaphore(%run_scoped3A : memref<!tpu.dma_semaphore, #tpu.memory_space<semaphore_mem>>)
        %dma_wait3A = tpu.memref_slice %arg8[%mul3A_2] : memref<10240xf32, #tpu.memory_space<hbm>> -> memref<640xf32, #tpu.memory_space<hbm>>
        %dma_wait3A_26 = tpu.memref_slice %arg15[%mul3A_2] : memref<10240xf32, #tpu.memory_space<vmem_shared>> -> memref<640xf32, #tpu.memory_space<vmem_shared>>
        tpu.wait_dma2 semaphore(%run_scoped3A : memref<!tpu.dma_semaphore, #tpu.memory_space<semaphore_mem>>) src(%dma_wait3A_26 : memref<640xf32, #tpu.memory_space<vmem_shared>>) dst(%dma_wait3A : memref<640xf32, #tpu.memory_space<hbm>>)
        tpu.yield
      }) : () -> ()
    } else {
    }
    return
  }
}

#map = affine_map<(d0, d1) -> (0, 0, 0)>
#map1 = affine_map<(d0, d1) -> (0)>
module attributes {stable_mosaic.version = 14 : i64} {
  func.func @ska(%arg0: i32, %arg1: i32, %arg2: memref<32x160x64xi32, #tpu.memory_space<hbm>>, %arg3: memref<32x160x64xi32, #tpu.memory_space<hbm>>, %arg4: memref<10240xf32, #tpu.memory_space<hbm>>, %arg5: memref<10240xf32, #tpu.memory_space<hbm>>, %arg6: memref<32x160x64xf32, #tpu.memory_space<hbm>>, %arg7: memref<10240xf32, #tpu.memory_space<hbm>>, %arg8: memref<10240xf32, #tpu.memory_space<hbm>>, %arg9: memref<10240xf32, #tpu.memory_space<vmem>>, %arg10: memref<10240xf32, #tpu.memory_space<vmem>>, %arg11: memref<16x64xi32, #tpu.memory_space<vmem>>, %arg12: memref<16x64xi32, #tpu.memory_space<vmem>>, %arg13: memref<16x64xf32, #tpu.memory_space<vmem>>, %arg14: memref<640xf32, #tpu.memory_space<vmem>>, %arg15: memref<10240xf32, #tpu.memory_space<vmem_shared>>, %arg16: memref<!tpu.dma_semaphore, #tpu.memory_space<semaphore_mem>>) attributes {dimension_semantics = [#tpu.dimension_semantics<core_parallel>, #tpu.dimension_semantics<subcore_parallel>], iteration_bounds = array<i64: 2, 16>, scalar_prefetch = 0 : i64, scratch_operands = 8 : i64, tpu.core_type = #tpu.core_type<sc_vector_subcore>, window_params = [{transform_indices = #map}, {transform_indices = #map}, {transform_indices = #map1}, {transform_indices = #map1}, {transform_indices = #map}, {transform_indices = #map1}, {transform_indices = #map1}]} {
    %mul3A = arith.constant 16 : i32
    %mul3A_0 = arith.muli %arg0, %mul3A : i32
    %add3A = arith.addi %mul3A_0, %arg1 : i32
    %mul3A_1 = arith.constant 640 : i32
    %mul3A_2 = arith.muli %arg1, %mul3A_1 : i32
    "tpu.region"() ({
      %run_scoped3A = tpu.sem_alloc : memref<!tpu.dma_semaphore, #tpu.memory_space<semaphore_mem>>
      tpu.enqueue_dma source(%arg4 : memref<10240xf32, #tpu.memory_space<hbm>>) target(%arg9 : memref<10240xf32, #tpu.memory_space<vmem>>) target_semaphore(%run_scoped3A : memref<!tpu.dma_semaphore, #tpu.memory_space<semaphore_mem>>)
      tpu.wait_dma2 semaphore(%run_scoped3A : memref<!tpu.dma_semaphore, #tpu.memory_space<semaphore_mem>>) src(%arg4 : memref<10240xf32, #tpu.memory_space<hbm>>) dst(%arg9 : memref<10240xf32, #tpu.memory_space<vmem>>)
      tpu.yield
    }) : () -> ()
    "tpu.region"() ({
      %run_scoped3A = tpu.sem_alloc : memref<!tpu.dma_semaphore, #tpu.memory_space<semaphore_mem>>
      tpu.enqueue_dma source(%arg5 : memref<10240xf32, #tpu.memory_space<hbm>>) target(%arg10 : memref<10240xf32, #tpu.memory_space<vmem>>) target_semaphore(%run_scoped3A : memref<!tpu.dma_semaphore, #tpu.memory_space<semaphore_mem>>)
      tpu.wait_dma2 semaphore(%run_scoped3A : memref<!tpu.dma_semaphore, #tpu.memory_space<semaphore_mem>>) src(%arg5 : memref<10240xf32, #tpu.memory_space<hbm>>) dst(%arg10 : memref<10240xf32, #tpu.memory_space<vmem>>)
      tpu.yield
    }) : () -> ()
    %broadcast_in_dim3A = arith.constant 0.000000e+00 : f32
    %broadcast_in_dim3A_3 = vector.broadcast %broadcast_in_dim3A : f32 to vector<16xf32>
    %scan3A = arith.constant 0 : i32
    %scan3A_4 = arith.constant 0 : i32
    %scan3A_5 = arith.constant 40 : i32
    %scan3A_6 = arith.addi %scan3A_4, %scan3A_5 : i32
    %scan3A_7 = arith.constant 1 : i32
    %scan3A_8 = scf.for %scan3A_25 = %scan3A_4 to %scan3A_6 step %scan3A_7 iter_args(%scan3A_26 = %scan3A) -> (i32)  : i32 {
      %mul3A_27 = arith.constant 16 : i32
      %mul3A_28 = arith.muli %scan3A_25, %mul3A_27 : i32
      %swap3A = arith.index_cast %mul3A_28 : i32 to index
      %swap3A_29 = tpu.vector_load %arg14[%swap3A] {strides = array<i32>} : memref<640xf32, #tpu.memory_space<vmem>>, vector<16xf32>,
      tpu.vector_store %arg14[%swap3A], %broadcast_in_dim3A_3 {strides = array<i32>} : memref<640xf32, #tpu.memory_space<vmem>>, vector<16xf32>,
      %scan3A_30 = arith.constant 0 : i32
      scf.yield %scan3A_30 : i32
    }
    %scan3A_9 = arith.constant 40 : i32
    "tpu.region"() ({
      %run_scoped3A = tpu.sem_alloc : memref<!tpu.dma_semaphore, #tpu.memory_space<semaphore_mem>>
      %dma_start3A = tpu.memref_slice %arg15[%mul3A_2] : memref<10240xf32, #tpu.memory_space<vmem_shared>> -> memref<640xf32, #tpu.memory_space<vmem_shared>>
      %dma_start3A_25 = tpu.memref_slice %arg15[%mul3A_2] : memref<10240xf32, #tpu.memory_space<vmem_shared>> -> memref<640xf32, #tpu.memory_space<vmem_shared>>
      tpu.enqueue_dma source(%arg14 : memref<640xf32, #tpu.memory_space<vmem>>) target(%dma_start3A_25 : memref<640xf32, #tpu.memory_space<vmem_shared>>) target_semaphore(%run_scoped3A : memref<!tpu.dma_semaphore, #tpu.memory_space<semaphore_mem>>)
      %dma_wait3A = tpu.memref_slice %arg15[%mul3A_2] : memref<10240xf32, #tpu.memory_space<vmem_shared>> -> memref<640xf32, #tpu.memory_space<vmem_shared>>
      %dma_wait3A_26 = tpu.memref_slice %arg15[%mul3A_2] : memref<10240xf32, #tpu.memory_space<vmem_shared>> -> memref<640xf32, #tpu.memory_space<vmem_shared>>
      tpu.wait_dma2 semaphore(%run_scoped3A : memref<!tpu.dma_semaphore, #tpu.memory_space<semaphore_mem>>) src(%arg14 : memref<640xf32, #tpu.memory_space<vmem>>) dst(%dma_wait3A_26 : memref<640xf32, #tpu.memory_space<vmem_shared>>)
      tpu.yield
    }) : () -> ()
    %barrier3A = arith.constant 0 : index
    tpu.barrier barrier_id(%barrier3A)
    %scan3A_10 = arith.constant 0 : i32
    %scan3A_11 = arith.constant 0 : i32
    %scan3A_12 = arith.constant 10 : i32
    %scan3A_13 = arith.addi %scan3A_11, %scan3A_12 : i32
    %scan3A_14 = arith.constant 1 : i32
    %scan3A_15 = scf.for %scan3A_25 = %scan3A_11 to %scan3A_13 step %scan3A_14 iter_args(%scan3A_26 = %scan3A_10) -> (i32)  : i32 {
      %mul3A_27 = arith.constant 16 : i32
      %mul3A_28 = arith.muli %scan3A_25, %mul3A_27 : i32
      "tpu.region"() ({
        %run_scoped3A = tpu.sem_alloc : memref<!tpu.dma_semaphore, #tpu.memory_space<semaphore_mem>>
        %dma_start3A = arith.constant 0 : i32
        %dma_start3A_48 = tpu.memref_slice %arg2[%add3A, %mul3A_28, %dma_start3A] : memref<32x160x64xi32, #tpu.memory_space<hbm>> -> memref<1x16x64xi32, #tpu.memory_space<hbm>>
        %dma_start3A_49 = tpu.memref_squeeze %dma_start3A_48 : memref<1x16x64xi32, #tpu.memory_space<hbm>> -> memref<16x64xi32, #tpu.memory_space<hbm>>
        %dma_start3A_50 = arith.constant 0 : i32
        %dma_start3A_51 = tpu.memref_slice %arg2[%add3A, %mul3A_28, %dma_start3A_50] : memref<32x160x64xi32, #tpu.memory_space<hbm>> -> memref<1x16x64xi32, #tpu.memory_space<hbm>>
        %dma_start3A_52 = tpu.memref_squeeze %dma_start3A_51 : memref<1x16x64xi32, #tpu.memory_space<hbm>> -> memref<16x64xi32, #tpu.memory_space<hbm>>
        tpu.enqueue_dma source(%dma_start3A_52 : memref<16x64xi32, #tpu.memory_space<hbm>>) target(%arg11 : memref<16x64xi32, #tpu.memory_space<vmem>>) target_semaphore(%run_scoped3A : memref<!tpu.dma_semaphore, #tpu.memory_space<semaphore_mem>>)
        %dma_wait3A = arith.constant 0 : i32
        %dma_wait3A_53 = tpu.memref_slice %arg2[%add3A, %mul3A_28, %dma_wait3A] : memref<32x160x64xi32, #tpu.memory_space<hbm>> -> memref<1x16x64xi32, #tpu.memory_space<hbm>>
        %dma_wait3A_54 = tpu.memref_squeeze %dma_wait3A_53 : memref<1x16x64xi32, #tpu.memory_space<hbm>> -> memref<16x64xi32, #tpu.memory_space<hbm>>
        %dma_wait3A_55 = arith.constant 0 : i32
        %dma_wait3A_56 = tpu.memref_slice %arg2[%add3A, %mul3A_28, %dma_wait3A_55] : memref<32x160x64xi32, #tpu.memory_space<hbm>> -> memref<1x16x64xi32, #tpu.memory_space<hbm>>
        %dma_wait3A_57 = tpu.memref_squeeze %dma_wait3A_56 : memref<1x16x64xi32, #tpu.memory_space<hbm>> -> memref<16x64xi32, #tpu.memory_space<hbm>>
        tpu.wait_dma2 semaphore(%run_scoped3A : memref<!tpu.dma_semaphore, #tpu.memory_space<semaphore_mem>>) src(%dma_wait3A_57 : memref<16x64xi32, #tpu.memory_space<hbm>>) dst(%arg11 : memref<16x64xi32, #tpu.memory_space<vmem>>)
        tpu.yield
      }) : () -> ()
      %mul3A_29 = arith.constant 16 : i32
      %mul3A_30 = arith.muli %scan3A_25, %mul3A_29 : i32
      "tpu.region"() ({
        %run_scoped3A = tpu.sem_alloc : memref<!tpu.dma_semaphore, #tpu.memory_space<semaphore_mem>>
        %dma_start3A = arith.constant 0 : i32
        %dma_start3A_48 = tpu.memref_slice %arg3[%add3A, %mul3A_30, %dma_start3A] : memref<32x160x64xi32, #tpu.memory_space<hbm>> -> memref<1x16x64xi32, #tpu.memory_space<hbm>>
        %dma_start3A_49 = tpu.memref_squeeze %dma_start3A_48 : memref<1x16x64xi32, #tpu.memory_space<hbm>> -> memref<16x64xi32, #tpu.memory_space<hbm>>
        %dma_start3A_50 = arith.constant 0 : i32
        %dma_start3A_51 = tpu.memref_slice %arg3[%add3A, %mul3A_30, %dma_start3A_50] : memref<32x160x64xi32, #tpu.memory_space<hbm>> -> memref<1x16x64xi32, #tpu.memory_space<hbm>>
        %dma_start3A_52 = tpu.memref_squeeze %dma_start3A_51 : memref<1x16x64xi32, #tpu.memory_space<hbm>> -> memref<16x64xi32, #tpu.memory_space<hbm>>
        tpu.enqueue_dma source(%dma_start3A_52 : memref<16x64xi32, #tpu.memory_space<hbm>>) target(%arg12 : memref<16x64xi32, #tpu.memory_space<vmem>>) target_semaphore(%run_scoped3A : memref<!tpu.dma_semaphore, #tpu.memory_space<semaphore_mem>>)
        %dma_wait3A = arith.constant 0 : i32
        %dma_wait3A_53 = tpu.memref_slice %arg3[%add3A, %mul3A_30, %dma_wait3A] : memref<32x160x64xi32, #tpu.memory_space<hbm>> -> memref<1x16x64xi32, #tpu.memory_space<hbm>>
        %dma_wait3A_54 = tpu.memref_squeeze %dma_wait3A_53 : memref<1x16x64xi32, #tpu.memory_space<hbm>> -> memref<16x64xi32, #tpu.memory_space<hbm>>
        %dma_wait3A_55 = arith.constant 0 : i32
        %dma_wait3A_56 = tpu.memref_slice %arg3[%add3A, %mul3A_30, %dma_wait3A_55] : memref<32x160x64xi32, #tpu.memory_space<hbm>> -> memref<1x16x64xi32, #tpu.memory_space<hbm>>
        %dma_wait3A_57 = tpu.memref_squeeze %dma_wait3A_56 : memref<1x16x64xi32, #tpu.memory_space<hbm>> -> memref<16x64xi32, #tpu.memory_space<hbm>>
        tpu.wait_dma2 semaphore(%run_scoped3A : memref<!tpu.dma_semaphore, #tpu.memory_space<semaphore_mem>>) src(%dma_wait3A_57 : memref<16x64xi32, #tpu.memory_space<hbm>>) dst(%arg12 : memref<16x64xi32, #tpu.memory_space<vmem>>)
        tpu.yield
      }) : () -> ()
      %scan3A_31 = arith.constant 0 : i32
      %scan3A_32 = arith.constant 0 : i32
      %scan3A_33 = arith.constant 16 : i32
      %scan3A_34 = arith.addi %scan3A_32, %scan3A_33 : i32
      %scan3A_35 = arith.constant 1 : i32
      %scan3A_36 = scf.for %scan3A_48 = %scan3A_32 to %scan3A_34 step %scan3A_35 iter_args(%scan3A_49 = %scan3A_31) -> (i32)  : i32 {
        %get3A = arith.index_cast %scan3A_48 : i32 to index
        %get3A_50 = arith.constant 0 : index
        %get3A_51 = tpu.vector_load %arg11[%get3A, %get3A_50] {strides = array<i32>} : memref<16x64xi32, #tpu.memory_space<vmem>>, vector<16xi32>,
        %gather3A = tpu.vector_load_idx %arg9[%get3A_51] : memref<10240xf32, #tpu.memory_space<vmem>>[vector<16xi32>], vector<16xf32>,
        %get3A_52 = arith.index_cast %scan3A_48 : i32 to index
        %get3A_53 = arith.constant 0 : index
        %get3A_54 = tpu.vector_load %arg12[%get3A_52, %get3A_53] {strides = array<i32>} : memref<16x64xi32, #tpu.memory_space<vmem>>, vector<16xi32>,
        %gather3A_55 = tpu.vector_load_idx %arg10[%get3A_54] : memref<10240xf32, #tpu.memory_space<vmem>>[vector<16xi32>], vector<16xf32>,
        %add3A_56 = arith.addf %gather3A, %gather3A_55 : vector<16xf32>
        %mul3A_57 = arith.constant 2.000000e-01 : f32
        %mul3A_58 = vector.broadcast %mul3A_57 : f32 to vector<16xf32>
        %mul3A_59 = arith.mulf %add3A_56, %mul3A_58 : vector<16xf32>
        %max3A = arith.maximumf %add3A_56, %mul3A_59 : vector<16xf32>
        %exp3A = math.exp %max3A : vector<16xf32>
        %swap3A = arith.index_cast %scan3A_48 : i32 to index
        %swap3A_60 = arith.constant 0 : index
        %swap3A_61 = tpu.vector_load %arg13[%swap3A, %swap3A_60] {strides = array<i32>} : memref<16x64xf32, #tpu.memory_space<vmem>>, vector<16xf32>,
        tpu.vector_store %arg13[%swap3A, %swap3A_60], %exp3A {strides = array<i32>} : memref<16x64xf32, #tpu.memory_space<vmem>>, vector<16xf32>,
        %get3A_62 = arith.index_cast %scan3A_48 : i32 to index
        %get3A_63 = arith.constant 16 : index
        %get3A_64 = tpu.vector_load %arg11[%get3A_62, %get3A_63] {strides = array<i32>} : memref<16x64xi32, #tpu.memory_space<vmem>>, vector<16xi32>,
        %gather3A_65 = tpu.vector_load_idx %arg9[%get3A_64] : memref<10240xf32, #tpu.memory_space<vmem>>[vector<16xi32>], vector<16xf32>,
        %get3A_66 = arith.index_cast %scan3A_48 : i32 to index
        %get3A_67 = arith.constant 16 : index
        %get3A_68 = tpu.vector_load %arg12[%get3A_66, %get3A_67] {strides = array<i32>} : memref<16x64xi32, #tpu.memory_space<vmem>>, vector<16xi32>,
        %gather3A_69 = tpu.vector_load_idx %arg10[%get3A_68] : memref<10240xf32, #tpu.memory_space<vmem>>[vector<16xi32>], vector<16xf32>,
        %add3A_70 = arith.addf %gather3A_65, %gather3A_69 : vector<16xf32>
        %mul3A_71 = arith.constant 2.000000e-01 : f32
        %mul3A_72 = vector.broadcast %mul3A_71 : f32 to vector<16xf32>
        %mul3A_73 = arith.mulf %add3A_70, %mul3A_72 : vector<16xf32>
        %max3A_74 = arith.maximumf %add3A_70, %mul3A_73 : vector<16xf32>
        %exp3A_75 = math.exp %max3A_74 : vector<16xf32>
        %swap3A_76 = arith.index_cast %scan3A_48 : i32 to index
        %swap3A_77 = arith.constant 16 : index
        %swap3A_78 = tpu.vector_load %arg13[%swap3A_76, %swap3A_77] {strides = array<i32>} : memref<16x64xf32, #tpu.memory_space<vmem>>, vector<16xf32>,
        tpu.vector_store %arg13[%swap3A_76, %swap3A_77], %exp3A_75 {strides = array<i32>} : memref<16x64xf32, #tpu.memory_space<vmem>>, vector<16xf32>,
        %get3A_79 = arith.index_cast %scan3A_48 : i32 to index
        %get3A_80 = arith.constant 32 : index
        %get3A_81 = tpu.vector_load %arg11[%get3A_79, %get3A_80] {strides = array<i32>} : memref<16x64xi32, #tpu.memory_space<vmem>>, vector<16xi32>,
        %gather3A_82 = tpu.vector_load_idx %arg9[%get3A_81] : memref<10240xf32, #tpu.memory_space<vmem>>[vector<16xi32>], vector<16xf32>,
        %get3A_83 = arith.index_cast %scan3A_48 : i32 to index
        %get3A_84 = arith.constant 32 : index
        %get3A_85 = tpu.vector_load %arg12[%get3A_83, %get3A_84] {strides = array<i32>} : memref<16x64xi32, #tpu.memory_space<vmem>>, vector<16xi32>,
        %gather3A_86 = tpu.vector_load_idx %arg10[%get3A_85] : memref<10240xf32, #tpu.memory_space<vmem>>[vector<16xi32>], vector<16xf32>,
        %add3A_87 = arith.addf %gather3A_82, %gather3A_86 : vector<16xf32>
        %mul3A_88 = arith.constant 2.000000e-01 : f32
        %mul3A_89 = vector.broadcast %mul3A_88 : f32 to vector<16xf32>
        %mul3A_90 = arith.mulf %add3A_87, %mul3A_89 : vector<16xf32>
        %max3A_91 = arith.maximumf %add3A_87, %mul3A_90 : vector<16xf32>
        %exp3A_92 = math.exp %max3A_91 : vector<16xf32>
        %swap3A_93 = arith.index_cast %scan3A_48 : i32 to index
        %swap3A_94 = arith.constant 32 : index
        %swap3A_95 = tpu.vector_load %arg13[%swap3A_93, %swap3A_94] {strides = array<i32>} : memref<16x64xf32, #tpu.memory_space<vmem>>, vector<16xf32>,
        tpu.vector_store %arg13[%swap3A_93, %swap3A_94], %exp3A_92 {strides = array<i32>} : memref<16x64xf32, #tpu.memory_space<vmem>>, vector<16xf32>,
        %get3A_96 = arith.index_cast %scan3A_48 : i32 to index
        %get3A_97 = arith.constant 48 : index
        %get3A_98 = tpu.vector_load %arg11[%get3A_96, %get3A_97] {strides = array<i32>} : memref<16x64xi32, #tpu.memory_space<vmem>>, vector<16xi32>,
        %gather3A_99 = tpu.vector_load_idx %arg9[%get3A_98] : memref<10240xf32, #tpu.memory_space<vmem>>[vector<16xi32>], vector<16xf32>,
        %get3A_100 = arith.index_cast %scan3A_48 : i32 to index
        %get3A_101 = arith.constant 48 : index
        %get3A_102 = tpu.vector_load %arg12[%get3A_100, %get3A_101] {strides = array<i32>} : memref<16x64xi32, #tpu.memory_space<vmem>>, vector<16xi32>,
        %gather3A_103 = tpu.vector_load_idx %arg10[%get3A_102] : memref<10240xf32, #tpu.memory_space<vmem>>[vector<16xi32>], vector<16xf32>,
        %add3A_104 = arith.addf %gather3A_99, %gather3A_103 : vector<16xf32>
        %mul3A_105 = arith.constant 2.000000e-01 : f32
        %mul3A_106 = vector.broadcast %mul3A_105 : f32 to vector<16xf32>
        %mul3A_107 = arith.mulf %add3A_104, %mul3A_106 : vector<16xf32>
        %max3A_108 = arith.maximumf %add3A_104, %mul3A_107 : vector<16xf32>
        %exp3A_109 = math.exp %max3A_108 : vector<16xf32>
        %swap3A_110 = arith.index_cast %scan3A_48 : i32 to index
        %swap3A_111 = arith.constant 48 : index
        %swap3A_112 = tpu.vector_load %arg13[%swap3A_110, %swap3A_111] {strides = array<i32>} : memref<16x64xf32, #tpu.memory_space<vmem>>, vector<16xf32>,
        tpu.vector_store %arg13[%swap3A_110, %swap3A_111], %exp3A_109 {strides = array<i32>} : memref<16x64xf32, #tpu.memory_space<vmem>>, vector<16xf32>,
        %dma_start3A = arith.constant 0 : i32
        %dma_start3A_113 = tpu.memref_slice %arg13[%scan3A_48, %dma_start3A] : memref<16x64xf32, #tpu.memory_space<vmem>> -> memref<1x64xf32, #tpu.memory_space<vmem>>
        %dma_start3A_114 = tpu.memref_squeeze %dma_start3A_113 : memref<1x64xf32, #tpu.memory_space<vmem>> -> memref<64xf32, #tpu.memory_space<vmem>>
        %dma_start3A_115 = arith.constant 0 : i32
        %dma_start3A_116 = tpu.memref_slice %arg12[%scan3A_48, %dma_start3A_115] : memref<16x64xi32, #tpu.memory_space<vmem>> -> memref<1x64xi32, #tpu.memory_space<vmem>>
        %dma_start3A_117 = tpu.memref_squeeze %dma_start3A_116 : memref<1x64xi32, #tpu.memory_space<vmem>> -> memref<64xi32, #tpu.memory_space<vmem>>
        %dma_start3A_118 = arith.constant 0 : i32
        %dma_start3A_119 = tpu.memref_slice %arg15[%dma_start3A_118] : memref<10240xf32, #tpu.memory_space<vmem_shared>> -> memref<10240xf32, #tpu.memory_space<vmem_shared>>
        tpu.enqueue_indirect_dma source(%dma_start3A_114 : memref<64xf32, #tpu.memory_space<vmem>>) target(%dma_start3A_119 : memref<10240xf32, #tpu.memory_space<vmem_shared>>) offsets(%dma_start3A_117 : memref<64xi32, #tpu.memory_space<vmem>>) semaphore(%arg16 : memref<!tpu.dma_semaphore, #tpu.memory_space<semaphore_mem>>) {add = true}
        %scan3A_120 = arith.constant 0 : i32
        scf.yield %scan3A_120 : i32
      }
      %scan3A_37 = arith.constant 16 : i32
      %scan3A_38 = arith.constant 0 : i32
      %scan3A_39 = arith.constant 0 : i32
      %scan3A_40 = arith.constant 16 : i32
      %scan3A_41 = arith.addi %scan3A_39, %scan3A_40 : i32
      %scan3A_42 = arith.constant 1 : i32
      %scan3A_43 = scf.for %scan3A_48 = %scan3A_39 to %scan3A_41 step %scan3A_42 iter_args(%scan3A_49 = %scan3A_38) -> (i32)  : i32 {
        %dma_wait3A = arith.constant 0 : i32
        %dma_wait3A_50 = tpu.memref_slice %arg13[%scan3A_48, %dma_wait3A] : memref<16x64xf32, #tpu.memory_space<vmem>> -> memref<1x64xf32, #tpu.memory_space<vmem>>
        %dma_wait3A_51 = tpu.memref_squeeze %dma_wait3A_50 : memref<1x64xf32, #tpu.memory_space<vmem>> -> memref<64xf32, #tpu.memory_space<vmem>>
        %dma_wait3A_52 = arith.constant 0 : i32
        %dma_wait3A_53 = tpu.memref_slice %arg12[%scan3A_48, %dma_wait3A_52] : memref<16x64xi32, #tpu.memory_space<vmem>> -> memref<1x64xi32, #tpu.memory_space<vmem>>
        %dma_wait3A_54 = tpu.memref_squeeze %dma_wait3A_53 : memref<1x64xi32, #tpu.memory_space<vmem>> -> memref<64xi32, #tpu.memory_space<vmem>>
        %dma_wait3A_55 = arith.constant 0 : i32
        %dma_wait3A_56 = tpu.memref_slice %arg15[%dma_wait3A_55] : memref<10240xf32, #tpu.memory_space<vmem_shared>> -> memref<10240xf32, #tpu.memory_space<vmem_shared>>
        tpu.wait_indirect_dma semaphore(%arg16 : memref<!tpu.dma_semaphore, #tpu.memory_space<semaphore_mem>>) src(%dma_wait3A_51 : memref<64xf32, #tpu.memory_space<vmem>>) dst(%dma_wait3A_56 : memref<10240xf32, #tpu.memory_space<vmem_shared>>)
        %scan3A_57 = arith.constant 0 : i32
        scf.yield %scan3A_57 : i32
      }
      %scan3A_44 = arith.constant 16 : i32
      %mul3A_45 = arith.constant 16 : i32
      %mul3A_46 = arith.muli %scan3A_25, %mul3A_45 : i32
      "tpu.region"() ({
        %run_scoped3A = tpu.sem_alloc : memref<!tpu.dma_semaphore, #tpu.memory_space<semaphore_mem>>
        %dma_start3A = arith.constant 0 : i32
        %dma_start3A_48 = tpu.memref_slice %arg6[%add3A, %mul3A_46, %dma_start3A] : memref<32x160x64xf32, #tpu.memory_space<hbm>> -> memref<1x16x64xf32, #tpu.memory_space<hbm>>
        %dma_start3A_49 = tpu.memref_squeeze %dma_start3A_48 : memref<1x16x64xf32, #tpu.memory_space<hbm>> -> memref<16x64xf32, #tpu.memory_space<hbm>>
        %dma_start3A_50 = arith.constant 0 : i32
        %dma_start3A_51 = tpu.memref_slice %arg6[%add3A, %mul3A_46, %dma_start3A_50] : memref<32x160x64xf32, #tpu.memory_space<hbm>> -> memref<1x16x64xf32, #tpu.memory_space<hbm>>
        %dma_start3A_52 = tpu.memref_squeeze %dma_start3A_51 : memref<1x16x64xf32, #tpu.memory_space<hbm>> -> memref<16x64xf32, #tpu.memory_space<hbm>>
        tpu.enqueue_dma source(%arg13 : memref<16x64xf32, #tpu.memory_space<vmem>>) target(%dma_start3A_52 : memref<16x64xf32, #tpu.memory_space<hbm>>) target_semaphore(%run_scoped3A : memref<!tpu.dma_semaphore, #tpu.memory_space<semaphore_mem>>)
        %dma_wait3A = arith.constant 0 : i32
        %dma_wait3A_53 = tpu.memref_slice %arg6[%add3A, %mul3A_46, %dma_wait3A] : memref<32x160x64xf32, #tpu.memory_space<hbm>> -> memref<1x16x64xf32, #tpu.memory_space<hbm>>
        %dma_wait3A_54 = tpu.memref_squeeze %dma_wait3A_53 : memref<1x16x64xf32, #tpu.memory_space<hbm>> -> memref<16x64xf32, #tpu.memory_space<hbm>>
        %dma_wait3A_55 = arith.constant 0 : i32
        %dma_wait3A_56 = tpu.memref_slice %arg6[%add3A, %mul3A_46, %dma_wait3A_55] : memref<32x160x64xf32, #tpu.memory_space<hbm>> -> memref<1x16x64xf32, #tpu.memory_space<hbm>>
        %dma_wait3A_57 = tpu.memref_squeeze %dma_wait3A_56 : memref<1x16x64xf32, #tpu.memory_space<hbm>> -> memref<16x64xf32, #tpu.memory_space<hbm>>
        tpu.wait_dma2 semaphore(%run_scoped3A : memref<!tpu.dma_semaphore, #tpu.memory_space<semaphore_mem>>) src(%arg13 : memref<16x64xf32, #tpu.memory_space<vmem>>) dst(%dma_wait3A_57 : memref<16x64xf32, #tpu.memory_space<hbm>>)
        tpu.yield
      }) : () -> ()
      %scan3A_47 = arith.constant 0 : i32
      scf.yield %scan3A_47 : i32
    }
    %scan3A_16 = arith.constant 10 : i32
    %barrier3A_17 = arith.constant 0 : index
    tpu.barrier barrier_id(%barrier3A_17)
    %eq3A = arith.constant 0 : i32
    %eq3A_18 = arith.cmpi eq, %arg0, %eq3A : i32
    %convert_element_type3A = arith.extui %eq3A_18 : i1 to i32
    %cond3A = arith.constant 0 : i32
    %cond3A_19 = arith.cmpi ne, %convert_element_type3A, %cond3A : i32
    scf.if %cond3A_19 {
      "tpu.region"() ({
        %run_scoped3A = tpu.sem_alloc : memref<!tpu.dma_semaphore, #tpu.memory_space<semaphore_mem>>
        %dma_start3A = tpu.memref_slice %arg7[%mul3A_2] : memref<10240xf32, #tpu.memory_space<hbm>> -> memref<640xf32, #tpu.memory_space<hbm>>
        %dma_start3A_25 = tpu.memref_slice %arg15[%mul3A_2] : memref<10240xf32, #tpu.memory_space<vmem_shared>> -> memref<640xf32, #tpu.memory_space<vmem_shared>>
        tpu.enqueue_dma source(%dma_start3A_25 : memref<640xf32, #tpu.memory_space<vmem_shared>>) target(%dma_start3A : memref<640xf32, #tpu.memory_space<hbm>>) target_semaphore(%run_scoped3A : memref<!tpu.dma_semaphore, #tpu.memory_space<semaphore_mem>>)
        %dma_wait3A = tpu.memref_slice %arg7[%mul3A_2] : memref<10240xf32, #tpu.memory_space<hbm>> -> memref<640xf32, #tpu.memory_space<hbm>>
        %dma_wait3A_26 = tpu.memref_slice %arg15[%mul3A_2] : memref<10240xf32, #tpu.memory_space<vmem_shared>> -> memref<640xf32, #tpu.memory_space<vmem_shared>>
        tpu.wait_dma2 semaphore(%run_scoped3A : memref<!tpu.dma_semaphore, #tpu.memory_space<semaphore_mem>>) src(%dma_wait3A_26 : memref<640xf32, #tpu.memory_space<vmem_shared>>) dst(%dma_wait3A : memref<640xf32, #tpu.memory_space<hbm>>)
        tpu.yield
      }) : () -> ()
    } else {
    }
    %eq3A_20 = arith.constant 1 : i32
    %eq3A_21 = arith.cmpi eq, %arg0, %eq3A_20 : i32
    %convert_element_type3A_22 = arith.extui %eq3A_21 : i1 to i32
    %cond3A_23 = arith.constant 0 : i32
    %cond3A_24 = arith.cmpi ne, %convert_element_type3A_22, %cond3A_23 : i32
    scf.if %cond3A_24 {
      "tpu.region"() ({
        %run_scoped3A = tpu.sem_alloc : memref<!tpu.dma_semaphore, #tpu.memory_space<semaphore_mem>>
        %dma_start3A = tpu.memref_slice %arg8[%mul3A_2] : memref<10240xf32, #tpu.memory_space<hbm>> -> memref<640xf32, #tpu.memory_space<hbm>>
        %dma_start3A_25 = tpu.memref_slice %arg15[%mul3A_2] : memref<10240xf32, #tpu.memory_space<vmem_shared>> -> memref<640xf32, #tpu.memory_space<vmem_shared>>
        tpu.enqueue_dma source(%dma_start3A_25 : memref<640xf32, #tpu.memory_space<vmem_shared>>) target(%dma_start3A : memref<640xf32, #tpu.memory_space<hbm>>) target_semaphore(%run_scoped3A : memref<!tpu.dma_semaphore, #tpu.memory_space<semaphore_mem>>)
        %dma_wait3A = tpu.memref_slice %arg8[%mul3A_2] : memref<10240xf32, #tpu.memory_space<hbm>> -> memref<640xf32, #tpu.memory_space<hbm>>
        %dma_wait3A_26 = tpu.memref_slice %arg15[%mul3A_2] : memref<10240xf32, #tpu.memory_space<vmem_shared>> -> memref<640xf32, #tpu.memory_space<vmem_shared>>
        tpu.wait_dma2 semaphore(%run_scoped3A : memref<!tpu.dma_semaphore, #tpu.memory_space<semaphore_mem>>) src(%dma_wait3A_26 : memref<640xf32, #tpu.memory_space<vmem_shared>>) dst(%dma_wait3A : memref<640xf32, #tpu.memory_space<hbm>>)
        tpu.yield
      }) : () -> ()
    } else {
    }
    return
  }
}

#map = affine_map<(d0, d1) -> (0, 0)>
#map1 = affine_map<(d0, d1) -> (0, 0, 0)>
module attributes {stable_mosaic.version = 14 : i64} {
  func.func @skb(%arg0: i32, %arg1: i32, %arg2: memref<160x2048xi32, #tpu.memory_space<hbm>>, %arg3: memref<160x2048xi32, #tpu.memory_space<hbm>>, %arg4: memref<160x2048xf32, #tpu.memory_space<hbm>>, %arg5: memref<128x10240xf32, #tpu.memory_space<hbm>>, %arg6: memref<32x4x10240xf32, #tpu.memory_space<hbm>>, %arg7: memref<10240xf32, #tpu.memory_space<vmem>>, %arg8: memref<10240xf32, #tpu.memory_space<vmem>>, %arg9: memref<10240xf32, #tpu.memory_space<vmem>>, %arg10: memref<10240xf32, #tpu.memory_space<vmem>>, %arg11: memref<10240xf32, #tpu.memory_space<vmem>>, %arg12: memref<10240xf32, #tpu.memory_space<vmem>>, %arg13: memref<10240xf32, #tpu.memory_space<vmem>>, %arg14: memref<10240xf32, #tpu.memory_space<vmem>>, %arg15: memref<2x2048xi32, #tpu.memory_space<vmem>>, %arg16: memref<2x2048xi32, #tpu.memory_space<vmem>>, %arg17: memref<2x2048xf32, #tpu.memory_space<vmem>>, %arg18: memref<!tpu.dma_semaphore, #tpu.memory_space<semaphore_mem>>) attributes {dimension_semantics = [#tpu.dimension_semantics<core_parallel>, #tpu.dimension_semantics<subcore_parallel>], iteration_bounds = array<i64: 2, 16>, scalar_prefetch = 0 : i64, scratch_operands = 12 : i64, tpu.core_type = #tpu.core_type<sc_vector_subcore>, window_params = [{transform_indices = #map}, {transform_indices = #map}, {transform_indices = #map}, {transform_indices = #map}, {transform_indices = #map1}]} {
    %mul3A = arith.constant 16 : i32
    %mul3A_0 = arith.muli %arg0, %mul3A : i32
    %add3A = arith.addi %mul3A_0, %arg1 : i32
    %mul3A_1 = arith.constant 4 : i32
    %mul3A_2 = arith.muli %add3A, %mul3A_1 : i32
    %add3A_3 = arith.constant 0 : i32
    %add3A_4 = arith.addi %mul3A_2, %add3A_3 : i32
    "tpu.region"() ({
      %run_scoped3A_75 = tpu.sem_alloc : memref<!tpu.dma_semaphore, #tpu.memory_space<semaphore_mem>>
      %dma_start3A_76 = arith.constant 0 : i32
      %dma_start3A_77 = tpu.memref_slice %arg5[%add3A_4, %dma_start3A_76] : memref<128x10240xf32, #tpu.memory_space<hbm>> -> memref<1x10240xf32, #tpu.memory_space<hbm>>
      %dma_start3A_78 = tpu.memref_squeeze %dma_start3A_77 : memref<1x10240xf32, #tpu.memory_space<hbm>> -> memref<10240xf32, #tpu.memory_space<hbm>>
      %dma_start3A_79 = arith.constant 0 : i32
      %dma_start3A_80 = tpu.memref_slice %arg5[%add3A_4, %dma_start3A_79] : memref<128x10240xf32, #tpu.memory_space<hbm>> -> memref<1x10240xf32, #tpu.memory_space<hbm>>
      %dma_start3A_81 = tpu.memref_squeeze %dma_start3A_80 : memref<1x10240xf32, #tpu.memory_space<hbm>> -> memref<10240xf32, #tpu.memory_space<hbm>>
      tpu.enqueue_dma source(%dma_start3A_81 : memref<10240xf32, #tpu.memory_space<hbm>>) target(%arg7 : memref<10240xf32, #tpu.memory_space<vmem>>) target_semaphore(%run_scoped3A_75 : memref<!tpu.dma_semaphore, #tpu.memory_space<semaphore_mem>>)
      %dma_wait3A = arith.constant 0 : i32
      %dma_wait3A_82 = tpu.memref_slice %arg5[%add3A_4, %dma_wait3A] : memref<128x10240xf32, #tpu.memory_space<hbm>> -> memref<1x10240xf32, #tpu.memory_space<hbm>>
      %dma_wait3A_83 = tpu.memref_squeeze %dma_wait3A_82 : memref<1x10240xf32, #tpu.memory_space<hbm>> -> memref<10240xf32, #tpu.memory_space<hbm>>
      %dma_wait3A_84 = arith.constant 0 : i32
      %dma_wait3A_85 = tpu.memref_slice %arg5[%add3A_4, %dma_wait3A_84] : memref<128x10240xf32, #tpu.memory_space<hbm>> -> memref<1x10240xf32, #tpu.memory_space<hbm>>
      %dma_wait3A_86 = tpu.memref_squeeze %dma_wait3A_85 : memref<1x10240xf32, #tpu.memory_space<hbm>> -> memref<10240xf32, #tpu.memory_space<hbm>>
      tpu.wait_dma2 semaphore(%run_scoped3A_75 : memref<!tpu.dma_semaphore, #tpu.memory_space<semaphore_mem>>) src(%dma_wait3A_86 : memref<10240xf32, #tpu.memory_space<hbm>>) dst(%arg7 : memref<10240xf32, #tpu.memory_space<vmem>>)
      tpu.yield
    }) : () -> ()
    %mul3A_5 = arith.constant 4 : i32
    %mul3A_6 = arith.muli %add3A, %mul3A_5 : i32
    %add3A_7 = arith.constant 1 : i32
    %add3A_8 = arith.addi %mul3A_6, %add3A_7 : i32
    "tpu.region"() ({
      %run_scoped3A_75 = tpu.sem_alloc : memref<!tpu.dma_semaphore, #tpu.memory_space<semaphore_mem>>
      %dma_start3A_76 = arith.constant 0 : i32
      %dma_start3A_77 = tpu.memref_slice %arg5[%add3A_8, %dma_start3A_76] : memref<128x10240xf32, #tpu.memory_space<hbm>> -> memref<1x10240xf32, #tpu.memory_space<hbm>>
      %dma_start3A_78 = tpu.memref_squeeze %dma_start3A_77 : memref<1x10240xf32, #tpu.memory_space<hbm>> -> memref<10240xf32, #tpu.memory_space<hbm>>
      %dma_start3A_79 = arith.constant 0 : i32
      %dma_start3A_80 = tpu.memref_slice %arg5[%add3A_8, %dma_start3A_79] : memref<128x10240xf32, #tpu.memory_space<hbm>> -> memref<1x10240xf32, #tpu.memory_space<hbm>>
      %dma_start3A_81 = tpu.memref_squeeze %dma_start3A_80 : memref<1x10240xf32, #tpu.memory_space<hbm>> -> memref<10240xf32, #tpu.memory_space<hbm>>
      tpu.enqueue_dma source(%dma_start3A_81 : memref<10240xf32, #tpu.memory_space<hbm>>) target(%arg8 : memref<10240xf32, #tpu.memory_space<vmem>>) target_semaphore(%run_scoped3A_75 : memref<!tpu.dma_semaphore, #tpu.memory_space<semaphore_mem>>)
      %dma_wait3A = arith.constant 0 : i32
      %dma_wait3A_82 = tpu.memref_slice %arg5[%add3A_8, %dma_wait3A] : memref<128x10240xf32, #tpu.memory_space<hbm>> -> memref<1x10240xf32, #tpu.memory_space<hbm>>
      %dma_wait3A_83 = tpu.memref_squeeze %dma_wait3A_82 : memref<1x10240xf32, #tpu.memory_space<hbm>> -> memref<10240xf32, #tpu.memory_space<hbm>>
      %dma_wait3A_84 = arith.constant 0 : i32
      %dma_wait3A_85 = tpu.memref_slice %arg5[%add3A_8, %dma_wait3A_84] : memref<128x10240xf32, #tpu.memory_space<hbm>> -> memref<1x10240xf32, #tpu.memory_space<hbm>>
      %dma_wait3A_86 = tpu.memref_squeeze %dma_wait3A_85 : memref<1x10240xf32, #tpu.memory_space<hbm>> -> memref<10240xf32, #tpu.memory_space<hbm>>
      tpu.wait_dma2 semaphore(%run_scoped3A_75 : memref<!tpu.dma_semaphore, #tpu.memory_space<semaphore_mem>>) src(%dma_wait3A_86 : memref<10240xf32, #tpu.memory_space<hbm>>) dst(%arg8 : memref<10240xf32, #tpu.memory_space<vmem>>)
      tpu.yield
    }) : () -> ()
    %mul3A_9 = arith.constant 4 : i32
    %mul3A_10 = arith.muli %add3A, %mul3A_9 : i32
    %add3A_11 = arith.constant 2 : i32
    %add3A_12 = arith.addi %mul3A_10, %add3A_11 : i32
    "tpu.region"() ({
      %run_scoped3A_75 = tpu.sem_alloc : memref<!tpu.dma_semaphore, #tpu.memory_space<semaphore_mem>>
      %dma_start3A_76 = arith.constant 0 : i32
      %dma_start3A_77 = tpu.memref_slice %arg5[%add3A_12, %dma_start3A_76] : memref<128x10240xf32, #tpu.memory_space<hbm>> -> memref<1x10240xf32, #tpu.memory_space<hbm>>
      %dma_start3A_78 = tpu.memref_squeeze %dma_start3A_77 : memref<1x10240xf32, #tpu.memory_space<hbm>> -> memref<10240xf32, #tpu.memory_space<hbm>>
      %dma_start3A_79 = arith.constant 0 : i32
      %dma_start3A_80 = tpu.memref_slice %arg5[%add3A_12, %dma_start3A_79] : memref<128x10240xf32, #tpu.memory_space<hbm>> -> memref<1x10240xf32, #tpu.memory_space<hbm>>
      %dma_start3A_81 = tpu.memref_squeeze %dma_start3A_80 : memref<1x10240xf32, #tpu.memory_space<hbm>> -> memref<10240xf32, #tpu.memory_space<hbm>>
      tpu.enqueue_dma source(%dma_start3A_81 : memref<10240xf32, #tpu.memory_space<hbm>>) target(%arg9 : memref<10240xf32, #tpu.memory_space<vmem>>) target_semaphore(%run_scoped3A_75 : memref<!tpu.dma_semaphore, #tpu.memory_space<semaphore_mem>>)
      %dma_wait3A = arith.constant 0 : i32
      %dma_wait3A_82 = tpu.memref_slice %arg5[%add3A_12, %dma_wait3A] : memref<128x10240xf32, #tpu.memory_space<hbm>> -> memref<1x10240xf32, #tpu.memory_space<hbm>>
      %dma_wait3A_83 = tpu.memref_squeeze %dma_wait3A_82 : memref<1x10240xf32, #tpu.memory_space<hbm>> -> memref<10240xf32, #tpu.memory_space<hbm>>
      %dma_wait3A_84 = arith.constant 0 : i32
      %dma_wait3A_85 = tpu.memref_slice %arg5[%add3A_12, %dma_wait3A_84] : memref<128x10240xf32, #tpu.memory_space<hbm>> -> memref<1x10240xf32, #tpu.memory_space<hbm>>
      %dma_wait3A_86 = tpu.memref_squeeze %dma_wait3A_85 : memref<1x10240xf32, #tpu.memory_space<hbm>> -> memref<10240xf32, #tpu.memory_space<hbm>>
      tpu.wait_dma2 semaphore(%run_scoped3A_75 : memref<!tpu.dma_semaphore, #tpu.memory_space<semaphore_mem>>) src(%dma_wait3A_86 : memref<10240xf32, #tpu.memory_space<hbm>>) dst(%arg9 : memref<10240xf32, #tpu.memory_space<vmem>>)
      tpu.yield
    }) : () -> ()
    %mul3A_13 = arith.constant 4 : i32
    %mul3A_14 = arith.muli %add3A, %mul3A_13 : i32
    %add3A_15 = arith.constant 3 : i32
    %add3A_16 = arith.addi %mul3A_14, %add3A_15 : i32
    "tpu.region"() ({
      %run_scoped3A_75 = tpu.sem_alloc : memref<!tpu.dma_semaphore, #tpu.memory_space<semaphore_mem>>
      %dma_start3A_76 = arith.constant 0 : i32
      %dma_start3A_77 = tpu.memref_slice %arg5[%add3A_16, %dma_start3A_76] : memref<128x10240xf32, #tpu.memory_space<hbm>> -> memref<1x10240xf32, #tpu.memory_space<hbm>>
      %dma_start3A_78 = tpu.memref_squeeze %dma_start3A_77 : memref<1x10240xf32, #tpu.memory_space<hbm>> -> memref<10240xf32, #tpu.memory_space<hbm>>
      %dma_start3A_79 = arith.constant 0 : i32
      %dma_start3A_80 = tpu.memref_slice %arg5[%add3A_16, %dma_start3A_79] : memref<128x10240xf32, #tpu.memory_space<hbm>> -> memref<1x10240xf32, #tpu.memory_space<hbm>>
      %dma_start3A_81 = tpu.memref_squeeze %dma_start3A_80 : memref<1x10240xf32, #tpu.memory_space<hbm>> -> memref<10240xf32, #tpu.memory_space<hbm>>
      tpu.enqueue_dma source(%dma_start3A_81 : memref<10240xf32, #tpu.memory_space<hbm>>) target(%arg10 : memref<10240xf32, #tpu.memory_space<vmem>>) target_semaphore(%run_scoped3A_75 : memref<!tpu.dma_semaphore, #tpu.memory_space<semaphore_mem>>)
      %dma_wait3A = arith.constant 0 : i32
      %dma_wait3A_82 = tpu.memref_slice %arg5[%add3A_16, %dma_wait3A] : memref<128x10240xf32, #tpu.memory_space<hbm>> -> memref<1x10240xf32, #tpu.memory_space<hbm>>
      %dma_wait3A_83 = tpu.memref_squeeze %dma_wait3A_82 : memref<1x10240xf32, #tpu.memory_space<hbm>> -> memref<10240xf32, #tpu.memory_space<hbm>>
      %dma_wait3A_84 = arith.constant 0 : i32
      %dma_wait3A_85 = tpu.memref_slice %arg5[%add3A_16, %dma_wait3A_84] : memref<128x10240xf32, #tpu.memory_space<hbm>> -> memref<1x10240xf32, #tpu.memory_space<hbm>>
      %dma_wait3A_86 = tpu.memref_squeeze %dma_wait3A_85 : memref<1x10240xf32, #tpu.memory_space<hbm>> -> memref<10240xf32, #tpu.memory_space<hbm>>
      tpu.wait_dma2 semaphore(%run_scoped3A_75 : memref<!tpu.dma_semaphore, #tpu.memory_space<semaphore_mem>>) src(%dma_wait3A_86 : memref<10240xf32, #tpu.memory_space<hbm>>) dst(%arg10 : memref<10240xf32, #tpu.memory_space<vmem>>)
      tpu.yield
    }) : () -> ()
    %broadcast_in_dim3A = arith.constant 0.000000e+00 : f32
    %broadcast_in_dim3A_17 = vector.broadcast %broadcast_in_dim3A : f32 to vector<16xf32>
    %scan3A = arith.constant 0 : i32
    %scan3A_18 = arith.constant 0 : i32
    %scan3A_19 = arith.constant 640 : i32
    %scan3A_20 = arith.addi %scan3A_18, %scan3A_19 : i32
    %scan3A_21 = arith.constant 1 : i32
    %scan3A_22 = scf.for %scan3A_75 = %scan3A_18 to %scan3A_20 step %scan3A_21 iter_args(%scan3A_76 = %scan3A) -> (i32)  : i32 {
      %mul3A_77 = arith.constant 16 : i32
      %mul3A_78 = arith.muli %scan3A_75, %mul3A_77 : i32
      %swap3A = arith.index_cast %mul3A_78 : i32 to index
      %swap3A_79 = tpu.vector_load %arg11[%swap3A] {strides = array<i32>} : memref<10240xf32, #tpu.memory_space<vmem>>, vector<16xf32>,
      tpu.vector_store %arg11[%swap3A], %broadcast_in_dim3A_17 {strides = array<i32>} : memref<10240xf32, #tpu.memory_space<vmem>>, vector<16xf32>,
      %mul3A_80 = arith.constant 16 : i32
      %mul3A_81 = arith.muli %scan3A_75, %mul3A_80 : i32
      %swap3A_82 = arith.index_cast %mul3A_81 : i32 to index
      %swap3A_83 = tpu.vector_load %arg12[%swap3A_82] {strides = array<i32>} : memref<10240xf32, #tpu.memory_space<vmem>>, vector<16xf32>,
      tpu.vector_store %arg12[%swap3A_82], %broadcast_in_dim3A_17 {strides = array<i32>} : memref<10240xf32, #tpu.memory_space<vmem>>, vector<16xf32>,
      %mul3A_84 = arith.constant 16 : i32
      %mul3A_85 = arith.muli %scan3A_75, %mul3A_84 : i32
      %swap3A_86 = arith.index_cast %mul3A_85 : i32 to index
      %swap3A_87 = tpu.vector_load %arg13[%swap3A_86] {strides = array<i32>} : memref<10240xf32, #tpu.memory_space<vmem>>, vector<16xf32>,
      tpu.vector_store %arg13[%swap3A_86], %broadcast_in_dim3A_17 {strides = array<i32>} : memref<10240xf32, #tpu.memory_space<vmem>>, vector<16xf32>,
      %mul3A_88 = arith.constant 16 : i32
      %mul3A_89 = arith.muli %scan3A_75, %mul3A_88 : i32
      %swap3A_90 = arith.index_cast %mul3A_89 : i32 to index
      %swap3A_91 = tpu.vector_load %arg14[%swap3A_90] {strides = array<i32>} : memref<10240xf32, #tpu.memory_space<vmem>>, vector<16xf32>,
      tpu.vector_store %arg14[%swap3A_90], %broadcast_in_dim3A_17 {strides = array<i32>} : memref<10240xf32, #tpu.memory_space<vmem>>, vector<16xf32>,
      %scan3A_92 = arith.constant 0 : i32
      scf.yield %scan3A_92 : i32
    }
    %scan3A_23 = arith.constant 640 : i32
    %dma_start3A = arith.constant 0 : i32
    %dma_start3A_24 = arith.constant 0 : i32
    %dma_start3A_25 = arith.constant 0 : i32
    %dma_start3A_26 = tpu.memref_slice %arg15[%dma_start3A_24, %dma_start3A_25] : memref<2x2048xi32, #tpu.memory_space<vmem>> -> memref<1x2048xi32, #tpu.memory_space<vmem>>
    %dma_start3A_27 = tpu.memref_squeeze %dma_start3A_26 : memref<1x2048xi32, #tpu.memory_space<vmem>> -> memref<2048xi32, #tpu.memory_space<vmem>>
    %dma_start3A_28 = arith.constant 0 : i32
    %dma_start3A_29 = tpu.memref_slice %arg2[%dma_start3A, %dma_start3A_28] : memref<160x2048xi32, #tpu.memory_space<hbm>> -> memref<1x2048xi32, #tpu.memory_space<hbm>>
    %dma_start3A_30 = tpu.memref_squeeze %dma_start3A_29 : memref<1x2048xi32, #tpu.memory_space<hbm>> -> memref<2048xi32, #tpu.memory_space<hbm>>
    %dma_start3A_31 = arith.constant 0 : i32
    %dma_start3A_32 = tpu.memref_slice %arg15[%dma_start3A_24, %dma_start3A_31] : memref<2x2048xi32, #tpu.memory_space<vmem>> -> memref<1x2048xi32, #tpu.memory_space<vmem>>
    %dma_start3A_33 = tpu.memref_squeeze %dma_start3A_32 : memref<1x2048xi32, #tpu.memory_space<vmem>> -> memref<2048xi32, #tpu.memory_space<vmem>>
    %dma_start3A_34 = arith.constant 0 : i32
    %dma_start3A_35 = tpu.memref_slice %arg2[%dma_start3A, %dma_start3A_34] : memref<160x2048xi32, #tpu.memory_space<hbm>> -> memref<1x2048xi32, #tpu.memory_space<hbm>>
    %dma_start3A_36 = tpu.memref_squeeze %dma_start3A_35 : memref<1x2048xi32, #tpu.memory_space<hbm>> -> memref<2048xi32, #tpu.memory_space<hbm>>
    tpu.enqueue_dma source(%dma_start3A_36 : memref<2048xi32, #tpu.memory_space<hbm>>) target(%dma_start3A_33 : memref<2048xi32, #tpu.memory_space<vmem>>) target_semaphore(%arg18 : memref<!tpu.dma_semaphore, #tpu.memory_space<semaphore_mem>>)
    %dma_start3A_37 = arith.constant 0 : i32
    %dma_start3A_38 = arith.constant 0 : i32
    %dma_start3A_39 = arith.constant 0 : i32
    %dma_start3A_40 = tpu.memref_slice %arg16[%dma_start3A_38, %dma_start3A_39] : memref<2x2048xi32, #tpu.memory_space<vmem>> -> memref<1x2048xi32, #tpu.memory_space<vmem>>
    %dma_start3A_41 = tpu.memref_squeeze %dma_start3A_40 : memref<1x2048xi32, #tpu.memory_space<vmem>> -> memref<2048xi32, #tpu.memory_space<vmem>>
    %dma_start3A_42 = arith.constant 0 : i32
    %dma_start3A_43 = tpu.memref_slice %arg3[%dma_start3A_37, %dma_start3A_42] : memref<160x2048xi32, #tpu.memory_space<hbm>> -> memref<1x2048xi32, #tpu.memory_space<hbm>>
    %dma_start3A_44 = tpu.memref_squeeze %dma_start3A_43 : memref<1x2048xi32, #tpu.memory_space<hbm>> -> memref<2048xi32, #tpu.memory_space<hbm>>
    %dma_start3A_45 = arith.constant 0 : i32
    %dma_start3A_46 = tpu.memref_slice %arg16[%dma_start3A_38, %dma_start3A_45] : memref<2x2048xi32, #tpu.memory_space<vmem>> -> memref<1x2048xi32, #tpu.memory_space<vmem>>
    %dma_start3A_47 = tpu.memref_squeeze %dma_start3A_46 : memref<1x2048xi32, #tpu.memory_space<vmem>> -> memref<2048xi32, #tpu.memory_space<vmem>>
    %dma_start3A_48 = arith.constant 0 : i32
    %dma_start3A_49 = tpu.memref_slice %arg3[%dma_start3A_37, %dma_start3A_48] : memref<160x2048xi32, #tpu.memory_space<hbm>> -> memref<1x2048xi32, #tpu.memory_space<hbm>>
    %dma_start3A_50 = tpu.memref_squeeze %dma_start3A_49 : memref<1x2048xi32, #tpu.memory_space<hbm>> -> memref<2048xi32, #tpu.memory_space<hbm>>
    tpu.enqueue_dma source(%dma_start3A_50 : memref<2048xi32, #tpu.memory_space<hbm>>) target(%dma_start3A_47 : memref<2048xi32, #tpu.memory_space<vmem>>) target_semaphore(%arg18 : memref<!tpu.dma_semaphore, #tpu.memory_space<semaphore_mem>>)
    %dma_start3A_51 = arith.constant 0 : i32
    %dma_start3A_52 = arith.constant 0 : i32
    %dma_start3A_53 = arith.constant 0 : i32
    %dma_start3A_54 = tpu.memref_slice %arg17[%dma_start3A_52, %dma_start3A_53] : memref<2x2048xf32, #tpu.memory_space<vmem>> -> memref<1x2048xf32, #tpu.memory_space<vmem>>
    %dma_start3A_55 = tpu.memref_squeeze %dma_start3A_54 : memref<1x2048xf32, #tpu.memory_space<vmem>> -> memref<2048xf32, #tpu.memory_space<vmem>>
    %dma_start3A_56 = arith.constant 0 : i32
    %dma_start3A_57 = tpu.memref_slice %arg4[%dma_start3A_51, %dma_start3A_56] : memref<160x2048xf32, #tpu.memory_space<hbm>> -> memref<1x2048xf32, #tpu.memory_space<hbm>>
    %dma_start3A_58 = tpu.memref_squeeze %dma_start3A_57 : memref<1x2048xf32, #tpu.memory_space<hbm>> -> memref<2048xf32, #tpu.memory_space<hbm>>
    %dma_start3A_59 = arith.constant 0 : i32
    %dma_start3A_60 = tpu.memref_slice %arg17[%dma_start3A_52, %dma_start3A_59] : memref<2x2048xf32, #tpu.memory_space<vmem>> -> memref<1x2048xf32, #tpu.memory_space<vmem>>
    %dma_start3A_61 = tpu.memref_squeeze %dma_start3A_60 : memref<1x2048xf32, #tpu.memory_space<vmem>> -> memref<2048xf32, #tpu.memory_space<vmem>>
    %dma_start3A_62 = arith.constant 0 : i32
    %dma_start3A_63 = tpu.memref_slice %arg4[%dma_start3A_51, %dma_start3A_62] : memref<160x2048xf32, #tpu.memory_space<hbm>> -> memref<1x2048xf32, #tpu.memory_space<hbm>>
    %dma_start3A_64 = tpu.memref_squeeze %dma_start3A_63 : memref<1x2048xf32, #tpu.memory_space<hbm>> -> memref<2048xf32, #tpu.memory_space<hbm>>
    tpu.enqueue_dma source(%dma_start3A_64 : memref<2048xf32, #tpu.memory_space<hbm>>) target(%dma_start3A_61 : memref<2048xf32, #tpu.memory_space<vmem>>) target_semaphore(%arg18 : memref<!tpu.dma_semaphore, #tpu.memory_space<semaphore_mem>>)
    %scan3A_65 = arith.constant 0 : i32
    %scan3A_66 = arith.constant 0 : i32
    %scan3A_67 = arith.constant 80 : i32
    %scan3A_68 = arith.addi %scan3A_66, %scan3A_67 : i32
    %scan3A_69 = arith.constant 1 : i32
    %scan3A_70 = scf.for %scan3A_75 = %scan3A_66 to %scan3A_68 step %scan3A_69 iter_args(%scan3A_76 = %scan3A_65) -> (i32)  : i32 {
      %mul3A_77 = arith.constant 2 : i32
      %mul3A_78 = arith.muli %scan3A_75, %mul3A_77 : i32
      %add3A_79 = arith.constant 0 : i32
      %add3A_80 = arith.addi %mul3A_78, %add3A_79 : i32
      %dma_wait3A = arith.constant 0 : i32
      %dma_wait3A_81 = arith.constant 0 : i32
      %dma_wait3A_82 = tpu.memref_slice %arg15[%dma_wait3A, %dma_wait3A_81] : memref<2x2048xi32, #tpu.memory_space<vmem>> -> memref<1x2048xi32, #tpu.memory_space<vmem>>
      %dma_wait3A_83 = tpu.memref_squeeze %dma_wait3A_82 : memref<1x2048xi32, #tpu.memory_space<vmem>> -> memref<2048xi32, #tpu.memory_space<vmem>>
      %dma_wait3A_84 = arith.constant 0 : i32
      %dma_wait3A_85 = tpu.memref_slice %arg2[%add3A_80, %dma_wait3A_84] : memref<160x2048xi32, #tpu.memory_space<hbm>> -> memref<1x2048xi32, #tpu.memory_space<hbm>>
      %dma_wait3A_86 = tpu.memref_squeeze %dma_wait3A_85 : memref<1x2048xi32, #tpu.memory_space<hbm>> -> memref<2048xi32, #tpu.memory_space<hbm>>
      %dma_wait3A_87 = arith.constant 0 : i32
      %dma_wait3A_88 = tpu.memref_slice %arg15[%dma_wait3A, %dma_wait3A_87] : memref<2x2048xi32, #tpu.memory_space<vmem>> -> memref<1x2048xi32, #tpu.memory_space<vmem>>
      %dma_wait3A_89 = tpu.memref_squeeze %dma_wait3A_88 : memref<1x2048xi32, #tpu.memory_space<vmem>> -> memref<2048xi32, #tpu.memory_space<vmem>>
      %dma_wait3A_90 = arith.constant 0 : i32
      %dma_wait3A_91 = tpu.memref_slice %arg2[%add3A_80, %dma_wait3A_90] : memref<160x2048xi32, #tpu.memory_space<hbm>> -> memref<1x2048xi32, #tpu.memory_space<hbm>>
      %dma_wait3A_92 = tpu.memref_squeeze %dma_wait3A_91 : memref<1x2048xi32, #tpu.memory_space<hbm>> -> memref<2048xi32, #tpu.memory_space<hbm>>
      tpu.wait_dma2 semaphore(%arg18 : memref<!tpu.dma_semaphore, #tpu.memory_space<semaphore_mem>>) src(%dma_wait3A_92 : memref<2048xi32, #tpu.memory_space<hbm>>) dst(%dma_wait3A_89 : memref<2048xi32, #tpu.memory_space<vmem>>)
      %dma_wait3A_93 = arith.constant 0 : i32
      %dma_wait3A_94 = arith.constant 0 : i32
      %dma_wait3A_95 = tpu.memref_slice %arg16[%dma_wait3A_93, %dma_wait3A_94] : memref<2x2048xi32, #tpu.memory_space<vmem>> -> memref<1x2048xi32, #tpu.memory_space<vmem>>
      %dma_wait3A_96 = tpu.memref_squeeze %dma_wait3A_95 : memref<1x2048xi32, #tpu.memory_space<vmem>> -> memref<2048xi32, #tpu.memory_space<vmem>>
      %dma_wait3A_97 = arith.constant 0 : i32
      %dma_wait3A_98 = tpu.memref_slice %arg3[%add3A_80, %dma_wait3A_97] : memref<160x2048xi32, #tpu.memory_space<hbm>> -> memref<1x2048xi32, #tpu.memory_space<hbm>>
      %dma_wait3A_99 = tpu.memref_squeeze %dma_wait3A_98 : memref<1x2048xi32, #tpu.memory_space<hbm>> -> memref<2048xi32, #tpu.memory_space<hbm>>
      %dma_wait3A_100 = arith.constant 0 : i32
      %dma_wait3A_101 = tpu.memref_slice %arg16[%dma_wait3A_93, %dma_wait3A_100] : memref<2x2048xi32, #tpu.memory_space<vmem>> -> memref<1x2048xi32, #tpu.memory_space<vmem>>
      %dma_wait3A_102 = tpu.memref_squeeze %dma_wait3A_101 : memref<1x2048xi32, #tpu.memory_space<vmem>> -> memref<2048xi32, #tpu.memory_space<vmem>>
      %dma_wait3A_103 = arith.constant 0 : i32
      %dma_wait3A_104 = tpu.memref_slice %arg3[%add3A_80, %dma_wait3A_103] : memref<160x2048xi32, #tpu.memory_space<hbm>> -> memref<1x2048xi32, #tpu.memory_space<hbm>>
      %dma_wait3A_105 = tpu.memref_squeeze %dma_wait3A_104 : memref<1x2048xi32, #tpu.memory_space<hbm>> -> memref<2048xi32, #tpu.memory_space<hbm>>
      tpu.wait_dma2 semaphore(%arg18 : memref<!tpu.dma_semaphore, #tpu.memory_space<semaphore_mem>>) src(%dma_wait3A_105 : memref<2048xi32, #tpu.memory_space<hbm>>) dst(%dma_wait3A_102 : memref<2048xi32, #tpu.memory_space<vmem>>)
      %dma_wait3A_106 = arith.constant 0 : i32
      %dma_wait3A_107 = arith.constant 0 : i32
      %dma_wait3A_108 = tpu.memref_slice %arg17[%dma_wait3A_106, %dma_wait3A_107] : memref<2x2048xf32, #tpu.memory_space<vmem>> -> memref<1x2048xf32, #tpu.memory_space<vmem>>
      %dma_wait3A_109 = tpu.memref_squeeze %dma_wait3A_108 : memref<1x2048xf32, #tpu.memory_space<vmem>> -> memref<2048xf32, #tpu.memory_space<vmem>>
      %dma_wait3A_110 = arith.constant 0 : i32
      %dma_wait3A_111 = tpu.memref_slice %arg4[%add3A_80, %dma_wait3A_110] : memref<160x2048xf32, #tpu.memory_space<hbm>> -> memref<1x2048xf32, #tpu.memory_space<hbm>>
      %dma_wait3A_112 = tpu.memref_squeeze %dma_wait3A_111 : memref<1x2048xf32, #tpu.memory_space<hbm>> -> memref<2048xf32, #tpu.memory_space<hbm>>
      %dma_wait3A_113 = arith.constant 0 : i32
      %dma_wait3A_114 = tpu.memref_slice %arg17[%dma_wait3A_106, %dma_wait3A_113] : memref<2x2048xf32, #tpu.memory_space<vmem>> -> memref<1x2048xf32, #tpu.memory_space<vmem>>
      %dma_wait3A_115 = tpu.memref_squeeze %dma_wait3A_114 : memref<1x2048xf32, #tpu.memory_space<vmem>> -> memref<2048xf32, #tpu.memory_space<vmem>>
      %dma_wait3A_116 = arith.constant 0 : i32
      %dma_wait3A_117 = tpu.memref_slice %arg4[%add3A_80, %dma_wait3A_116] : memref<160x2048xf32, #tpu.memory_space<hbm>> -> memref<1x2048xf32, #tpu.memory_space<hbm>>
      %dma_wait3A_118 = tpu.memref_squeeze %dma_wait3A_117 : memref<1x2048xf32, #tpu.memory_space<hbm>> -> memref<2048xf32, #tpu.memory_space<hbm>>
      tpu.wait_dma2 semaphore(%arg18 : memref<!tpu.dma_semaphore, #tpu.memory_space<semaphore_mem>>) src(%dma_wait3A_118 : memref<2048xf32, #tpu.memory_space<hbm>>) dst(%dma_wait3A_115 : memref<2048xf32, #tpu.memory_space<vmem>>)
      %add3A_119 = arith.constant 1 : i32
      %add3A_120 = arith.addi %add3A_80, %add3A_119 : i32
      %dma_start3A_121 = arith.constant 1 : i32
      %dma_start3A_122 = arith.constant 0 : i32
      %dma_start3A_123 = tpu.memref_slice %arg15[%dma_start3A_121, %dma_start3A_122] : memref<2x2048xi32, #tpu.memory_space<vmem>> -> memref<1x2048xi32, #tpu.memory_space<vmem>>
      %dma_start3A_124 = tpu.memref_squeeze %dma_start3A_123 : memref<1x2048xi32, #tpu.memory_space<vmem>> -> memref<2048xi32, #tpu.memory_space<vmem>>
      %dma_start3A_125 = arith.constant 0 : i32
      %dma_start3A_126 = tpu.memref_slice %arg2[%add3A_120, %dma_start3A_125] : memref<160x2048xi32, #tpu.memory_space<hbm>> -> memref<1x2048xi32, #tpu.memory_space<hbm>>
      %dma_start3A_127 = tpu.memref_squeeze %dma_start3A_126 : memref<1x2048xi32, #tpu.memory_space<hbm>> -> memref<2048xi32, #tpu.memory_space<hbm>>
      %dma_start3A_128 = arith.constant 0 : i32
      %dma_start3A_129 = tpu.memref_slice %arg15[%dma_start3A_121, %dma_start3A_128] : memref<2x2048xi32, #tpu.memory_space<vmem>> -> memref<1x2048xi32, #tpu.memory_space<vmem>>
      %dma_start3A_130 = tpu.memref_squeeze %dma_start3A_129 : memref<1x2048xi32, #tpu.memory_space<vmem>> -> memref<2048xi32, #tpu.memory_space<vmem>>
      %dma_start3A_131 = arith.constant 0 : i32
      %dma_start3A_132 = tpu.memref_slice %arg2[%add3A_120, %dma_start3A_131] : memref<160x2048xi32, #tpu.memory_space<hbm>> -> memref<1x2048xi32, #tpu.memory_space<hbm>>
      %dma_start3A_133 = tpu.memref_squeeze %dma_start3A_132 : memref<1x2048xi32, #tpu.memory_space<hbm>> -> memref<2048xi32, #tpu.memory_space<hbm>>
      tpu.enqueue_dma source(%dma_start3A_133 : memref<2048xi32, #tpu.memory_space<hbm>>) target(%dma_start3A_130 : memref<2048xi32, #tpu.memory_space<vmem>>) target_semaphore(%arg18 : memref<!tpu.dma_semaphore, #tpu.memory_space<semaphore_mem>>)
      %dma_start3A_134 = arith.constant 1 : i32
      %dma_start3A_135 = arith.constant 0 : i32
      %dma_start3A_136 = tpu.memref_slice %arg16[%dma_start3A_134, %dma_start3A_135] : memref<2x2048xi32, #tpu.memory_space<vmem>> -> memref<1x2048xi32, #tpu.memory_space<vmem>>
      %dma_start3A_137 = tpu.memref_squeeze %dma_start3A_136 : memref<1x2048xi32, #tpu.memory_space<vmem>> -> memref<2048xi32, #tpu.memory_space<vmem>>
      %dma_start3A_138 = arith.constant 0 : i32
      %dma_start3A_139 = tpu.memref_slice %arg3[%add3A_120, %dma_start3A_138] : memref<160x2048xi32, #tpu.memory_space<hbm>> -> memref<1x2048xi32, #tpu.memory_space<hbm>>
      %dma_start3A_140 = tpu.memref_squeeze %dma_start3A_139 : memref<1x2048xi32, #tpu.memory_space<hbm>> -> memref<2048xi32, #tpu.memory_space<hbm>>
      %dma_start3A_141 = arith.constant 0 : i32
      %dma_start3A_142 = tpu.memref_slice %arg16[%dma_start3A_134, %dma_start3A_141] : memref<2x2048xi32, #tpu.memory_space<vmem>> -> memref<1x2048xi32, #tpu.memory_space<vmem>>
      %dma_start3A_143 = tpu.memref_squeeze %dma_start3A_142 : memref<1x2048xi32, #tpu.memory_space<vmem>> -> memref<2048xi32, #tpu.memory_space<vmem>>
      %dma_start3A_144 = arith.constant 0 : i32
      %dma_start3A_145 = tpu.memref_slice %arg3[%add3A_120, %dma_start3A_144] : memref<160x2048xi32, #tpu.memory_space<hbm>> -> memref<1x2048xi32, #tpu.memory_space<hbm>>
      %dma_start3A_146 = tpu.memref_squeeze %dma_start3A_145 : memref<1x2048xi32, #tpu.memory_space<hbm>> -> memref<2048xi32, #tpu.memory_space<hbm>>
      tpu.enqueue_dma source(%dma_start3A_146 : memref<2048xi32, #tpu.memory_space<hbm>>) target(%dma_start3A_143 : memref<2048xi32, #tpu.memory_space<vmem>>) target_semaphore(%arg18 : memref<!tpu.dma_semaphore, #tpu.memory_space<semaphore_mem>>)
      %dma_start3A_147 = arith.constant 1 : i32
      %dma_start3A_148 = arith.constant 0 : i32
      %dma_start3A_149 = tpu.memref_slice %arg17[%dma_start3A_147, %dma_start3A_148] : memref<2x2048xf32, #tpu.memory_space<vmem>> -> memref<1x2048xf32, #tpu.memory_space<vmem>>
      %dma_start3A_150 = tpu.memref_squeeze %dma_start3A_149 : memref<1x2048xf32, #tpu.memory_space<vmem>> -> memref<2048xf32, #tpu.memory_space<vmem>>
      %dma_start3A_151 = arith.constant 0 : i32
      %dma_start3A_152 = tpu.memref_slice %arg4[%add3A_120, %dma_start3A_151] : memref<160x2048xf32, #tpu.memory_space<hbm>> -> memref<1x2048xf32, #tpu.memory_space<hbm>>
      %dma_start3A_153 = tpu.memref_squeeze %dma_start3A_152 : memref<1x2048xf32, #tpu.memory_space<hbm>> -> memref<2048xf32, #tpu.memory_space<hbm>>
      %dma_start3A_154 = arith.constant 0 : i32
      %dma_start3A_155 = tpu.memref_slice %arg17[%dma_start3A_147, %dma_start3A_154] : memref<2x2048xf32, #tpu.memory_space<vmem>> -> memref<1x2048xf32, #tpu.memory_space<vmem>>
      %dma_start3A_156 = tpu.memref_squeeze %dma_start3A_155 : memref<1x2048xf32, #tpu.memory_space<vmem>> -> memref<2048xf32, #tpu.memory_space<vmem>>
      %dma_start3A_157 = arith.constant 0 : i32
      %dma_start3A_158 = tpu.memref_slice %arg4[%add3A_120, %dma_start3A_157] : memref<160x2048xf32, #tpu.memory_space<hbm>> -> memref<1x2048xf32, #tpu.memory_space<hbm>>
      %dma_start3A_159 = tpu.memref_squeeze %dma_start3A_158 : memref<1x2048xf32, #tpu.memory_space<hbm>> -> memref<2048xf32, #tpu.memory_space<hbm>>
      tpu.enqueue_dma source(%dma_start3A_159 : memref<2048xf32, #tpu.memory_space<hbm>>) target(%dma_start3A_156 : memref<2048xf32, #tpu.memory_space<vmem>>) target_semaphore(%arg18 : memref<!tpu.dma_semaphore, #tpu.memory_space<semaphore_mem>>)
      %scan3A_160 = arith.constant 0 : i32
      %scan3A_161 = arith.constant 0 : i32
      %scan3A_162 = arith.constant 128 : i32
      %scan3A_163 = arith.addi %scan3A_161, %scan3A_162 : i32
      %scan3A_164 = arith.constant 4 : i32
      %scan3A_165 = scf.for %scan3A_220 = %scan3A_161 to %scan3A_163 step %scan3A_164 iter_args(%scan3A_221 = %scan3A_160) -> (i32)  : i32 {
        %mul3A_222 = arith.constant 16 : i32
        %mul3A_223 = arith.muli %scan3A_220, %mul3A_222 : i32
        %get3A = arith.constant 0 : i32
        %get3A_224 = arith.index_cast %get3A : i32 to index
        %get3A_225 = arith.index_cast %mul3A_223 : i32 to index
        %get3A_226 = tpu.vector_load %arg15[%get3A_224, %get3A_225] {strides = array<i32>} : memref<2x2048xi32, #tpu.memory_space<vmem>>, vector<16xi32>,
        %get3A_227 = arith.constant 0 : i32
        %get3A_228 = arith.index_cast %get3A_227 : i32 to index
        %get3A_229 = arith.index_cast %mul3A_223 : i32 to index
        %get3A_230 = tpu.vector_load %arg16[%get3A_228, %get3A_229] {strides = array<i32>} : memref<2x2048xi32, #tpu.memory_space<vmem>>, vector<16xi32>,
        %get3A_231 = arith.constant 0 : i32
        %get3A_232 = arith.index_cast %get3A_231 : i32 to index
        %get3A_233 = arith.index_cast %mul3A_223 : i32 to index
        %get3A_234 = tpu.vector_load %arg17[%get3A_232, %get3A_233] {strides = array<i32>} : memref<2x2048xf32, #tpu.memory_space<vmem>>, vector<16xf32>,
        %gather3A = tpu.vector_load_idx %arg7[%get3A_226] : memref<10240xf32, #tpu.memory_space<vmem>>[vector<16xi32>], vector<16xf32>,
        %gather3A_235 = tpu.vector_load_idx %arg8[%get3A_226] : memref<10240xf32, #tpu.memory_space<vmem>>[vector<16xi32>], vector<16xf32>,
        %gather3A_236 = tpu.vector_load_idx %arg9[%get3A_226] : memref<10240xf32, #tpu.memory_space<vmem>>[vector<16xi32>], vector<16xf32>,
        %gather3A_237 = tpu.vector_load_idx %arg10[%get3A_226] : memref<10240xf32, #tpu.memory_space<vmem>>[vector<16xi32>], vector<16xf32>,
        %mul3A_238 = arith.mulf %gather3A, %get3A_234 : vector<16xf32>
        tpu.vector_store_idx %arg11[%get3A_230], %mul3A_238 {add = true} : memref<10240xf32, #tpu.memory_space<vmem>>[vector<16xi32>], vector<16xf32>,
        %mul3A_239 = arith.mulf %gather3A_235, %get3A_234 : vector<16xf32>
        tpu.vector_store_idx %arg12[%get3A_230], %mul3A_239 {add = true} : memref<10240xf32, #tpu.memory_space<vmem>>[vector<16xi32>], vector<16xf32>,
        %mul3A_240 = arith.mulf %gather3A_236, %get3A_234 : vector<16xf32>
        tpu.vector_store_idx %arg13[%get3A_230], %mul3A_240 {add = true} : memref<10240xf32, #tpu.memory_space<vmem>>[vector<16xi32>], vector<16xf32>,
        %mul3A_241 = arith.mulf %gather3A_237, %get3A_234 : vector<16xf32>
        tpu.vector_store_idx %arg14[%get3A_230], %mul3A_241 {add = true} : memref<10240xf32, #tpu.memory_space<vmem>>[vector<16xi32>], vector<16xf32>,
        %scan3A_242 = arith.constant 0 : i32
        %scan3A_243 = arith.constant 1 : i32
        %scan3A_244 = arith.addi %scan3A_220, %scan3A_243 : i32
        %mul3A_245 = arith.constant 16 : i32
        %mul3A_246 = arith.muli %scan3A_244, %mul3A_245 : i32
        %get3A_247 = arith.constant 0 : i32
        %get3A_248 = arith.index_cast %get3A_247 : i32 to index
        %get3A_249 = arith.index_cast %mul3A_246 : i32 to index
        %get3A_250 = tpu.vector_load %arg15[%get3A_248, %get3A_249] {strides = array<i32>} : memref<2x2048xi32, #tpu.memory_space<vmem>>, vector<16xi32>,
        %get3A_251 = arith.constant 0 : i32
        %get3A_252 = arith.index_cast %get3A_251 : i32 to index
        %get3A_253 = arith.index_cast %mul3A_246 : i32 to index
        %get3A_254 = tpu.vector_load %arg16[%get3A_252, %get3A_253] {strides = array<i32>} : memref<2x2048xi32, #tpu.memory_space<vmem>>, vector<16xi32>,
        %get3A_255 = arith.constant 0 : i32
        %get3A_256 = arith.index_cast %get3A_255 : i32 to index
        %get3A_257 = arith.index_cast %mul3A_246 : i32 to index
        %get3A_258 = tpu.vector_load %arg17[%get3A_256, %get3A_257] {strides = array<i32>} : memref<2x2048xf32, #tpu.memory_space<vmem>>, vector<16xf32>,
        %gather3A_259 = tpu.vector_load_idx %arg7[%get3A_250] : memref<10240xf32, #tpu.memory_space<vmem>>[vector<16xi32>], vector<16xf32>,
        %gather3A_260 = tpu.vector_load_idx %arg8[%get3A_250] : memref<10240xf32, #tpu.memory_space<vmem>>[vector<16xi32>], vector<16xf32>,
        %gather3A_261 = tpu.vector_load_idx %arg9[%get3A_250] : memref<10240xf32, #tpu.memory_space<vmem>>[vector<16xi32>], vector<16xf32>,
        %gather3A_262 = tpu.vector_load_idx %arg10[%get3A_250] : memref<10240xf32, #tpu.memory_space<vmem>>[vector<16xi32>], vector<16xf32>,
        %mul3A_263 = arith.mulf %gather3A_259, %get3A_258 : vector<16xf32>
        tpu.vector_store_idx %arg11[%get3A_254], %mul3A_263 {add = true} : memref<10240xf32, #tpu.memory_space<vmem>>[vector<16xi32>], vector<16xf32>,
        %mul3A_264 = arith.mulf %gather3A_260, %get3A_258 : vector<16xf32>
        tpu.vector_store_idx %arg12[%get3A_254], %mul3A_264 {add = true} : memref<10240xf32, #tpu.memory_space<vmem>>[vector<16xi32>], vector<16xf32>,
        %mul3A_265 = arith.mulf %gather3A_261, %get3A_258 : vector<16xf32>
        tpu.vector_store_idx %arg13[%get3A_254], %mul3A_265 {add = true} : memref<10240xf32, #tpu.memory_space<vmem>>[vector<16xi32>], vector<16xf32>,
        %mul3A_266 = arith.mulf %gather3A_262, %get3A_258 : vector<16xf32>
        tpu.vector_store_idx %arg14[%get3A_254], %mul3A_266 {add = true} : memref<10240xf32, #tpu.memory_space<vmem>>[vector<16xi32>], vector<16xf32>,
        %scan3A_267 = arith.constant 0 : i32
        %scan3A_268 = arith.constant 2 : i32
        %scan3A_269 = arith.addi %scan3A_220, %scan3A_268 : i32
        %mul3A_270 = arith.constant 16 : i32
        %mul3A_271 = arith.muli %scan3A_269, %mul3A_270 : i32
        %get3A_272 = arith.constant 0 : i32
        %get3A_273 = arith.index_cast %get3A_272 : i32 to index
        %get3A_274 = arith.index_cast %mul3A_271 : i32 to index
        %get3A_275 = tpu.vector_load %arg15[%get3A_273, %get3A_274] {strides = array<i32>} : memref<2x2048xi32, #tpu.memory_space<vmem>>, vector<16xi32>,
        %get3A_276 = arith.constant 0 : i32
        %get3A_277 = arith.index_cast %get3A_276 : i32 to index
        %get3A_278 = arith.index_cast %mul3A_271 : i32 to index
        %get3A_279 = tpu.vector_load %arg16[%get3A_277, %get3A_278] {strides = array<i32>} : memref<2x2048xi32, #tpu.memory_space<vmem>>, vector<16xi32>,
        %get3A_280 = arith.constant 0 : i32
        %get3A_281 = arith.index_cast %get3A_280 : i32 to index
        %get3A_282 = arith.index_cast %mul3A_271 : i32 to index
        %get3A_283 = tpu.vector_load %arg17[%get3A_281, %get3A_282] {strides = array<i32>} : memref<2x2048xf32, #tpu.memory_space<vmem>>, vector<16xf32>,
        %gather3A_284 = tpu.vector_load_idx %arg7[%get3A_275] : memref<10240xf32, #tpu.memory_space<vmem>>[vector<16xi32>], vector<16xf32>,
        %gather3A_285 = tpu.vector_load_idx %arg8[%get3A_275] : memref<10240xf32, #tpu.memory_space<vmem>>[vector<16xi32>], vector<16xf32>,
        %gather3A_286 = tpu.vector_load_idx %arg9[%get3A_275] : memref<10240xf32, #tpu.memory_space<vmem>>[vector<16xi32>], vector<16xf32>,
        %gather3A_287 = tpu.vector_load_idx %arg10[%get3A_275] : memref<10240xf32, #tpu.memory_space<vmem>>[vector<16xi32>], vector<16xf32>,
        %mul3A_288 = arith.mulf %gather3A_284, %get3A_283 : vector<16xf32>
        tpu.vector_store_idx %arg11[%get3A_279], %mul3A_288 {add = true} : memref<10240xf32, #tpu.memory_space<vmem>>[vector<16xi32>], vector<16xf32>,
        %mul3A_289 = arith.mulf %gather3A_285, %get3A_283 : vector<16xf32>
        tpu.vector_store_idx %arg12[%get3A_279], %mul3A_289 {add = true} : memref<10240xf32, #tpu.memory_space<vmem>>[vector<16xi32>], vector<16xf32>,
        %mul3A_290 = arith.mulf %gather3A_286, %get3A_283 : vector<16xf32>
        tpu.vector_store_idx %arg13[%get3A_279], %mul3A_290 {add = true} : memref<10240xf32, #tpu.memory_space<vmem>>[vector<16xi32>], vector<16xf32>,
        %mul3A_291 = arith.mulf %gather3A_287, %get3A_283 : vector<16xf32>
        tpu.vector_store_idx %arg14[%get3A_279], %mul3A_291 {add = true} : memref<10240xf32, #tpu.memory_space<vmem>>[vector<16xi32>], vector<16xf32>,
        %scan3A_292 = arith.constant 0 : i32
        %scan3A_293 = arith.constant 3 : i32
        %scan3A_294 = arith.addi %scan3A_220, %scan3A_293 : i32
        %mul3A_295 = arith.constant 16 : i32
        %mul3A_296 = arith.muli %scan3A_294, %mul3A_295 : i32
        %get3A_297 = arith.constant 0 : i32
        %get3A_298 = arith.index_cast %get3A_297 : i32 to index
        %get3A_299 = arith.index_cast %mul3A_296 : i32 to index
        %get3A_300 = tpu.vector_load %arg15[%get3A_298, %get3A_299] {strides = array<i32>} : memref<2x2048xi32, #tpu.memory_space<vmem>>, vector<16xi32>,
        %get3A_301 = arith.constant 0 : i32
        %get3A_302 = arith.index_cast %get3A_301 : i32 to index
        %get3A_303 = arith.index_cast %mul3A_296 : i32 to index
        %get3A_304 = tpu.vector_load %arg16[%get3A_302, %get3A_303] {strides = array<i32>} : memref<2x2048xi32, #tpu.memory_space<vmem>>, vector<16xi32>,
        %get3A_305 = arith.constant 0 : i32
        %get3A_306 = arith.index_cast %get3A_305 : i32 to index
        %get3A_307 = arith.index_cast %mul3A_296 : i32 to index
        %get3A_308 = tpu.vector_load %arg17[%get3A_306, %get3A_307] {strides = array<i32>} : memref<2x2048xf32, #tpu.memory_space<vmem>>, vector<16xf32>,
        %gather3A_309 = tpu.vector_load_idx %arg7[%get3A_300] : memref<10240xf32, #tpu.memory_space<vmem>>[vector<16xi32>], vector<16xf32>,
        %gather3A_310 = tpu.vector_load_idx %arg8[%get3A_300] : memref<10240xf32, #tpu.memory_space<vmem>>[vector<16xi32>], vector<16xf32>,
        %gather3A_311 = tpu.vector_load_idx %arg9[%get3A_300] : memref<10240xf32, #tpu.memory_space<vmem>>[vector<16xi32>], vector<16xf32>,
        %gather3A_312 = tpu.vector_load_idx %arg10[%get3A_300] : memref<10240xf32, #tpu.memory_space<vmem>>[vector<16xi32>], vector<16xf32>,
        %mul3A_313 = arith.mulf %gather3A_309, %get3A_308 : vector<16xf32>
        tpu.vector_store_idx %arg11[%get3A_304], %mul3A_313 {add = true} : memref<10240xf32, #tpu.memory_space<vmem>>[vector<16xi32>], vector<16xf32>,
        %mul3A_314 = arith.mulf %gather3A_310, %get3A_308 : vector<16xf32>
        tpu.vector_store_idx %arg12[%get3A_304], %mul3A_314 {add = true} : memref<10240xf32, #tpu.memory_space<vmem>>[vector<16xi32>], vector<16xf32>,
        %mul3A_315 = arith.mulf %gather3A_311, %get3A_308 : vector<16xf32>
        tpu.vector_store_idx %arg13[%get3A_304], %mul3A_315 {add = true} : memref<10240xf32, #tpu.memory_space<vmem>>[vector<16xi32>], vector<16xf32>,
        %mul3A_316 = arith.mulf %gather3A_312, %get3A_308 : vector<16xf32>
        tpu.vector_store_idx %arg14[%get3A_304], %mul3A_316 {add = true} : memref<10240xf32, #tpu.memory_space<vmem>>[vector<16xi32>], vector<16xf32>,
        %scan3A_317 = arith.constant 0 : i32
        scf.yield %scan3A_317 : i32
      }
      %scan3A_166 = arith.constant 128 : i32
      %mul3A_167 = arith.constant 2 : i32
      %mul3A_168 = arith.muli %scan3A_75, %mul3A_167 : i32
      %add3A_169 = arith.constant 1 : i32
      %add3A_170 = arith.addi %mul3A_168, %add3A_169 : i32
      %dma_wait3A_171 = arith.constant 1 : i32
      %dma_wait3A_172 = arith.constant 0 : i32
      %dma_wait3A_173 = tpu.memref_slice %arg15[%dma_wait3A_171, %dma_wait3A_172] : memref<2x2048xi32, #tpu.memory_space<vmem>> -> memref<1x2048xi32, #tpu.memory_space<vmem>>
      %dma_wait3A_174 = tpu.memref_squeeze %dma_wait3A_173 : memref<1x2048xi32, #tpu.memory_space<vmem>> -> memref<2048xi32, #tpu.memory_space<vmem>>
      %dma_wait3A_175 = arith.constant 0 : i32
      %dma_wait3A_176 = tpu.memref_slice %arg2[%add3A_170, %dma_wait3A_175] : memref<160x2048xi32, #tpu.memory_space<hbm>> -> memref<1x2048xi32, #tpu.memory_space<hbm>>
      %dma_wait3A_177 = tpu.memref_squeeze %dma_wait3A_176 : memref<1x2048xi32, #tpu.memory_space<hbm>> -> memref<2048xi32, #tpu.memory_space<hbm>>
      %dma_wait3A_178 = arith.constant 0 : i32
      %dma_wait3A_179 = tpu.memref_slice %arg15[%dma_wait3A_171, %dma_wait3A_178] : memref<2x2048xi32, #tpu.memory_space<vmem>> -> memref<1x2048xi32, #tpu.memory_space<vmem>>
      %dma_wait3A_180 = tpu.memref_squeeze %dma_wait3A_179 : memref<1x2048xi32, #tpu.memory_space<vmem>> -> memref<2048xi32, #tpu.memory_space<vmem>>
      %dma_wait3A_181 = arith.constant 0 : i32
      %dma_wait3A_182 = tpu.memref_slice %arg2[%add3A_170, %dma_wait3A_181] : memref<160x2048xi32, #tpu.memory_space<hbm>> -> memref<1x2048xi32, #tpu.memory_space<hbm>>
      %dma_wait3A_183 = tpu.memref_squeeze %dma_wait3A_182 : memref<1x2048xi32, #tpu.memory_space<hbm>> -> memref<2048xi32, #tpu.memory_space<hbm>>
      tpu.wait_dma2 semaphore(%arg18 : memref<!tpu.dma_semaphore, #tpu.memory_space<semaphore_mem>>) src(%dma_wait3A_183 : memref<2048xi32, #tpu.memory_space<hbm>>) dst(%dma_wait3A_180 : memref<2048xi32, #tpu.memory_space<vmem>>)
      %dma_wait3A_184 = arith.constant 1 : i32
      %dma_wait3A_185 = arith.constant 0 : i32
      %dma_wait3A_186 = tpu.memref_slice %arg16[%dma_wait3A_184, %dma_wait3A_185] : memref<2x2048xi32, #tpu.memory_space<vmem>> -> memref<1x2048xi32, #tpu.memory_space<vmem>>
      %dma_wait3A_187 = tpu.memref_squeeze %dma_wait3A_186 : memref<1x2048xi32, #tpu.memory_space<vmem>> -> memref<2048xi32, #tpu.memory_space<vmem>>
      %dma_wait3A_188 = arith.constant 0 : i32
      %dma_wait3A_189 = tpu.memref_slice %arg3[%add3A_170, %dma_wait3A_188] : memref<160x2048xi32, #tpu.memory_space<hbm>> -> memref<1x2048xi32, #tpu.memory_space<hbm>>
      %dma_wait3A_190 = tpu.memref_squeeze %dma_wait3A_189 : memref<1x2048xi32, #tpu.memory_space<hbm>> -> memref<2048xi32, #tpu.memory_space<hbm>>
      %dma_wait3A_191 = arith.constant 0 : i32
      %dma_wait3A_192 = tpu.memref_slice %arg16[%dma_wait3A_184, %dma_wait3A_191] : memref<2x2048xi32, #tpu.memory_space<vmem>> -> memref<1x2048xi32, #tpu.memory_space<vmem>>
      %dma_wait3A_193 = tpu.memref_squeeze %dma_wait3A_192 : memref<1x2048xi32, #tpu.memory_space<vmem>> -> memref<2048xi32, #tpu.memory_space<vmem>>
      %dma_wait3A_194 = arith.constant 0 : i32
      %dma_wait3A_195 = tpu.memref_slice %arg3[%add3A_170, %dma_wait3A_194] : memref<160x2048xi32, #tpu.memory_space<hbm>> -> memref<1x2048xi32, #tpu.memory_space<hbm>>
      %dma_wait3A_196 = tpu.memref_squeeze %dma_wait3A_195 : memref<1x2048xi32, #tpu.memory_space<hbm>> -> memref<2048xi32, #tpu.memory_space<hbm>>
      tpu.wait_dma2 semaphore(%arg18 : memref<!tpu.dma_semaphore, #tpu.memory_space<semaphore_mem>>) src(%dma_wait3A_196 : memref<2048xi32, #tpu.memory_space<hbm>>) dst(%dma_wait3A_193 : memref<2048xi32, #tpu.memory_space<vmem>>)
      %dma_wait3A_197 = arith.constant 1 : i32
      %dma_wait3A_198 = arith.constant 0 : i32
      %dma_wait3A_199 = tpu.memref_slice %arg17[%dma_wait3A_197, %dma_wait3A_198] : memref<2x2048xf32, #tpu.memory_space<vmem>> -> memref<1x2048xf32, #tpu.memory_space<vmem>>
      %dma_wait3A_200 = tpu.memref_squeeze %dma_wait3A_199 : memref<1x2048xf32, #tpu.memory_space<vmem>> -> memref<2048xf32, #tpu.memory_space<vmem>>
      %dma_wait3A_201 = arith.constant 0 : i32
      %dma_wait3A_202 = tpu.memref_slice %arg4[%add3A_170, %dma_wait3A_201] : memref<160x2048xf32, #tpu.memory_space<hbm>> -> memref<1x2048xf32, #tpu.memory_space<hbm>>
      %dma_wait3A_203 = tpu.memref_squeeze %dma_wait3A_202 : memref<1x2048xf32, #tpu.memory_space<hbm>> -> memref<2048xf32, #tpu.memory_space<hbm>>
      %dma_wait3A_204 = arith.constant 0 : i32
      %dma_wait3A_205 = tpu.memref_slice %arg17[%dma_wait3A_197, %dma_wait3A_204] : memref<2x2048xf32, #tpu.memory_space<vmem>> -> memref<1x2048xf32, #tpu.memory_space<vmem>>
      %dma_wait3A_206 = tpu.memref_squeeze %dma_wait3A_205 : memref<1x2048xf32, #tpu.memory_space<vmem>> -> memref<2048xf32, #tpu.memory_space<vmem>>
      %dma_wait3A_207 = arith.constant 0 : i32
      %dma_wait3A_208 = tpu.memref_slice %arg4[%add3A_170, %dma_wait3A_207] : memref<160x2048xf32, #tpu.memory_space<hbm>> -> memref<1x2048xf32, #tpu.memory_space<hbm>>
      %dma_wait3A_209 = tpu.memref_squeeze %dma_wait3A_208 : memref<1x2048xf32, #tpu.memory_space<hbm>> -> memref<2048xf32, #tpu.memory_space<hbm>>
      tpu.wait_dma2 semaphore(%arg18 : memref<!tpu.dma_semaphore, #tpu.memory_space<semaphore_mem>>) src(%dma_wait3A_209 : memref<2048xf32, #tpu.memory_space<hbm>>) dst(%dma_wait3A_206 : memref<2048xf32, #tpu.memory_space<vmem>>)
      %lt3A = arith.constant 79 : i32
      %lt3A_210 = arith.cmpi slt, %scan3A_75, %lt3A : i32
      %convert_element_type3A = arith.extui %lt3A_210 : i1 to i32
      %cond3A = arith.constant 0 : i32
      %cond3A_211 = arith.cmpi ne, %convert_element_type3A, %cond3A : i32
      scf.if %cond3A_211 {
        %add3A_220 = arith.constant 1 : i32
        %add3A_221 = arith.addi %add3A_170, %add3A_220 : i32
        %dma_start3A_222 = arith.constant 0 : i32
        %dma_start3A_223 = arith.constant 0 : i32
        %dma_start3A_224 = tpu.memref_slice %arg15[%dma_start3A_222, %dma_start3A_223] : memref<2x2048xi32, #tpu.memory_space<vmem>> -> memref<1x2048xi32, #tpu.memory_space<vmem>>
        %dma_start3A_225 = tpu.memref_squeeze %dma_start3A_224 : memref<1x2048xi32, #tpu.memory_space<vmem>> -> memref<2048xi32, #tpu.memory_space<vmem>>
        %dma_start3A_226 = arith.constant 0 : i32
        %dma_start3A_227 = tpu.memref_slice %arg2[%add3A_221, %dma_start3A_226] : memref<160x2048xi32, #tpu.memory_space<hbm>> -> memref<1x2048xi32, #tpu.memory_space<hbm>>
        %dma_start3A_228 = tpu.memref_squeeze %dma_start3A_227 : memref<1x2048xi32, #tpu.memory_space<hbm>> -> memref<2048xi32, #tpu.memory_space<hbm>>
        %dma_start3A_229 = arith.constant 0 : i32
        %dma_start3A_230 = tpu.memref_slice %arg15[%dma_start3A_222, %dma_start3A_229] : memref<2x2048xi32, #tpu.memory_space<vmem>> -> memref<1x2048xi32, #tpu.memory_space<vmem>>
        %dma_start3A_231 = tpu.memref_squeeze %dma_start3A_230 : memref<1x2048xi32, #tpu.memory_space<vmem>> -> memref<2048xi32, #tpu.memory_space<vmem>>
        %dma_start3A_232 = arith.constant 0 : i32
        %dma_start3A_233 = tpu.memref_slice %arg2[%add3A_221, %dma_start3A_232] : memref<160x2048xi32, #tpu.memory_space<hbm>> -> memref<1x2048xi32, #tpu.memory_space<hbm>>
        %dma_start3A_234 = tpu.memref_squeeze %dma_start3A_233 : memref<1x2048xi32, #tpu.memory_space<hbm>> -> memref<2048xi32, #tpu.memory_space<hbm>>
        tpu.enqueue_dma source(%dma_start3A_234 : memref<2048xi32, #tpu.memory_space<hbm>>) target(%dma_start3A_231 : memref<2048xi32, #tpu.memory_space<vmem>>) target_semaphore(%arg18 : memref<!tpu.dma_semaphore, #tpu.memory_space<semaphore_mem>>)
        %dma_start3A_235 = arith.constant 0 : i32
        %dma_start3A_236 = arith.constant 0 : i32
        %dma_start3A_237 = tpu.memref_slice %arg16[%dma_start3A_235, %dma_start3A_236] : memref<2x2048xi32, #tpu.memory_space<vmem>> -> memref<1x2048xi32, #tpu.memory_space<vmem>>
        %dma_start3A_238 = tpu.memref_squeeze %dma_start3A_237 : memref<1x2048xi32, #tpu.memory_space<vmem>> -> memref<2048xi32, #tpu.memory_space<vmem>>
        %dma_start3A_239 = arith.constant 0 : i32
        %dma_start3A_240 = tpu.memref_slice %arg3[%add3A_221, %dma_start3A_239] : memref<160x2048xi32, #tpu.memory_space<hbm>> -> memref<1x2048xi32, #tpu.memory_space<hbm>>
        %dma_start3A_241 = tpu.memref_squeeze %dma_start3A_240 : memref<1x2048xi32, #tpu.memory_space<hbm>> -> memref<2048xi32, #tpu.memory_space<hbm>>
        %dma_start3A_242 = arith.constant 0 : i32
        %dma_start3A_243 = tpu.memref_slice %arg16[%dma_start3A_235, %dma_start3A_242] : memref<2x2048xi32, #tpu.memory_space<vmem>> -> memref<1x2048xi32, #tpu.memory_space<vmem>>
        %dma_start3A_244 = tpu.memref_squeeze %dma_start3A_243 : memref<1x2048xi32, #tpu.memory_space<vmem>> -> memref<2048xi32, #tpu.memory_space<vmem>>
        %dma_start3A_245 = arith.constant 0 : i32
        %dma_start3A_246 = tpu.memref_slice %arg3[%add3A_221, %dma_start3A_245] : memref<160x2048xi32, #tpu.memory_space<hbm>> -> memref<1x2048xi32, #tpu.memory_space<hbm>>
        %dma_start3A_247 = tpu.memref_squeeze %dma_start3A_246 : memref<1x2048xi32, #tpu.memory_space<hbm>> -> memref<2048xi32, #tpu.memory_space<hbm>>
        tpu.enqueue_dma source(%dma_start3A_247 : memref<2048xi32, #tpu.memory_space<hbm>>) target(%dma_start3A_244 : memref<2048xi32, #tpu.memory_space<vmem>>) target_semaphore(%arg18 : memref<!tpu.dma_semaphore, #tpu.memory_space<semaphore_mem>>)
        %dma_start3A_248 = arith.constant 0 : i32
        %dma_start3A_249 = arith.constant 0 : i32
        %dma_start3A_250 = tpu.memref_slice %arg17[%dma_start3A_248, %dma_start3A_249] : memref<2x2048xf32, #tpu.memory_space<vmem>> -> memref<1x2048xf32, #tpu.memory_space<vmem>>
        %dma_start3A_251 = tpu.memref_squeeze %dma_start3A_250 : memref<1x2048xf32, #tpu.memory_space<vmem>> -> memref<2048xf32, #tpu.memory_space<vmem>>
        %dma_start3A_252 = arith.constant 0 : i32
        %dma_start3A_253 = tpu.memref_slice %arg4[%add3A_221, %dma_start3A_252] : memref<160x2048xf32, #tpu.memory_space<hbm>> -> memref<1x2048xf32, #tpu.memory_space<hbm>>
        %dma_start3A_254 = tpu.memref_squeeze %dma_start3A_253 : memref<1x2048xf32, #tpu.memory_space<hbm>> -> memref<2048xf32, #tpu.memory_space<hbm>>
        %dma_start3A_255 = arith.constant 0 : i32
        %dma_start3A_256 = tpu.memref_slice %arg17[%dma_start3A_248, %dma_start3A_255] : memref<2x2048xf32, #tpu.memory_space<vmem>> -> memref<1x2048xf32, #tpu.memory_space<vmem>>
        %dma_start3A_257 = tpu.memref_squeeze %dma_start3A_256 : memref<1x2048xf32, #tpu.memory_space<vmem>> -> memref<2048xf32, #tpu.memory_space<vmem>>
        %dma_start3A_258 = arith.constant 0 : i32
        %dma_start3A_259 = tpu.memref_slice %arg4[%add3A_221, %dma_start3A_258] : memref<160x2048xf32, #tpu.memory_space<hbm>> -> memref<1x2048xf32, #tpu.memory_space<hbm>>
        %dma_start3A_260 = tpu.memref_squeeze %dma_start3A_259 : memref<1x2048xf32, #tpu.memory_space<hbm>> -> memref<2048xf32, #tpu.memory_space<hbm>>
        tpu.enqueue_dma source(%dma_start3A_260 : memref<2048xf32, #tpu.memory_space<hbm>>) target(%dma_start3A_257 : memref<2048xf32, #tpu.memory_space<vmem>>) target_semaphore(%arg18 : memref<!tpu.dma_semaphore, #tpu.memory_space<semaphore_mem>>)
      } else {
      }
      %scan3A_212 = arith.constant 0 : i32
      %scan3A_213 = arith.constant 0 : i32
      %scan3A_214 = arith.constant 128 : i32
      %scan3A_215 = arith.addi %scan3A_213, %scan3A_214 : i32
      %scan3A_216 = arith.constant 4 : i32
      %scan3A_217 = scf.for %scan3A_220 = %scan3A_213 to %scan3A_215 step %scan3A_216 iter_args(%scan3A_221 = %scan3A_212) -> (i32)  : i32 {
        %mul3A_222 = arith.constant 16 : i32
        %mul3A_223 = arith.muli %scan3A_220, %mul3A_222 : i32
        %get3A = arith.constant 1 : i32
        %get3A_224 = arith.index_cast %get3A : i32 to index
        %get3A_225 = arith.index_cast %mul3A_223 : i32 to index
        %get3A_226 = tpu.vector_load %arg15[%get3A_224, %get3A_225] {strides = array<i32>} : memref<2x2048xi32, #tpu.memory_space<vmem>>, vector<16xi32>,
        %get3A_227 = arith.constant 1 : i32
        %get3A_228 = arith.index_cast %get3A_227 : i32 to index
        %get3A_229 = arith.index_cast %mul3A_223 : i32 to index
        %get3A_230 = tpu.vector_load %arg16[%get3A_228, %get3A_229] {strides = array<i32>} : memref<2x2048xi32, #tpu.memory_space<vmem>>, vector<16xi32>,
        %get3A_231 = arith.constant 1 : i32
        %get3A_232 = arith.index_cast %get3A_231 : i32 to index
        %get3A_233 = arith.index_cast %mul3A_223 : i32 to index
        %get3A_234 = tpu.vector_load %arg17[%get3A_232, %get3A_233] {strides = array<i32>} : memref<2x2048xf32, #tpu.memory_space<vmem>>, vector<16xf32>,
        %gather3A = tpu.vector_load_idx %arg7[%get3A_226] : memref<10240xf32, #tpu.memory_space<vmem>>[vector<16xi32>], vector<16xf32>,
        %gather3A_235 = tpu.vector_load_idx %arg8[%get3A_226] : memref<10240xf32, #tpu.memory_space<vmem>>[vector<16xi32>], vector<16xf32>,
        %gather3A_236 = tpu.vector_load_idx %arg9[%get3A_226] : memref<10240xf32, #tpu.memory_space<vmem>>[vector<16xi32>], vector<16xf32>,
        %gather3A_237 = tpu.vector_load_idx %arg10[%get3A_226] : memref<10240xf32, #tpu.memory_space<vmem>>[vector<16xi32>], vector<16xf32>,
        %mul3A_238 = arith.mulf %gather3A, %get3A_234 : vector<16xf32>
        tpu.vector_store_idx %arg11[%get3A_230], %mul3A_238 {add = true} : memref<10240xf32, #tpu.memory_space<vmem>>[vector<16xi32>], vector<16xf32>,
        %mul3A_239 = arith.mulf %gather3A_235, %get3A_234 : vector<16xf32>
        tpu.vector_store_idx %arg12[%get3A_230], %mul3A_239 {add = true} : memref<10240xf32, #tpu.memory_space<vmem>>[vector<16xi32>], vector<16xf32>,
        %mul3A_240 = arith.mulf %gather3A_236, %get3A_234 : vector<16xf32>
        tpu.vector_store_idx %arg13[%get3A_230], %mul3A_240 {add = true} : memref<10240xf32, #tpu.memory_space<vmem>>[vector<16xi32>], vector<16xf32>,
        %mul3A_241 = arith.mulf %gather3A_237, %get3A_234 : vector<16xf32>
        tpu.vector_store_idx %arg14[%get3A_230], %mul3A_241 {add = true} : memref<10240xf32, #tpu.memory_space<vmem>>[vector<16xi32>], vector<16xf32>,
        %scan3A_242 = arith.constant 0 : i32
        %scan3A_243 = arith.constant 1 : i32
        %scan3A_244 = arith.addi %scan3A_220, %scan3A_243 : i32
        %mul3A_245 = arith.constant 16 : i32
        %mul3A_246 = arith.muli %scan3A_244, %mul3A_245 : i32
        %get3A_247 = arith.constant 1 : i32
        %get3A_248 = arith.index_cast %get3A_247 : i32 to index
        %get3A_249 = arith.index_cast %mul3A_246 : i32 to index
        %get3A_250 = tpu.vector_load %arg15[%get3A_248, %get3A_249] {strides = array<i32>} : memref<2x2048xi32, #tpu.memory_space<vmem>>, vector<16xi32>,
        %get3A_251 = arith.constant 1 : i32
        %get3A_252 = arith.index_cast %get3A_251 : i32 to index
        %get3A_253 = arith.index_cast %mul3A_246 : i32 to index
        %get3A_254 = tpu.vector_load %arg16[%get3A_252, %get3A_253] {strides = array<i32>} : memref<2x2048xi32, #tpu.memory_space<vmem>>, vector<16xi32>,
        %get3A_255 = arith.constant 1 : i32
        %get3A_256 = arith.index_cast %get3A_255 : i32 to index
        %get3A_257 = arith.index_cast %mul3A_246 : i32 to index
        %get3A_258 = tpu.vector_load %arg17[%get3A_256, %get3A_257] {strides = array<i32>} : memref<2x2048xf32, #tpu.memory_space<vmem>>, vector<16xf32>,
        %gather3A_259 = tpu.vector_load_idx %arg7[%get3A_250] : memref<10240xf32, #tpu.memory_space<vmem>>[vector<16xi32>], vector<16xf32>,
        %gather3A_260 = tpu.vector_load_idx %arg8[%get3A_250] : memref<10240xf32, #tpu.memory_space<vmem>>[vector<16xi32>], vector<16xf32>,
        %gather3A_261 = tpu.vector_load_idx %arg9[%get3A_250] : memref<10240xf32, #tpu.memory_space<vmem>>[vector<16xi32>], vector<16xf32>,
        %gather3A_262 = tpu.vector_load_idx %arg10[%get3A_250] : memref<10240xf32, #tpu.memory_space<vmem>>[vector<16xi32>], vector<16xf32>,
        %mul3A_263 = arith.mulf %gather3A_259, %get3A_258 : vector<16xf32>
        tpu.vector_store_idx %arg11[%get3A_254], %mul3A_263 {add = true} : memref<10240xf32, #tpu.memory_space<vmem>>[vector<16xi32>], vector<16xf32>,
        %mul3A_264 = arith.mulf %gather3A_260, %get3A_258 : vector<16xf32>
        tpu.vector_store_idx %arg12[%get3A_254], %mul3A_264 {add = true} : memref<10240xf32, #tpu.memory_space<vmem>>[vector<16xi32>], vector<16xf32>,
        %mul3A_265 = arith.mulf %gather3A_261, %get3A_258 : vector<16xf32>
        tpu.vector_store_idx %arg13[%get3A_254], %mul3A_265 {add = true} : memref<10240xf32, #tpu.memory_space<vmem>>[vector<16xi32>], vector<16xf32>,
        %mul3A_266 = arith.mulf %gather3A_262, %get3A_258 : vector<16xf32>
        tpu.vector_store_idx %arg14[%get3A_254], %mul3A_266 {add = true} : memref<10240xf32, #tpu.memory_space<vmem>>[vector<16xi32>], vector<16xf32>,
        %scan3A_267 = arith.constant 0 : i32
        %scan3A_268 = arith.constant 2 : i32
        %scan3A_269 = arith.addi %scan3A_220, %scan3A_268 : i32
        %mul3A_270 = arith.constant 16 : i32
        %mul3A_271 = arith.muli %scan3A_269, %mul3A_270 : i32
        %get3A_272 = arith.constant 1 : i32
        %get3A_273 = arith.index_cast %get3A_272 : i32 to index
        %get3A_274 = arith.index_cast %mul3A_271 : i32 to index
        %get3A_275 = tpu.vector_load %arg15[%get3A_273, %get3A_274] {strides = array<i32>} : memref<2x2048xi32, #tpu.memory_space<vmem>>, vector<16xi32>,
        %get3A_276 = arith.constant 1 : i32
        %get3A_277 = arith.index_cast %get3A_276 : i32 to index
        %get3A_278 = arith.index_cast %mul3A_271 : i32 to index
        %get3A_279 = tpu.vector_load %arg16[%get3A_277, %get3A_278] {strides = array<i32>} : memref<2x2048xi32, #tpu.memory_space<vmem>>, vector<16xi32>,
        %get3A_280 = arith.constant 1 : i32
        %get3A_281 = arith.index_cast %get3A_280 : i32 to index
        %get3A_282 = arith.index_cast %mul3A_271 : i32 to index
        %get3A_283 = tpu.vector_load %arg17[%get3A_281, %get3A_282] {strides = array<i32>} : memref<2x2048xf32, #tpu.memory_space<vmem>>, vector<16xf32>,
        %gather3A_284 = tpu.vector_load_idx %arg7[%get3A_275] : memref<10240xf32, #tpu.memory_space<vmem>>[vector<16xi32>], vector<16xf32>,
        %gather3A_285 = tpu.vector_load_idx %arg8[%get3A_275] : memref<10240xf32, #tpu.memory_space<vmem>>[vector<16xi32>], vector<16xf32>,
        %gather3A_286 = tpu.vector_load_idx %arg9[%get3A_275] : memref<10240xf32, #tpu.memory_space<vmem>>[vector<16xi32>], vector<16xf32>,
        %gather3A_287 = tpu.vector_load_idx %arg10[%get3A_275] : memref<10240xf32, #tpu.memory_space<vmem>>[vector<16xi32>], vector<16xf32>,
        %mul3A_288 = arith.mulf %gather3A_284, %get3A_283 : vector<16xf32>
        tpu.vector_store_idx %arg11[%get3A_279], %mul3A_288 {add = true} : memref<10240xf32, #tpu.memory_space<vmem>>[vector<16xi32>], vector<16xf32>,
        %mul3A_289 = arith.mulf %gather3A_285, %get3A_283 : vector<16xf32>
        tpu.vector_store_idx %arg12[%get3A_279], %mul3A_289 {add = true} : memref<10240xf32, #tpu.memory_space<vmem>>[vector<16xi32>], vector<16xf32>,
        %mul3A_290 = arith.mulf %gather3A_286, %get3A_283 : vector<16xf32>
        tpu.vector_store_idx %arg13[%get3A_279], %mul3A_290 {add = true} : memref<10240xf32, #tpu.memory_space<vmem>>[vector<16xi32>], vector<16xf32>,
        %mul3A_291 = arith.mulf %gather3A_287, %get3A_283 : vector<16xf32>
        tpu.vector_store_idx %arg14[%get3A_279], %mul3A_291 {add = true} : memref<10240xf32, #tpu.memory_space<vmem>>[vector<16xi32>], vector<16xf32>,
        %scan3A_292 = arith.constant 0 : i32
        %scan3A_293 = arith.constant 3 : i32
        %scan3A_294 = arith.addi %scan3A_220, %scan3A_293 : i32
        %mul3A_295 = arith.constant 16 : i32
        %mul3A_296 = arith.muli %scan3A_294, %mul3A_295 : i32
        %get3A_297 = arith.constant 1 : i32
        %get3A_298 = arith.index_cast %get3A_297 : i32 to index
        %get3A_299 = arith.index_cast %mul3A_296 : i32 to index
        %get3A_300 = tpu.vector_load %arg15[%get3A_298, %get3A_299] {strides = array<i32>} : memref<2x2048xi32, #tpu.memory_space<vmem>>, vector<16xi32>,
        %get3A_301 = arith.constant 1 : i32
        %get3A_302 = arith.index_cast %get3A_301 : i32 to index
        %get3A_303 = arith.index_cast %mul3A_296 : i32 to index
        %get3A_304 = tpu.vector_load %arg16[%get3A_302, %get3A_303] {strides = array<i32>} : memref<2x2048xi32, #tpu.memory_space<vmem>>, vector<16xi32>,
        %get3A_305 = arith.constant 1 : i32
        %get3A_306 = arith.index_cast %get3A_305 : i32 to index
        %get3A_307 = arith.index_cast %mul3A_296 : i32 to index
        %get3A_308 = tpu.vector_load %arg17[%get3A_306, %get3A_307] {strides = array<i32>} : memref<2x2048xf32, #tpu.memory_space<vmem>>, vector<16xf32>,
        %gather3A_309 = tpu.vector_load_idx %arg7[%get3A_300] : memref<10240xf32, #tpu.memory_space<vmem>>[vector<16xi32>], vector<16xf32>,
        %gather3A_310 = tpu.vector_load_idx %arg8[%get3A_300] : memref<10240xf32, #tpu.memory_space<vmem>>[vector<16xi32>], vector<16xf32>,
        %gather3A_311 = tpu.vector_load_idx %arg9[%get3A_300] : memref<10240xf32, #tpu.memory_space<vmem>>[vector<16xi32>], vector<16xf32>,
        %gather3A_312 = tpu.vector_load_idx %arg10[%get3A_300] : memref<10240xf32, #tpu.memory_space<vmem>>[vector<16xi32>], vector<16xf32>,
        %mul3A_313 = arith.mulf %gather3A_309, %get3A_308 : vector<16xf32>
        tpu.vector_store_idx %arg11[%get3A_304], %mul3A_313 {add = true} : memref<10240xf32, #tpu.memory_space<vmem>>[vector<16xi32>], vector<16xf32>,
        %mul3A_314 = arith.mulf %gather3A_310, %get3A_308 : vector<16xf32>
        tpu.vector_store_idx %arg12[%get3A_304], %mul3A_314 {add = true} : memref<10240xf32, #tpu.memory_space<vmem>>[vector<16xi32>], vector<16xf32>,
        %mul3A_315 = arith.mulf %gather3A_311, %get3A_308 : vector<16xf32>
        tpu.vector_store_idx %arg13[%get3A_304], %mul3A_315 {add = true} : memref<10240xf32, #tpu.memory_space<vmem>>[vector<16xi32>], vector<16xf32>,
        %mul3A_316 = arith.mulf %gather3A_312, %get3A_308 : vector<16xf32>
        tpu.vector_store_idx %arg14[%get3A_304], %mul3A_316 {add = true} : memref<10240xf32, #tpu.memory_space<vmem>>[vector<16xi32>], vector<16xf32>,
        %scan3A_317 = arith.constant 0 : i32
        scf.yield %scan3A_317 : i32
      }
      %scan3A_218 = arith.constant 128 : i32
      %scan3A_219 = arith.constant 0 : i32
      scf.yield %scan3A_219 : i32
    }
    %scan3A_71 = arith.constant 80 : i32
    %run_scoped3A = arith.constant 0 : i32
    "tpu.region"() ({
      %run_scoped3A_75 = tpu.sem_alloc : memref<!tpu.dma_semaphore, #tpu.memory_space<semaphore_mem>>
      %dma_start3A_76 = arith.constant 0 : i32
      %dma_start3A_77 = tpu.memref_slice %arg6[%add3A, %run_scoped3A, %dma_start3A_76] : memref<32x4x10240xf32, #tpu.memory_space<hbm>> -> memref<1x1x10240xf32, #tpu.memory_space<hbm>>
      %dma_start3A_78 = tpu.memref_squeeze %dma_start3A_77 : memref<1x1x10240xf32, #tpu.memory_space<hbm>> -> memref<10240xf32, #tpu.memory_space<hbm>>
      %dma_start3A_79 = arith.constant 0 : i32
      %dma_start3A_80 = tpu.memref_slice %arg6[%add3A, %run_scoped3A, %dma_start3A_79] : memref<32x4x10240xf32, #tpu.memory_space<hbm>> -> memref<1x1x10240xf32, #tpu.memory_space<hbm>>
      %dma_start3A_81 = tpu.memref_squeeze %dma_start3A_80 : memref<1x1x10240xf32, #tpu.memory_space<hbm>> -> memref<10240xf32, #tpu.memory_space<hbm>>
      tpu.enqueue_dma source(%arg11 : memref<10240xf32, #tpu.memory_space<vmem>>) target(%dma_start3A_81 : memref<10240xf32, #tpu.memory_space<hbm>>) target_semaphore(%run_scoped3A_75 : memref<!tpu.dma_semaphore, #tpu.memory_space<semaphore_mem>>)
      %dma_wait3A = arith.constant 0 : i32
      %dma_wait3A_82 = tpu.memref_slice %arg6[%add3A, %run_scoped3A, %dma_wait3A] : memref<32x4x10240xf32, #tpu.memory_space<hbm>> -> memref<1x1x10240xf32, #tpu.memory_space<hbm>>
      %dma_wait3A_83 = tpu.memref_squeeze %dma_wait3A_82 : memref<1x1x10240xf32, #tpu.memory_space<hbm>> -> memref<10240xf32, #tpu.memory_space<hbm>>
      %dma_wait3A_84 = arith.constant 0 : i32
      %dma_wait3A_85 = tpu.memref_slice %arg6[%add3A, %run_scoped3A, %dma_wait3A_84] : memref<32x4x10240xf32, #tpu.memory_space<hbm>> -> memref<1x1x10240xf32, #tpu.memory_space<hbm>>
      %dma_wait3A_86 = tpu.memref_squeeze %dma_wait3A_85 : memref<1x1x10240xf32, #tpu.memory_space<hbm>> -> memref<10240xf32, #tpu.memory_space<hbm>>
      tpu.wait_dma2 semaphore(%run_scoped3A_75 : memref<!tpu.dma_semaphore, #tpu.memory_space<semaphore_mem>>) src(%arg11 : memref<10240xf32, #tpu.memory_space<vmem>>) dst(%dma_wait3A_86 : memref<10240xf32, #tpu.memory_space<hbm>>)
      tpu.yield
    }) : () -> ()
    %run_scoped3A_72 = arith.constant 1 : i32
    "tpu.region"() ({
      %run_scoped3A_75 = tpu.sem_alloc : memref<!tpu.dma_semaphore, #tpu.memory_space<semaphore_mem>>
      %dma_start3A_76 = arith.constant 0 : i32
      %dma_start3A_77 = tpu.memref_slice %arg6[%add3A, %run_scoped3A_72, %dma_start3A_76] : memref<32x4x10240xf32, #tpu.memory_space<hbm>> -> memref<1x1x10240xf32, #tpu.memory_space<hbm>>
      %dma_start3A_78 = tpu.memref_squeeze %dma_start3A_77 : memref<1x1x10240xf32, #tpu.memory_space<hbm>> -> memref<10240xf32, #tpu.memory_space<hbm>>
      %dma_start3A_79 = arith.constant 0 : i32
      %dma_start3A_80 = tpu.memref_slice %arg6[%add3A, %run_scoped3A_72, %dma_start3A_79] : memref<32x4x10240xf32, #tpu.memory_space<hbm>> -> memref<1x1x10240xf32, #tpu.memory_space<hbm>>
      %dma_start3A_81 = tpu.memref_squeeze %dma_start3A_80 : memref<1x1x10240xf32, #tpu.memory_space<hbm>> -> memref<10240xf32, #tpu.memory_space<hbm>>
      tpu.enqueue_dma source(%arg12 : memref<10240xf32, #tpu.memory_space<vmem>>) target(%dma_start3A_81 : memref<10240xf32, #tpu.memory_space<hbm>>) target_semaphore(%run_scoped3A_75 : memref<!tpu.dma_semaphore, #tpu.memory_space<semaphore_mem>>)
      %dma_wait3A = arith.constant 0 : i32
      %dma_wait3A_82 = tpu.memref_slice %arg6[%add3A, %run_scoped3A_72, %dma_wait3A] : memref<32x4x10240xf32, #tpu.memory_space<hbm>> -> memref<1x1x10240xf32, #tpu.memory_space<hbm>>
      %dma_wait3A_83 = tpu.memref_squeeze %dma_wait3A_82 : memref<1x1x10240xf32, #tpu.memory_space<hbm>> -> memref<10240xf32, #tpu.memory_space<hbm>>
      %dma_wait3A_84 = arith.constant 0 : i32
      %dma_wait3A_85 = tpu.memref_slice %arg6[%add3A, %run_scoped3A_72, %dma_wait3A_84] : memref<32x4x10240xf32, #tpu.memory_space<hbm>> -> memref<1x1x10240xf32, #tpu.memory_space<hbm>>
      %dma_wait3A_86 = tpu.memref_squeeze %dma_wait3A_85 : memref<1x1x10240xf32, #tpu.memory_space<hbm>> -> memref<10240xf32, #tpu.memory_space<hbm>>
      tpu.wait_dma2 semaphore(%run_scoped3A_75 : memref<!tpu.dma_semaphore, #tpu.memory_space<semaphore_mem>>) src(%arg12 : memref<10240xf32, #tpu.memory_space<vmem>>) dst(%dma_wait3A_86 : memref<10240xf32, #tpu.memory_space<hbm>>)
      tpu.yield
    }) : () -> ()
    %run_scoped3A_73 = arith.constant 2 : i32
    "tpu.region"() ({
      %run_scoped3A_75 = tpu.sem_alloc : memref<!tpu.dma_semaphore, #tpu.memory_space<semaphore_mem>>
      %dma_start3A_76 = arith.constant 0 : i32
      %dma_start3A_77 = tpu.memref_slice %arg6[%add3A, %run_scoped3A_73, %dma_start3A_76] : memref<32x4x10240xf32, #tpu.memory_space<hbm>> -> memref<1x1x10240xf32, #tpu.memory_space<hbm>>
      %dma_start3A_78 = tpu.memref_squeeze %dma_start3A_77 : memref<1x1x10240xf32, #tpu.memory_space<hbm>> -> memref<10240xf32, #tpu.memory_space<hbm>>
      %dma_start3A_79 = arith.constant 0 : i32
      %dma_start3A_80 = tpu.memref_slice %arg6[%add3A, %run_scoped3A_73, %dma_start3A_79] : memref<32x4x10240xf32, #tpu.memory_space<hbm>> -> memref<1x1x10240xf32, #tpu.memory_space<hbm>>
      %dma_start3A_81 = tpu.memref_squeeze %dma_start3A_80 : memref<1x1x10240xf32, #tpu.memory_space<hbm>> -> memref<10240xf32, #tpu.memory_space<hbm>>
      tpu.enqueue_dma source(%arg13 : memref<10240xf32, #tpu.memory_space<vmem>>) target(%dma_start3A_81 : memref<10240xf32, #tpu.memory_space<hbm>>) target_semaphore(%run_scoped3A_75 : memref<!tpu.dma_semaphore, #tpu.memory_space<semaphore_mem>>)
      %dma_wait3A = arith.constant 0 : i32
      %dma_wait3A_82 = tpu.memref_slice %arg6[%add3A, %run_scoped3A_73, %dma_wait3A] : memref<32x4x10240xf32, #tpu.memory_space<hbm>> -> memref<1x1x10240xf32, #tpu.memory_space<hbm>>
      %dma_wait3A_83 = tpu.memref_squeeze %dma_wait3A_82 : memref<1x1x10240xf32, #tpu.memory_space<hbm>> -> memref<10240xf32, #tpu.memory_space<hbm>>
      %dma_wait3A_84 = arith.constant 0 : i32
      %dma_wait3A_85 = tpu.memref_slice %arg6[%add3A, %run_scoped3A_73, %dma_wait3A_84] : memref<32x4x10240xf32, #tpu.memory_space<hbm>> -> memref<1x1x10240xf32, #tpu.memory_space<hbm>>
      %dma_wait3A_86 = tpu.memref_squeeze %dma_wait3A_85 : memref<1x1x10240xf32, #tpu.memory_space<hbm>> -> memref<10240xf32, #tpu.memory_space<hbm>>
      tpu.wait_dma2 semaphore(%run_scoped3A_75 : memref<!tpu.dma_semaphore, #tpu.memory_space<semaphore_mem>>) src(%arg13 : memref<10240xf32, #tpu.memory_space<vmem>>) dst(%dma_wait3A_86 : memref<10240xf32, #tpu.memory_space<hbm>>)
      tpu.yield
    }) : () -> ()
    %run_scoped3A_74 = arith.constant 3 : i32
    "tpu.region"() ({
      %run_scoped3A_75 = tpu.sem_alloc : memref<!tpu.dma_semaphore, #tpu.memory_space<semaphore_mem>>
      %dma_start3A_76 = arith.constant 0 : i32
      %dma_start3A_77 = tpu.memref_slice %arg6[%add3A, %run_scoped3A_74, %dma_start3A_76] : memref<32x4x10240xf32, #tpu.memory_space<hbm>> -> memref<1x1x10240xf32, #tpu.memory_space<hbm>>
      %dma_start3A_78 = tpu.memref_squeeze %dma_start3A_77 : memref<1x1x10240xf32, #tpu.memory_space<hbm>> -> memref<10240xf32, #tpu.memory_space<hbm>>
      %dma_start3A_79 = arith.constant 0 : i32
      %dma_start3A_80 = tpu.memref_slice %arg6[%add3A, %run_scoped3A_74, %dma_start3A_79] : memref<32x4x10240xf32, #tpu.memory_space<hbm>> -> memref<1x1x10240xf32, #tpu.memory_space<hbm>>
      %dma_start3A_81 = tpu.memref_squeeze %dma_start3A_80 : memref<1x1x10240xf32, #tpu.memory_space<hbm>> -> memref<10240xf32, #tpu.memory_space<hbm>>
      tpu.enqueue_dma source(%arg14 : memref<10240xf32, #tpu.memory_space<vmem>>) target(%dma_start3A_81 : memref<10240xf32, #tpu.memory_space<hbm>>) target_semaphore(%run_scoped3A_75 : memref<!tpu.dma_semaphore, #tpu.memory_space<semaphore_mem>>)
      %dma_wait3A = arith.constant 0 : i32
      %dma_wait3A_82 = tpu.memref_slice %arg6[%add3A, %run_scoped3A_74, %dma_wait3A] : memref<32x4x10240xf32, #tpu.memory_space<hbm>> -> memref<1x1x10240xf32, #tpu.memory_space<hbm>>
      %dma_wait3A_83 = tpu.memref_squeeze %dma_wait3A_82 : memref<1x1x10240xf32, #tpu.memory_space<hbm>> -> memref<10240xf32, #tpu.memory_space<hbm>>
      %dma_wait3A_84 = arith.constant 0 : i32
      %dma_wait3A_85 = tpu.memref_slice %arg6[%add3A, %run_scoped3A_74, %dma_wait3A_84] : memref<32x4x10240xf32, #tpu.memory_space<hbm>> -> memref<1x1x10240xf32, #tpu.memory_space<hbm>>
      %dma_wait3A_86 = tpu.memref_squeeze %dma_wait3A_85 : memref<1x1x10240xf32, #tpu.memory_space<hbm>> -> memref<10240xf32, #tpu.memory_space<hbm>>
      tpu.wait_dma2 semaphore(%run_scoped3A_75 : memref<!tpu.dma_semaphore, #tpu.memory_space<semaphore_mem>>) src(%arg14 : memref<10240xf32, #tpu.memory_space<vmem>>) dst(%dma_wait3A_86 : memref<10240xf32, #tpu.memory_space<hbm>>)
      tpu.yield
    }) : () -> ()
    return
  }
}

#map = affine_map<(d0, d1) -> (0, 0)>
#map1 = affine_map<(d0, d1) -> (0, 0, 0)>
module attributes {stable_mosaic.version = 14 : i64} {
  func.func @skb(%arg0: i32, %arg1: i32, %arg2: memref<160x2048xi32, #tpu.memory_space<hbm>>, %arg3: memref<160x2048xi32, #tpu.memory_space<hbm>>, %arg4: memref<160x2048xf32, #tpu.memory_space<hbm>>, %arg5: memref<128x10240xf32, #tpu.memory_space<hbm>>, %arg6: memref<32x4x10240xf32, #tpu.memory_space<hbm>>, %arg7: memref<10240xf32, #tpu.memory_space<vmem>>, %arg8: memref<10240xf32, #tpu.memory_space<vmem>>, %arg9: memref<10240xf32, #tpu.memory_space<vmem>>, %arg10: memref<10240xf32, #tpu.memory_space<vmem>>, %arg11: memref<10240xf32, #tpu.memory_space<vmem>>, %arg12: memref<10240xf32, #tpu.memory_space<vmem>>, %arg13: memref<10240xf32, #tpu.memory_space<vmem>>, %arg14: memref<10240xf32, #tpu.memory_space<vmem>>, %arg15: memref<2x2048xi32, #tpu.memory_space<vmem>>, %arg16: memref<2x2048xi32, #tpu.memory_space<vmem>>, %arg17: memref<2x2048xf32, #tpu.memory_space<vmem>>, %arg18: memref<!tpu.dma_semaphore, #tpu.memory_space<semaphore_mem>>) attributes {dimension_semantics = [#tpu.dimension_semantics<core_parallel>, #tpu.dimension_semantics<subcore_parallel>], iteration_bounds = array<i64: 2, 16>, scalar_prefetch = 0 : i64, scratch_operands = 12 : i64, tpu.core_type = #tpu.core_type<sc_vector_subcore>, window_params = [{transform_indices = #map}, {transform_indices = #map}, {transform_indices = #map}, {transform_indices = #map}, {transform_indices = #map1}]} {
    %mul3A = arith.constant 16 : i32
    %mul3A_0 = arith.muli %arg0, %mul3A : i32
    %add3A = arith.addi %mul3A_0, %arg1 : i32
    %mul3A_1 = arith.constant 4 : i32
    %mul3A_2 = arith.muli %add3A, %mul3A_1 : i32
    %add3A_3 = arith.constant 0 : i32
    %add3A_4 = arith.addi %mul3A_2, %add3A_3 : i32
    "tpu.region"() ({
      %run_scoped3A_75 = tpu.sem_alloc : memref<!tpu.dma_semaphore, #tpu.memory_space<semaphore_mem>>
      %dma_start3A_76 = arith.constant 0 : i32
      %dma_start3A_77 = tpu.memref_slice %arg5[%add3A_4, %dma_start3A_76] : memref<128x10240xf32, #tpu.memory_space<hbm>> -> memref<1x10240xf32, #tpu.memory_space<hbm>>
      %dma_start3A_78 = tpu.memref_squeeze %dma_start3A_77 : memref<1x10240xf32, #tpu.memory_space<hbm>> -> memref<10240xf32, #tpu.memory_space<hbm>>
      %dma_start3A_79 = arith.constant 0 : i32
      %dma_start3A_80 = tpu.memref_slice %arg5[%add3A_4, %dma_start3A_79] : memref<128x10240xf32, #tpu.memory_space<hbm>> -> memref<1x10240xf32, #tpu.memory_space<hbm>>
      %dma_start3A_81 = tpu.memref_squeeze %dma_start3A_80 : memref<1x10240xf32, #tpu.memory_space<hbm>> -> memref<10240xf32, #tpu.memory_space<hbm>>
      tpu.enqueue_dma source(%dma_start3A_81 : memref<10240xf32, #tpu.memory_space<hbm>>) target(%arg7 : memref<10240xf32, #tpu.memory_space<vmem>>) target_semaphore(%run_scoped3A_75 : memref<!tpu.dma_semaphore, #tpu.memory_space<semaphore_mem>>)
      %dma_wait3A = arith.constant 0 : i32
      %dma_wait3A_82 = tpu.memref_slice %arg5[%add3A_4, %dma_wait3A] : memref<128x10240xf32, #tpu.memory_space<hbm>> -> memref<1x10240xf32, #tpu.memory_space<hbm>>
      %dma_wait3A_83 = tpu.memref_squeeze %dma_wait3A_82 : memref<1x10240xf32, #tpu.memory_space<hbm>> -> memref<10240xf32, #tpu.memory_space<hbm>>
      %dma_wait3A_84 = arith.constant 0 : i32
      %dma_wait3A_85 = tpu.memref_slice %arg5[%add3A_4, %dma_wait3A_84] : memref<128x10240xf32, #tpu.memory_space<hbm>> -> memref<1x10240xf32, #tpu.memory_space<hbm>>
      %dma_wait3A_86 = tpu.memref_squeeze %dma_wait3A_85 : memref<1x10240xf32, #tpu.memory_space<hbm>> -> memref<10240xf32, #tpu.memory_space<hbm>>
      tpu.wait_dma2 semaphore(%run_scoped3A_75 : memref<!tpu.dma_semaphore, #tpu.memory_space<semaphore_mem>>) src(%dma_wait3A_86 : memref<10240xf32, #tpu.memory_space<hbm>>) dst(%arg7 : memref<10240xf32, #tpu.memory_space<vmem>>)
      tpu.yield
    }) : () -> ()
    %mul3A_5 = arith.constant 4 : i32
    %mul3A_6 = arith.muli %add3A, %mul3A_5 : i32
    %add3A_7 = arith.constant 1 : i32
    %add3A_8 = arith.addi %mul3A_6, %add3A_7 : i32
    "tpu.region"() ({
      %run_scoped3A_75 = tpu.sem_alloc : memref<!tpu.dma_semaphore, #tpu.memory_space<semaphore_mem>>
      %dma_start3A_76 = arith.constant 0 : i32
      %dma_start3A_77 = tpu.memref_slice %arg5[%add3A_8, %dma_start3A_76] : memref<128x10240xf32, #tpu.memory_space<hbm>> -> memref<1x10240xf32, #tpu.memory_space<hbm>>
      %dma_start3A_78 = tpu.memref_squeeze %dma_start3A_77 : memref<1x10240xf32, #tpu.memory_space<hbm>> -> memref<10240xf32, #tpu.memory_space<hbm>>
      %dma_start3A_79 = arith.constant 0 : i32
      %dma_start3A_80 = tpu.memref_slice %arg5[%add3A_8, %dma_start3A_79] : memref<128x10240xf32, #tpu.memory_space<hbm>> -> memref<1x10240xf32, #tpu.memory_space<hbm>>
      %dma_start3A_81 = tpu.memref_squeeze %dma_start3A_80 : memref<1x10240xf32, #tpu.memory_space<hbm>> -> memref<10240xf32, #tpu.memory_space<hbm>>
      tpu.enqueue_dma source(%dma_start3A_81 : memref<10240xf32, #tpu.memory_space<hbm>>) target(%arg8 : memref<10240xf32, #tpu.memory_space<vmem>>) target_semaphore(%run_scoped3A_75 : memref<!tpu.dma_semaphore, #tpu.memory_space<semaphore_mem>>)
      %dma_wait3A = arith.constant 0 : i32
      %dma_wait3A_82 = tpu.memref_slice %arg5[%add3A_8, %dma_wait3A] : memref<128x10240xf32, #tpu.memory_space<hbm>> -> memref<1x10240xf32, #tpu.memory_space<hbm>>
      %dma_wait3A_83 = tpu.memref_squeeze %dma_wait3A_82 : memref<1x10240xf32, #tpu.memory_space<hbm>> -> memref<10240xf32, #tpu.memory_space<hbm>>
      %dma_wait3A_84 = arith.constant 0 : i32
      %dma_wait3A_85 = tpu.memref_slice %arg5[%add3A_8, %dma_wait3A_84] : memref<128x10240xf32, #tpu.memory_space<hbm>> -> memref<1x10240xf32, #tpu.memory_space<hbm>>
      %dma_wait3A_86 = tpu.memref_squeeze %dma_wait3A_85 : memref<1x10240xf32, #tpu.memory_space<hbm>> -> memref<10240xf32, #tpu.memory_space<hbm>>
      tpu.wait_dma2 semaphore(%run_scoped3A_75 : memref<!tpu.dma_semaphore, #tpu.memory_space<semaphore_mem>>) src(%dma_wait3A_86 : memref<10240xf32, #tpu.memory_space<hbm>>) dst(%arg8 : memref<10240xf32, #tpu.memory_space<vmem>>)
      tpu.yield
    }) : () -> ()
    %mul3A_9 = arith.constant 4 : i32
    %mul3A_10 = arith.muli %add3A, %mul3A_9 : i32
    %add3A_11 = arith.constant 2 : i32
    %add3A_12 = arith.addi %mul3A_10, %add3A_11 : i32
    "tpu.region"() ({
      %run_scoped3A_75 = tpu.sem_alloc : memref<!tpu.dma_semaphore, #tpu.memory_space<semaphore_mem>>
      %dma_start3A_76 = arith.constant 0 : i32
      %dma_start3A_77 = tpu.memref_slice %arg5[%add3A_12, %dma_start3A_76] : memref<128x10240xf32, #tpu.memory_space<hbm>> -> memref<1x10240xf32, #tpu.memory_space<hbm>>
      %dma_start3A_78 = tpu.memref_squeeze %dma_start3A_77 : memref<1x10240xf32, #tpu.memory_space<hbm>> -> memref<10240xf32, #tpu.memory_space<hbm>>
      %dma_start3A_79 = arith.constant 0 : i32
      %dma_start3A_80 = tpu.memref_slice %arg5[%add3A_12, %dma_start3A_79] : memref<128x10240xf32, #tpu.memory_space<hbm>> -> memref<1x10240xf32, #tpu.memory_space<hbm>>
      %dma_start3A_81 = tpu.memref_squeeze %dma_start3A_80 : memref<1x10240xf32, #tpu.memory_space<hbm>> -> memref<10240xf32, #tpu.memory_space<hbm>>
      tpu.enqueue_dma source(%dma_start3A_81 : memref<10240xf32, #tpu.memory_space<hbm>>) target(%arg9 : memref<10240xf32, #tpu.memory_space<vmem>>) target_semaphore(%run_scoped3A_75 : memref<!tpu.dma_semaphore, #tpu.memory_space<semaphore_mem>>)
      %dma_wait3A = arith.constant 0 : i32
      %dma_wait3A_82 = tpu.memref_slice %arg5[%add3A_12, %dma_wait3A] : memref<128x10240xf32, #tpu.memory_space<hbm>> -> memref<1x10240xf32, #tpu.memory_space<hbm>>
      %dma_wait3A_83 = tpu.memref_squeeze %dma_wait3A_82 : memref<1x10240xf32, #tpu.memory_space<hbm>> -> memref<10240xf32, #tpu.memory_space<hbm>>
      %dma_wait3A_84 = arith.constant 0 : i32
      %dma_wait3A_85 = tpu.memref_slice %arg5[%add3A_12, %dma_wait3A_84] : memref<128x10240xf32, #tpu.memory_space<hbm>> -> memref<1x10240xf32, #tpu.memory_space<hbm>>
      %dma_wait3A_86 = tpu.memref_squeeze %dma_wait3A_85 : memref<1x10240xf32, #tpu.memory_space<hbm>> -> memref<10240xf32, #tpu.memory_space<hbm>>
      tpu.wait_dma2 semaphore(%run_scoped3A_75 : memref<!tpu.dma_semaphore, #tpu.memory_space<semaphore_mem>>) src(%dma_wait3A_86 : memref<10240xf32, #tpu.memory_space<hbm>>) dst(%arg9 : memref<10240xf32, #tpu.memory_space<vmem>>)
      tpu.yield
    }) : () -> ()
    %mul3A_13 = arith.constant 4 : i32
    %mul3A_14 = arith.muli %add3A, %mul3A_13 : i32
    %add3A_15 = arith.constant 3 : i32
    %add3A_16 = arith.addi %mul3A_14, %add3A_15 : i32
    "tpu.region"() ({
      %run_scoped3A_75 = tpu.sem_alloc : memref<!tpu.dma_semaphore, #tpu.memory_space<semaphore_mem>>
      %dma_start3A_76 = arith.constant 0 : i32
      %dma_start3A_77 = tpu.memref_slice %arg5[%add3A_16, %dma_start3A_76] : memref<128x10240xf32, #tpu.memory_space<hbm>> -> memref<1x10240xf32, #tpu.memory_space<hbm>>
      %dma_start3A_78 = tpu.memref_squeeze %dma_start3A_77 : memref<1x10240xf32, #tpu.memory_space<hbm>> -> memref<10240xf32, #tpu.memory_space<hbm>>
      %dma_start3A_79 = arith.constant 0 : i32
      %dma_start3A_80 = tpu.memref_slice %arg5[%add3A_16, %dma_start3A_79] : memref<128x10240xf32, #tpu.memory_space<hbm>> -> memref<1x10240xf32, #tpu.memory_space<hbm>>
      %dma_start3A_81 = tpu.memref_squeeze %dma_start3A_80 : memref<1x10240xf32, #tpu.memory_space<hbm>> -> memref<10240xf32, #tpu.memory_space<hbm>>
      tpu.enqueue_dma source(%dma_start3A_81 : memref<10240xf32, #tpu.memory_space<hbm>>) target(%arg10 : memref<10240xf32, #tpu.memory_space<vmem>>) target_semaphore(%run_scoped3A_75 : memref<!tpu.dma_semaphore, #tpu.memory_space<semaphore_mem>>)
      %dma_wait3A = arith.constant 0 : i32
      %dma_wait3A_82 = tpu.memref_slice %arg5[%add3A_16, %dma_wait3A] : memref<128x10240xf32, #tpu.memory_space<hbm>> -> memref<1x10240xf32, #tpu.memory_space<hbm>>
      %dma_wait3A_83 = tpu.memref_squeeze %dma_wait3A_82 : memref<1x10240xf32, #tpu.memory_space<hbm>> -> memref<10240xf32, #tpu.memory_space<hbm>>
      %dma_wait3A_84 = arith.constant 0 : i32
      %dma_wait3A_85 = tpu.memref_slice %arg5[%add3A_16, %dma_wait3A_84] : memref<128x10240xf32, #tpu.memory_space<hbm>> -> memref<1x10240xf32, #tpu.memory_space<hbm>>
      %dma_wait3A_86 = tpu.memref_squeeze %dma_wait3A_85 : memref<1x10240xf32, #tpu.memory_space<hbm>> -> memref<10240xf32, #tpu.memory_space<hbm>>
      tpu.wait_dma2 semaphore(%run_scoped3A_75 : memref<!tpu.dma_semaphore, #tpu.memory_space<semaphore_mem>>) src(%dma_wait3A_86 : memref<10240xf32, #tpu.memory_space<hbm>>) dst(%arg10 : memref<10240xf32, #tpu.memory_space<vmem>>)
      tpu.yield
    }) : () -> ()
    %broadcast_in_dim3A = arith.constant 0.000000e+00 : f32
    %broadcast_in_dim3A_17 = vector.broadcast %broadcast_in_dim3A : f32 to vector<16xf32>
    %scan3A = arith.constant 0 : i32
    %scan3A_18 = arith.constant 0 : i32
    %scan3A_19 = arith.constant 640 : i32
    %scan3A_20 = arith.addi %scan3A_18, %scan3A_19 : i32
    %scan3A_21 = arith.constant 1 : i32
    %scan3A_22 = scf.for %scan3A_75 = %scan3A_18 to %scan3A_20 step %scan3A_21 iter_args(%scan3A_76 = %scan3A) -> (i32)  : i32 {
      %mul3A_77 = arith.constant 16 : i32
      %mul3A_78 = arith.muli %scan3A_75, %mul3A_77 : i32
      %swap3A = arith.index_cast %mul3A_78 : i32 to index
      %swap3A_79 = tpu.vector_load %arg11[%swap3A] {strides = array<i32>} : memref<10240xf32, #tpu.memory_space<vmem>>, vector<16xf32>,
      tpu.vector_store %arg11[%swap3A], %broadcast_in_dim3A_17 {strides = array<i32>} : memref<10240xf32, #tpu.memory_space<vmem>>, vector<16xf32>,
      %mul3A_80 = arith.constant 16 : i32
      %mul3A_81 = arith.muli %scan3A_75, %mul3A_80 : i32
      %swap3A_82 = arith.index_cast %mul3A_81 : i32 to index
      %swap3A_83 = tpu.vector_load %arg12[%swap3A_82] {strides = array<i32>} : memref<10240xf32, #tpu.memory_space<vmem>>, vector<16xf32>,
      tpu.vector_store %arg12[%swap3A_82], %broadcast_in_dim3A_17 {strides = array<i32>} : memref<10240xf32, #tpu.memory_space<vmem>>, vector<16xf32>,
      %mul3A_84 = arith.constant 16 : i32
      %mul3A_85 = arith.muli %scan3A_75, %mul3A_84 : i32
      %swap3A_86 = arith.index_cast %mul3A_85 : i32 to index
      %swap3A_87 = tpu.vector_load %arg13[%swap3A_86] {strides = array<i32>} : memref<10240xf32, #tpu.memory_space<vmem>>, vector<16xf32>,
      tpu.vector_store %arg13[%swap3A_86], %broadcast_in_dim3A_17 {strides = array<i32>} : memref<10240xf32, #tpu.memory_space<vmem>>, vector<16xf32>,
      %mul3A_88 = arith.constant 16 : i32
      %mul3A_89 = arith.muli %scan3A_75, %mul3A_88 : i32
      %swap3A_90 = arith.index_cast %mul3A_89 : i32 to index
      %swap3A_91 = tpu.vector_load %arg14[%swap3A_90] {strides = array<i32>} : memref<10240xf32, #tpu.memory_space<vmem>>, vector<16xf32>,
      tpu.vector_store %arg14[%swap3A_90], %broadcast_in_dim3A_17 {strides = array<i32>} : memref<10240xf32, #tpu.memory_space<vmem>>, vector<16xf32>,
      %scan3A_92 = arith.constant 0 : i32
      scf.yield %scan3A_92 : i32
    }
    %scan3A_23 = arith.constant 640 : i32
    %dma_start3A = arith.constant 0 : i32
    %dma_start3A_24 = arith.constant 0 : i32
    %dma_start3A_25 = arith.constant 0 : i32
    %dma_start3A_26 = tpu.memref_slice %arg15[%dma_start3A_24, %dma_start3A_25] : memref<2x2048xi32, #tpu.memory_space<vmem>> -> memref<1x2048xi32, #tpu.memory_space<vmem>>
    %dma_start3A_27 = tpu.memref_squeeze %dma_start3A_26 : memref<1x2048xi32, #tpu.memory_space<vmem>> -> memref<2048xi32, #tpu.memory_space<vmem>>
    %dma_start3A_28 = arith.constant 0 : i32
    %dma_start3A_29 = tpu.memref_slice %arg2[%dma_start3A, %dma_start3A_28] : memref<160x2048xi32, #tpu.memory_space<hbm>> -> memref<1x2048xi32, #tpu.memory_space<hbm>>
    %dma_start3A_30 = tpu.memref_squeeze %dma_start3A_29 : memref<1x2048xi32, #tpu.memory_space<hbm>> -> memref<2048xi32, #tpu.memory_space<hbm>>
    %dma_start3A_31 = arith.constant 0 : i32
    %dma_start3A_32 = tpu.memref_slice %arg15[%dma_start3A_24, %dma_start3A_31] : memref<2x2048xi32, #tpu.memory_space<vmem>> -> memref<1x2048xi32, #tpu.memory_space<vmem>>
    %dma_start3A_33 = tpu.memref_squeeze %dma_start3A_32 : memref<1x2048xi32, #tpu.memory_space<vmem>> -> memref<2048xi32, #tpu.memory_space<vmem>>
    %dma_start3A_34 = arith.constant 0 : i32
    %dma_start3A_35 = tpu.memref_slice %arg2[%dma_start3A, %dma_start3A_34] : memref<160x2048xi32, #tpu.memory_space<hbm>> -> memref<1x2048xi32, #tpu.memory_space<hbm>>
    %dma_start3A_36 = tpu.memref_squeeze %dma_start3A_35 : memref<1x2048xi32, #tpu.memory_space<hbm>> -> memref<2048xi32, #tpu.memory_space<hbm>>
    tpu.enqueue_dma source(%dma_start3A_36 : memref<2048xi32, #tpu.memory_space<hbm>>) target(%dma_start3A_33 : memref<2048xi32, #tpu.memory_space<vmem>>) target_semaphore(%arg18 : memref<!tpu.dma_semaphore, #tpu.memory_space<semaphore_mem>>)
    %dma_start3A_37 = arith.constant 0 : i32
    %dma_start3A_38 = arith.constant 0 : i32
    %dma_start3A_39 = arith.constant 0 : i32
    %dma_start3A_40 = tpu.memref_slice %arg16[%dma_start3A_38, %dma_start3A_39] : memref<2x2048xi32, #tpu.memory_space<vmem>> -> memref<1x2048xi32, #tpu.memory_space<vmem>>
    %dma_start3A_41 = tpu.memref_squeeze %dma_start3A_40 : memref<1x2048xi32, #tpu.memory_space<vmem>> -> memref<2048xi32, #tpu.memory_space<vmem>>
    %dma_start3A_42 = arith.constant 0 : i32
    %dma_start3A_43 = tpu.memref_slice %arg3[%dma_start3A_37, %dma_start3A_42] : memref<160x2048xi32, #tpu.memory_space<hbm>> -> memref<1x2048xi32, #tpu.memory_space<hbm>>
    %dma_start3A_44 = tpu.memref_squeeze %dma_start3A_43 : memref<1x2048xi32, #tpu.memory_space<hbm>> -> memref<2048xi32, #tpu.memory_space<hbm>>
    %dma_start3A_45 = arith.constant 0 : i32
    %dma_start3A_46 = tpu.memref_slice %arg16[%dma_start3A_38, %dma_start3A_45] : memref<2x2048xi32, #tpu.memory_space<vmem>> -> memref<1x2048xi32, #tpu.memory_space<vmem>>
    %dma_start3A_47 = tpu.memref_squeeze %dma_start3A_46 : memref<1x2048xi32, #tpu.memory_space<vmem>> -> memref<2048xi32, #tpu.memory_space<vmem>>
    %dma_start3A_48 = arith.constant 0 : i32
    %dma_start3A_49 = tpu.memref_slice %arg3[%dma_start3A_37, %dma_start3A_48] : memref<160x2048xi32, #tpu.memory_space<hbm>> -> memref<1x2048xi32, #tpu.memory_space<hbm>>
    %dma_start3A_50 = tpu.memref_squeeze %dma_start3A_49 : memref<1x2048xi32, #tpu.memory_space<hbm>> -> memref<2048xi32, #tpu.memory_space<hbm>>
    tpu.enqueue_dma source(%dma_start3A_50 : memref<2048xi32, #tpu.memory_space<hbm>>) target(%dma_start3A_47 : memref<2048xi32, #tpu.memory_space<vmem>>) target_semaphore(%arg18 : memref<!tpu.dma_semaphore, #tpu.memory_space<semaphore_mem>>)
    %dma_start3A_51 = arith.constant 0 : i32
    %dma_start3A_52 = arith.constant 0 : i32
    %dma_start3A_53 = arith.constant 0 : i32
    %dma_start3A_54 = tpu.memref_slice %arg17[%dma_start3A_52, %dma_start3A_53] : memref<2x2048xf32, #tpu.memory_space<vmem>> -> memref<1x2048xf32, #tpu.memory_space<vmem>>
    %dma_start3A_55 = tpu.memref_squeeze %dma_start3A_54 : memref<1x2048xf32, #tpu.memory_space<vmem>> -> memref<2048xf32, #tpu.memory_space<vmem>>
    %dma_start3A_56 = arith.constant 0 : i32
    %dma_start3A_57 = tpu.memref_slice %arg4[%dma_start3A_51, %dma_start3A_56] : memref<160x2048xf32, #tpu.memory_space<hbm>> -> memref<1x2048xf32, #tpu.memory_space<hbm>>
    %dma_start3A_58 = tpu.memref_squeeze %dma_start3A_57 : memref<1x2048xf32, #tpu.memory_space<hbm>> -> memref<2048xf32, #tpu.memory_space<hbm>>
    %dma_start3A_59 = arith.constant 0 : i32
    %dma_start3A_60 = tpu.memref_slice %arg17[%dma_start3A_52, %dma_start3A_59] : memref<2x2048xf32, #tpu.memory_space<vmem>> -> memref<1x2048xf32, #tpu.memory_space<vmem>>
    %dma_start3A_61 = tpu.memref_squeeze %dma_start3A_60 : memref<1x2048xf32, #tpu.memory_space<vmem>> -> memref<2048xf32, #tpu.memory_space<vmem>>
    %dma_start3A_62 = arith.constant 0 : i32
    %dma_start3A_63 = tpu.memref_slice %arg4[%dma_start3A_51, %dma_start3A_62] : memref<160x2048xf32, #tpu.memory_space<hbm>> -> memref<1x2048xf32, #tpu.memory_space<hbm>>
    %dma_start3A_64 = tpu.memref_squeeze %dma_start3A_63 : memref<1x2048xf32, #tpu.memory_space<hbm>> -> memref<2048xf32, #tpu.memory_space<hbm>>
    tpu.enqueue_dma source(%dma_start3A_64 : memref<2048xf32, #tpu.memory_space<hbm>>) target(%dma_start3A_61 : memref<2048xf32, #tpu.memory_space<vmem>>) target_semaphore(%arg18 : memref<!tpu.dma_semaphore, #tpu.memory_space<semaphore_mem>>)
    %scan3A_65 = arith.constant 0 : i32
    %scan3A_66 = arith.constant 0 : i32
    %scan3A_67 = arith.constant 80 : i32
    %scan3A_68 = arith.addi %scan3A_66, %scan3A_67 : i32
    %scan3A_69 = arith.constant 1 : i32
    %scan3A_70 = scf.for %scan3A_75 = %scan3A_66 to %scan3A_68 step %scan3A_69 iter_args(%scan3A_76 = %scan3A_65) -> (i32)  : i32 {
      %mul3A_77 = arith.constant 2 : i32
      %mul3A_78 = arith.muli %scan3A_75, %mul3A_77 : i32
      %add3A_79 = arith.constant 0 : i32
      %add3A_80 = arith.addi %mul3A_78, %add3A_79 : i32
      %dma_wait3A = arith.constant 0 : i32
      %dma_wait3A_81 = arith.constant 0 : i32
      %dma_wait3A_82 = tpu.memref_slice %arg15[%dma_wait3A, %dma_wait3A_81] : memref<2x2048xi32, #tpu.memory_space<vmem>> -> memref<1x2048xi32, #tpu.memory_space<vmem>>
      %dma_wait3A_83 = tpu.memref_squeeze %dma_wait3A_82 : memref<1x2048xi32, #tpu.memory_space<vmem>> -> memref<2048xi32, #tpu.memory_space<vmem>>
      %dma_wait3A_84 = arith.constant 0 : i32
      %dma_wait3A_85 = tpu.memref_slice %arg2[%add3A_80, %dma_wait3A_84] : memref<160x2048xi32, #tpu.memory_space<hbm>> -> memref<1x2048xi32, #tpu.memory_space<hbm>>
      %dma_wait3A_86 = tpu.memref_squeeze %dma_wait3A_85 : memref<1x2048xi32, #tpu.memory_space<hbm>> -> memref<2048xi32, #tpu.memory_space<hbm>>
      %dma_wait3A_87 = arith.constant 0 : i32
      %dma_wait3A_88 = tpu.memref_slice %arg15[%dma_wait3A, %dma_wait3A_87] : memref<2x2048xi32, #tpu.memory_space<vmem>> -> memref<1x2048xi32, #tpu.memory_space<vmem>>
      %dma_wait3A_89 = tpu.memref_squeeze %dma_wait3A_88 : memref<1x2048xi32, #tpu.memory_space<vmem>> -> memref<2048xi32, #tpu.memory_space<vmem>>
      %dma_wait3A_90 = arith.constant 0 : i32
      %dma_wait3A_91 = tpu.memref_slice %arg2[%add3A_80, %dma_wait3A_90] : memref<160x2048xi32, #tpu.memory_space<hbm>> -> memref<1x2048xi32, #tpu.memory_space<hbm>>
      %dma_wait3A_92 = tpu.memref_squeeze %dma_wait3A_91 : memref<1x2048xi32, #tpu.memory_space<hbm>> -> memref<2048xi32, #tpu.memory_space<hbm>>
      tpu.wait_dma2 semaphore(%arg18 : memref<!tpu.dma_semaphore, #tpu.memory_space<semaphore_mem>>) src(%dma_wait3A_92 : memref<2048xi32, #tpu.memory_space<hbm>>) dst(%dma_wait3A_89 : memref<2048xi32, #tpu.memory_space<vmem>>)
      %dma_wait3A_93 = arith.constant 0 : i32
      %dma_wait3A_94 = arith.constant 0 : i32
      %dma_wait3A_95 = tpu.memref_slice %arg16[%dma_wait3A_93, %dma_wait3A_94] : memref<2x2048xi32, #tpu.memory_space<vmem>> -> memref<1x2048xi32, #tpu.memory_space<vmem>>
      %dma_wait3A_96 = tpu.memref_squeeze %dma_wait3A_95 : memref<1x2048xi32, #tpu.memory_space<vmem>> -> memref<2048xi32, #tpu.memory_space<vmem>>
      %dma_wait3A_97 = arith.constant 0 : i32
      %dma_wait3A_98 = tpu.memref_slice %arg3[%add3A_80, %dma_wait3A_97] : memref<160x2048xi32, #tpu.memory_space<hbm>> -> memref<1x2048xi32, #tpu.memory_space<hbm>>
      %dma_wait3A_99 = tpu.memref_squeeze %dma_wait3A_98 : memref<1x2048xi32, #tpu.memory_space<hbm>> -> memref<2048xi32, #tpu.memory_space<hbm>>
      %dma_wait3A_100 = arith.constant 0 : i32
      %dma_wait3A_101 = tpu.memref_slice %arg16[%dma_wait3A_93, %dma_wait3A_100] : memref<2x2048xi32, #tpu.memory_space<vmem>> -> memref<1x2048xi32, #tpu.memory_space<vmem>>
      %dma_wait3A_102 = tpu.memref_squeeze %dma_wait3A_101 : memref<1x2048xi32, #tpu.memory_space<vmem>> -> memref<2048xi32, #tpu.memory_space<vmem>>
      %dma_wait3A_103 = arith.constant 0 : i32
      %dma_wait3A_104 = tpu.memref_slice %arg3[%add3A_80, %dma_wait3A_103] : memref<160x2048xi32, #tpu.memory_space<hbm>> -> memref<1x2048xi32, #tpu.memory_space<hbm>>
      %dma_wait3A_105 = tpu.memref_squeeze %dma_wait3A_104 : memref<1x2048xi32, #tpu.memory_space<hbm>> -> memref<2048xi32, #tpu.memory_space<hbm>>
      tpu.wait_dma2 semaphore(%arg18 : memref<!tpu.dma_semaphore, #tpu.memory_space<semaphore_mem>>) src(%dma_wait3A_105 : memref<2048xi32, #tpu.memory_space<hbm>>) dst(%dma_wait3A_102 : memref<2048xi32, #tpu.memory_space<vmem>>)
      %dma_wait3A_106 = arith.constant 0 : i32
      %dma_wait3A_107 = arith.constant 0 : i32
      %dma_wait3A_108 = tpu.memref_slice %arg17[%dma_wait3A_106, %dma_wait3A_107] : memref<2x2048xf32, #tpu.memory_space<vmem>> -> memref<1x2048xf32, #tpu.memory_space<vmem>>
      %dma_wait3A_109 = tpu.memref_squeeze %dma_wait3A_108 : memref<1x2048xf32, #tpu.memory_space<vmem>> -> memref<2048xf32, #tpu.memory_space<vmem>>
      %dma_wait3A_110 = arith.constant 0 : i32
      %dma_wait3A_111 = tpu.memref_slice %arg4[%add3A_80, %dma_wait3A_110] : memref<160x2048xf32, #tpu.memory_space<hbm>> -> memref<1x2048xf32, #tpu.memory_space<hbm>>
      %dma_wait3A_112 = tpu.memref_squeeze %dma_wait3A_111 : memref<1x2048xf32, #tpu.memory_space<hbm>> -> memref<2048xf32, #tpu.memory_space<hbm>>
      %dma_wait3A_113 = arith.constant 0 : i32
      %dma_wait3A_114 = tpu.memref_slice %arg17[%dma_wait3A_106, %dma_wait3A_113] : memref<2x2048xf32, #tpu.memory_space<vmem>> -> memref<1x2048xf32, #tpu.memory_space<vmem>>
      %dma_wait3A_115 = tpu.memref_squeeze %dma_wait3A_114 : memref<1x2048xf32, #tpu.memory_space<vmem>> -> memref<2048xf32, #tpu.memory_space<vmem>>
      %dma_wait3A_116 = arith.constant 0 : i32
      %dma_wait3A_117 = tpu.memref_slice %arg4[%add3A_80, %dma_wait3A_116] : memref<160x2048xf32, #tpu.memory_space<hbm>> -> memref<1x2048xf32, #tpu.memory_space<hbm>>
      %dma_wait3A_118 = tpu.memref_squeeze %dma_wait3A_117 : memref<1x2048xf32, #tpu.memory_space<hbm>> -> memref<2048xf32, #tpu.memory_space<hbm>>
      tpu.wait_dma2 semaphore(%arg18 : memref<!tpu.dma_semaphore, #tpu.memory_space<semaphore_mem>>) src(%dma_wait3A_118 : memref<2048xf32, #tpu.memory_space<hbm>>) dst(%dma_wait3A_115 : memref<2048xf32, #tpu.memory_space<vmem>>)
      %add3A_119 = arith.constant 1 : i32
      %add3A_120 = arith.addi %add3A_80, %add3A_119 : i32
      %dma_start3A_121 = arith.constant 1 : i32
      %dma_start3A_122 = arith.constant 0 : i32
      %dma_start3A_123 = tpu.memref_slice %arg15[%dma_start3A_121, %dma_start3A_122] : memref<2x2048xi32, #tpu.memory_space<vmem>> -> memref<1x2048xi32, #tpu.memory_space<vmem>>
      %dma_start3A_124 = tpu.memref_squeeze %dma_start3A_123 : memref<1x2048xi32, #tpu.memory_space<vmem>> -> memref<2048xi32, #tpu.memory_space<vmem>>
      %dma_start3A_125 = arith.constant 0 : i32
      %dma_start3A_126 = tpu.memref_slice %arg2[%add3A_120, %dma_start3A_125] : memref<160x2048xi32, #tpu.memory_space<hbm>> -> memref<1x2048xi32, #tpu.memory_space<hbm>>
      %dma_start3A_127 = tpu.memref_squeeze %dma_start3A_126 : memref<1x2048xi32, #tpu.memory_space<hbm>> -> memref<2048xi32, #tpu.memory_space<hbm>>
      %dma_start3A_128 = arith.constant 0 : i32
      %dma_start3A_129 = tpu.memref_slice %arg15[%dma_start3A_121, %dma_start3A_128] : memref<2x2048xi32, #tpu.memory_space<vmem>> -> memref<1x2048xi32, #tpu.memory_space<vmem>>
      %dma_start3A_130 = tpu.memref_squeeze %dma_start3A_129 : memref<1x2048xi32, #tpu.memory_space<vmem>> -> memref<2048xi32, #tpu.memory_space<vmem>>
      %dma_start3A_131 = arith.constant 0 : i32
      %dma_start3A_132 = tpu.memref_slice %arg2[%add3A_120, %dma_start3A_131] : memref<160x2048xi32, #tpu.memory_space<hbm>> -> memref<1x2048xi32, #tpu.memory_space<hbm>>
      %dma_start3A_133 = tpu.memref_squeeze %dma_start3A_132 : memref<1x2048xi32, #tpu.memory_space<hbm>> -> memref<2048xi32, #tpu.memory_space<hbm>>
      tpu.enqueue_dma source(%dma_start3A_133 : memref<2048xi32, #tpu.memory_space<hbm>>) target(%dma_start3A_130 : memref<2048xi32, #tpu.memory_space<vmem>>) target_semaphore(%arg18 : memref<!tpu.dma_semaphore, #tpu.memory_space<semaphore_mem>>)
      %dma_start3A_134 = arith.constant 1 : i32
      %dma_start3A_135 = arith.constant 0 : i32
      %dma_start3A_136 = tpu.memref_slice %arg16[%dma_start3A_134, %dma_start3A_135] : memref<2x2048xi32, #tpu.memory_space<vmem>> -> memref<1x2048xi32, #tpu.memory_space<vmem>>
      %dma_start3A_137 = tpu.memref_squeeze %dma_start3A_136 : memref<1x2048xi32, #tpu.memory_space<vmem>> -> memref<2048xi32, #tpu.memory_space<vmem>>
      %dma_start3A_138 = arith.constant 0 : i32
      %dma_start3A_139 = tpu.memref_slice %arg3[%add3A_120, %dma_start3A_138] : memref<160x2048xi32, #tpu.memory_space<hbm>> -> memref<1x2048xi32, #tpu.memory_space<hbm>>
      %dma_start3A_140 = tpu.memref_squeeze %dma_start3A_139 : memref<1x2048xi32, #tpu.memory_space<hbm>> -> memref<2048xi32, #tpu.memory_space<hbm>>
      %dma_start3A_141 = arith.constant 0 : i32
      %dma_start3A_142 = tpu.memref_slice %arg16[%dma_start3A_134, %dma_start3A_141] : memref<2x2048xi32, #tpu.memory_space<vmem>> -> memref<1x2048xi32, #tpu.memory_space<vmem>>
      %dma_start3A_143 = tpu.memref_squeeze %dma_start3A_142 : memref<1x2048xi32, #tpu.memory_space<vmem>> -> memref<2048xi32, #tpu.memory_space<vmem>>
      %dma_start3A_144 = arith.constant 0 : i32
      %dma_start3A_145 = tpu.memref_slice %arg3[%add3A_120, %dma_start3A_144] : memref<160x2048xi32, #tpu.memory_space<hbm>> -> memref<1x2048xi32, #tpu.memory_space<hbm>>
      %dma_start3A_146 = tpu.memref_squeeze %dma_start3A_145 : memref<1x2048xi32, #tpu.memory_space<hbm>> -> memref<2048xi32, #tpu.memory_space<hbm>>
      tpu.enqueue_dma source(%dma_start3A_146 : memref<2048xi32, #tpu.memory_space<hbm>>) target(%dma_start3A_143 : memref<2048xi32, #tpu.memory_space<vmem>>) target_semaphore(%arg18 : memref<!tpu.dma_semaphore, #tpu.memory_space<semaphore_mem>>)
      %dma_start3A_147 = arith.constant 1 : i32
      %dma_start3A_148 = arith.constant 0 : i32
      %dma_start3A_149 = tpu.memref_slice %arg17[%dma_start3A_147, %dma_start3A_148] : memref<2x2048xf32, #tpu.memory_space<vmem>> -> memref<1x2048xf32, #tpu.memory_space<vmem>>
      %dma_start3A_150 = tpu.memref_squeeze %dma_start3A_149 : memref<1x2048xf32, #tpu.memory_space<vmem>> -> memref<2048xf32, #tpu.memory_space<vmem>>
      %dma_start3A_151 = arith.constant 0 : i32
      %dma_start3A_152 = tpu.memref_slice %arg4[%add3A_120, %dma_start3A_151] : memref<160x2048xf32, #tpu.memory_space<hbm>> -> memref<1x2048xf32, #tpu.memory_space<hbm>>
      %dma_start3A_153 = tpu.memref_squeeze %dma_start3A_152 : memref<1x2048xf32, #tpu.memory_space<hbm>> -> memref<2048xf32, #tpu.memory_space<hbm>>
      %dma_start3A_154 = arith.constant 0 : i32
      %dma_start3A_155 = tpu.memref_slice %arg17[%dma_start3A_147, %dma_start3A_154] : memref<2x2048xf32, #tpu.memory_space<vmem>> -> memref<1x2048xf32, #tpu.memory_space<vmem>>
      %dma_start3A_156 = tpu.memref_squeeze %dma_start3A_155 : memref<1x2048xf32, #tpu.memory_space<vmem>> -> memref<2048xf32, #tpu.memory_space<vmem>>
      %dma_start3A_157 = arith.constant 0 : i32
      %dma_start3A_158 = tpu.memref_slice %arg4[%add3A_120, %dma_start3A_157] : memref<160x2048xf32, #tpu.memory_space<hbm>> -> memref<1x2048xf32, #tpu.memory_space<hbm>>
      %dma_start3A_159 = tpu.memref_squeeze %dma_start3A_158 : memref<1x2048xf32, #tpu.memory_space<hbm>> -> memref<2048xf32, #tpu.memory_space<hbm>>
      tpu.enqueue_dma source(%dma_start3A_159 : memref<2048xf32, #tpu.memory_space<hbm>>) target(%dma_start3A_156 : memref<2048xf32, #tpu.memory_space<vmem>>) target_semaphore(%arg18 : memref<!tpu.dma_semaphore, #tpu.memory_space<semaphore_mem>>)
      %scan3A_160 = arith.constant 0 : i32
      %scan3A_161 = arith.constant 0 : i32
      %scan3A_162 = arith.constant 128 : i32
      %scan3A_163 = arith.addi %scan3A_161, %scan3A_162 : i32
      %scan3A_164 = arith.constant 4 : i32
      %scan3A_165 = scf.for %scan3A_220 = %scan3A_161 to %scan3A_163 step %scan3A_164 iter_args(%scan3A_221 = %scan3A_160) -> (i32)  : i32 {
        %mul3A_222 = arith.constant 16 : i32
        %mul3A_223 = arith.muli %scan3A_220, %mul3A_222 : i32
        %get3A = arith.constant 0 : i32
        %get3A_224 = arith.index_cast %get3A : i32 to index
        %get3A_225 = arith.index_cast %mul3A_223 : i32 to index
        %get3A_226 = tpu.vector_load %arg15[%get3A_224, %get3A_225] {strides = array<i32>} : memref<2x2048xi32, #tpu.memory_space<vmem>>, vector<16xi32>,
        %get3A_227 = arith.constant 0 : i32
        %get3A_228 = arith.index_cast %get3A_227 : i32 to index
        %get3A_229 = arith.index_cast %mul3A_223 : i32 to index
        %get3A_230 = tpu.vector_load %arg16[%get3A_228, %get3A_229] {strides = array<i32>} : memref<2x2048xi32, #tpu.memory_space<vmem>>, vector<16xi32>,
        %get3A_231 = arith.constant 0 : i32
        %get3A_232 = arith.index_cast %get3A_231 : i32 to index
        %get3A_233 = arith.index_cast %mul3A_223 : i32 to index
        %get3A_234 = tpu.vector_load %arg17[%get3A_232, %get3A_233] {strides = array<i32>} : memref<2x2048xf32, #tpu.memory_space<vmem>>, vector<16xf32>,
        %gather3A = tpu.vector_load_idx %arg7[%get3A_226] : memref<10240xf32, #tpu.memory_space<vmem>>[vector<16xi32>], vector<16xf32>,
        %gather3A_235 = tpu.vector_load_idx %arg8[%get3A_226] : memref<10240xf32, #tpu.memory_space<vmem>>[vector<16xi32>], vector<16xf32>,
        %gather3A_236 = tpu.vector_load_idx %arg9[%get3A_226] : memref<10240xf32, #tpu.memory_space<vmem>>[vector<16xi32>], vector<16xf32>,
        %gather3A_237 = tpu.vector_load_idx %arg10[%get3A_226] : memref<10240xf32, #tpu.memory_space<vmem>>[vector<16xi32>], vector<16xf32>,
        %mul3A_238 = arith.mulf %gather3A, %get3A_234 : vector<16xf32>
        tpu.vector_store_idx %arg11[%get3A_230], %mul3A_238 {add = true} : memref<10240xf32, #tpu.memory_space<vmem>>[vector<16xi32>], vector<16xf32>,
        %mul3A_239 = arith.mulf %gather3A_235, %get3A_234 : vector<16xf32>
        tpu.vector_store_idx %arg12[%get3A_230], %mul3A_239 {add = true} : memref<10240xf32, #tpu.memory_space<vmem>>[vector<16xi32>], vector<16xf32>,
        %mul3A_240 = arith.mulf %gather3A_236, %get3A_234 : vector<16xf32>
        tpu.vector_store_idx %arg13[%get3A_230], %mul3A_240 {add = true} : memref<10240xf32, #tpu.memory_space<vmem>>[vector<16xi32>], vector<16xf32>,
        %mul3A_241 = arith.mulf %gather3A_237, %get3A_234 : vector<16xf32>
        tpu.vector_store_idx %arg14[%get3A_230], %mul3A_241 {add = true} : memref<10240xf32, #tpu.memory_space<vmem>>[vector<16xi32>], vector<16xf32>,
        %scan3A_242 = arith.constant 0 : i32
        %scan3A_243 = arith.constant 1 : i32
        %scan3A_244 = arith.addi %scan3A_220, %scan3A_243 : i32
        %mul3A_245 = arith.constant 16 : i32
        %mul3A_246 = arith.muli %scan3A_244, %mul3A_245 : i32
        %get3A_247 = arith.constant 0 : i32
        %get3A_248 = arith.index_cast %get3A_247 : i32 to index
        %get3A_249 = arith.index_cast %mul3A_246 : i32 to index
        %get3A_250 = tpu.vector_load %arg15[%get3A_248, %get3A_249] {strides = array<i32>} : memref<2x2048xi32, #tpu.memory_space<vmem>>, vector<16xi32>,
        %get3A_251 = arith.constant 0 : i32
        %get3A_252 = arith.index_cast %get3A_251 : i32 to index
        %get3A_253 = arith.index_cast %mul3A_246 : i32 to index
        %get3A_254 = tpu.vector_load %arg16[%get3A_252, %get3A_253] {strides = array<i32>} : memref<2x2048xi32, #tpu.memory_space<vmem>>, vector<16xi32>,
        %get3A_255 = arith.constant 0 : i32
        %get3A_256 = arith.index_cast %get3A_255 : i32 to index
        %get3A_257 = arith.index_cast %mul3A_246 : i32 to index
        %get3A_258 = tpu.vector_load %arg17[%get3A_256, %get3A_257] {strides = array<i32>} : memref<2x2048xf32, #tpu.memory_space<vmem>>, vector<16xf32>,
        %gather3A_259 = tpu.vector_load_idx %arg7[%get3A_250] : memref<10240xf32, #tpu.memory_space<vmem>>[vector<16xi32>], vector<16xf32>,
        %gather3A_260 = tpu.vector_load_idx %arg8[%get3A_250] : memref<10240xf32, #tpu.memory_space<vmem>>[vector<16xi32>], vector<16xf32>,
        %gather3A_261 = tpu.vector_load_idx %arg9[%get3A_250] : memref<10240xf32, #tpu.memory_space<vmem>>[vector<16xi32>], vector<16xf32>,
        %gather3A_262 = tpu.vector_load_idx %arg10[%get3A_250] : memref<10240xf32, #tpu.memory_space<vmem>>[vector<16xi32>], vector<16xf32>,
        %mul3A_263 = arith.mulf %gather3A_259, %get3A_258 : vector<16xf32>
        tpu.vector_store_idx %arg11[%get3A_254], %mul3A_263 {add = true} : memref<10240xf32, #tpu.memory_space<vmem>>[vector<16xi32>], vector<16xf32>,
        %mul3A_264 = arith.mulf %gather3A_260, %get3A_258 : vector<16xf32>
        tpu.vector_store_idx %arg12[%get3A_254], %mul3A_264 {add = true} : memref<10240xf32, #tpu.memory_space<vmem>>[vector<16xi32>], vector<16xf32>,
        %mul3A_265 = arith.mulf %gather3A_261, %get3A_258 : vector<16xf32>
        tpu.vector_store_idx %arg13[%get3A_254], %mul3A_265 {add = true} : memref<10240xf32, #tpu.memory_space<vmem>>[vector<16xi32>], vector<16xf32>,
        %mul3A_266 = arith.mulf %gather3A_262, %get3A_258 : vector<16xf32>
        tpu.vector_store_idx %arg14[%get3A_254], %mul3A_266 {add = true} : memref<10240xf32, #tpu.memory_space<vmem>>[vector<16xi32>], vector<16xf32>,
        %scan3A_267 = arith.constant 0 : i32
        %scan3A_268 = arith.constant 2 : i32
        %scan3A_269 = arith.addi %scan3A_220, %scan3A_268 : i32
        %mul3A_270 = arith.constant 16 : i32
        %mul3A_271 = arith.muli %scan3A_269, %mul3A_270 : i32
        %get3A_272 = arith.constant 0 : i32
        %get3A_273 = arith.index_cast %get3A_272 : i32 to index
        %get3A_274 = arith.index_cast %mul3A_271 : i32 to index
        %get3A_275 = tpu.vector_load %arg15[%get3A_273, %get3A_274] {strides = array<i32>} : memref<2x2048xi32, #tpu.memory_space<vmem>>, vector<16xi32>,
        %get3A_276 = arith.constant 0 : i32
        %get3A_277 = arith.index_cast %get3A_276 : i32 to index
        %get3A_278 = arith.index_cast %mul3A_271 : i32 to index
        %get3A_279 = tpu.vector_load %arg16[%get3A_277, %get3A_278] {strides = array<i32>} : memref<2x2048xi32, #tpu.memory_space<vmem>>, vector<16xi32>,
        %get3A_280 = arith.constant 0 : i32
        %get3A_281 = arith.index_cast %get3A_280 : i32 to index
        %get3A_282 = arith.index_cast %mul3A_271 : i32 to index
        %get3A_283 = tpu.vector_load %arg17[%get3A_281, %get3A_282] {strides = array<i32>} : memref<2x2048xf32, #tpu.memory_space<vmem>>, vector<16xf32>,
        %gather3A_284 = tpu.vector_load_idx %arg7[%get3A_275] : memref<10240xf32, #tpu.memory_space<vmem>>[vector<16xi32>], vector<16xf32>,
        %gather3A_285 = tpu.vector_load_idx %arg8[%get3A_275] : memref<10240xf32, #tpu.memory_space<vmem>>[vector<16xi32>], vector<16xf32>,
        %gather3A_286 = tpu.vector_load_idx %arg9[%get3A_275] : memref<10240xf32, #tpu.memory_space<vmem>>[vector<16xi32>], vector<16xf32>,
        %gather3A_287 = tpu.vector_load_idx %arg10[%get3A_275] : memref<10240xf32, #tpu.memory_space<vmem>>[vector<16xi32>], vector<16xf32>,
        %mul3A_288 = arith.mulf %gather3A_284, %get3A_283 : vector<16xf32>
        tpu.vector_store_idx %arg11[%get3A_279], %mul3A_288 {add = true} : memref<10240xf32, #tpu.memory_space<vmem>>[vector<16xi32>], vector<16xf32>,
        %mul3A_289 = arith.mulf %gather3A_285, %get3A_283 : vector<16xf32>
        tpu.vector_store_idx %arg12[%get3A_279], %mul3A_289 {add = true} : memref<10240xf32, #tpu.memory_space<vmem>>[vector<16xi32>], vector<16xf32>,
        %mul3A_290 = arith.mulf %gather3A_286, %get3A_283 : vector<16xf32>
        tpu.vector_store_idx %arg13[%get3A_279], %mul3A_290 {add = true} : memref<10240xf32, #tpu.memory_space<vmem>>[vector<16xi32>], vector<16xf32>,
        %mul3A_291 = arith.mulf %gather3A_287, %get3A_283 : vector<16xf32>
        tpu.vector_store_idx %arg14[%get3A_279], %mul3A_291 {add = true} : memref<10240xf32, #tpu.memory_space<vmem>>[vector<16xi32>], vector<16xf32>,
        %scan3A_292 = arith.constant 0 : i32
        %scan3A_293 = arith.constant 3 : i32
        %scan3A_294 = arith.addi %scan3A_220, %scan3A_293 : i32
        %mul3A_295 = arith.constant 16 : i32
        %mul3A_296 = arith.muli %scan3A_294, %mul3A_295 : i32
        %get3A_297 = arith.constant 0 : i32
        %get3A_298 = arith.index_cast %get3A_297 : i32 to index
        %get3A_299 = arith.index_cast %mul3A_296 : i32 to index
        %get3A_300 = tpu.vector_load %arg15[%get3A_298, %get3A_299] {strides = array<i32>} : memref<2x2048xi32, #tpu.memory_space<vmem>>, vector<16xi32>,
        %get3A_301 = arith.constant 0 : i32
        %get3A_302 = arith.index_cast %get3A_301 : i32 to index
        %get3A_303 = arith.index_cast %mul3A_296 : i32 to index
        %get3A_304 = tpu.vector_load %arg16[%get3A_302, %get3A_303] {strides = array<i32>} : memref<2x2048xi32, #tpu.memory_space<vmem>>, vector<16xi32>,
        %get3A_305 = arith.constant 0 : i32
        %get3A_306 = arith.index_cast %get3A_305 : i32 to index
        %get3A_307 = arith.index_cast %mul3A_296 : i32 to index
        %get3A_308 = tpu.vector_load %arg17[%get3A_306, %get3A_307] {strides = array<i32>} : memref<2x2048xf32, #tpu.memory_space<vmem>>, vector<16xf32>,
        %gather3A_309 = tpu.vector_load_idx %arg7[%get3A_300] : memref<10240xf32, #tpu.memory_space<vmem>>[vector<16xi32>], vector<16xf32>,
        %gather3A_310 = tpu.vector_load_idx %arg8[%get3A_300] : memref<10240xf32, #tpu.memory_space<vmem>>[vector<16xi32>], vector<16xf32>,
        %gather3A_311 = tpu.vector_load_idx %arg9[%get3A_300] : memref<10240xf32, #tpu.memory_space<vmem>>[vector<16xi32>], vector<16xf32>,
        %gather3A_312 = tpu.vector_load_idx %arg10[%get3A_300] : memref<10240xf32, #tpu.memory_space<vmem>>[vector<16xi32>], vector<16xf32>,
        %mul3A_313 = arith.mulf %gather3A_309, %get3A_308 : vector<16xf32>
        tpu.vector_store_idx %arg11[%get3A_304], %mul3A_313 {add = true} : memref<10240xf32, #tpu.memory_space<vmem>>[vector<16xi32>], vector<16xf32>,
        %mul3A_314 = arith.mulf %gather3A_310, %get3A_308 : vector<16xf32>
        tpu.vector_store_idx %arg12[%get3A_304], %mul3A_314 {add = true} : memref<10240xf32, #tpu.memory_space<vmem>>[vector<16xi32>], vector<16xf32>,
        %mul3A_315 = arith.mulf %gather3A_311, %get3A_308 : vector<16xf32>
        tpu.vector_store_idx %arg13[%get3A_304], %mul3A_315 {add = true} : memref<10240xf32, #tpu.memory_space<vmem>>[vector<16xi32>], vector<16xf32>,
        %mul3A_316 = arith.mulf %gather3A_312, %get3A_308 : vector<16xf32>
        tpu.vector_store_idx %arg14[%get3A_304], %mul3A_316 {add = true} : memref<10240xf32, #tpu.memory_space<vmem>>[vector<16xi32>], vector<16xf32>,
        %scan3A_317 = arith.constant 0 : i32
        scf.yield %scan3A_317 : i32
      }
      %scan3A_166 = arith.constant 128 : i32
      %mul3A_167 = arith.constant 2 : i32
      %mul3A_168 = arith.muli %scan3A_75, %mul3A_167 : i32
      %add3A_169 = arith.constant 1 : i32
      %add3A_170 = arith.addi %mul3A_168, %add3A_169 : i32
      %dma_wait3A_171 = arith.constant 1 : i32
      %dma_wait3A_172 = arith.constant 0 : i32
      %dma_wait3A_173 = tpu.memref_slice %arg15[%dma_wait3A_171, %dma_wait3A_172] : memref<2x2048xi32, #tpu.memory_space<vmem>> -> memref<1x2048xi32, #tpu.memory_space<vmem>>
      %dma_wait3A_174 = tpu.memref_squeeze %dma_wait3A_173 : memref<1x2048xi32, #tpu.memory_space<vmem>> -> memref<2048xi32, #tpu.memory_space<vmem>>
      %dma_wait3A_175 = arith.constant 0 : i32
      %dma_wait3A_176 = tpu.memref_slice %arg2[%add3A_170, %dma_wait3A_175] : memref<160x2048xi32, #tpu.memory_space<hbm>> -> memref<1x2048xi32, #tpu.memory_space<hbm>>
      %dma_wait3A_177 = tpu.memref_squeeze %dma_wait3A_176 : memref<1x2048xi32, #tpu.memory_space<hbm>> -> memref<2048xi32, #tpu.memory_space<hbm>>
      %dma_wait3A_178 = arith.constant 0 : i32
      %dma_wait3A_179 = tpu.memref_slice %arg15[%dma_wait3A_171, %dma_wait3A_178] : memref<2x2048xi32, #tpu.memory_space<vmem>> -> memref<1x2048xi32, #tpu.memory_space<vmem>>
      %dma_wait3A_180 = tpu.memref_squeeze %dma_wait3A_179 : memref<1x2048xi32, #tpu.memory_space<vmem>> -> memref<2048xi32, #tpu.memory_space<vmem>>
      %dma_wait3A_181 = arith.constant 0 : i32
      %dma_wait3A_182 = tpu.memref_slice %arg2[%add3A_170, %dma_wait3A_181] : memref<160x2048xi32, #tpu.memory_space<hbm>> -> memref<1x2048xi32, #tpu.memory_space<hbm>>
      %dma_wait3A_183 = tpu.memref_squeeze %dma_wait3A_182 : memref<1x2048xi32, #tpu.memory_space<hbm>> -> memref<2048xi32, #tpu.memory_space<hbm>>
      tpu.wait_dma2 semaphore(%arg18 : memref<!tpu.dma_semaphore, #tpu.memory_space<semaphore_mem>>) src(%dma_wait3A_183 : memref<2048xi32, #tpu.memory_space<hbm>>) dst(%dma_wait3A_180 : memref<2048xi32, #tpu.memory_space<vmem>>)
      %dma_wait3A_184 = arith.constant 1 : i32
      %dma_wait3A_185 = arith.constant 0 : i32
      %dma_wait3A_186 = tpu.memref_slice %arg16[%dma_wait3A_184, %dma_wait3A_185] : memref<2x2048xi32, #tpu.memory_space<vmem>> -> memref<1x2048xi32, #tpu.memory_space<vmem>>
      %dma_wait3A_187 = tpu.memref_squeeze %dma_wait3A_186 : memref<1x2048xi32, #tpu.memory_space<vmem>> -> memref<2048xi32, #tpu.memory_space<vmem>>
      %dma_wait3A_188 = arith.constant 0 : i32
      %dma_wait3A_189 = tpu.memref_slice %arg3[%add3A_170, %dma_wait3A_188] : memref<160x2048xi32, #tpu.memory_space<hbm>> -> memref<1x2048xi32, #tpu.memory_space<hbm>>
      %dma_wait3A_190 = tpu.memref_squeeze %dma_wait3A_189 : memref<1x2048xi32, #tpu.memory_space<hbm>> -> memref<2048xi32, #tpu.memory_space<hbm>>
      %dma_wait3A_191 = arith.constant 0 : i32
      %dma_wait3A_192 = tpu.memref_slice %arg16[%dma_wait3A_184, %dma_wait3A_191] : memref<2x2048xi32, #tpu.memory_space<vmem>> -> memref<1x2048xi32, #tpu.memory_space<vmem>>
      %dma_wait3A_193 = tpu.memref_squeeze %dma_wait3A_192 : memref<1x2048xi32, #tpu.memory_space<vmem>> -> memref<2048xi32, #tpu.memory_space<vmem>>
      %dma_wait3A_194 = arith.constant 0 : i32
      %dma_wait3A_195 = tpu.memref_slice %arg3[%add3A_170, %dma_wait3A_194] : memref<160x2048xi32, #tpu.memory_space<hbm>> -> memref<1x2048xi32, #tpu.memory_space<hbm>>
      %dma_wait3A_196 = tpu.memref_squeeze %dma_wait3A_195 : memref<1x2048xi32, #tpu.memory_space<hbm>> -> memref<2048xi32, #tpu.memory_space<hbm>>
      tpu.wait_dma2 semaphore(%arg18 : memref<!tpu.dma_semaphore, #tpu.memory_space<semaphore_mem>>) src(%dma_wait3A_196 : memref<2048xi32, #tpu.memory_space<hbm>>) dst(%dma_wait3A_193 : memref<2048xi32, #tpu.memory_space<vmem>>)
      %dma_wait3A_197 = arith.constant 1 : i32
      %dma_wait3A_198 = arith.constant 0 : i32
      %dma_wait3A_199 = tpu.memref_slice %arg17[%dma_wait3A_197, %dma_wait3A_198] : memref<2x2048xf32, #tpu.memory_space<vmem>> -> memref<1x2048xf32, #tpu.memory_space<vmem>>
      %dma_wait3A_200 = tpu.memref_squeeze %dma_wait3A_199 : memref<1x2048xf32, #tpu.memory_space<vmem>> -> memref<2048xf32, #tpu.memory_space<vmem>>
      %dma_wait3A_201 = arith.constant 0 : i32
      %dma_wait3A_202 = tpu.memref_slice %arg4[%add3A_170, %dma_wait3A_201] : memref<160x2048xf32, #tpu.memory_space<hbm>> -> memref<1x2048xf32, #tpu.memory_space<hbm>>
      %dma_wait3A_203 = tpu.memref_squeeze %dma_wait3A_202 : memref<1x2048xf32, #tpu.memory_space<hbm>> -> memref<2048xf32, #tpu.memory_space<hbm>>
      %dma_wait3A_204 = arith.constant 0 : i32
      %dma_wait3A_205 = tpu.memref_slice %arg17[%dma_wait3A_197, %dma_wait3A_204] : memref<2x2048xf32, #tpu.memory_space<vmem>> -> memref<1x2048xf32, #tpu.memory_space<vmem>>
      %dma_wait3A_206 = tpu.memref_squeeze %dma_wait3A_205 : memref<1x2048xf32, #tpu.memory_space<vmem>> -> memref<2048xf32, #tpu.memory_space<vmem>>
      %dma_wait3A_207 = arith.constant 0 : i32
      %dma_wait3A_208 = tpu.memref_slice %arg4[%add3A_170, %dma_wait3A_207] : memref<160x2048xf32, #tpu.memory_space<hbm>> -> memref<1x2048xf32, #tpu.memory_space<hbm>>
      %dma_wait3A_209 = tpu.memref_squeeze %dma_wait3A_208 : memref<1x2048xf32, #tpu.memory_space<hbm>> -> memref<2048xf32, #tpu.memory_space<hbm>>
      tpu.wait_dma2 semaphore(%arg18 : memref<!tpu.dma_semaphore, #tpu.memory_space<semaphore_mem>>) src(%dma_wait3A_209 : memref<2048xf32, #tpu.memory_space<hbm>>) dst(%dma_wait3A_206 : memref<2048xf32, #tpu.memory_space<vmem>>)
      %lt3A = arith.constant 79 : i32
      %lt3A_210 = arith.cmpi slt, %scan3A_75, %lt3A : i32
      %convert_element_type3A = arith.extui %lt3A_210 : i1 to i32
      %cond3A = arith.constant 0 : i32
      %cond3A_211 = arith.cmpi ne, %convert_element_type3A, %cond3A : i32
      scf.if %cond3A_211 {
        %add3A_220 = arith.constant 1 : i32
        %add3A_221 = arith.addi %add3A_170, %add3A_220 : i32
        %dma_start3A_222 = arith.constant 0 : i32
        %dma_start3A_223 = arith.constant 0 : i32
        %dma_start3A_224 = tpu.memref_slice %arg15[%dma_start3A_222, %dma_start3A_223] : memref<2x2048xi32, #tpu.memory_space<vmem>> -> memref<1x2048xi32, #tpu.memory_space<vmem>>
        %dma_start3A_225 = tpu.memref_squeeze %dma_start3A_224 : memref<1x2048xi32, #tpu.memory_space<vmem>> -> memref<2048xi32, #tpu.memory_space<vmem>>
        %dma_start3A_226 = arith.constant 0 : i32
        %dma_start3A_227 = tpu.memref_slice %arg2[%add3A_221, %dma_start3A_226] : memref<160x2048xi32, #tpu.memory_space<hbm>> -> memref<1x2048xi32, #tpu.memory_space<hbm>>
        %dma_start3A_228 = tpu.memref_squeeze %dma_start3A_227 : memref<1x2048xi32, #tpu.memory_space<hbm>> -> memref<2048xi32, #tpu.memory_space<hbm>>
        %dma_start3A_229 = arith.constant 0 : i32
        %dma_start3A_230 = tpu.memref_slice %arg15[%dma_start3A_222, %dma_start3A_229] : memref<2x2048xi32, #tpu.memory_space<vmem>> -> memref<1x2048xi32, #tpu.memory_space<vmem>>
        %dma_start3A_231 = tpu.memref_squeeze %dma_start3A_230 : memref<1x2048xi32, #tpu.memory_space<vmem>> -> memref<2048xi32, #tpu.memory_space<vmem>>
        %dma_start3A_232 = arith.constant 0 : i32
        %dma_start3A_233 = tpu.memref_slice %arg2[%add3A_221, %dma_start3A_232] : memref<160x2048xi32, #tpu.memory_space<hbm>> -> memref<1x2048xi32, #tpu.memory_space<hbm>>
        %dma_start3A_234 = tpu.memref_squeeze %dma_start3A_233 : memref<1x2048xi32, #tpu.memory_space<hbm>> -> memref<2048xi32, #tpu.memory_space<hbm>>
        tpu.enqueue_dma source(%dma_start3A_234 : memref<2048xi32, #tpu.memory_space<hbm>>) target(%dma_start3A_231 : memref<2048xi32, #tpu.memory_space<vmem>>) target_semaphore(%arg18 : memref<!tpu.dma_semaphore, #tpu.memory_space<semaphore_mem>>)
        %dma_start3A_235 = arith.constant 0 : i32
        %dma_start3A_236 = arith.constant 0 : i32
        %dma_start3A_237 = tpu.memref_slice %arg16[%dma_start3A_235, %dma_start3A_236] : memref<2x2048xi32, #tpu.memory_space<vmem>> -> memref<1x2048xi32, #tpu.memory_space<vmem>>
        %dma_start3A_238 = tpu.memref_squeeze %dma_start3A_237 : memref<1x2048xi32, #tpu.memory_space<vmem>> -> memref<2048xi32, #tpu.memory_space<vmem>>
        %dma_start3A_239 = arith.constant 0 : i32
        %dma_start3A_240 = tpu.memref_slice %arg3[%add3A_221, %dma_start3A_239] : memref<160x2048xi32, #tpu.memory_space<hbm>> -> memref<1x2048xi32, #tpu.memory_space<hbm>>
        %dma_start3A_241 = tpu.memref_squeeze %dma_start3A_240 : memref<1x2048xi32, #tpu.memory_space<hbm>> -> memref<2048xi32, #tpu.memory_space<hbm>>
        %dma_start3A_242 = arith.constant 0 : i32
        %dma_start3A_243 = tpu.memref_slice %arg16[%dma_start3A_235, %dma_start3A_242] : memref<2x2048xi32, #tpu.memory_space<vmem>> -> memref<1x2048xi32, #tpu.memory_space<vmem>>
        %dma_start3A_244 = tpu.memref_squeeze %dma_start3A_243 : memref<1x2048xi32, #tpu.memory_space<vmem>> -> memref<2048xi32, #tpu.memory_space<vmem>>
        %dma_start3A_245 = arith.constant 0 : i32
        %dma_start3A_246 = tpu.memref_slice %arg3[%add3A_221, %dma_start3A_245] : memref<160x2048xi32, #tpu.memory_space<hbm>> -> memref<1x2048xi32, #tpu.memory_space<hbm>>
        %dma_start3A_247 = tpu.memref_squeeze %dma_start3A_246 : memref<1x2048xi32, #tpu.memory_space<hbm>> -> memref<2048xi32, #tpu.memory_space<hbm>>
        tpu.enqueue_dma source(%dma_start3A_247 : memref<2048xi32, #tpu.memory_space<hbm>>) target(%dma_start3A_244 : memref<2048xi32, #tpu.memory_space<vmem>>) target_semaphore(%arg18 : memref<!tpu.dma_semaphore, #tpu.memory_space<semaphore_mem>>)
        %dma_start3A_248 = arith.constant 0 : i32
        %dma_start3A_249 = arith.constant 0 : i32
        %dma_start3A_250 = tpu.memref_slice %arg17[%dma_start3A_248, %dma_start3A_249] : memref<2x2048xf32, #tpu.memory_space<vmem>> -> memref<1x2048xf32, #tpu.memory_space<vmem>>
        %dma_start3A_251 = tpu.memref_squeeze %dma_start3A_250 : memref<1x2048xf32, #tpu.memory_space<vmem>> -> memref<2048xf32, #tpu.memory_space<vmem>>
        %dma_start3A_252 = arith.constant 0 : i32
        %dma_start3A_253 = tpu.memref_slice %arg4[%add3A_221, %dma_start3A_252] : memref<160x2048xf32, #tpu.memory_space<hbm>> -> memref<1x2048xf32, #tpu.memory_space<hbm>>
        %dma_start3A_254 = tpu.memref_squeeze %dma_start3A_253 : memref<1x2048xf32, #tpu.memory_space<hbm>> -> memref<2048xf32, #tpu.memory_space<hbm>>
        %dma_start3A_255 = arith.constant 0 : i32
        %dma_start3A_256 = tpu.memref_slice %arg17[%dma_start3A_248, %dma_start3A_255] : memref<2x2048xf32, #tpu.memory_space<vmem>> -> memref<1x2048xf32, #tpu.memory_space<vmem>>
        %dma_start3A_257 = tpu.memref_squeeze %dma_start3A_256 : memref<1x2048xf32, #tpu.memory_space<vmem>> -> memref<2048xf32, #tpu.memory_space<vmem>>
        %dma_start3A_258 = arith.constant 0 : i32
        %dma_start3A_259 = tpu.memref_slice %arg4[%add3A_221, %dma_start3A_258] : memref<160x2048xf32, #tpu.memory_space<hbm>> -> memref<1x2048xf32, #tpu.memory_space<hbm>>
        %dma_start3A_260 = tpu.memref_squeeze %dma_start3A_259 : memref<1x2048xf32, #tpu.memory_space<hbm>> -> memref<2048xf32, #tpu.memory_space<hbm>>
        tpu.enqueue_dma source(%dma_start3A_260 : memref<2048xf32, #tpu.memory_space<hbm>>) target(%dma_start3A_257 : memref<2048xf32, #tpu.memory_space<vmem>>) target_semaphore(%arg18 : memref<!tpu.dma_semaphore, #tpu.memory_space<semaphore_mem>>)
      } else {
      }
      %scan3A_212 = arith.constant 0 : i32
      %scan3A_213 = arith.constant 0 : i32
      %scan3A_214 = arith.constant 128 : i32
      %scan3A_215 = arith.addi %scan3A_213, %scan3A_214 : i32
      %scan3A_216 = arith.constant 4 : i32
      %scan3A_217 = scf.for %scan3A_220 = %scan3A_213 to %scan3A_215 step %scan3A_216 iter_args(%scan3A_221 = %scan3A_212) -> (i32)  : i32 {
        %mul3A_222 = arith.constant 16 : i32
        %mul3A_223 = arith.muli %scan3A_220, %mul3A_222 : i32
        %get3A = arith.constant 1 : i32
        %get3A_224 = arith.index_cast %get3A : i32 to index
        %get3A_225 = arith.index_cast %mul3A_223 : i32 to index
        %get3A_226 = tpu.vector_load %arg15[%get3A_224, %get3A_225] {strides = array<i32>} : memref<2x2048xi32, #tpu.memory_space<vmem>>, vector<16xi32>,
        %get3A_227 = arith.constant 1 : i32
        %get3A_228 = arith.index_cast %get3A_227 : i32 to index
        %get3A_229 = arith.index_cast %mul3A_223 : i32 to index
        %get3A_230 = tpu.vector_load %arg16[%get3A_228, %get3A_229] {strides = array<i32>} : memref<2x2048xi32, #tpu.memory_space<vmem>>, vector<16xi32>,
        %get3A_231 = arith.constant 1 : i32
        %get3A_232 = arith.index_cast %get3A_231 : i32 to index
        %get3A_233 = arith.index_cast %mul3A_223 : i32 to index
        %get3A_234 = tpu.vector_load %arg17[%get3A_232, %get3A_233] {strides = array<i32>} : memref<2x2048xf32, #tpu.memory_space<vmem>>, vector<16xf32>,
        %gather3A = tpu.vector_load_idx %arg7[%get3A_226] : memref<10240xf32, #tpu.memory_space<vmem>>[vector<16xi32>], vector<16xf32>,
        %gather3A_235 = tpu.vector_load_idx %arg8[%get3A_226] : memref<10240xf32, #tpu.memory_space<vmem>>[vector<16xi32>], vector<16xf32>,
        %gather3A_236 = tpu.vector_load_idx %arg9[%get3A_226] : memref<10240xf32, #tpu.memory_space<vmem>>[vector<16xi32>], vector<16xf32>,
        %gather3A_237 = tpu.vector_load_idx %arg10[%get3A_226] : memref<10240xf32, #tpu.memory_space<vmem>>[vector<16xi32>], vector<16xf32>,
        %mul3A_238 = arith.mulf %gather3A, %get3A_234 : vector<16xf32>
        tpu.vector_store_idx %arg11[%get3A_230], %mul3A_238 {add = true} : memref<10240xf32, #tpu.memory_space<vmem>>[vector<16xi32>], vector<16xf32>,
        %mul3A_239 = arith.mulf %gather3A_235, %get3A_234 : vector<16xf32>
        tpu.vector_store_idx %arg12[%get3A_230], %mul3A_239 {add = true} : memref<10240xf32, #tpu.memory_space<vmem>>[vector<16xi32>], vector<16xf32>,
        %mul3A_240 = arith.mulf %gather3A_236, %get3A_234 : vector<16xf32>
        tpu.vector_store_idx %arg13[%get3A_230], %mul3A_240 {add = true} : memref<10240xf32, #tpu.memory_space<vmem>>[vector<16xi32>], vector<16xf32>,
        %mul3A_241 = arith.mulf %gather3A_237, %get3A_234 : vector<16xf32>
        tpu.vector_store_idx %arg14[%get3A_230], %mul3A_241 {add = true} : memref<10240xf32, #tpu.memory_space<vmem>>[vector<16xi32>], vector<16xf32>,
        %scan3A_242 = arith.constant 0 : i32
        %scan3A_243 = arith.constant 1 : i32
        %scan3A_244 = arith.addi %scan3A_220, %scan3A_243 : i32
        %mul3A_245 = arith.constant 16 : i32
        %mul3A_246 = arith.muli %scan3A_244, %mul3A_245 : i32
        %get3A_247 = arith.constant 1 : i32
        %get3A_248 = arith.index_cast %get3A_247 : i32 to index
        %get3A_249 = arith.index_cast %mul3A_246 : i32 to index
        %get3A_250 = tpu.vector_load %arg15[%get3A_248, %get3A_249] {strides = array<i32>} : memref<2x2048xi32, #tpu.memory_space<vmem>>, vector<16xi32>,
        %get3A_251 = arith.constant 1 : i32
        %get3A_252 = arith.index_cast %get3A_251 : i32 to index
        %get3A_253 = arith.index_cast %mul3A_246 : i32 to index
        %get3A_254 = tpu.vector_load %arg16[%get3A_252, %get3A_253] {strides = array<i32>} : memref<2x2048xi32, #tpu.memory_space<vmem>>, vector<16xi32>,
        %get3A_255 = arith.constant 1 : i32
        %get3A_256 = arith.index_cast %get3A_255 : i32 to index
        %get3A_257 = arith.index_cast %mul3A_246 : i32 to index
        %get3A_258 = tpu.vector_load %arg17[%get3A_256, %get3A_257] {strides = array<i32>} : memref<2x2048xf32, #tpu.memory_space<vmem>>, vector<16xf32>,
        %gather3A_259 = tpu.vector_load_idx %arg7[%get3A_250] : memref<10240xf32, #tpu.memory_space<vmem>>[vector<16xi32>], vector<16xf32>,
        %gather3A_260 = tpu.vector_load_idx %arg8[%get3A_250] : memref<10240xf32, #tpu.memory_space<vmem>>[vector<16xi32>], vector<16xf32>,
        %gather3A_261 = tpu.vector_load_idx %arg9[%get3A_250] : memref<10240xf32, #tpu.memory_space<vmem>>[vector<16xi32>], vector<16xf32>,
        %gather3A_262 = tpu.vector_load_idx %arg10[%get3A_250] : memref<10240xf32, #tpu.memory_space<vmem>>[vector<16xi32>], vector<16xf32>,
        %mul3A_263 = arith.mulf %gather3A_259, %get3A_258 : vector<16xf32>
        tpu.vector_store_idx %arg11[%get3A_254], %mul3A_263 {add = true} : memref<10240xf32, #tpu.memory_space<vmem>>[vector<16xi32>], vector<16xf32>,
        %mul3A_264 = arith.mulf %gather3A_260, %get3A_258 : vector<16xf32>
        tpu.vector_store_idx %arg12[%get3A_254], %mul3A_264 {add = true} : memref<10240xf32, #tpu.memory_space<vmem>>[vector<16xi32>], vector<16xf32>,
        %mul3A_265 = arith.mulf %gather3A_261, %get3A_258 : vector<16xf32>
        tpu.vector_store_idx %arg13[%get3A_254], %mul3A_265 {add = true} : memref<10240xf32, #tpu.memory_space<vmem>>[vector<16xi32>], vector<16xf32>,
        %mul3A_266 = arith.mulf %gather3A_262, %get3A_258 : vector<16xf32>
        tpu.vector_store_idx %arg14[%get3A_254], %mul3A_266 {add = true} : memref<10240xf32, #tpu.memory_space<vmem>>[vector<16xi32>], vector<16xf32>,
        %scan3A_267 = arith.constant 0 : i32
        %scan3A_268 = arith.constant 2 : i32
        %scan3A_269 = arith.addi %scan3A_220, %scan3A_268 : i32
        %mul3A_270 = arith.constant 16 : i32
        %mul3A_271 = arith.muli %scan3A_269, %mul3A_270 : i32
        %get3A_272 = arith.constant 1 : i32
        %get3A_273 = arith.index_cast %get3A_272 : i32 to index
        %get3A_274 = arith.index_cast %mul3A_271 : i32 to index
        %get3A_275 = tpu.vector_load %arg15[%get3A_273, %get3A_274] {strides = array<i32>} : memref<2x2048xi32, #tpu.memory_space<vmem>>, vector<16xi32>,
        %get3A_276 = arith.constant 1 : i32
        %get3A_277 = arith.index_cast %get3A_276 : i32 to index
        %get3A_278 = arith.index_cast %mul3A_271 : i32 to index
        %get3A_279 = tpu.vector_load %arg16[%get3A_277, %get3A_278] {strides = array<i32>} : memref<2x2048xi32, #tpu.memory_space<vmem>>, vector<16xi32>,
        %get3A_280 = arith.constant 1 : i32
        %get3A_281 = arith.index_cast %get3A_280 : i32 to index
        %get3A_282 = arith.index_cast %mul3A_271 : i32 to index
        %get3A_283 = tpu.vector_load %arg17[%get3A_281, %get3A_282] {strides = array<i32>} : memref<2x2048xf32, #tpu.memory_space<vmem>>, vector<16xf32>,
        %gather3A_284 = tpu.vector_load_idx %arg7[%get3A_275] : memref<10240xf32, #tpu.memory_space<vmem>>[vector<16xi32>], vector<16xf32>,
        %gather3A_285 = tpu.vector_load_idx %arg8[%get3A_275] : memref<10240xf32, #tpu.memory_space<vmem>>[vector<16xi32>], vector<16xf32>,
        %gather3A_286 = tpu.vector_load_idx %arg9[%get3A_275] : memref<10240xf32, #tpu.memory_space<vmem>>[vector<16xi32>], vector<16xf32>,
        %gather3A_287 = tpu.vector_load_idx %arg10[%get3A_275] : memref<10240xf32, #tpu.memory_space<vmem>>[vector<16xi32>], vector<16xf32>,
        %mul3A_288 = arith.mulf %gather3A_284, %get3A_283 : vector<16xf32>
        tpu.vector_store_idx %arg11[%get3A_279], %mul3A_288 {add = true} : memref<10240xf32, #tpu.memory_space<vmem>>[vector<16xi32>], vector<16xf32>,
        %mul3A_289 = arith.mulf %gather3A_285, %get3A_283 : vector<16xf32>
        tpu.vector_store_idx %arg12[%get3A_279], %mul3A_289 {add = true} : memref<10240xf32, #tpu.memory_space<vmem>>[vector<16xi32>], vector<16xf32>,
        %mul3A_290 = arith.mulf %gather3A_286, %get3A_283 : vector<16xf32>
        tpu.vector_store_idx %arg13[%get3A_279], %mul3A_290 {add = true} : memref<10240xf32, #tpu.memory_space<vmem>>[vector<16xi32>], vector<16xf32>,
        %mul3A_291 = arith.mulf %gather3A_287, %get3A_283 : vector<16xf32>
        tpu.vector_store_idx %arg14[%get3A_279], %mul3A_291 {add = true} : memref<10240xf32, #tpu.memory_space<vmem>>[vector<16xi32>], vector<16xf32>,
        %scan3A_292 = arith.constant 0 : i32
        %scan3A_293 = arith.constant 3 : i32
        %scan3A_294 = arith.addi %scan3A_220, %scan3A_293 : i32
        %mul3A_295 = arith.constant 16 : i32
        %mul3A_296 = arith.muli %scan3A_294, %mul3A_295 : i32
        %get3A_297 = arith.constant 1 : i32
        %get3A_298 = arith.index_cast %get3A_297 : i32 to index
        %get3A_299 = arith.index_cast %mul3A_296 : i32 to index
        %get3A_300 = tpu.vector_load %arg15[%get3A_298, %get3A_299] {strides = array<i32>} : memref<2x2048xi32, #tpu.memory_space<vmem>>, vector<16xi32>,
        %get3A_301 = arith.constant 1 : i32
        %get3A_302 = arith.index_cast %get3A_301 : i32 to index
        %get3A_303 = arith.index_cast %mul3A_296 : i32 to index
        %get3A_304 = tpu.vector_load %arg16[%get3A_302, %get3A_303] {strides = array<i32>} : memref<2x2048xi32, #tpu.memory_space<vmem>>, vector<16xi32>,
        %get3A_305 = arith.constant 1 : i32
        %get3A_306 = arith.index_cast %get3A_305 : i32 to index
        %get3A_307 = arith.index_cast %mul3A_296 : i32 to index
        %get3A_308 = tpu.vector_load %arg17[%get3A_306, %get3A_307] {strides = array<i32>} : memref<2x2048xf32, #tpu.memory_space<vmem>>, vector<16xf32>,
        %gather3A_309 = tpu.vector_load_idx %arg7[%get3A_300] : memref<10240xf32, #tpu.memory_space<vmem>>[vector<16xi32>], vector<16xf32>,
        %gather3A_310 = tpu.vector_load_idx %arg8[%get3A_300] : memref<10240xf32, #tpu.memory_space<vmem>>[vector<16xi32>], vector<16xf32>,
        %gather3A_311 = tpu.vector_load_idx %arg9[%get3A_300] : memref<10240xf32, #tpu.memory_space<vmem>>[vector<16xi32>], vector<16xf32>,
        %gather3A_312 = tpu.vector_load_idx %arg10[%get3A_300] : memref<10240xf32, #tpu.memory_space<vmem>>[vector<16xi32>], vector<16xf32>,
        %mul3A_313 = arith.mulf %gather3A_309, %get3A_308 : vector<16xf32>
        tpu.vector_store_idx %arg11[%get3A_304], %mul3A_313 {add = true} : memref<10240xf32, #tpu.memory_space<vmem>>[vector<16xi32>], vector<16xf32>,
        %mul3A_314 = arith.mulf %gather3A_310, %get3A_308 : vector<16xf32>
        tpu.vector_store_idx %arg12[%get3A_304], %mul3A_314 {add = true} : memref<10240xf32, #tpu.memory_space<vmem>>[vector<16xi32>], vector<16xf32>,
        %mul3A_315 = arith.mulf %gather3A_311, %get3A_308 : vector<16xf32>
        tpu.vector_store_idx %arg13[%get3A_304], %mul3A_315 {add = true} : memref<10240xf32, #tpu.memory_space<vmem>>[vector<16xi32>], vector<16xf32>,
        %mul3A_316 = arith.mulf %gather3A_312, %get3A_308 : vector<16xf32>
        tpu.vector_store_idx %arg14[%get3A_304], %mul3A_316 {add = true} : memref<10240xf32, #tpu.memory_space<vmem>>[vector<16xi32>], vector<16xf32>,
        %scan3A_317 = arith.constant 0 : i32
        scf.yield %scan3A_317 : i32
      }
      %scan3A_218 = arith.constant 128 : i32
      %scan3A_219 = arith.constant 0 : i32
      scf.yield %scan3A_219 : i32
    }
    %scan3A_71 = arith.constant 80 : i32
    %run_scoped3A = arith.constant 0 : i32
    "tpu.region"() ({
      %run_scoped3A_75 = tpu.sem_alloc : memref<!tpu.dma_semaphore, #tpu.memory_space<semaphore_mem>>
      %dma_start3A_76 = arith.constant 0 : i32
      %dma_start3A_77 = tpu.memref_slice %arg6[%add3A, %run_scoped3A, %dma_start3A_76] : memref<32x4x10240xf32, #tpu.memory_space<hbm>> -> memref<1x1x10240xf32, #tpu.memory_space<hbm>>
      %dma_start3A_78 = tpu.memref_squeeze %dma_start3A_77 : memref<1x1x10240xf32, #tpu.memory_space<hbm>> -> memref<10240xf32, #tpu.memory_space<hbm>>
      %dma_start3A_79 = arith.constant 0 : i32
      %dma_start3A_80 = tpu.memref_slice %arg6[%add3A, %run_scoped3A, %dma_start3A_79] : memref<32x4x10240xf32, #tpu.memory_space<hbm>> -> memref<1x1x10240xf32, #tpu.memory_space<hbm>>
      %dma_start3A_81 = tpu.memref_squeeze %dma_start3A_80 : memref<1x1x10240xf32, #tpu.memory_space<hbm>> -> memref<10240xf32, #tpu.memory_space<hbm>>
      tpu.enqueue_dma source(%arg11 : memref<10240xf32, #tpu.memory_space<vmem>>) target(%dma_start3A_81 : memref<10240xf32, #tpu.memory_space<hbm>>) target_semaphore(%run_scoped3A_75 : memref<!tpu.dma_semaphore, #tpu.memory_space<semaphore_mem>>)
      %dma_wait3A = arith.constant 0 : i32
      %dma_wait3A_82 = tpu.memref_slice %arg6[%add3A, %run_scoped3A, %dma_wait3A] : memref<32x4x10240xf32, #tpu.memory_space<hbm>> -> memref<1x1x10240xf32, #tpu.memory_space<hbm>>
      %dma_wait3A_83 = tpu.memref_squeeze %dma_wait3A_82 : memref<1x1x10240xf32, #tpu.memory_space<hbm>> -> memref<10240xf32, #tpu.memory_space<hbm>>
      %dma_wait3A_84 = arith.constant 0 : i32
      %dma_wait3A_85 = tpu.memref_slice %arg6[%add3A, %run_scoped3A, %dma_wait3A_84] : memref<32x4x10240xf32, #tpu.memory_space<hbm>> -> memref<1x1x10240xf32, #tpu.memory_space<hbm>>
      %dma_wait3A_86 = tpu.memref_squeeze %dma_wait3A_85 : memref<1x1x10240xf32, #tpu.memory_space<hbm>> -> memref<10240xf32, #tpu.memory_space<hbm>>
      tpu.wait_dma2 semaphore(%run_scoped3A_75 : memref<!tpu.dma_semaphore, #tpu.memory_space<semaphore_mem>>) src(%arg11 : memref<10240xf32, #tpu.memory_space<vmem>>) dst(%dma_wait3A_86 : memref<10240xf32, #tpu.memory_space<hbm>>)
      tpu.yield
    }) : () -> ()
    %run_scoped3A_72 = arith.constant 1 : i32
    "tpu.region"() ({
      %run_scoped3A_75 = tpu.sem_alloc : memref<!tpu.dma_semaphore, #tpu.memory_space<semaphore_mem>>
      %dma_start3A_76 = arith.constant 0 : i32
      %dma_start3A_77 = tpu.memref_slice %arg6[%add3A, %run_scoped3A_72, %dma_start3A_76] : memref<32x4x10240xf32, #tpu.memory_space<hbm>> -> memref<1x1x10240xf32, #tpu.memory_space<hbm>>
      %dma_start3A_78 = tpu.memref_squeeze %dma_start3A_77 : memref<1x1x10240xf32, #tpu.memory_space<hbm>> -> memref<10240xf32, #tpu.memory_space<hbm>>
      %dma_start3A_79 = arith.constant 0 : i32
      %dma_start3A_80 = tpu.memref_slice %arg6[%add3A, %run_scoped3A_72, %dma_start3A_79] : memref<32x4x10240xf32, #tpu.memory_space<hbm>> -> memref<1x1x10240xf32, #tpu.memory_space<hbm>>
      %dma_start3A_81 = tpu.memref_squeeze %dma_start3A_80 : memref<1x1x10240xf32, #tpu.memory_space<hbm>> -> memref<10240xf32, #tpu.memory_space<hbm>>
      tpu.enqueue_dma source(%arg12 : memref<10240xf32, #tpu.memory_space<vmem>>) target(%dma_start3A_81 : memref<10240xf32, #tpu.memory_space<hbm>>) target_semaphore(%run_scoped3A_75 : memref<!tpu.dma_semaphore, #tpu.memory_space<semaphore_mem>>)
      %dma_wait3A = arith.constant 0 : i32
      %dma_wait3A_82 = tpu.memref_slice %arg6[%add3A, %run_scoped3A_72, %dma_wait3A] : memref<32x4x10240xf32, #tpu.memory_space<hbm>> -> memref<1x1x10240xf32, #tpu.memory_space<hbm>>
      %dma_wait3A_83 = tpu.memref_squeeze %dma_wait3A_82 : memref<1x1x10240xf32, #tpu.memory_space<hbm>> -> memref<10240xf32, #tpu.memory_space<hbm>>
      %dma_wait3A_84 = arith.constant 0 : i32
      %dma_wait3A_85 = tpu.memref_slice %arg6[%add3A, %run_scoped3A_72, %dma_wait3A_84] : memref<32x4x10240xf32, #tpu.memory_space<hbm>> -> memref<1x1x10240xf32, #tpu.memory_space<hbm>>
      %dma_wait3A_86 = tpu.memref_squeeze %dma_wait3A_85 : memref<1x1x10240xf32, #tpu.memory_space<hbm>> -> memref<10240xf32, #tpu.memory_space<hbm>>
      tpu.wait_dma2 semaphore(%run_scoped3A_75 : memref<!tpu.dma_semaphore, #tpu.memory_space<semaphore_mem>>) src(%arg12 : memref<10240xf32, #tpu.memory_space<vmem>>) dst(%dma_wait3A_86 : memref<10240xf32, #tpu.memory_space<hbm>>)
      tpu.yield
    }) : () -> ()
    %run_scoped3A_73 = arith.constant 2 : i32
    "tpu.region"() ({
      %run_scoped3A_75 = tpu.sem_alloc : memref<!tpu.dma_semaphore, #tpu.memory_space<semaphore_mem>>
      %dma_start3A_76 = arith.constant 0 : i32
      %dma_start3A_77 = tpu.memref_slice %arg6[%add3A, %run_scoped3A_73, %dma_start3A_76] : memref<32x4x10240xf32, #tpu.memory_space<hbm>> -> memref<1x1x10240xf32, #tpu.memory_space<hbm>>
      %dma_start3A_78 = tpu.memref_squeeze %dma_start3A_77 : memref<1x1x10240xf32, #tpu.memory_space<hbm>> -> memref<10240xf32, #tpu.memory_space<hbm>>
      %dma_start3A_79 = arith.constant 0 : i32
      %dma_start3A_80 = tpu.memref_slice %arg6[%add3A, %run_scoped3A_73, %dma_start3A_79] : memref<32x4x10240xf32, #tpu.memory_space<hbm>> -> memref<1x1x10240xf32, #tpu.memory_space<hbm>>
      %dma_start3A_81 = tpu.memref_squeeze %dma_start3A_80 : memref<1x1x10240xf32, #tpu.memory_space<hbm>> -> memref<10240xf32, #tpu.memory_space<hbm>>
      tpu.enqueue_dma source(%arg13 : memref<10240xf32, #tpu.memory_space<vmem>>) target(%dma_start3A_81 : memref<10240xf32, #tpu.memory_space<hbm>>) target_semaphore(%run_scoped3A_75 : memref<!tpu.dma_semaphore, #tpu.memory_space<semaphore_mem>>)
      %dma_wait3A = arith.constant 0 : i32
      %dma_wait3A_82 = tpu.memref_slice %arg6[%add3A, %run_scoped3A_73, %dma_wait3A] : memref<32x4x10240xf32, #tpu.memory_space<hbm>> -> memref<1x1x10240xf32, #tpu.memory_space<hbm>>
      %dma_wait3A_83 = tpu.memref_squeeze %dma_wait3A_82 : memref<1x1x10240xf32, #tpu.memory_space<hbm>> -> memref<10240xf32, #tpu.memory_space<hbm>>
      %dma_wait3A_84 = arith.constant 0 : i32
      %dma_wait3A_85 = tpu.memref_slice %arg6[%add3A, %run_scoped3A_73, %dma_wait3A_84] : memref<32x4x10240xf32, #tpu.memory_space<hbm>> -> memref<1x1x10240xf32, #tpu.memory_space<hbm>>
      %dma_wait3A_86 = tpu.memref_squeeze %dma_wait3A_85 : memref<1x1x10240xf32, #tpu.memory_space<hbm>> -> memref<10240xf32, #tpu.memory_space<hbm>>
      tpu.wait_dma2 semaphore(%run_scoped3A_75 : memref<!tpu.dma_semaphore, #tpu.memory_space<semaphore_mem>>) src(%arg13 : memref<10240xf32, #tpu.memory_space<vmem>>) dst(%dma_wait3A_86 : memref<10240xf32, #tpu.memory_space<hbm>>)
      tpu.yield
    }) : () -> ()
    %run_scoped3A_74 = arith.constant 3 : i32
    "tpu.region"() ({
      %run_scoped3A_75 = tpu.sem_alloc : memref<!tpu.dma_semaphore, #tpu.memory_space<semaphore_mem>>
      %dma_start3A_76 = arith.constant 0 : i32
      %dma_start3A_77 = tpu.memref_slice %arg6[%add3A, %run_scoped3A_74, %dma_start3A_76] : memref<32x4x10240xf32, #tpu.memory_space<hbm>> -> memref<1x1x10240xf32, #tpu.memory_space<hbm>>
      %dma_start3A_78 = tpu.memref_squeeze %dma_start3A_77 : memref<1x1x10240xf32, #tpu.memory_space<hbm>> -> memref<10240xf32, #tpu.memory_space<hbm>>
      %dma_start3A_79 = arith.constant 0 : i32
      %dma_start3A_80 = tpu.memref_slice %arg6[%add3A, %run_scoped3A_74, %dma_start3A_79] : memref<32x4x10240xf32, #tpu.memory_space<hbm>> -> memref<1x1x10240xf32, #tpu.memory_space<hbm>>
      %dma_start3A_81 = tpu.memref_squeeze %dma_start3A_80 : memref<1x1x10240xf32, #tpu.memory_space<hbm>> -> memref<10240xf32, #tpu.memory_space<hbm>>
      tpu.enqueue_dma source(%arg14 : memref<10240xf32, #tpu.memory_space<vmem>>) target(%dma_start3A_81 : memref<10240xf32, #tpu.memory_space<hbm>>) target_semaphore(%run_scoped3A_75 : memref<!tpu.dma_semaphore, #tpu.memory_space<semaphore_mem>>)
      %dma_wait3A = arith.constant 0 : i32
      %dma_wait3A_82 = tpu.memref_slice %arg6[%add3A, %run_scoped3A_74, %dma_wait3A] : memref<32x4x10240xf32, #tpu.memory_space<hbm>> -> memref<1x1x10240xf32, #tpu.memory_space<hbm>>
      %dma_wait3A_83 = tpu.memref_squeeze %dma_wait3A_82 : memref<1x1x10240xf32, #tpu.memory_space<hbm>> -> memref<10240xf32, #tpu.memory_space<hbm>>
      %dma_wait3A_84 = arith.constant 0 : i32
      %dma_wait3A_85 = tpu.memref_slice %arg6[%add3A, %run_scoped3A_74, %dma_wait3A_84] : memref<32x4x10240xf32, #tpu.memory_space<hbm>> -> memref<1x1x10240xf32, #tpu.memory_space<hbm>>
      %dma_wait3A_86 = tpu.memref_squeeze %dma_wait3A_85 : memref<1x1x10240xf32, #tpu.memory_space<hbm>> -> memref<10240xf32, #tpu.memory_space<hbm>>
      tpu.wait_dma2 semaphore(%run_scoped3A_75 : memref<!tpu.dma_semaphore, #tpu.memory_space<semaphore_mem>>) src(%arg14 : memref<10240xf32, #tpu.memory_space<vmem>>) dst(%dma_wait3A_86 : memref<10240xf32, #tpu.memory_space<hbm>>)
      tpu.yield
    }) : () -> ()
    return
  }
}

module attributes {stable_mosaic.version = 14 : i64} {
  func.func @_tc1_body(%arg0: i32, %arg1: memref<512x128xf32, #tpu.memory_space<vmem>>, %arg2: memref<128x128xf32, #tpu.memory_space<vmem>>, %arg3: memref<1x128xf32, #tpu.memory_space<vmem>>, %arg4: memref<1x128xf32, #tpu.memory_space<vmem>>, %arg5: memref<512x128xf32, #tpu.memory_space<vmem>>, %arg6: memref<512x1xf32, #tpu.memory_space<vmem>>, %arg7: memref<512x1xf32, #tpu.memory_space<vmem>>) attributes {dimension_semantics = [#tpu.dimension_semantics<arbitrary>], iteration_bounds = array<i64: 20>, scalar_prefetch = 0 : i64, scratch_operands = 0 : i64, tpu.core_type = #tpu.core_type<tc>, window_params = [{transform_indices = @transform_0, window_bounds = array<i64: 512, 128>}, {pipeline_mode = #tpu.pipeline_mode<synchronous>, transform_indices = @transform_1, window_bounds = array<i64: 128, 128>}, {pipeline_mode = #tpu.pipeline_mode<synchronous>, transform_indices = @transform_2, window_bounds = array<i64: 1, 128>}, {pipeline_mode = #tpu.pipeline_mode<synchronous>, transform_indices = @transform_3, window_bounds = array<i64: 1, 128>}, {transform_indices = @transform_4, window_bounds = array<i64: 512, 128>}, {transform_indices = @transform_5, window_bounds = array<i64: 512, 1>}, {transform_indices = @transform_6, window_bounds = array<i64: 512, 1>}]} {
    %get3A = arith.constant 0 : index
    %get3A_0 = arith.constant 0 : index
    %get3A_1 = vector.load %arg1[%get3A, %get3A_0] : memref<512x128xf32, #tpu.memory_space<vmem>>, vector<512x128xf32>
    %get3A_2 = arith.constant 0 : index
    %get3A_3 = arith.constant 0 : index
    %get3A_4 = vector.load %arg2[%get3A_2, %get3A_3] : memref<128x128xf32, #tpu.memory_space<vmem>>, vector<128x128xf32>
    %dot_general3A = arith.constant dense<0.000000e+00> : vector<512x128xf32>
    %dot_general3A_5 = tpu.matmul %get3A_1, %get3A_4, %dot_general3A {dimension_numbers = #tpu.dot_dimension_numbers<[1], [0], [0], [1], [0, 0, 1, 1], [], []>, transpose_lhs_hint = false} : vector<512x128xf32>, vector<128x128xf32>, vector<512x128xf32> -> vector<512x128xf32>
    %swap3A = arith.constant 0 : index
    %swap3A_6 = arith.constant 0 : index
    %swap3A_7 = vector.load %arg5[%swap3A, %swap3A_6] : memref<512x128xf32, #tpu.memory_space<vmem>>, vector<512x128xf32>
    tpu.vector_store %arg5[%swap3A, %swap3A_6], %dot_general3A_5 {strides = array<i32>} : memref<512x128xf32, #tpu.memory_space<vmem>>, vector<512x128xf32>,
    %get3A_8 = arith.constant 0 : index
    %get3A_9 = arith.constant 0 : index
    %get3A_10 = vector.load %arg3[%get3A_8, %get3A_9] : memref<1x128xf32, #tpu.memory_space<vmem>>, vector<1x128xf32>
    %mul3A = vector.broadcast %get3A_10 : vector<1x128xf32> to vector<512x128xf32>
    %mul3A_11 = arith.mulf %dot_general3A_5, %mul3A : vector<512x128xf32>
    %reduce_sum3A = arith.constant dense<0.000000e+00> : vector<512xf32>
    %reduce_sum3A_12 = vector.multi_reduction <add>, %mul3A_11, %reduce_sum3A [1] : vector<512x128xf32> to vector<512xf32>
    %broadcast_in_dim3A = vector.shape_cast %reduce_sum3A_12 : vector<512xf32> to vector<512x1xf32>
    %swap3A_13 = arith.constant 0 : index
    %swap3A_14 = arith.constant 0 : index
    %swap3A_15 = vector.load %arg6[%swap3A_13, %swap3A_14] : memref<512x1xf32, #tpu.memory_space<vmem>>, vector<512x1xf32>
    tpu.vector_store %arg6[%swap3A_13, %swap3A_14], %broadcast_in_dim3A {strides = array<i32>} : memref<512x1xf32, #tpu.memory_space<vmem>>, vector<512x1xf32>,
    %get3A_16 = arith.constant 0 : index
    %get3A_17 = arith.constant 0 : index
    %get3A_18 = vector.load %arg4[%get3A_16, %get3A_17] : memref<1x128xf32, #tpu.memory_space<vmem>>, vector<1x128xf32>
    %mul3A_19 = vector.broadcast %get3A_18 : vector<1x128xf32> to vector<512x128xf32>
    %mul3A_20 = arith.mulf %dot_general3A_5, %mul3A_19 : vector<512x128xf32>
    %reduce_sum3A_21 = arith.constant dense<0.000000e+00> : vector<512xf32>
    %reduce_sum3A_22 = vector.multi_reduction <add>, %mul3A_20, %reduce_sum3A_21 [1] : vector<512x128xf32> to vector<512xf32>
    %broadcast_in_dim3A_23 = vector.shape_cast %reduce_sum3A_22 : vector<512xf32> to vector<512x1xf32>
    %swap3A_24 = arith.constant 0 : index
    %swap3A_25 = arith.constant 0 : index
    %swap3A_26 = vector.load %arg7[%swap3A_24, %swap3A_25] : memref<512x1xf32, #tpu.memory_space<vmem>>, vector<512x1xf32>
    tpu.vector_store %arg7[%swap3A_24, %swap3A_25], %broadcast_in_dim3A_23 {strides = array<i32>} : memref<512x1xf32, #tpu.memory_space<vmem>>, vector<512x1xf32>,
    return
  }
  func.func @transform_0(%arg0: i32) -> (i32, i32) {
    %c0_i32 = arith.constant 0 : i32
    %c0_i32_0 = arith.constant 0 : i32
    return %arg0, %c0_i32 : i32, i32
  }
  func.func @transform_1(%arg0: i32) -> (i32, i32) {
    %c0_i32 = arith.constant 0 : i32
    %c0_i32_0 = arith.constant 0 : i32
    %c0_i32_1 = arith.constant 0 : i32
    return %c0_i32, %c0_i32_0 : i32, i32
  }
  func.func @transform_2(%arg0: i32) -> (i32, i32) {
    %c0_i32 = arith.constant 0 : i32
    %c0_i32_0 = arith.constant 0 : i32
    %c0_i32_1 = arith.constant 0 : i32
    return %c0_i32, %c0_i32_0 : i32, i32
  }
  func.func @transform_3(%arg0: i32) -> (i32, i32) {
    %c0_i32 = arith.constant 0 : i32
    %c0_i32_0 = arith.constant 0 : i32
    %c0_i32_1 = arith.constant 0 : i32
    return %c0_i32, %c0_i32_0 : i32, i32
  }
  func.func @transform_4(%arg0: i32) -> (i32, i32) {
    %c0_i32 = arith.constant 0 : i32
    %c0_i32_0 = arith.constant 0 : i32
    return %arg0, %c0_i32 : i32, i32
  }
  func.func @transform_5(%arg0: i32) -> (i32, i32) {
    %c0_i32 = arith.constant 0 : i32
    %c0_i32_0 = arith.constant 0 : i32
    return %arg0, %c0_i32 : i32, i32
  }
  func.func @transform_6(%arg0: i32) -> (i32, i32) {
    %c0_i32 = arith.constant 0 : i32
    %c0_i32_0 = arith.constant 0 : i32
    return %arg0, %c0_i32 : i32, i32
  }
}

module attributes {stable_mosaic.version = 14 : i64} {
  func.func @_tc2_body(%arg0: i32, %arg1: memref<512x128xf32, #tpu.memory_space<vmem>>, %arg2: memref<512x1xf32, #tpu.memory_space<vmem>>, %arg3: memref<512x1xf32, #tpu.memory_space<vmem>>, %arg4: memref<1x128xf32, #tpu.memory_space<vmem>>, %arg5: memref<128x128xf32, #tpu.memory_space<vmem>>, %arg6: memref<1x128xf32, #tpu.memory_space<vmem>>, %arg7: memref<1x128xf32, #tpu.memory_space<vmem>>, %arg8: memref<512x128xf32, #tpu.memory_space<vmem>>, %arg9: memref<512x1xf32, #tpu.memory_space<vmem>>, %arg10: memref<512x1xf32, #tpu.memory_space<vmem>>) attributes {dimension_semantics = [#tpu.dimension_semantics<arbitrary>], iteration_bounds = array<i64: 20>, scalar_prefetch = 0 : i64, scratch_operands = 0 : i64, tpu.core_type = #tpu.core_type<tc>, window_params = [{transform_indices = @transform_0, window_bounds = array<i64: 512, 128>}, {transform_indices = @transform_1, window_bounds = array<i64: 512, 1>}, {transform_indices = @transform_2, window_bounds = array<i64: 512, 1>}, {pipeline_mode = #tpu.pipeline_mode<synchronous>, transform_indices = @transform_3, window_bounds = array<i64: 1, 128>}, {pipeline_mode = #tpu.pipeline_mode<synchronous>, transform_indices = @transform_4, window_bounds = array<i64: 128, 128>}, {pipeline_mode = #tpu.pipeline_mode<synchronous>, transform_indices = @transform_5, window_bounds = array<i64: 1, 128>}, {pipeline_mode = #tpu.pipeline_mode<synchronous>, transform_indices = @transform_6, window_bounds = array<i64: 1, 128>}, {transform_indices = @transform_7, window_bounds = array<i64: 512, 128>}, {transform_indices = @transform_8, window_bounds = array<i64: 512, 1>}, {transform_indices = @transform_9, window_bounds = array<i64: 512, 1>}]} {
    %get3A = arith.constant 0 : index
    %get3A_0 = arith.constant 0 : index
    %get3A_1 = vector.load %arg2[%get3A, %get3A_0] : memref<512x1xf32, #tpu.memory_space<vmem>>, vector<512x1xf32>
    %get3A_2 = arith.constant 0 : index
    %get3A_3 = arith.constant 0 : index
    %get3A_4 = vector.load %arg3[%get3A_2, %get3A_3] : memref<512x1xf32, #tpu.memory_space<vmem>>, vector<512x1xf32>
    %add3A = arith.addf %get3A_1, %get3A_4 : vector<512x1xf32>
    %get3A_5 = arith.constant 0 : index
    %get3A_6 = arith.constant 0 : index
    %get3A_7 = vector.load %arg1[%get3A_5, %get3A_6] : memref<512x128xf32, #tpu.memory_space<vmem>>, vector<512x128xf32>
    %add3A_8 = arith.constant 1.000000e-16 : f32
    %add3A_9 = vector.broadcast %add3A_8 : f32 to vector<512x1xf32>
    %add3A_10 = arith.addf %add3A, %add3A_9 : vector<512x1xf32>
    %div3A = vector.broadcast %add3A_10 : vector<512x1xf32> to vector<512x128xf32>
    %div3A_11 = arith.divf %get3A_7, %div3A : vector<512x128xf32>
    %get3A_12 = arith.constant 0 : index
    %get3A_13 = arith.constant 0 : index
    %get3A_14 = vector.load %arg4[%get3A_12, %get3A_13] : memref<1x128xf32, #tpu.memory_space<vmem>>, vector<1x128xf32>
    %add3A_15 = vector.broadcast %get3A_14 : vector<1x128xf32> to vector<512x128xf32>
    %add3A_16 = arith.addf %div3A_11, %add3A_15 : vector<512x128xf32>
    %gt3A = arith.constant 0.000000e+00 : f32
    %gt3A_17 = vector.broadcast %gt3A : f32 to vector<512x128xf32>
    %gt3A_18 = arith.cmpf ogt, %add3A_16, %gt3A_17 : vector<512x128xf32>
    %min3A = arith.constant 0.000000e+00 : f32
    %min3A_19 = vector.broadcast %min3A : f32 to vector<512x128xf32>
    %min3A_20 = arith.minimumf %add3A_16, %min3A_19 : vector<512x128xf32>
    %exp3A = math.exp %min3A_20 : vector<512x128xf32>
    %sub3A = arith.constant 1.000000e+00 : f32
    %sub3A_21 = vector.broadcast %sub3A : f32 to vector<512x128xf32>
    %sub3A_22 = arith.subf %exp3A, %sub3A_21 : vector<512x128xf32>
    %select_n3A = arith.select %gt3A_18, %add3A_16, %sub3A_22 : vector<512x128xi1>, vector<512x128xf32>
    %get3A_23 = arith.constant 0 : index
    %get3A_24 = arith.constant 0 : index
    %get3A_25 = vector.load %arg5[%get3A_23, %get3A_24] : memref<128x128xf32, #tpu.memory_space<vmem>>, vector<128x128xf32>
    %dot_general3A = arith.constant dense<0.000000e+00> : vector<512x128xf32>
    %dot_general3A_26 = tpu.matmul %select_n3A, %get3A_25, %dot_general3A {dimension_numbers = #tpu.dot_dimension_numbers<[1], [0], [0], [1], [0, 0, 1, 1], [], []>, transpose_lhs_hint = false} : vector<512x128xf32>, vector<128x128xf32>, vector<512x128xf32> -> vector<512x128xf32>
    %swap3A = arith.constant 0 : index
    %swap3A_27 = arith.constant 0 : index
    %swap3A_28 = vector.load %arg8[%swap3A, %swap3A_27] : memref<512x128xf32, #tpu.memory_space<vmem>>, vector<512x128xf32>
    tpu.vector_store %arg8[%swap3A, %swap3A_27], %dot_general3A_26 {strides = array<i32>} : memref<512x128xf32, #tpu.memory_space<vmem>>, vector<512x128xf32>,
    %get3A_29 = arith.constant 0 : index
    %get3A_30 = arith.constant 0 : index
    %get3A_31 = vector.load %arg6[%get3A_29, %get3A_30] : memref<1x128xf32, #tpu.memory_space<vmem>>, vector<1x128xf32>
    %mul3A = vector.broadcast %get3A_31 : vector<1x128xf32> to vector<512x128xf32>
    %mul3A_32 = arith.mulf %dot_general3A_26, %mul3A : vector<512x128xf32>
    %reduce_sum3A = arith.constant dense<0.000000e+00> : vector<512xf32>
    %reduce_sum3A_33 = vector.multi_reduction <add>, %mul3A_32, %reduce_sum3A [1] : vector<512x128xf32> to vector<512xf32>
    %broadcast_in_dim3A = vector.shape_cast %reduce_sum3A_33 : vector<512xf32> to vector<512x1xf32>
    %swap3A_34 = arith.constant 0 : index
    %swap3A_35 = arith.constant 0 : index
    %swap3A_36 = vector.load %arg9[%swap3A_34, %swap3A_35] : memref<512x1xf32, #tpu.memory_space<vmem>>, vector<512x1xf32>
    tpu.vector_store %arg9[%swap3A_34, %swap3A_35], %broadcast_in_dim3A {strides = array<i32>} : memref<512x1xf32, #tpu.memory_space<vmem>>, vector<512x1xf32>,
    %get3A_37 = arith.constant 0 : index
    %get3A_38 = arith.constant 0 : index
    %get3A_39 = vector.load %arg7[%get3A_37, %get3A_38] : memref<1x128xf32, #tpu.memory_space<vmem>>, vector<1x128xf32>
    %mul3A_40 = vector.broadcast %get3A_39 : vector<1x128xf32> to vector<512x128xf32>
    %mul3A_41 = arith.mulf %dot_general3A_26, %mul3A_40 : vector<512x128xf32>
    %reduce_sum3A_42 = arith.constant dense<0.000000e+00> : vector<512xf32>
    %reduce_sum3A_43 = vector.multi_reduction <add>, %mul3A_41, %reduce_sum3A_42 [1] : vector<512x128xf32> to vector<512xf32>
    %broadcast_in_dim3A_44 = vector.shape_cast %reduce_sum3A_43 : vector<512xf32> to vector<512x1xf32>
    %swap3A_45 = arith.constant 0 : index
    %swap3A_46 = arith.constant 0 : index
    %swap3A_47 = vector.load %arg10[%swap3A_45, %swap3A_46] : memref<512x1xf32, #tpu.memory_space<vmem>>, vector<512x1xf32>
    tpu.vector_store %arg10[%swap3A_45, %swap3A_46], %broadcast_in_dim3A_44 {strides = array<i32>} : memref<512x1xf32, #tpu.memory_space<vmem>>, vector<512x1xf32>,
    return
  }
  func.func @transform_0(%arg0: i32) -> (i32, i32) {
    %c0_i32 = arith.constant 0 : i32
    %c0_i32_0 = arith.constant 0 : i32
    return %arg0, %c0_i32 : i32, i32
  }
  func.func @transform_1(%arg0: i32) -> (i32, i32) {
    %c0_i32 = arith.constant 0 : i32
    %c0_i32_0 = arith.constant 0 : i32
    return %arg0, %c0_i32 : i32, i32
  }
  func.func @transform_2(%arg0: i32) -> (i32, i32) {
    %c0_i32 = arith.constant 0 : i32
    %c0_i32_0 = arith.constant 0 : i32
    return %arg0, %c0_i32 : i32, i32
  }
  func.func @transform_3(%arg0: i32) -> (i32, i32) {
    %c0_i32 = arith.constant 0 : i32
    %c0_i32_0 = arith.constant 0 : i32
    %c0_i32_1 = arith.constant 0 : i32
    return %c0_i32, %c0_i32_0 : i32, i32
  }
  func.func @transform_4(%arg0: i32) -> (i32, i32) {
    %c0_i32 = arith.constant 0 : i32
    %c0_i32_0 = arith.constant 0 : i32
    %c0_i32_1 = arith.constant 0 : i32
    return %c0_i32, %c0_i32_0 : i32, i32
  }
  func.func @transform_5(%arg0: i32) -> (i32, i32) {
    %c0_i32 = arith.constant 0 : i32
    %c0_i32_0 = arith.constant 0 : i32
    %c0_i32_1 = arith.constant 0 : i32
    return %c0_i32, %c0_i32_0 : i32, i32
  }
  func.func @transform_6(%arg0: i32) -> (i32, i32) {
    %c0_i32 = arith.constant 0 : i32
    %c0_i32_0 = arith.constant 0 : i32
    %c0_i32_1 = arith.constant 0 : i32
    return %c0_i32, %c0_i32_0 : i32, i32
  }
  func.func @transform_7(%arg0: i32) -> (i32, i32) {
    %c0_i32 = arith.constant 0 : i32
    %c0_i32_0 = arith.constant 0 : i32
    return %arg0, %c0_i32 : i32, i32
  }
  func.func @transform_8(%arg0: i32) -> (i32, i32) {
    %c0_i32 = arith.constant 0 : i32
    %c0_i32_0 = arith.constant 0 : i32
    return %arg0, %c0_i32 : i32, i32
  }
  func.func @transform_9(%arg0: i32) -> (i32, i32) {
    %c0_i32 = arith.constant 0 : i32
    %c0_i32_0 = arith.constant 0 : i32
    return %arg0, %c0_i32 : i32, i32
  }
}

module attributes {stable_mosaic.version = 14 : i64} {
  func.func @_tc3_body(%arg0: i32, %arg1: memref<512x128xf32, #tpu.memory_space<vmem>>, %arg2: memref<512x1xf32, #tpu.memory_space<vmem>>, %arg3: memref<512x1xf32, #tpu.memory_space<vmem>>, %arg4: memref<1x128xf32, #tpu.memory_space<vmem>>, %arg5: memref<512x128xf32, #tpu.memory_space<vmem>>) attributes {dimension_semantics = [#tpu.dimension_semantics<arbitrary>], iteration_bounds = array<i64: 20>, scalar_prefetch = 0 : i64, scratch_operands = 0 : i64, tpu.core_type = #tpu.core_type<tc>, window_params = [{transform_indices = @transform_0, window_bounds = array<i64: 512, 128>}, {transform_indices = @transform_1, window_bounds = array<i64: 512, 1>}, {transform_indices = @transform_2, window_bounds = array<i64: 512, 1>}, {pipeline_mode = #tpu.pipeline_mode<synchronous>, transform_indices = @transform_3, window_bounds = array<i64: 1, 128>}, {transform_indices = @transform_4, window_bounds = array<i64: 512, 128>}]} {
    %get3A = arith.constant 0 : index
    %get3A_0 = arith.constant 0 : index
    %get3A_1 = vector.load %arg2[%get3A, %get3A_0] : memref<512x1xf32, #tpu.memory_space<vmem>>, vector<512x1xf32>
    %get3A_2 = arith.constant 0 : index
    %get3A_3 = arith.constant 0 : index
    %get3A_4 = vector.load %arg3[%get3A_2, %get3A_3] : memref<512x1xf32, #tpu.memory_space<vmem>>, vector<512x1xf32>
    %add3A = arith.addf %get3A_1, %get3A_4 : vector<512x1xf32>
    %get3A_5 = arith.constant 0 : index
    %get3A_6 = arith.constant 0 : index
    %get3A_7 = vector.load %arg1[%get3A_5, %get3A_6] : memref<512x128xf32, #tpu.memory_space<vmem>>, vector<512x128xf32>
    %add3A_8 = arith.constant 1.000000e-16 : f32
    %add3A_9 = vector.broadcast %add3A_8 : f32 to vector<512x1xf32>
    %add3A_10 = arith.addf %add3A, %add3A_9 : vector<512x1xf32>
    %div3A = vector.broadcast %add3A_10 : vector<512x1xf32> to vector<512x128xf32>
    %div3A_11 = arith.divf %get3A_7, %div3A : vector<512x128xf32>
    %get3A_12 = arith.constant 0 : index
    %get3A_13 = arith.constant 0 : index
    %get3A_14 = vector.load %arg4[%get3A_12, %get3A_13] : memref<1x128xf32, #tpu.memory_space<vmem>>, vector<1x128xf32>
    %add3A_15 = vector.broadcast %get3A_14 : vector<1x128xf32> to vector<512x128xf32>
    %add3A_16 = arith.addf %div3A_11, %add3A_15 : vector<512x128xf32>
    %swap3A = arith.constant 0 : index
    %swap3A_17 = arith.constant 0 : index
    %swap3A_18 = vector.load %arg5[%swap3A, %swap3A_17] : memref<512x128xf32, #tpu.memory_space<vmem>>, vector<512x128xf32>
    tpu.vector_store %arg5[%swap3A, %swap3A_17], %add3A_16 {strides = array<i32>} : memref<512x128xf32, #tpu.memory_space<vmem>>, vector<512x128xf32>,
    return
  }
  func.func @transform_0(%arg0: i32) -> (i32, i32) {
    %c0_i32 = arith.constant 0 : i32
    %c0_i32_0 = arith.constant 0 : i32
    return %arg0, %c0_i32 : i32, i32
  }
  func.func @transform_1(%arg0: i32) -> (i32, i32) {
    %c0_i32 = arith.constant 0 : i32
    %c0_i32_0 = arith.constant 0 : i32
    return %arg0, %c0_i32 : i32, i32
  }
  func.func @transform_2(%arg0: i32) -> (i32, i32) {
    %c0_i32 = arith.constant 0 : i32
    %c0_i32_0 = arith.constant 0 : i32
    return %arg0, %c0_i32 : i32, i32
  }
  func.func @transform_3(%arg0: i32) -> (i32, i32) {
    %c0_i32 = arith.constant 0 : i32
    %c0_i32_0 = arith.constant 0 : i32
    %c0_i32_1 = arith.constant 0 : i32
    return %c0_i32, %c0_i32_0 : i32, i32
  }
  func.func @transform_4(%arg0: i32) -> (i32, i32) {
    %c0_i32 = arith.constant 0 : i32
    %c0_i32_0 = arith.constant 0 : i32
    return %arg0, %c0_i32 : i32, i32
  }
}

</mosaic_0001>

<sc_bundles>
// kernel: kernel.12.cloned.1.call-start
scs
__scs_entry_jumppad:
0x0: {  	(pc) =	sbr.rel $0x88, $3  }
0x1: {  	(tag) =	ssettag $0x0;
	lr =	simm.s32 $0x1  }
0x2: {  	[smem:$0x3F97] =	sst lr;
	_ =	strace $0xD0000000  }
0x3: {  	_ = 	snop  }
0x4: {  	_ = 	snop  }
0x5: {  	_ = 	snop  }
0x6: {  	_ = 	snop  }
0x7: {  	_ = 	snop  }
__scs_overlays_trampoline_lowered:
0x8: {  	[smem:$0x3FA6] =	sst s0  }
0x9: {  	[smem:$0x3FA7] =	sst s1  }
0xa: {  	[smem:$0x3FA8] =	sst s2  }
0xb: {  	[smem:$0x3FA9] =	sst s3  }
0xc: {  	[smem:$0x3FAA] =	sst s4  }
0xd: {  	[smem:$0x3FAB] =	sst s5  }
0xe: {  	[smem:$0x3FAC] =	sst s6  }
0xf: {  	[smem:$0x3FAD] =	sst s7  }
0x10: {  	[smem:$0x3FAE] =	sst s8  }
0x11: {  	[smem:$0x3FAF] =	sst s9;
	s0 =	simm.s32 @!p0 $0x0  }
0x12: {  	s1 =	sld [smem:$0x3F95];
	s0 =	simm.s32 @p0 $0x1  }
0x13: {  	[smem:$0x3FB0] =	sst s0;
	s0 =	simm.s32 @!p1 $0x0  }
0x14: {  	s2 =	sld [smem:$0x3F94];
	s0 =	simm.s32 @p1 $0x1  }
0x15: {  	[smem:$0x3FB1] =	sst s0;
	s0 =	simm.s32 @!p2 $0x0  }
0x16: {  	s3 =	sld [smem:$0x3FDB];
	s0 =	simm.s32 @p2 $0x1  }
0x17: {  	s4 =	simm.s32 $0x1BF5;
	[smem:$0x3FB3] =	sst s0  }
0x18: {  	s0 =	sld [smem:$0x3F96];
	_ =	swait.ge [sflag:s4], $0x0  }
0x19: {  	s7 =	sld [smem:$0x3F97]  }
0x1a: {  	s8 =	sadd.s32 $0xFFFFE003, lr  }
0x1b: {  	s9 =	sadd.s32 $0xFFFFFEF7, lr;
	s5 =	simm.s32 $0xFFFFFFFF;
	p2 =	slt.u32 s8, $0xFFFFF086  }
0x1c: {  	p1 =	slt.u32 s9, $0xF7A;
	s5 =	simm.s32 @!p2 $0x0  }
0x1d: {  	s5 =	simm.s32 @p1 $0x1;
	p0 =	seq.s32 s7, s2  }
0x1e: {  	s7 =	smul.u32 @!p0 $0xF7A, s2;
	p2 =	seq.s32 @!p0 s5, $0x0  }
0x1f: {  	s9 =	smul.u32 $0xF7A, s1;
	s8 =	simm.s32 @!p0 $0x1BF5;
	p2 =	por !p2, p0  }
0x20: {  	[sflag:s8] =	ssyncset.s32 @!p0 $0xFFFFF086;
	s6 =	sadd.s32 @!p0 s3, s7;
	s7 =	simm.s32 @!p0 $0x108  }
0x21: {  	s3 =	sadd.s32 s3, s9;
	s6 =	sadd.s32 @!p0 $0x88, s6;
	s7 =	simm.s32 @p2 $0x1082  }
0x22: {  	[simem:s7], [sflag:s8] =	dma.local @!p0 [hbm:s6], $0xF7A  }
0x23: {  	s9 =	sor.u32 $0xD0000000, s2;
	s6 =	simm.s32 $0x108;
	_ =	swait.ge @!p0 [sflag:s8], $0x0  }
0x24: {  	s3 =	sadd.s32 $0x88, s3;
	s6 =	simm.s32 @!p1 $0x1082;
	[sflag:s4] =	ssyncset.s32 $0xFFFFF086  }
0x25: {  	[simem:s6], [sflag:s4] =	dma.local [hbm:s3], $0xF7A  }
0x26: {  	[smem:$0x3F97] =	sst s1;
	(tag) =	ssettag s2;
	_ =	strace s9  }
0x27: {  	s1 =	sld [smem:$0x3FA7]  }
0x28: {  	s2 =	sld [smem:$0x3FA8]  }
0x29: {  	s4 =	sld [smem:$0x3FAA]  }
0x2a: {  	p0 =	seq.s32 s5, $0x0;
	s5 =	sld [smem:$0x3FAB]  }
0x2b: {  	s6 =	sld [smem:$0x3FAC]  }
0x2c: {  	s7 =	sld [smem:$0x3FAD]  }
0x2d: {  	s3 =	simm.s32 $0x108;
	s8 =	sld [smem:$0x3FAE]  }
0x2e: {  	s3 =	simm.s32 @!p0 $0x1082;
	s9 =	sld [smem:$0x3FAF]  }
0x2f: {  	lr =	sadd.s32 s0, s3;
	s0 =	sld [smem:$0x3FA6]  }
0x30: {  	s3 =	sld [smem:$0x3FA9]  }
0x31: {  	[smem:$0x3FB2] =	sst s10  }
0x32: {  	s10 =	sld [smem:$0x3FB0];
	_ =	sdelay $0x3  }
0x33: {  	p0 =	seq.s32 s10, $0x1;
	s10 =	sld [smem:$0x3FB2];
	_ =	sdelay $0x3  }
0x34: {  	[smem:$0x3FB2] =	sst s10  }
0x35: {  	s10 =	sld [smem:$0x3FB1];
	_ =	sdelay $0x3  }
0x36: {  	p1 =	seq.s32 s10, $0x1;
	s10 =	sld [smem:$0x3FB2];
	_ =	sdelay $0x3  }
0x37: {  	[smem:$0x3FB2] =	sst s10  }
0x38: {  	s10 =	sld [smem:$0x3FB3]  }
0x39: {  	_ = 	snop;
	(pc) =	sbr.ind lr, $3  }
0x3a: {  	_ = 	snop  }
0x3b: {  	_ = 	snop  }
0x3c: {  	p2 =	seq.s32 s10, $0x1;
	s10 =	sld [smem:$0x3FB2]  }
0x3d: {  	_ =	shalt  }
0x3e: {  	_ =	shalt  }
0x3f: {  	_ =	shalt  }
0x40: {  	_ =	shalt  }
0x41: {  	_ =	shalt  }
0x42: {  	_ =	shalt  }
0x43: {  	_ =	shalt  }
0x44: {  	_ =	shalt  }
0x45: {  	_ =	shalt  }
0x46: {  	_ =	shalt  }
0x47: {  	_ =	shalt  }
0x48: {  	_ =	shalt  }
0x49: {  	_ =	shalt  }
0x4a: {  	_ =	shalt  }
0x4b: {  	_ =	shalt  }
0x4c: {  	_ =	shalt  }
0x4d: {  	_ =	shalt  }
0x4e: {  	_ =	shalt  }
0x4f: {  	_ =	shalt  }
0x50: {  	_ =	shalt  }
0x51: {  	_ =	shalt  }
0x52: {  	_ =	shalt  }
0x53: {  	_ =	shalt  }
0x54: {  	_ =	shalt  }
0x55: {  	_ =	shalt  }
0x56: {  	_ =	shalt  }
0x57: {  	_ =	shalt  }
0x58: {  	_ =	shalt  }
0x59: {  	_ =	shalt  }
0x5a: {  	_ =	shalt  }
0x5b: {  	_ =	shalt  }
0x5c: {  	_ =	shalt  }
0x5d: {  	_ =	shalt  }
0x5e: {  	_ =	shalt  }
0x5f: {  	_ =	shalt  }
0x60: {  	_ =	shalt  }
0x61: {  	_ =	shalt  }
0x62: {  	_ =	shalt  }
0x63: {  	_ =	shalt  }
0x64: {  	_ =	shalt  }
0x65: {  	_ =	shalt  }
0x66: {  	_ =	shalt  }
0x67: {  	_ =	shalt  }
0x68: {  	_ =	shalt  }
0x69: {  	_ =	shalt  }
0x6a: {  	_ =	shalt  }
0x6b: {  	_ =	shalt  }
0x6c: {  	_ =	shalt  }
0x6d: {  	_ =	shalt  }
0x6e: {  	_ =	shalt  }
0x6f: {  	_ =	shalt  }
0x70: {  	_ =	shalt  }
0x71: {  	_ =	shalt  }
0x72: {  	_ =	shalt  }
0x73: {  	_ =	shalt  }
0x74: {  	_ =	shalt  }
0x75: {  	_ =	shalt  }
0x76: {  	_ =	shalt  }
0x77: {  	_ =	shalt  }
0x78: {  	_ =	shalt  }
0x79: {  	_ =	shalt  }
0x7a: {  	_ =	shalt  }
0x7b: {  	_ =	shalt  }
0x7c: {  	_ =	shalt  }
0x7d: {  	_ =	shalt  }
0x7e: {  	_ =	shalt  }
0x7f: {  	_ =	shalt  }
0x80: {  	_ =	shalt  }
0x81: {  	_ =	shalt  }
0x82: {  	_ =	shalt  }
0x83: {  	_ =	shalt  }
0x84: {  	_ =	shalt  }
0x85: {  	_ =	shalt  }
0x86: {  	_ =	shalt  }
0x87: {  	_ =	shalt  }
.Lfunc_end0:
.L_simem_size_0:
called_computation.1_lowered:
.L_overlay_start_0:
0x88: {  	s2 =	sld [smem:$0x3FD9]  }
0x89: {  	s3 =	sld [smem:$0x3FFE];
	_ =	sdelay $0x1  }
0x8a: {  	s1 =	srdreg.scid  }
0x8b: {  	s0 =	sand.u32 $0x1, s1  }
0x8c: {  	s16 =	sshll.u32 s0, $0xA;
	s2 =	sadd.s32 s3, s2  }
0x8d: {  	s2 =	sadd.s32 s2, s16  }
0x8e: {  	[smem:$0x3FBE] =	sst s2  }
0x8f: {  	_ = 	snop  }
0x90: {  	(tm) =	ssettm $0x1  }
0x91: {  	s17 =	sld [smem:$0x3FFB];
	_ =	sdelay $0x3  }
0x92: {  	_ =	strace s17  }
0x93: {  	s2 =	sld [smem:$0x3FFC];
	_ =	sdelay $0x3  }
0x94: {  	_ =	strace s2  }
0x95: {  	s2 =	sld [smem:$0x3FFD];
	_ =	sdelay $0x3  }
0x96: {  	_ =	strace s2  }
0x97: {  	_ =	strace $0x8FFFFFFF  }
0x98: {  	s18 =	sld [smem:$0x3FDB];
	_ =	sdelay $0x1  }
0x99: {  	s19 =	simm.s32 $_scs_section_size  }
0x9a: {  	s4 =	simm.s32 $_size__tile_overlayer_lowered;
	s5 =	simm.s32 $_tile_overlayer_lowered  }
0x9b: {  	s22 =	simm.s32 $0x1BFF;
	s21 =	sshll.u32 s5, $0x1;
	s2 =	sadd.s32 s19, s18  }
0x9c: {  	s6 =	simm.s32 $0x0;
	s20 =	sshll.u32 s4, $0x1;
	s4 =	sadd.s32 s21, s2  }
0x9d: {  	[timem:s6], [sflag:s22] =	dma.local [hbm:s4], s20  }
0x9e: {  	_ =	swait.ge [sflag:s22], s20  }
0x9f: {  	s3 =	ssub.s32 $0x0, s20;
	[sflag:s22] =	ssyncset.done $0x0  }
0xa0: {  	[sflag:s22] =	ssyncadd.s32 s3;
	_ =	sdelay $0x1  }
0xa1: {  	s23 =	simm.s32 $0x1B8B  }
0xa2: {  	_ =	swait.ge [sflag:s23], $0x1  }
0xa3: {  	[sflag:s23] =	ssyncset.done $0x0  }
0xa4: {  	s25 =	simm.s32 $0x1B8E;
	s24 =	sld [smem:$0x3FFE];
	[sflag:s23] =	ssyncadd.s32 $0xFFFFFFFF  }
0xa5: {  	s26 =	simm.s32 $execute0_lowered;
	[smem:$0x3FD2] =	sst s25  }
0xa6: {  	s4 =	sshll.u32 s26, $0x1;
	_ =	strace $0x80000049;
	[dreg:$0x1] =	wrdreg $0xFFFFFFFF  }
0xa7: {  	s28 =	simm.s32 $_size_execute0_lowered;
	s2 =	sadd.s32 s2, s4;
	[dreg:$0x0] =	wrdreg $0x0  }
0xa8: {  	s4 =	sshll.u32 s28, $0x1;
	[dreg:$0x2] =	wrdreg s2  }
0xa9: {  	[dreg:$0x3] =	wrdreg s4  }
0xaa: {  	[dreg:$0x4] =	wrdreg $0xC0  }
0xab: {  	_ =	task [dreg:s6], $0x5FFFF  }
0xac: {  	[dreg:$0x1] =	wrdreg $0xFFFFFFFF  }
0xad: {  	[dreg:$0x0] =	wrdreg $0x60  }
0xae: {  	[dreg:$0x2] =	wrdreg s24  }
0xaf: {  	[dreg:$0x3] =	wrdreg $0x9  }
0xb0: {  	_ =	task.clear_ibuf [dreg:s6], $0x4FFFF;
	_ =	strace $0x90000049  }
0xb1: {  	s29 =	simm.s32 $0x9;
	_ =	strace $0x8000004B  }
0xb2: {  	_ =	swait.ge [sflag:s29], $0x1  }
0xb3: {  	[sflag:s29] =	ssyncadd.s32 $0xFFFFFFFF  }
0xb4: {  	_ =	strace $0x9000004B  }
0xb5: {  	_ =	sfence  }
0xb6: {  	s30 =	sld [smem:$0x0];
	_ =	sdelay $0x2  }
0xb7: {  	s31 =	sshll.u32 s1, $0xD;
	s1 =	sshrl.u32 s1, $0x2  }
0xb8: {  	s3 =	sand.u32 $0x4000, s31;
	s1 =	sadd.s32 s1, s30  }
0xb9: {  	s0 =	sor.u32 s3, s0;
	s1 =	sshll.u32 s1, $0x11  }
0xba: {  	s0 =	sor.u32 s1, s0  }
0xbb: {  	s0 =	sadd.s32 $0x8F2B, s0  }
0xbc: {  	[sflag:s0] =	ssyncadd.remote.s32 $0x1  }
0xbd: {  	_ =	sfence.sel $0xFFFF  }
0xbe: {  	[dreg:$0x0] =	wrdreg $0xFFFFFFFF;
	(pc) =	sbr.abs _section_cstart, $3  }
0xbf: {  	[dreg:$0x1] =	wrdreg $0xFFFFFFFF  }
0xc0: {  	_ =	task.clear_ibuf [dreg:s6], $0x2FFFF;
	_ =	strace $0x9FFFFFFF  }
0xc1: {  	(tm) =	ssettm $0x7FFFFFFF  }
tec
execute0_lowered:
.L_overlay_start_1:
0x0: {  	(tag) =	ssettag $0x1  }
0x1: {  	s0 =	srdreg.scid  }
0x2: {  	s4 =	stileid.u32;
	s1 =	sand.u32 $0x1, s0  }
0x3: {  	s0 =	rddreg [dreg:$0x0];
	s2 =	sshll.u32 s1, $0x4;
	s1 =	ssub.s32 $0x2, s1  }
0x4: {  	s5 =	sor.u32 s4, s2;
	s2 =	simm.s32 $0x0;
	s8 =	sshrl.u32 s1, $0x1  }
0x5: {  	[smem:$0x7FF] =	sst s2;
	s1 =	ssub.s32 s1, s8;
	s8 =	sadd.s32 $0x2B580, s0  }
0x6: {  	s9 =	sadd.s32 $0x2B600, s0;
	_ =	strace $0x8000004A;
	[dreg:$0xd] =	wrdreg s8  }
0x7: {  	s10 =	sadd.s32 $0x2B680, s0;
	[dreg:$0xe] =	wrdreg s9  }
0x8: {  	s11 =	sadd.s32 $0x2B700, s0;
	[dreg:$0xf] =	wrdreg s10  }
0x9: {  	s12 =	sadd.s32 $0x2B780, s0;
	[dreg:$0x10] =	wrdreg s11  }
0xa: {  	s13 =	sadd.s32 $0x2B800, s0;
	[dreg:$0x11] =	wrdreg s12  }
0xb: {  	s14 =	sadd.s32 $0x2B880, s0;
	[dreg:$0x12] =	wrdreg s13  }
0xc: {  	s15 =	sadd.s32 $0x2B900, s0;
	[dreg:$0x13] =	wrdreg s14  }
0xd: {  	s16 =	sadd.s32 $0x2B980, s0;
	[dreg:$0x14] =	wrdreg s15  }
0xe: {  	s17 =	sadd.s32 $0x2BA00, s0;
	[dreg:$0x15] =	wrdreg s16  }
0xf: {  	s19 =	sshll.u32 s4, $0x9;
	s18 =	sadd.s32 $0x2BA80, s0;
	[dreg:$0x16] =	wrdreg s17  }
0x10: {  	s7 =	sand.u32 $0x200, s19;
	s19 =	sadd.s32 $0x2BB00, s0;
	[dreg:$0x17] =	wrdreg s18  }
0x11: {  	s1 =	smax.u32 s1, $0x1;
	[dreg:$0x18] =	wrdreg s19  }
0x12: {  	s8 =	sadd.s32 $0x35900, s0;
	[dreg:$0xa] =	wrdreg s1  }
0x13: {  	s9 =	sadd.s32 $0x35980, s0;
	[smem:$0x7E9] =	sst s8  }
0x14: {  	s10 =	sadd.s32 $0x35A00, s0;
	[smem:$0x7EA] =	sst s9  }
0x15: {  	s11 =	sadd.s32 $0x35A80, s0;
	[smem:$0x7EB] =	sst s10  }
0x16: {  	s12 =	sadd.s32 $0x35B00, s0;
	[smem:$0x7EC] =	sst s11  }
0x17: {  	s13 =	sadd.s32 $0x35B80, s0;
	[smem:$0x7ED] =	sst s12  }
0x18: {  	s14 =	sadd.s32 $0x67480, s0;
	[smem:$0x7EE] =	sst s13  }
0x19: {  	s15 =	sadd.s32 $0x67500, s0;
	[smem:$0x7EF] =	sst s14  }
0x1a: {  	s16 =	sadd.s32 $0x67580, s0;
	[smem:$0x7F0] =	sst s15  }
0x1b: {  	s3 =	sshrl.u32 s5, $0x1;
	s17 =	sadd.s32 $0x67600, s0;
	[smem:$0x7F1] =	sst s16  }
0x1c: {  	s20 =	smul.u32 $0x1400, s5;
	s18 =	sadd.s32 $0x67680, s0;
	[smem:$0x7F2] =	sst s17  }
0x1d: {  	s6 =	smul.u32 $0x14000, s3;
	s19 =	sadd.s32 $0x67700, s0;
	[smem:$0x7F3] =	sst s18  }
0x1e: {  	[smem:$0x7F4] =	sst s19  }
0x1f: {  	s6 =	sor.u32 s7, s6;
	s7 =	sadd.s32 s20, s0;
	s20 =	sadd.s32 $0x2BB80, s0  }
0x20: {  	s24 =	sadd.s32 $0x71400, s7;
	[dreg:$0x19] =	wrdreg s20  }
0x21: {  	s25 =	sadd.s32 $0x71410, s7;
	[dreg:$0x6] =	wrdreg s24  }
0x22: {  	s26 =	sadd.s32 $0x71420, s7;
	[dreg:$0x7] =	wrdreg s25  }
0x23: {  	s28 =	sadd.s32 $0x71430, s7;
	[dreg:$0x8] =	wrdreg s26  }
0x24: {  	s7 =	sadd.s32 $0x2B500, s0;
	[dreg:$0x9] =	wrdreg s28  }
0x25: {  	s29 =	simm.s32 $0x16480;
	s20 =	sadd.s32 $0x67780, s0;
	[dreg:$0xc] =	wrdreg s7  }
0x26: {  	s30 =	simm.s32 $0x16580;
	s24 =	sadd.s32 $0x35600, s0;
	[smem:$0x7F5] =	sst s20  }
0x27: {  	s31 =	simm.s32 $0x16680;
	s25 =	sadd.s32 $0x35680, s0;
	[dreg:$0x1d] =	wrdreg s24  }
0x28: {  	s4 =	sadd.s32 $0x35400, s0;
	s26 =	sadd.s32 $0x35700, s0;
	[dreg:$0x1e] =	wrdreg s25  }
0x29: {  	s6 =	sshrl.u32 s6, $0x3;
	s28 =	sadd.s32 $0x35780, s0;
	[dreg:$0x1f] =	wrdreg s26  }
0x2a: {  	s6 =	sadd.s32 s6, s0;
	s7 =	sadd.s32 $0x35880, s0;
	[smem:$0x7E6] =	sst s28  }
0x2b: {  	s5 =	sadd.s32 $0x67400, s0;
	s21 =	sadd.s32 $0x3F400, s6;
	[smem:$0x7E8] =	sst s7  }
0x2c: {  	s3 =	sadd.s32 $0x2B400, s0;
	s22 =	sadd.s32 $0x3F410, s6;
	[dreg:$0x2] =	wrdreg s21  }
0x2d: {  	s9 =	simm.s32 $0x2800;
	s23 =	sadd.s32 $0x3F420, s6;
	[dreg:$0x3] =	wrdreg s22  }
0x2e: {  	s10 =	simm.s32 $0x5000;
	s6 =	sadd.s32 $0x3F430, s6;
	[dreg:$0x4] =	wrdreg s23  }
0x2f: {  	s11 =	simm.s32 $0x7800;
	s24 =	sadd.s32 $0x67980, s0;
	[dreg:$0x5] =	wrdreg s6  }
0x30: {  	s14 =	simm.s32 $0x1;
	s25 =	sadd.s32 $0x67A00, s0;
	[smem:$0x7F9] =	sst s24  }
0x31: {  	s1 =	simm.s32 $0x16780;
	s26 =	sadd.s32 $0x67A80, s0;
	[smem:$0x7FA] =	sst s25  }
0x32: {  	s12 =	simm.s32 $0x16B80;
	s28 =	sadd.s32 $0x67B00, s0;
	[smem:$0x7FB] =	sst s26  }
0x33: {  	s13 =	simm.s32 $0x16C80;
	s6 =	sadd.s32 $0x2B480, s0;
	[smem:$0x7FC] =	sst s28  }
0x34: {  	s8 =	simm.s32 $0x16D80;
	s21 =	sadd.s32 $0x35480, s0;
	[dreg:$0xb] =	wrdreg s6  }
0x35: {  	s15 =	simm.s32 $0x16E80;
	s22 =	sadd.s32 $0x35500, s0;
	[dreg:$0x1a] =	wrdreg s21  }
0x36: {  	s16 =	simm.s32 $0x16F80;
	s23 =	sadd.s32 $0x35580, s0;
	[dreg:$0x1b] =	wrdreg s22  }
0x37: {  	s17 =	simm.s32 $0xA000;
	[dreg:$0x1c] =	wrdreg s23;
	s6 =	sadd.s32 $0x35800, s0  }
0x38: {  	s18 =	simm.s32 $0xC800;
	s21 =	sadd.s32 $0x67800, s0;
	[smem:$0x7E7] =	sst s6  }
0x39: {  	s19 =	simm.s32 $0xF000;
	s22 =	sadd.s32 $0x67880, s0;
	[smem:$0x7F6] =	sst s21  }
0x3a: {  	s20 =	simm.s32 $0x11800;
	s23 =	sadd.s32 $0x67900, s0;
	[smem:$0x7F7] =	sst s22  }
0x3b: {  	s7 =	simm.s32 $0x16980;
	s0 =	sadd.s32 $0x67B80, s0;
	[smem:$0x7F8] =	sst s23  }
0x3c: {  	s24 =	simm.s32 $0x2;
	[smem:$0x7FD] =	sst s0;
	s22 =	simm.s32 $0x80  }
0x3d: {  	v0 =	vimm.f32 $0.0e+00;
	s0 =	simm.s32 $0x16880;
	s6 =	simm.s32 $0x16A80;
	s23 =	simm.s32 $0x0  }
.LBB2_1:
0x3e: {  	[smem:$0x7E5] =	sst s23  }
0x3f: {  	s21 =	rddreg [dreg:$0x2];
	s23 =	simm.s32 $0x400  }
0x40: {  	[tilespmem:s2], [sflag:$0x2] =	stream.strided.gather [hbm4b:s21+s22], $0x2800, s23, s22, $0x38;
	[tilespmem:$0x17000] =	vst v63  }
0x41: {  	_ =	swait.ge [sflag:s24], $0x2800  }
0x42: {  	[sflag:s24] =	ssyncset.done $0x0  }
0x43: {  	s25 =	rddreg [dreg:$0x3];
	[sflag:s24] =	ssyncadd.s32 $0xFFFFD800  }
0x44: {  	[tilespmem:s9], [sflag:$0x2] =	stream.strided.gather [hbm4b:s25+s22], $0x2800, s23, s22, $0x38;
	[tilespmem:$0x17000] =	vst v63  }
0x45: {  	_ =	swait.ge [sflag:s24], $0x2800  }
0x46: {  	[sflag:s24] =	ssyncset.done $0x0  }
0x47: {  	s26 =	rddreg [dreg:$0x4];
	[sflag:s24] =	ssyncadd.s32 $0xFFFFD800  }
0x48: {  	[tilespmem:s10], [sflag:$0x2] =	stream.strided.gather [hbm4b:s26+s22], $0x2800, s23, s22, $0x38;
	[tilespmem:$0x17000] =	vst v63  }
0x49: {  	_ =	swait.ge [sflag:s24], $0x2800  }
0x4a: {  	[sflag:s24] =	ssyncset.done $0x0  }
0x4b: {  	s28 =	rddreg [dreg:$0x5];
	[sflag:s24] =	ssyncadd.s32 $0xFFFFD800  }
0x4c: {  	[tilespmem:s11], [sflag:$0x2] =	stream.strided.gather [hbm4b:s28+s22], $0x2800, s23, s22, $0x38;
	[tilespmem:$0x17000] =	vst v63  }
0x4d: {  	_ =	swait.ge [sflag:s24], $0x2800  }
0x4e: {  	[sflag:s24] =	ssyncset.done $0x0  }
0x4f: {  	s21 =	simm.s32 $0x0;
	s22 =	simm.s32 $0x40;
	[sflag:s24] =	ssyncadd.s32 $0xFFFFD800  }
.LBB2_2:
0x50: {  	p0 =	sne.s32 s22, $0x9FC0;
	[tilespmem:s21+$0x11800] =	vst v0;
	s23 =	smov.u32 s22;
	s22 =	sadd.s32 $0x40, s22  }
.Ltmp0:
0x51: {  	[tilespmem:s21+$0xF000] =	vst v0;
	(pc) =	sbr.rel @p0 .LBB2_2-.Ltmp0, $3  }
0x52: {  	[tilespmem:s21+$0xA000] =	vst v0  }
0x53: {  	[tilespmem:s21+$0xC800] =	vst v0;
	_ =	sdelay $0x1  }
0x54: {  	s21 =	sshra.s32 s23, $0x2  }
0x55: {  	[tilespmem:s21+$0x11800] =	vst v0  }
0x56: {  	[tilespmem:s21+$0xF000] =	vst v0  }
0x57: {  	[tilespmem:s21+$0xA000] =	vst v0  }
0x58: {  	[tilespmem:s21+$0xC800] =	vst v0;
	s21 =	simm.s32 $0x0;
	s22 =	simm.s32 $0x14000  }
0x59: {  	[tilespmem:s22], [sflag:$0x1] =	stream.linear.gather [hbm4b:s3+s21], $0x80, $0x38;
	[tilespmem:$0x17000] =	vst v63  }
0x5a: {  	s28 =	rddreg [dreg:$0xb];
	s23 =	simm.s32 $0x14100  }
0x5b: {  	[tilespmem:s23], [sflag:$0x1] =	stream.linear.gather [hbm4b:s28+s21], $0x80, $0x38;
	[tilespmem:$0x17000] =	vst v63  }
0x5c: {  	s24 =	rddreg [dreg:$0xc];
	s25 =	simm.s32 $0x14200  }
0x5d: {  	[tilespmem:s25], [sflag:$0x1] =	stream.linear.gather [hbm4b:s24+s21], $0x80, $0x38;
	[tilespmem:$0x17000] =	vst v63  }
0x5e: {  	s26 =	rddreg [dreg:$0xd];
	s28 =	simm.s32 $0x14300  }
0x5f: {  	[tilespmem:s28], [sflag:$0x1] =	stream.linear.gather [hbm4b:s26+s21], $0x80, $0x38;
	[tilespmem:$0x17000] =	vst v63  }
0x60: {  	s24 =	rddreg [dreg:$0xe];
	s25 =	simm.s32 $0x14400  }
0x61: {  	[tilespmem:s25], [sflag:$0x1] =	stream.linear.gather [hbm4b:s24+s21], $0x80, $0x38;
	[tilespmem:$0x17000] =	vst v63  }
0x62: {  	s26 =	rddreg [dreg:$0xf];
	s28 =	simm.s32 $0x14500  }
0x63: {  	[tilespmem:s28], [sflag:$0x1] =	stream.linear.gather [hbm4b:s26+s21], $0x80, $0x38;
	[tilespmem:$0x17000] =	vst v63  }
0x64: {  	s24 =	rddreg [dreg:$0x10];
	s25 =	simm.s32 $0x14600  }
0x65: {  	[tilespmem:s25], [sflag:$0x1] =	stream.linear.gather [hbm4b:s24+s21], $0x80, $0x38;
	[tilespmem:$0x17000] =	vst v63  }
0x66: {  	s26 =	rddreg [dreg:$0x11];
	s28 =	simm.s32 $0x14700  }
0x67: {  	[tilespmem:s28], [sflag:$0x1] =	stream.linear.gather [hbm4b:s26+s21], $0x80, $0x38;
	[tilespmem:$0x17000] =	vst v63  }
0x68: {  	s24 =	rddreg [dreg:$0x12];
	s25 =	simm.s32 $0x14800  }
0x69: {  	[tilespmem:s25], [sflag:$0x1] =	stream.linear.gather [hbm4b:s24+s21], $0x80, $0x38;
	[tilespmem:$0x17000] =	vst v63  }
0x6a: {  	s26 =	rddreg [dreg:$0x13];
	s28 =	simm.s32 $0x14900  }
0x6b: {  	[tilespmem:s28], [sflag:$0x1] =	stream.linear.gather [hbm4b:s26+s21], $0x80, $0x38;
	[tilespmem:$0x17000] =	vst v63  }
0x6c: {  	s24 =	rddreg [dreg:$0x14];
	s25 =	simm.s32 $0x14A00  }
0x6d: {  	[tilespmem:s25], [sflag:$0x1] =	stream.linear.gather [hbm4b:s24+s21], $0x80, $0x38;
	[tilespmem:$0x17000] =	vst v63  }
0x6e: {  	s26 =	rddreg [dreg:$0x15];
	s28 =	simm.s32 $0x14B00  }
0x6f: {  	[tilespmem:s28], [sflag:$0x1] =	stream.linear.gather [hbm4b:s26+s21], $0x80, $0x38;
	[tilespmem:$0x17000] =	vst v63  }
0x70: {  	s24 =	rddreg [dreg:$0x16];
	s25 =	simm.s32 $0x14C00  }
0x71: {  	[tilespmem:s25], [sflag:$0x1] =	stream.linear.gather [hbm4b:s24+s21], $0x80, $0x38;
	[tilespmem:$0x17000] =	vst v63  }
0x72: {  	s26 =	rddreg [dreg:$0x17];
	s28 =	simm.s32 $0x14D00  }
0x73: {  	[tilespmem:s28], [sflag:$0x1] =	stream.linear.gather [hbm4b:s26+s21], $0x80, $0x38;
	[tilespmem:$0x17000] =	vst v63  }
0x74: {  	s24 =	rddreg [dreg:$0x18];
	s25 =	simm.s32 $0x14E00  }
0x75: {  	[tilespmem:s25], [sflag:$0x1] =	stream.linear.gather [hbm4b:s24+s21], $0x80, $0x38;
	[tilespmem:$0x17000] =	vst v63  }
0x76: {  	s26 =	rddreg [dreg:$0x19];
	s28 =	simm.s32 $0x14F00  }
0x77: {  	[tilespmem:s28], [sflag:$0x1] =	stream.linear.gather [hbm4b:s26+s21], $0x80, $0x38;
	[tilespmem:$0x17000] =	vst v63  }
0x78: {  	s23 =	simm.s32 $0x15000;
	s24 =	rddreg [dreg:$0x1a]  }
0x79: {  	[tilespmem:s23], [sflag:$0x1] =	stream.linear.gather [hbm4b:s4+s21], $0x80, $0x38;
	[tilespmem:$0x17000] =	vst v63  }
0x7a: {  	s25 =	simm.s32 $0x15100;
	s26 =	rddreg [dreg:$0x1b]  }
0x7b: {  	[tilespmem:s25], [sflag:$0x1] =	stream.linear.gather [hbm4b:s24+s21], $0x80, $0x38;
	[tilespmem:$0x17000] =	vst v63  }
0x7c: {  	s28 =	simm.s32 $0x15200;
	s24 =	rddreg [dreg:$0x1c]  }
0x7d: {  	[tilespmem:s28], [sflag:$0x1] =	stream.linear.gather [hbm4b:s26+s21], $0x80, $0x38;
	[tilespmem:$0x17000] =	vst v63  }
0x7e: {  	s25 =	simm.s32 $0x15300;
	s26 =	rddreg [dreg:$0x1d]  }
0x7f: {  	[tilespmem:s25], [sflag:$0x1] =	stream.linear.gather [hbm4b:s24+s21], $0x80, $0x38;
	[tilespmem:$0x17000] =	vst v63  }
0x80: {  	s28 =	simm.s32 $0x15400;
	s24 =	rddreg [dreg:$0x1e]  }
0x81: {  	[tilespmem:s28], [sflag:$0x1] =	stream.linear.gather [hbm4b:s26+s21], $0x80, $0x38;
	[tilespmem:$0x17000] =	vst v63  }
0x82: {  	s25 =	simm.s32 $0x15500;
	s26 =	rddreg [dreg:$0x1f]  }
0x83: {  	[tilespmem:s25], [sflag:$0x1] =	stream.linear.gather [hbm4b:s24+s21], $0x80, $0x38;
	[tilespmem:$0x17000] =	vst v63  }
0x84: {  	s28 =	simm.s32 $0x15600;
	s24 =	sld [smem:$0x7E6]  }
0x85: {  	[tilespmem:s28], [sflag:$0x1] =	stream.linear.gather [hbm4b:s26+s21], $0x80, $0x38;
	[tilespmem:$0x17000] =	vst v63  }
0x86: {  	s25 =	simm.s32 $0x15700;
	s26 =	sld [smem:$0x7E7]  }
0x87: {  	[tilespmem:s25], [sflag:$0x1] =	stream.linear.gather [hbm4b:s24+s21], $0x80, $0x38;
	[tilespmem:$0x17000] =	vst v63  }
0x88: {  	s28 =	simm.s32 $0x15800;
	s24 =	sld [smem:$0x7E8]  }
0x89: {  	[tilespmem:s28], [sflag:$0x1] =	stream.linear.gather [hbm4b:s26+s21], $0x80, $0x38;
	[tilespmem:$0x17000] =	vst v63  }
0x8a: {  	s25 =	simm.s32 $0x15900;
	s26 =	sld [smem:$0x7E9]  }
0x8b: {  	[tilespmem:s25], [sflag:$0x1] =	stream.linear.gather [hbm4b:s24+s21], $0x80, $0x38;
	[tilespmem:$0x17000] =	vst v63  }
0x8c: {  	s28 =	simm.s32 $0x15A00;
	s24 =	sld [smem:$0x7EA]  }
0x8d: {  	[tilespmem:s28], [sflag:$0x1] =	stream.linear.gather [hbm4b:s26+s21], $0x80, $0x38;
	[tilespmem:$0x17000] =	vst v63  }
0x8e: {  	s25 =	simm.s32 $0x15B00;
	s26 =	sld [smem:$0x7EB]  }
0x8f: {  	[tilespmem:s25], [sflag:$0x1] =	stream.linear.gather [hbm4b:s24+s21], $0x80, $0x38;
	[tilespmem:$0x17000] =	vst v63  }
0x90: {  	s28 =	simm.s32 $0x15C00;
	s24 =	sld [smem:$0x7EC]  }
0x91: {  	[tilespmem:s28], [sflag:$0x1] =	stream.linear.gather [hbm4b:s26+s21], $0x80, $0x38;
	[tilespmem:$0x17000] =	vst v63  }
0x92: {  	s25 =	simm.s32 $0x15D00;
	s26 =	sld [smem:$0x7ED]  }
0x93: {  	[tilespmem:s25], [sflag:$0x1] =	stream.linear.gather [hbm4b:s24+s21], $0x80, $0x38;
	[tilespmem:$0x17000] =	vst v63  }
0x94: {  	s23 =	sld [smem:$0x7EE];
	s28 =	simm.s32 $0x15E00  }
0x95: {  	[tilespmem:s28], [sflag:$0x1] =	stream.linear.gather [hbm4b:s26+s21], $0x80, $0x38;
	[tilespmem:$0x17000] =	vst v63  }
0x96: {  	s24 =	simm.s32 $0x15F00  }
0x97: {  	[tilespmem:s24], [sflag:$0x1] =	stream.linear.gather [hbm4b:s23+s21], $0x80, $0x38;
	[tilespmem:$0x17000] =	vst v63  }
0x98: {  	s25 =	simm.s32 $0x16000;
	s26 =	sld [smem:$0x7EF]  }
0x99: {  	[tilespmem:s25], [sflag:$0x1] =	stream.linear.gather [hbm4b:s5+s21], $0x80, $0x38;
	[tilespmem:$0x17000] =	vst v63  }
0x9a: {  	s28 =	simm.s32 $0x16100;
	s24 =	sld [smem:$0x7F0]  }
0x9b: {  	[tilespmem:s28], [sflag:$0x1] =	stream.linear.gather [hbm4b:s26+s21], $0x80, $0x38;
	[tilespmem:$0x17000] =	vst v63  }
0x9c: {  	s25 =	simm.s32 $0x16200;
	s26 =	sld [smem:$0x7F1]  }
0x9d: {  	[tilespmem:s25], [sflag:$0x1] =	stream.linear.gather [hbm4b:s24+s21], $0x80, $0x38;
	[tilespmem:$0x17000] =	vst v63  }
0x9e: {  	s28 =	simm.s32 $0x16300;
	s24 =	sld [smem:$0x7F2]  }
0x9f: {  	[tilespmem:s28], [sflag:$0x1] =	stream.linear.gather [hbm4b:s26+s21], $0x80, $0x38;
	[tilespmem:$0x17000] =	vst v63  }
0xa0: {  	s25 =	simm.s32 $0x16400;
	s26 =	sld [smem:$0x7F3]  }
0xa1: {  	[tilespmem:s25], [sflag:$0x1] =	stream.linear.gather [hbm4b:s24+s21], $0x80, $0x38;
	[tilespmem:$0x17000] =	vst v63  }
0xa2: {  	s28 =	simm.s32 $0x16500;
	s24 =	sld [smem:$0x7F4]  }
0xa3: {  	[tilespmem:s28], [sflag:$0x1] =	stream.linear.gather [hbm4b:s26+s21], $0x80, $0x38;
	[tilespmem:$0x17000] =	vst v63  }
0xa4: {  	s25 =	simm.s32 $0x16600;
	s26 =	sld [smem:$0x7F5]  }
0xa5: {  	[tilespmem:s25], [sflag:$0x1] =	stream.linear.gather [hbm4b:s24+s21], $0x80, $0x38;
	[tilespmem:$0x17000] =	vst v63  }
0xa6: {  	s28 =	simm.s32 $0x16700;
	s24 =	sld [smem:$0x7F6]  }
0xa7: {  	[tilespmem:s28], [sflag:$0x1] =	stream.linear.gather [hbm4b:s26+s21], $0x80, $0x38;
	[tilespmem:$0x17000] =	vst v63  }
0xa8: {  	s25 =	simm.s32 $0x16800;
	s26 =	sld [smem:$0x7F7]  }
0xa9: {  	[tilespmem:s25], [sflag:$0x1] =	stream.linear.gather [hbm4b:s24+s21], $0x80, $0x38;
	[tilespmem:$0x17000] =	vst v63  }
0xaa: {  	s28 =	simm.s32 $0x16900;
	s24 =	sld [smem:$0x7F8]  }
0xab: {  	[tilespmem:s28], [sflag:$0x1] =	stream.linear.gather [hbm4b:s26+s21], $0x80, $0x38;
	[tilespmem:$0x17000] =	vst v63  }
0xac: {  	s25 =	simm.s32 $0x16A00;
	s26 =	sld [smem:$0x7F9]  }
0xad: {  	[tilespmem:s25], [sflag:$0x1] =	stream.linear.gather [hbm4b:s24+s21], $0x80, $0x38;
	[tilespmem:$0x17000] =	vst v63  }
0xae: {  	s28 =	simm.s32 $0x16B00;
	s24 =	sld [smem:$0x7FA]  }
0xaf: {  	[tilespmem:s28], [sflag:$0x1] =	stream.linear.gather [hbm4b:s26+s21], $0x80, $0x38;
	[tilespmem:$0x17000] =	vst v63  }
0xb0: {  	s25 =	simm.s32 $0x16C00;
	s26 =	sld [smem:$0x7FB]  }
0xb1: {  	[tilespmem:s25], [sflag:$0x1] =	stream.linear.gather [hbm4b:s24+s21], $0x80, $0x38;
	[tilespmem:$0x17000] =	vst v63  }
0xb2: {  	s28 =	simm.s32 $0x16D00;
	s24 =	sld [smem:$0x7FC]  }
0xb3: {  	[tilespmem:s28], [sflag:$0x1] =	stream.linear.gather [hbm4b:s26+s21], $0x80, $0x38;
	[tilespmem:$0x17000] =	vst v63  }
0xb4: {  	s25 =	simm.s32 $0x16E00;
	s26 =	sld [smem:$0x7FD]  }
0xb5: {  	[tilespmem:s25], [sflag:$0x1] =	stream.linear.gather [hbm4b:s24+s21], $0x80, $0x38;
	[tilespmem:$0x17000] =	vst v63  }
0xb6: {  	s22 =	simm.s32 $0x0;
	s28 =	simm.s32 $0x16F00  }
0xb7: {  	[tilespmem:s28], [sflag:$0x1] =	stream.linear.gather [hbm4b:s26+s21], $0x80, $0x38;
	[tilespmem:$0x17000] =	vst v63  }
.LBB2_4:
0xb8: {  	_ =	swait.ge [sflag:s14], $0x800  }
0xb9: {  	[sflag:s14] =	ssyncset.done $0x0  }
0xba: {  	[sflag:s14] =	ssyncadd.s32 $0xFFFFF800  }
0xbb: {  	_ =	swait.ge [sflag:s14], $0x800  }
0xbc: {  	s23 =	sshll.u32 s22, $0x9;
	s24 =	sshll.u32 s22, $0x5;
	[sflag:s14] =	ssyncset.done $0x0  }
0xbd: {  	s23 =	sand.u32 $0xF800, s23;
	s24 =	sand.u32 $0x60, s24;
	[sflag:s14] =	ssyncadd.s32 $0xFFFFF800  }
0xbe: {  	s23 =	sor.u32 s23, s24;
	_ =	swait.ge [sflag:s14], $0x800  }
0xbf: {  	s23 =	sor.u32 $0x10, s23;
	[sflag:s14] =	ssyncset.done $0x0  }
0xc0: {  	s25 =	simm.s32 $0x14080;
	s24 =	sadd.s32 s3, s23;
	[sflag:s14] =	ssyncadd.s32 $0xFFFFF800  }
0xc1: {  	[tilespmem:s25], [sflag:$0x1] =	stream.linear.gather [hbm4b:s24+s21], $0x80, $0x38;
	[tilespmem:$0x17000] =	vst v63  }
0xc2: {  	s26 =	simm.s32 $0x14180;
	s28 =	sadd.s32 $0x80, s24  }
0xc3: {  	[tilespmem:s26], [sflag:$0x1] =	stream.linear.gather [hbm4b:s28+s21], $0x80, $0x38;
	[tilespmem:$0x17000] =	vst v63  }
0xc4: {  	s26 =	sadd.s32 $0x100, s24;
	s28 =	simm.s32 $0x14280  }
0xc5: {  	[tilespmem:s28], [sflag:$0x1] =	stream.linear.gather [hbm4b:s26+s21], $0x80, $0x38;
	[tilespmem:$0x17000] =	vst v63  }
0xc6: {  	s26 =	sadd.s32 $0x180, s24;
	s28 =	simm.s32 $0x14380  }
0xc7: {  	[tilespmem:s28], [sflag:$0x1] =	stream.linear.gather [hbm4b:s26+s21], $0x80, $0x38;
	[tilespmem:$0x17000] =	vst v63  }
0xc8: {  	s26 =	sadd.s32 $0x200, s24;
	s28 =	simm.s32 $0x14480  }
0xc9: {  	[tilespmem:s28], [sflag:$0x1] =	stream.linear.gather [hbm4b:s26+s21], $0x80, $0x38;
	[tilespmem:$0x17000] =	vst v63  }
0xca: {  	s26 =	sadd.s32 $0x280, s24;
	s28 =	simm.s32 $0x14580  }
0xcb: {  	[tilespmem:s28], [sflag:$0x1] =	stream.linear.gather [hbm4b:s26+s21], $0x80, $0x38;
	[tilespmem:$0x17000] =	vst v63  }
0xcc: {  	s26 =	sadd.s32 $0x300, s24;
	s28 =	simm.s32 $0x14680  }
0xcd: {  	[tilespmem:s28], [sflag:$0x1] =	stream.linear.gather [hbm4b:s26+s21], $0x80, $0x38;
	[tilespmem:$0x17000] =	vst v63  }
0xce: {  	s26 =	sadd.s32 $0x380, s24;
	s28 =	simm.s32 $0x14780  }
0xcf: {  	[tilespmem:s28], [sflag:$0x1] =	stream.linear.gather [hbm4b:s26+s21], $0x80, $0x38;
	[tilespmem:$0x17000] =	vst v63  }
0xd0: {  	s26 =	sadd.s32 $0x400, s24;
	s28 =	simm.s32 $0x14880  }
0xd1: {  	[tilespmem:s28], [sflag:$0x1] =	stream.linear.gather [hbm4b:s26+s21], $0x80, $0x38;
	[tilespmem:$0x17000] =	vst v63  }
0xd2: {  	s26 =	sadd.s32 $0x480, s24;
	s28 =	simm.s32 $0x14980  }
0xd3: {  	[tilespmem:s28], [sflag:$0x1] =	stream.linear.gather [hbm4b:s26+s21], $0x80, $0x38;
	[tilespmem:$0x17000] =	vst v63  }
0xd4: {  	s26 =	sadd.s32 $0x500, s24;
	s28 =	simm.s32 $0x14A80  }
0xd5: {  	[tilespmem:s28], [sflag:$0x1] =	stream.linear.gather [hbm4b:s26+s21], $0x80, $0x38;
	[tilespmem:$0x17000] =	vst v63  }
0xd6: {  	s26 =	sadd.s32 $0x580, s24;
	s28 =	simm.s32 $0x14B80  }
0xd7: {  	[tilespmem:s28], [sflag:$0x1] =	stream.linear.gather [hbm4b:s26+s21], $0x80, $0x38;
	[tilespmem:$0x17000] =	vst v63  }
0xd8: {  	s26 =	sadd.s32 $0x600, s24;
	s28 =	simm.s32 $0x14C80  }
0xd9: {  	[tilespmem:s28], [sflag:$0x1] =	stream.linear.gather [hbm4b:s26+s21], $0x80, $0x38;
	[tilespmem:$0x17000] =	vst v63  }
0xda: {  	s26 =	sadd.s32 $0x680, s24;
	s28 =	simm.s32 $0x14D80  }
0xdb: {  	[tilespmem:s28], [sflag:$0x1] =	stream.linear.gather [hbm4b:s26+s21], $0x80, $0x38;
	[tilespmem:$0x17000] =	vst v63  }
0xdc: {  	s26 =	sadd.s32 $0x700, s24;
	s28 =	simm.s32 $0x14E80  }
0xdd: {  	[tilespmem:s28], [sflag:$0x1] =	stream.linear.gather [hbm4b:s26+s21], $0x80, $0x38;
	[tilespmem:$0x17000] =	vst v63  }
0xde: {  	s24 =	sadd.s32 $0x780, s24;
	s26 =	simm.s32 $0x14F80  }
0xdf: {  	[tilespmem:s26], [sflag:$0x1] =	stream.linear.gather [hbm4b:s24+s21], $0x80, $0x38;
	[tilespmem:$0x17000] =	vst v63  }
0xe0: {  	s28 =	simm.s32 $0x15080;
	s24 =	sadd.s32 s4, s23  }
0xe1: {  	[tilespmem:s28], [sflag:$0x1] =	stream.linear.gather [hbm4b:s24+s21], $0x80, $0x38;
	[tilespmem:$0x17000] =	vst v63  }
0xe2: {  	s26 =	sadd.s32 $0x80, s24;
	s28 =	simm.s32 $0x15180  }
0xe3: {  	[tilespmem:s28], [sflag:$0x1] =	stream.linear.gather [hbm4b:s26+s21], $0x80, $0x38;
	[tilespmem:$0x17000] =	vst v63  }
0xe4: {  	s26 =	sadd.s32 $0x100, s24;
	s28 =	simm.s32 $0x15280  }
0xe5: {  	[tilespmem:s28], [sflag:$0x1] =	stream.linear.gather [hbm4b:s26+s21], $0x80, $0x38;
	[tilespmem:$0x17000] =	vst v63  }
0xe6: {  	s26 =	sadd.s32 $0x180, s24;
	s28 =	simm.s32 $0x15380  }
0xe7: {  	[tilespmem:s28], [sflag:$0x1] =	stream.linear.gather [hbm4b:s26+s21], $0x80, $0x38;
	[tilespmem:$0x17000] =	vst v63  }
0xe8: {  	s26 =	sadd.s32 $0x200, s24;
	s28 =	simm.s32 $0x15480  }
0xe9: {  	[tilespmem:s28], [sflag:$0x1] =	stream.linear.gather [hbm4b:s26+s21], $0x80, $0x38;
	[tilespmem:$0x17000] =	vst v63  }
0xea: {  	s26 =	sadd.s32 $0x280, s24;
	s28 =	simm.s32 $0x15580  }
0xeb: {  	[tilespmem:s28], [sflag:$0x1] =	stream.linear.gather [hbm4b:s26+s21], $0x80, $0x38;
	[tilespmem:$0x17000] =	vst v63  }
0xec: {  	s26 =	sadd.s32 $0x300, s24;
	s28 =	simm.s32 $0x15680  }
0xed: {  	[tilespmem:s28], [sflag:$0x1] =	stream.linear.gather [hbm4b:s26+s21], $0x80, $0x38;
	[tilespmem:$0x17000] =	vst v63  }
0xee: {  	s26 =	sadd.s32 $0x380, s24;
	s28 =	simm.s32 $0x15780  }
0xef: {  	[tilespmem:s28], [sflag:$0x1] =	stream.linear.gather [hbm4b:s26+s21], $0x80, $0x38;
	[tilespmem:$0x17000] =	vst v63  }
0xf0: {  	s26 =	sadd.s32 $0x400, s24;
	s28 =	simm.s32 $0x15880  }
0xf1: {  	[tilespmem:s28], [sflag:$0x1] =	stream.linear.gather [hbm4b:s26+s21], $0x80, $0x38;
	[tilespmem:$0x17000] =	vst v63  }
0xf2: {  	s26 =	sadd.s32 $0x480, s24;
	s28 =	simm.s32 $0x15980  }
0xf3: {  	[tilespmem:s28], [sflag:$0x1] =	stream.linear.gather [hbm4b:s26+s21], $0x80, $0x38;
	[tilespmem:$0x17000] =	vst v63  }
0xf4: {  	s26 =	sadd.s32 $0x500, s24;
	s28 =	simm.s32 $0x15A80  }
0xf5: {  	[tilespmem:s28], [sflag:$0x1] =	stream.linear.gather [hbm4b:s26+s21], $0x80, $0x38;
	[tilespmem:$0x17000] =	vst v63  }
0xf6: {  	s26 =	sadd.s32 $0x580, s24;
	s28 =	simm.s32 $0x15B80  }
0xf7: {  	[tilespmem:s28], [sflag:$0x1] =	stream.linear.gather [hbm4b:s26+s21], $0x80, $0x38;
	[tilespmem:$0x17000] =	vst v63  }
0xf8: {  	s26 =	sadd.s32 $0x600, s24;
	s28 =	simm.s32 $0x15C80  }
0xf9: {  	[tilespmem:s28], [sflag:$0x1] =	stream.linear.gather [hbm4b:s26+s21], $0x80, $0x38;
	[tilespmem:$0x17000] =	vst v63  }
0xfa: {  	s26 =	sadd.s32 $0x680, s24;
	s28 =	simm.s32 $0x15D80  }
0xfb: {  	[tilespmem:s28], [sflag:$0x1] =	stream.linear.gather [hbm4b:s26+s21], $0x80, $0x38;
	[tilespmem:$0x17000] =	vst v63  }
0xfc: {  	s26 =	sadd.s32 $0x700, s24;
	s28 =	simm.s32 $0x15E80  }
0xfd: {  	[tilespmem:s28], [sflag:$0x1] =	stream.linear.gather [hbm4b:s26+s21], $0x80, $0x38;
	[tilespmem:$0x17000] =	vst v63  }
0xfe: {  	s24 =	sadd.s32 $0x780, s24;
	s28 =	simm.s32 $0x15F80  }
0xff: {  	[tilespmem:s28], [sflag:$0x1] =	stream.linear.gather [hbm4b:s24+s21], $0x80, $0x38;
	[tilespmem:$0x17000] =	vst v63  }
0x100: {  	s25 =	simm.s32 $0x16080;
	s23 =	sadd.s32 s5, s23  }
0x101: {  	[tilespmem:s25], [sflag:$0x1] =	stream.linear.gather [hbm4b:s23+s21], $0x80, $0x38;
	[tilespmem:$0x17000] =	vst v63  }
0x102: {  	s26 =	sadd.s32 $0x80, s23;
	s28 =	simm.s32 $0x16180  }
0x103: {  	[tilespmem:s28], [sflag:$0x1] =	stream.linear.gather [hbm4b:s26+s21], $0x80, $0x38;
	[tilespmem:$0x17000] =	vst v63  }
0x104: {  	s26 =	sadd.s32 $0x100, s23;
	s28 =	simm.s32 $0x16280  }
0x105: {  	[tilespmem:s28], [sflag:$0x1] =	stream.linear.gather [hbm4b:s26+s21], $0x80, $0x38;
	[tilespmem:$0x17000] =	vst v63  }
0x106: {  	s26 =	sadd.s32 $0x180, s23;
	s28 =	simm.s32 $0x16380  }
0x107: {  	[tilespmem:s28], [sflag:$0x1] =	stream.linear.gather [hbm4b:s26+s21], $0x80, $0x38;
	[tilespmem:$0x17000] =	vst v63  }
0x108: {  	s26 =	sadd.s32 $0x200, s23  }
0x109: {  	[tilespmem:s29], [sflag:$0x1] =	stream.linear.gather [hbm4b:s26+s21], $0x80, $0x38;
	[tilespmem:$0x17000] =	vst v63  }
0x10a: {  	s28 =	sadd.s32 $0x280, s23  }
0x10b: {  	[tilespmem:s30], [sflag:$0x1] =	stream.linear.gather [hbm4b:s28+s21], $0x80, $0x38;
	[tilespmem:$0x17000] =	vst v63  }
0x10c: {  	s25 =	sadd.s32 $0x300, s23  }
0x10d: {  	[tilespmem:s31], [sflag:$0x1] =	stream.linear.gather [hbm4b:s25+s21], $0x80, $0x38;
	[tilespmem:$0x17000] =	vst v63  }
0x10e: {  	s26 =	sadd.s32 $0x380, s23  }
0x10f: {  	[tilespmem:s1], [sflag:$0x1] =	stream.linear.gather [hbm4b:s26+s21], $0x80, $0x38;
	[tilespmem:$0x17000] =	vst v63  }
0x110: {  	s28 =	sadd.s32 $0x400, s23  }
0x111: {  	[tilespmem:s0], [sflag:$0x1] =	stream.linear.gather [hbm4b:s28+s21], $0x80, $0x38;
	[tilespmem:$0x17000] =	vst v63  }
0x112: {  	s25 =	sadd.s32 $0x480, s23  }
0x113: {  	[tilespmem:s7], [sflag:$0x1] =	stream.linear.gather [hbm4b:s25+s21], $0x80, $0x38;
	[tilespmem:$0x17000] =	vst v63  }
0x114: {  	s26 =	sadd.s32 $0x500, s23  }
0x115: {  	[tilespmem:s6], [sflag:$0x1] =	stream.linear.gather [hbm4b:s26+s21], $0x80, $0x38;
	[tilespmem:$0x17000] =	vst v63  }
0x116: {  	s28 =	sadd.s32 $0x580, s23  }
0x117: {  	[tilespmem:s12], [sflag:$0x1] =	stream.linear.gather [hbm4b:s28+s21], $0x80, $0x38;
	[tilespmem:$0x17000] =	vst v63  }
0x118: {  	s25 =	sadd.s32 $0x600, s23  }
0x119: {  	[tilespmem:s13], [sflag:$0x1] =	stream.linear.gather [hbm4b:s25+s21], $0x80, $0x38;
	[tilespmem:$0x17000] =	vst v63  }
0x11a: {  	s26 =	sadd.s32 $0x680, s23  }
0x11b: {  	[tilespmem:s8], [sflag:$0x1] =	stream.linear.gather [hbm4b:s26+s21], $0x80, $0x38;
	[tilespmem:$0x17000] =	vst v63  }
0x11c: {  	s28 =	sadd.s32 $0x700, s23  }
0x11d: {  	[tilespmem:s15], [sflag:$0x1] =	stream.linear.gather [hbm4b:s28+s21], $0x80, $0x38;
	[tilespmem:$0x17000] =	vst v63  }
0x11e: {  	s23 =	sadd.s32 $0x780, s23  }
0x11f: {  	[tilespmem:s16], [sflag:$0x1] =	stream.linear.gather [hbm4b:s23+s21], $0x80, $0x38;
	[tilespmem:$0x17000] =	vst v63  }
0x120: {  	s24 =	simm.s32 $0x0;
	s25 =	simm.s32 $0x0;
	s23 =	simm.s32 $0xFFFFFFFC  }
.LBB2_5:
0x121: {  	s26 =	sand.u32 $0x40, s24;
	s28 =	sand.u32 $0xF00, s25  }
0x122: {  	s26 =	sor.u32 s26, s28  }
0x123: {  	v1 =	vld [tilespmem:s26+$0x14000];
	_ =	sdelay $0x5  }
0x124: {  	v2 =	vld [tilespmem:s26+$0x15000]  }
0x125: {  	v3 =	vld [tilespmem:s26+$0x16000]  }
0x126: {  	v4 =	vld.idx.msk [tilespmem:v1+s2+$0x0], $0xffff  }
0x127: {  	v5 =	vld.idx.msk [tilespmem:v1+s9+$0x0], $0xffff  }
0x128: {  	v6 =	vld.idx.msk [tilespmem:v1+s10+$0x0], $0xffff  }
0x129: {  	v1 =	vld.idx.msk [tilespmem:v1+s11+$0x0], $0xffff;
	_ =	sdelay $0x1  }
0x12a: {  	v4 =	vmul.f32 v4, v3  }
0x12b: {  	v5 =	vmul.f32 v5, v3  }
0x12c: {  	v57 =	vmul.f32 v6, v3;
	[tilespmem:v2+s17+$0x0] =	vst.idx.add.f32.msk $0xffff, v4  }
0x12d: {  	v1 =	vmul.f32 v1, v3;
	[tilespmem:v2+s18+$0x0] =	vst.idx.add.f32.msk $0xffff, v5  }
0x12e: {  	[tilespmem:v2+s19+$0x0] =	vst.idx.add.f32.msk $0xffff, v57  }
0x12f: {  	[tilespmem:v2+s20+$0x0] =	vst.idx.add.f32.msk $0xffff, v1  }
0x130: {  	v1 =	vld [tilespmem:s26+$0x14010];
	_ =	sdelay $0x5  }
0x131: {  	v2 =	vld [tilespmem:s26+$0x15010]  }
0x132: {  	v3 =	vld [tilespmem:s26+$0x16010]  }
0x133: {  	v4 =	vld.idx.msk [tilespmem:v1+s2+$0x0], $0xffff  }
0x134: {  	v5 =	vld.idx.msk [tilespmem:v1+s9+$0x0], $0xffff  }
0x135: {  	v58 =	vld.idx.msk [tilespmem:v1+s10+$0x0], $0xffff  }
0x136: {  	v1 =	vld.idx.msk [tilespmem:v1+s11+$0x0], $0xffff;
	_ =	sdelay $0x1  }
0x137: {  	v4 =	vmul.f32 v4, v3  }
0x138: {  	v5 =	vmul.f32 v5, v3  }
0x139: {  	v59 =	vmul.f32 v58, v3;
	[tilespmem:v2+s17+$0x0] =	vst.idx.add.f32.msk $0xffff, v4  }
0x13a: {  	v1 =	vmul.f32 v1, v3;
	[tilespmem:v2+s18+$0x0] =	vst.idx.add.f32.msk $0xffff, v5  }
0x13b: {  	[tilespmem:v2+s19+$0x0] =	vst.idx.add.f32.msk $0xffff, v59  }
0x13c: {  	[tilespmem:v2+s20+$0x0] =	vst.idx.add.f32.msk $0xffff, v1  }
0x13d: {  	v1 =	vld [tilespmem:s26+$0x14020];
	_ =	sdelay $0x5  }
0x13e: {  	v2 =	vld [tilespmem:s26+$0x15020]  }
0x13f: {  	v3 =	vld [tilespmem:s26+$0x16020]  }
0x140: {  	v4 =	vld.idx.msk [tilespmem:v1+s2+$0x0], $0xffff  }
0x141: {  	v5 =	vld.idx.msk [tilespmem:v1+s9+$0x0], $0xffff  }
0x142: {  	v60 =	vld.idx.msk [tilespmem:v1+s10+$0x0], $0xffff  }
0x143: {  	v1 =	vld.idx.msk [tilespmem:v1+s11+$0x0], $0xffff;
	_ =	sdelay $0x1  }
0x144: {  	v4 =	vmul.f32 v4, v3  }
0x145: {  	v5 =	vmul.f32 v5, v3  }
0x146: {  	v61 =	vmul.f32 v60, v3;
	[tilespmem:v2+s17+$0x0] =	vst.idx.add.f32.msk $0xffff, v4  }
0x147: {  	v1 =	vmul.f32 v1, v3;
	[tilespmem:v2+s18+$0x0] =	vst.idx.add.f32.msk $0xffff, v5  }
0x148: {  	[tilespmem:v2+s19+$0x0] =	vst.idx.add.f32.msk $0xffff, v61  }
0x149: {  	[tilespmem:v2+s20+$0x0] =	vst.idx.add.f32.msk $0xffff, v1  }
0x14a: {  	v1 =	vld [tilespmem:s26+$0x14030];
	_ =	sdelay $0x5  }
0x14b: {  	v2 =	vld [tilespmem:s26+$0x15030]  }
0x14c: {  	v3 =	vld [tilespmem:s26+$0x16030]  }
0x14d: {  	v4 =	vld.idx.msk [tilespmem:v1+s2+$0x0], $0xffff  }
0x14e: {  	v5 =	vld.idx.msk [tilespmem:v1+s9+$0x0], $0xffff  }
0x14f: {  	v62 =	vld.idx.msk [tilespmem:v1+s10+$0x0], $0xffff  }
0x150: {  	v1 =	vld.idx.msk [tilespmem:v1+s11+$0x0], $0xffff  }
0x151: {  	s23 =	sadd.s32 $0x4, s23  }
0x152: {  	p0 =	slt.u32 s23, $0x7C;
	v4 =	vmul.f32 v4, v3  }
.Ltmp1:
0x153: {  	v5 =	vmul.f32 v5, v3;
	(pc) =	sbr.rel @p0 .LBB2_5-.Ltmp1, $4  }
0x154: {  	v63 =	vmul.f32 v62, v3;
	[tilespmem:v2+s17+$0x0] =	vst.idx.add.f32.msk $0xffff, v4  }
0x155: {  	v1 =	vmul.f32 v1, v3;
	[tilespmem:v2+s18+$0x0] =	vst.idx.add.f32.msk $0xffff, v5  }
0x156: {  	[tilespmem:v2+s19+$0x0] =	vst.idx.add.f32.msk $0xffff, v63  }
0x157: {  	s25 =	sadd.s32 $0x80, s25;
	s24 =	sadd.s32 $0x40, s24;
	[tilespmem:v2+s20+$0x0] =	vst.idx.add.f32.msk $0xffff, v1  }
0x158: {  	_ =	swait.ge [sflag:s14], $0x800  }
0x159: {  	[sflag:s14] =	ssyncset.done $0x0  }
0x15a: {  	[sflag:s14] =	ssyncadd.s32 $0xFFFFF800  }
0x15b: {  	p0 =	seq.s32 s22, $0x4F;
	_ =	swait.ge [sflag:s14], $0x800  }
.Ltmp2:
0x15c: {  	[sflag:s14] =	ssyncset.done $0x0;
	(pc) =	sbr.rel @p0 .LBB2_8-.Ltmp2, $4  }
0x15d: {  	[sflag:s14] =	ssyncadd.s32 $0xFFFFF800  }
0x15e: {  	_ =	swait.ge [sflag:s14], $0x800  }
0x15f: {  	[sflag:s14] =	ssyncset.done $0x0  }
0x160: {  	[sflag:s14] =	ssyncadd.s32 $0xFFFFF800  }
0x161: {  	s23 =	sshll.u32 s22, $0x1  }
0x162: {  	s23 =	sadd.s32 $0x2, s23  }
0x163: {  	s24 =	sshll.u32 s23, $0x8;
	s23 =	sshll.u32 s23, $0x4  }
0x164: {  	s24 =	sand.u32 $0x1F800, s24;
	s23 =	sand.u32 $0x60, s23  }
0x165: {  	s23 =	sor.u32 s23, s24  }
0x166: {  	s25 =	simm.s32 $0x14000;
	s24 =	sadd.s32 s3, s23  }
0x167: {  	[tilespmem:s25], [sflag:$0x1] =	stream.linear.gather [hbm4b:s24+s2], $0x80, $0x38;
	[tilespmem:$0x17000] =	vst v63  }
0x168: {  	s26 =	simm.s32 $0x14100;
	s28 =	sadd.s32 $0x80, s24  }
0x169: {  	[tilespmem:s26], [sflag:$0x1] =	stream.linear.gather [hbm4b:s28+s2], $0x80, $0x38;
	[tilespmem:$0x17000] =	vst v63  }
0x16a: {  	s26 =	sadd.s32 $0x100, s24;
	s28 =	simm.s32 $0x14200  }
0x16b: {  	[tilespmem:s28], [sflag:$0x1] =	stream.linear.gather [hbm4b:s26+s2], $0x80, $0x38;
	[tilespmem:$0x17000] =	vst v63  }
0x16c: {  	s26 =	sadd.s32 $0x180, s24;
	s28 =	simm.s32 $0x14300  }
0x16d: {  	[tilespmem:s28], [sflag:$0x1] =	stream.linear.gather [hbm4b:s26+s2], $0x80, $0x38;
	[tilespmem:$0x17000] =	vst v63  }
0x16e: {  	s26 =	sadd.s32 $0x200, s24;
	s28 =	simm.s32 $0x14400  }
0x16f: {  	[tilespmem:s28], [sflag:$0x1] =	stream.linear.gather [hbm4b:s26+s2], $0x80, $0x38;
	[tilespmem:$0x17000] =	vst v63  }
0x170: {  	s26 =	sadd.s32 $0x280, s24;
	s28 =	simm.s32 $0x14500  }
0x171: {  	[tilespmem:s28], [sflag:$0x1] =	stream.linear.gather [hbm4b:s26+s2], $0x80, $0x38;
	[tilespmem:$0x17000] =	vst v63  }
0x172: {  	s26 =	sadd.s32 $0x300, s24;
	s28 =	simm.s32 $0x14600  }
0x173: {  	[tilespmem:s28], [sflag:$0x1] =	stream.linear.gather [hbm4b:s26+s2], $0x80, $0x38;
	[tilespmem:$0x17000] =	vst v63  }
0x174: {  	s26 =	sadd.s32 $0x380, s24;
	s28 =	simm.s32 $0x14700  }
0x175: {  	[tilespmem:s28], [sflag:$0x1] =	stream.linear.gather [hbm4b:s26+s2], $0x80, $0x38;
	[tilespmem:$0x17000] =	vst v63  }
0x176: {  	s26 =	sadd.s32 $0x400, s24;
	s28 =	simm.s32 $0x14800  }
0x177: {  	[tilespmem:s28], [sflag:$0x1] =	stream.linear.gather [hbm4b:s26+s2], $0x80, $0x38;
	[tilespmem:$0x17000] =	vst v63  }
0x178: {  	s26 =	sadd.s32 $0x480, s24;
	s28 =	simm.s32 $0x14900  }
0x179: {  	[tilespmem:s28], [sflag:$0x1] =	stream.linear.gather [hbm4b:s26+s2], $0x80, $0x38;
	[tilespmem:$0x17000] =	vst v63  }
0x17a: {  	s26 =	sadd.s32 $0x500, s24;
	s28 =	simm.s32 $0x14A00  }
0x17b: {  	[tilespmem:s28], [sflag:$0x1] =	stream.linear.gather [hbm4b:s26+s2], $0x80, $0x38;
	[tilespmem:$0x17000] =	vst v63  }
0x17c: {  	s26 =	sadd.s32 $0x580, s24;
	s28 =	simm.s32 $0x14B00  }
0x17d: {  	[tilespmem:s28], [sflag:$0x1] =	stream.linear.gather [hbm4b:s26+s2], $0x80, $0x38;
	[tilespmem:$0x17000] =	vst v63  }
0x17e: {  	s26 =	sadd.s32 $0x600, s24;
	s28 =	simm.s32 $0x14C00  }
0x17f: {  	[tilespmem:s28], [sflag:$0x1] =	stream.linear.gather [hbm4b:s26+s2], $0x80, $0x38;
	[tilespmem:$0x17000] =	vst v63  }
0x180: {  	s26 =	sadd.s32 $0x680, s24;
	s28 =	simm.s32 $0x14D00  }
0x181: {  	[tilespmem:s28], [sflag:$0x1] =	stream.linear.gather [hbm4b:s26+s2], $0x80, $0x38;
	[tilespmem:$0x17000] =	vst v63  }
0x182: {  	s26 =	sadd.s32 $0x700, s24;
	s28 =	simm.s32 $0x14E00  }
0x183: {  	[tilespmem:s28], [sflag:$0x1] =	stream.linear.gather [hbm4b:s26+s2], $0x80, $0x38;
	[tilespmem:$0x17000] =	vst v63  }
0x184: {  	s24 =	sadd.s32 $0x780, s24;
	s26 =	simm.s32 $0x14F00  }
0x185: {  	[tilespmem:s26], [sflag:$0x1] =	stream.linear.gather [hbm4b:s24+s2], $0x80, $0x38;
	[tilespmem:$0x17000] =	vst v63  }
0x186: {  	s28 =	simm.s32 $0x15000;
	s24 =	sadd.s32 s4, s23  }
0x187: {  	[tilespmem:s28], [sflag:$0x1] =	stream.linear.gather [hbm4b:s24+s2], $0x80, $0x38;
	[tilespmem:$0x17000] =	vst v63  }
0x188: {  	s26 =	sadd.s32 $0x80, s24;
	s28 =	simm.s32 $0x15100  }
0x189: {  	[tilespmem:s28], [sflag:$0x1] =	stream.linear.gather [hbm4b:s26+s2], $0x80, $0x38;
	[tilespmem:$0x17000] =	vst v63  }
0x18a: {  	s26 =	sadd.s32 $0x100, s24;
	s28 =	simm.s32 $0x15200  }
0x18b: {  	[tilespmem:s28], [sflag:$0x1] =	stream.linear.gather [hbm4b:s26+s2], $0x80, $0x38;
	[tilespmem:$0x17000] =	vst v63  }
0x18c: {  	s26 =	sadd.s32 $0x180, s24;
	s28 =	simm.s32 $0x15300  }
0x18d: {  	[tilespmem:s28], [sflag:$0x1] =	stream.linear.gather [hbm4b:s26+s2], $0x80, $0x38;
	[tilespmem:$0x17000] =	vst v63  }
0x18e: {  	s26 =	sadd.s32 $0x200, s24;
	s28 =	simm.s32 $0x15400  }
0x18f: {  	[tilespmem:s28], [sflag:$0x1] =	stream.linear.gather [hbm4b:s26+s2], $0x80, $0x38;
	[tilespmem:$0x17000] =	vst v63  }
0x190: {  	s26 =	sadd.s32 $0x280, s24;
	s28 =	simm.s32 $0x15500  }
0x191: {  	[tilespmem:s28], [sflag:$0x1] =	stream.linear.gather [hbm4b:s26+s2], $0x80, $0x38;
	[tilespmem:$0x17000] =	vst v63  }
0x192: {  	s26 =	sadd.s32 $0x300, s24;
	s28 =	simm.s32 $0x15600  }
0x193: {  	[tilespmem:s28], [sflag:$0x1] =	stream.linear.gather [hbm4b:s26+s2], $0x80, $0x38;
	[tilespmem:$0x17000] =	vst v63  }
0x194: {  	s26 =	sadd.s32 $0x380, s24;
	s28 =	simm.s32 $0x15700  }
0x195: {  	[tilespmem:s28], [sflag:$0x1] =	stream.linear.gather [hbm4b:s26+s2], $0x80, $0x38;
	[tilespmem:$0x17000] =	vst v63  }
0x196: {  	s26 =	sadd.s32 $0x400, s24;
	s28 =	simm.s32 $0x15800  }
0x197: {  	[tilespmem:s28], [sflag:$0x1] =	stream.linear.gather [hbm4b:s26+s2], $0x80, $0x38;
	[tilespmem:$0x17000] =	vst v63  }
0x198: {  	s26 =	sadd.s32 $0x480, s24;
	s28 =	simm.s32 $0x15900  }
0x199: {  	[tilespmem:s28], [sflag:$0x1] =	stream.linear.gather [hbm4b:s26+s2], $0x80, $0x38;
	[tilespmem:$0x17000] =	vst v63  }
0x19a: {  	s26 =	sadd.s32 $0x500, s24;
	s28 =	simm.s32 $0x15A00  }
0x19b: {  	[tilespmem:s28], [sflag:$0x1] =	stream.linear.gather [hbm4b:s26+s2], $0x80, $0x38;
	[tilespmem:$0x17000] =	vst v63  }
0x19c: {  	s26 =	sadd.s32 $0x580, s24;
	s28 =	simm.s32 $0x15B00  }
0x19d: {  	[tilespmem:s28], [sflag:$0x1] =	stream.linear.gather [hbm4b:s26+s2], $0x80, $0x38;
	[tilespmem:$0x17000] =	vst v63  }
0x19e: {  	s26 =	sadd.s32 $0x600, s24;
	s28 =	simm.s32 $0x15C00  }
0x19f: {  	[tilespmem:s28], [sflag:$0x1] =	stream.linear.gather [hbm4b:s26+s2], $0x80, $0x38;
	[tilespmem:$0x17000] =	vst v63  }
0x1a0: {  	s26 =	sadd.s32 $0x680, s24;
	s28 =	simm.s32 $0x15D00  }
0x1a1: {  	[tilespmem:s28], [sflag:$0x1] =	stream.linear.gather [hbm4b:s26+s2], $0x80, $0x38;
	[tilespmem:$0x17000] =	vst v63  }
0x1a2: {  	s26 =	sadd.s32 $0x700, s24;
	s28 =	simm.s32 $0x15E00  }
0x1a3: {  	[tilespmem:s28], [sflag:$0x1] =	stream.linear.gather [hbm4b:s26+s2], $0x80, $0x38;
	[tilespmem:$0x17000] =	vst v63  }
0x1a4: {  	s24 =	sadd.s32 $0x780, s24;
	s28 =	simm.s32 $0x15F00  }
0x1a5: {  	[tilespmem:s28], [sflag:$0x1] =	stream.linear.gather [hbm4b:s24+s2], $0x80, $0x38;
	[tilespmem:$0x17000] =	vst v63  }
0x1a6: {  	s25 =	simm.s32 $0x16000;
	s23 =	sadd.s32 s5, s23  }
0x1a7: {  	[tilespmem:s25], [sflag:$0x1] =	stream.linear.gather [hbm4b:s23+s2], $0x80, $0x38;
	[tilespmem:$0x17000] =	vst v63  }
0x1a8: {  	s26 =	sadd.s32 $0x80, s23;
	s28 =	simm.s32 $0x16100  }
0x1a9: {  	[tilespmem:s28], [sflag:$0x1] =	stream.linear.gather [hbm4b:s26+s2], $0x80, $0x38;
	[tilespmem:$0x17000] =	vst v63  }
0x1aa: {  	s26 =	sadd.s32 $0x100, s23;
	s28 =	simm.s32 $0x16200  }
0x1ab: {  	[tilespmem:s28], [sflag:$0x1] =	stream.linear.gather [hbm4b:s26+s2], $0x80, $0x38;
	[tilespmem:$0x17000] =	vst v63  }
0x1ac: {  	s26 =	sadd.s32 $0x180, s23;
	s28 =	simm.s32 $0x16300  }
0x1ad: {  	[tilespmem:s28], [sflag:$0x1] =	stream.linear.gather [hbm4b:s26+s2], $0x80, $0x38;
	[tilespmem:$0x17000] =	vst v63  }
0x1ae: {  	s26 =	sadd.s32 $0x200, s23;
	s28 =	simm.s32 $0x16400  }
0x1af: {  	[tilespmem:s28], [sflag:$0x1] =	stream.linear.gather [hbm4b:s26+s2], $0x80, $0x38;
	[tilespmem:$0x17000] =	vst v63  }
0x1b0: {  	s26 =	sadd.s32 $0x280, s23;
	s28 =	simm.s32 $0x16500  }
0x1b1: {  	[tilespmem:s28], [sflag:$0x1] =	stream.linear.gather [hbm4b:s26+s2], $0x80, $0x38;
	[tilespmem:$0x17000] =	vst v63  }
0x1b2: {  	s26 =	sadd.s32 $0x300, s23;
	s28 =	simm.s32 $0x16600  }
0x1b3: {  	[tilespmem:s28], [sflag:$0x1] =	stream.linear.gather [hbm4b:s26+s2], $0x80, $0x38;
	[tilespmem:$0x17000] =	vst v63  }
0x1b4: {  	s26 =	sadd.s32 $0x380, s23;
	s28 =	simm.s32 $0x16700  }
0x1b5: {  	[tilespmem:s28], [sflag:$0x1] =	stream.linear.gather [hbm4b:s26+s2], $0x80, $0x38;
	[tilespmem:$0x17000] =	vst v63  }
0x1b6: {  	s26 =	sadd.s32 $0x400, s23;
	s28 =	simm.s32 $0x16800  }
0x1b7: {  	[tilespmem:s28], [sflag:$0x1] =	stream.linear.gather [hbm4b:s26+s2], $0x80, $0x38;
	[tilespmem:$0x17000] =	vst v63  }
0x1b8: {  	s26 =	sadd.s32 $0x480, s23;
	s28 =	simm.s32 $0x16900  }
0x1b9: {  	[tilespmem:s28], [sflag:$0x1] =	stream.linear.gather [hbm4b:s26+s2], $0x80, $0x38;
	[tilespmem:$0x17000] =	vst v63  }
0x1ba: {  	s26 =	sadd.s32 $0x500, s23;
	s28 =	simm.s32 $0x16A00  }
0x1bb: {  	[tilespmem:s28], [sflag:$0x1] =	stream.linear.gather [hbm4b:s26+s2], $0x80, $0x38;
	[tilespmem:$0x17000] =	vst v63  }
0x1bc: {  	s26 =	sadd.s32 $0x580, s23;
	s28 =	simm.s32 $0x16B00  }
0x1bd: {  	[tilespmem:s28], [sflag:$0x1] =	stream.linear.gather [hbm4b:s26+s2], $0x80, $0x38;
	[tilespmem:$0x17000] =	vst v63  }
0x1be: {  	s26 =	sadd.s32 $0x600, s23;
	s28 =	simm.s32 $0x16C00  }
0x1bf: {  	[tilespmem:s28], [sflag:$0x1] =	stream.linear.gather [hbm4b:s26+s2], $0x80, $0x38;
	[tilespmem:$0x17000] =	vst v63  }
0x1c0: {  	s26 =	sadd.s32 $0x680, s23;
	s28 =	simm.s32 $0x16D00  }
0x1c1: {  	[tilespmem:s28], [sflag:$0x1] =	stream.linear.gather [hbm4b:s26+s2], $0x80, $0x38;
	[tilespmem:$0x17000] =	vst v63  }
0x1c2: {  	s25 =	sadd.s32 $0x700, s23;
	s26 =	simm.s32 $0x16E00  }
0x1c3: {  	[tilespmem:s26], [sflag:$0x1] =	stream.linear.gather [hbm4b:s25+s2], $0x80, $0x38;
	[tilespmem:$0x17000] =	vst v63  }
0x1c4: {  	s23 =	sadd.s32 $0x780, s23;
	s28 =	simm.s32 $0x16F00  }
0x1c5: {  	[tilespmem:s28], [sflag:$0x1] =	stream.linear.gather [hbm4b:s23+s2], $0x80, $0x38;
	[tilespmem:$0x17000] =	vst v63  }
.LBB2_8:
0x1c6: {  	s23 =	simm.s32 $0xFFFFFFFC;
	s24 =	simm.s32 $0x0;
	p0 =	por $0x0, $0x0  }
.LBB2_9:
0x1c7: {  	s25 =	simm.s32 $0x1  }
0x1c8: {  	s25 =	simm.s32 @!p0 $0x0  }
0x1c9: {  	s25 =	sshll.u32 s25, $0x6  }
0x1ca: {  	s25 =	sadd.s32 s25, s24  }
0x1cb: {  	s26 =	sor.u32 $0x80, s25  }
0x1cc: {  	v1 =	vld [tilespmem:s26+$0x14000];
	_ =	sdelay $0x5  }
0x1cd: {  	v2 =	vld [tilespmem:s26+$0x15000]  }
0x1ce: {  	v3 =	vld [tilespmem:s26+$0x16000]  }
0x1cf: {  	v4 =	vld.idx.msk [tilespmem:v1+s2+$0x0], $0xffff  }
0x1d0: {  	v5 =	vld.idx.msk [tilespmem:v1+s9+$0x0], $0xffff  }
0x1d1: {  	v6 =	vld.idx.msk [tilespmem:v1+s10+$0x0], $0xffff  }
0x1d2: {  	v1 =	vld.idx.msk [tilespmem:v1+s11+$0x0], $0xffff;
	_ =	sdelay $0x1  }
0x1d3: {  	v4 =	vmul.f32 v4, v3  }
0x1d4: {  	v5 =	vmul.f32 v5, v3  }
0x1d5: {  	v57 =	vmul.f32 v6, v3;
	[tilespmem:v2+s17+$0x0] =	vst.idx.add.f32.msk $0xffff, v4  }
0x1d6: {  	v1 =	vmul.f32 v1, v3;
	[tilespmem:v2+s18+$0x0] =	vst.idx.add.f32.msk $0xffff, v5  }
0x1d7: {  	[tilespmem:v2+s19+$0x0] =	vst.idx.add.f32.msk $0xffff, v57  }
0x1d8: {  	s28 =	sor.u32 $0x90, s25;
	[tilespmem:v2+s20+$0x0] =	vst.idx.add.f32.msk $0xffff, v1  }
0x1d9: {  	v1 =	vld [tilespmem:s28+$0x14000];
	_ =	sdelay $0x5  }
0x1da: {  	v2 =	vld [tilespmem:s28+$0x15000]  }
0x1db: {  	v3 =	vld [tilespmem:s28+$0x16000]  }
0x1dc: {  	v4 =	vld.idx.msk [tilespmem:v1+s2+$0x0], $0xffff  }
0x1dd: {  	v5 =	vld.idx.msk [tilespmem:v1+s9+$0x0], $0xffff  }
0x1de: {  	v58 =	vld.idx.msk [tilespmem:v1+s10+$0x0], $0xffff  }
0x1df: {  	v1 =	vld.idx.msk [tilespmem:v1+s11+$0x0], $0xffff;
	_ =	sdelay $0x1  }
0x1e0: {  	v4 =	vmul.f32 v4, v3  }
0x1e1: {  	v5 =	vmul.f32 v5, v3  }
0x1e2: {  	v59 =	vmul.f32 v58, v3;
	[tilespmem:v2+s17+$0x0] =	vst.idx.add.f32.msk $0xffff, v4  }
0x1e3: {  	v1 =	vmul.f32 v1, v3;
	[tilespmem:v2+s18+$0x0] =	vst.idx.add.f32.msk $0xffff, v5  }
0x1e4: {  	[tilespmem:v2+s19+$0x0] =	vst.idx.add.f32.msk $0xffff, v59  }
0x1e5: {  	s28 =	sor.u32 $0xA0, s25;
	[tilespmem:v2+s20+$0x0] =	vst.idx.add.f32.msk $0xffff, v1  }
0x1e6: {  	v1 =	vld [tilespmem:s28+$0x14000];
	_ =	sdelay $0x5  }
0x1e7: {  	v2 =	vld [tilespmem:s28+$0x15000]  }
0x1e8: {  	v3 =	vld [tilespmem:s28+$0x16000]  }
0x1e9: {  	v4 =	vld.idx.msk [tilespmem:v1+s2+$0x0], $0xffff  }
0x1ea: {  	v5 =	vld.idx.msk [tilespmem:v1+s9+$0x0], $0xffff  }
0x1eb: {  	v60 =	vld.idx.msk [tilespmem:v1+s10+$0x0], $0xffff  }
0x1ec: {  	v1 =	vld.idx.msk [tilespmem:v1+s11+$0x0], $0xffff;
	_ =	sdelay $0x1  }
0x1ed: {  	v4 =	vmul.f32 v4, v3  }
0x1ee: {  	v5 =	vmul.f32 v5, v3  }
0x1ef: {  	v61 =	vmul.f32 v60, v3;
	[tilespmem:v2+s17+$0x0] =	vst.idx.add.f32.msk $0xffff, v4  }
0x1f0: {  	v1 =	vmul.f32 v1, v3;
	[tilespmem:v2+s18+$0x0] =	vst.idx.add.f32.msk $0xffff, v5  }
0x1f1: {  	[tilespmem:v2+s19+$0x0] =	vst.idx.add.f32.msk $0xffff, v61  }
0x1f2: {  	s25 =	sor.u32 $0xB0, s25;
	[tilespmem:v2+s20+$0x0] =	vst.idx.add.f32.msk $0xffff, v1  }
0x1f3: {  	v1 =	vld [tilespmem:s25+$0x14000];
	_ =	sdelay $0x5  }
0x1f4: {  	v2 =	vld [tilespmem:s25+$0x15000]  }
0x1f5: {  	v3 =	vld [tilespmem:s25+$0x16000]  }
0x1f6: {  	v4 =	vld.idx.msk [tilespmem:v1+s2+$0x0], $0xffff  }
0x1f7: {  	v5 =	vld.idx.msk [tilespmem:v1+s9+$0x0], $0xffff  }
0x1f8: {  	v62 =	vld.idx.msk [tilespmem:v1+s10+$0x0], $0xffff  }
0x1f9: {  	v1 =	vld.idx.msk [tilespmem:v1+s11+$0x0], $0xffff  }
0x1fa: {  	s23 =	sadd.s32 $0x4, s23  }
0x1fb: {  	p1 =	slt.u32 s23, $0x7C;
	v4 =	vmul.f32 v4, v3  }
.Ltmp3:
0x1fc: {  	v5 =	vmul.f32 v5, v3;
	(pc) =	sbr.rel @p1 .LBB2_9-.Ltmp3, $4  }
0x1fd: {  	v63 =	vmul.f32 v62, v3;
	[tilespmem:v2+s17+$0x0] =	vst.idx.add.f32.msk $0xffff, v4  }
0x1fe: {  	v1 =	vmul.f32 v1, v3;
	[tilespmem:v2+s18+$0x0] =	vst.idx.add.f32.msk $0xffff, v5  }
0x1ff: {  	[tilespmem:v2+s19+$0x0] =	vst.idx.add.f32.msk $0xffff, v63  }
0x200: {  	p0 =	por !p0, !p0;
	s24 =	sadd.s32 $0x80, s24;
	[tilespmem:v2+s20+$0x0] =	vst.idx.add.f32.msk $0xffff, v1  }
0x201: {  	s22 =	sadd.s32 $0x1, s22  }
0x202: {  	p0 =	sne.s32 s22, $0x50  }
.Ltmp4:
0x203: {  	_ = 	snop;
	(pc) =	sbr.rel @p0 .LBB2_4-.Ltmp4, $1  }
0x204: {  	_ =	sdelay $0x3  }
0x205: {  	s21 =	rddreg [dreg:$0x6]  }
0x206: {  	s22 =	simm.s32 $0x80;
	s23 =	simm.s32 $0x200;
	s24 =	simm.s32 $0x2  }
0x207: {  	[hbm4b:s21+s22] =	stream.strided.scatter [tilespmem:s17], [sflag:$0x2], $0x2800, s23, s22, $0x38;
	[tilespmem:$0x17000] =	vst v63  }
0x208: {  	_ =	swait.ge [sflag:s24], $0x2800  }
0x209: {  	[sflag:s24] =	ssyncset.done $0x0  }
0x20a: {  	s26 =	rddreg [dreg:$0x7];
	[sflag:s24] =	ssyncadd.s32 $0xFFFFD800  }
0x20b: {  	[hbm4b:s26+s22] =	stream.strided.scatter [tilespmem:s18], [sflag:$0x2], $0x2800, s23, s22, $0x38;
	[tilespmem:$0x17000] =	vst v63  }
0x20c: {  	_ =	swait.ge [sflag:s24], $0x2800  }
0x20d: {  	[sflag:s24] =	ssyncset.done $0x0  }
0x20e: {  	s28 =	rddreg [dreg:$0x8];
	[sflag:s24] =	ssyncadd.s32 $0xFFFFD800  }
0x20f: {  	[hbm4b:s28+s22] =	stream.strided.scatter [tilespmem:s19], [sflag:$0x2], $0x2800, s23, s22, $0x38;
	[tilespmem:$0x17000] =	vst v63  }
0x210: {  	_ =	swait.ge [sflag:s24], $0x2800  }
0x211: {  	[sflag:s24] =	ssyncset.done $0x0  }
0x212: {  	s25 =	rddreg [dreg:$0x9];
	[sflag:s24] =	ssyncadd.s32 $0xFFFFD800  }
0x213: {  	[hbm4b:s25+s22] =	stream.strided.scatter [tilespmem:s20], [sflag:$0x2], $0x2800, s23, s22, $0x38;
	[tilespmem:$0x17000] =	vst v63  }
0x214: {  	_ =	swait.ge [sflag:s24], $0x2800  }
0x215: {  	s26 =	sld [smem:$0x7E5];
	_ =	sdelay $0x2  }
0x216: {  	s28 =	rddreg [dreg:$0xa];
	s23 =	sadd.s32 $0x1, s26  }
0x217: {  	p0 =	sne.s32 s23, s28  }
.Ltmp5:
0x218: {  	_ = 	snop;
	(pc) =	sbr.rel @p0 .LBB2_1-.Ltmp5, $3  }
0x219: {  	_ =	sdelay $0x1  }
0x21a: {  	[sflag:s24] =	ssyncset.done $0x0  }
0x21b: {  	[sflag:s24] =	ssyncadd.s32 $0xFFFFD800  }
0x21c: {  	_ =	sfence.sel $0x180000  }
0x21d: {  	[bflag:$0x0] =	sbarrier.arrive $0xFFFF  }
0x21e: {  	_ =	strace $0x9000004A  }
0x21f: {  	s0 =	stileid.u32;
	[bflag:$0x2] =	sbarrier.arrive $0xFFFF  }
0x220: {  	p0 =	sne.s32 s0, $0x0;
	s0 =	rddreg [dreg:$0x1]  }
0x221: {  	s0 =	sadd.s32 @!p0 $0x100000, s0  }
0x222: {  	[sflag:s0] =	ssyncadd.tile.s32 @!p0 $0x1;
	_ =	shalt  }
.Lfunc_end2:
_tile_overlayer_lowered:
.L_overlay_start_2:
0x223: {  	(tag) =	ssettag $0x2  }
0x224: {  	s0 =	rddreg [dreg:$0x0];
	s2 =	stileid.u32  }
0x225: {  	s1 =	rddreg [dreg:$0x1];
	p0 =	sne.s32 s2, $0x0  }
0x226: {  	s3 =	rddreg [dreg:$0x2];
	[bflag:$0x3] =	sbarrier.arrive $0xFFFF;
	s2 =	simm.s32 @!p0 $0x1C02  }
0x227: {  	[timem:s3], [sflag:s2] =	dma.local @!p0 [hbm:s0], s1  }
0x228: {  	s0 =	simm.s32 @!p0 $0x2  }
0x229: {  	_ =	swait.ge @!p0 [sflag:s0], s1  }
0x22a: {  	s1 =	ssub.s32 @!p0 $0x0, s1;
	[sflag:s0] =	ssyncset.done @!p0 $0x0  }
0x22b: {  	[sflag:s0] =	ssyncadd.s32 @!p0 s1  }
0x22c: {  	[bflag:$0x3] =	sbarrier.arrive $0xFFFF  }
0x22d: {  	_ =	shalt  }

// kernel: kernel.15.cloned.1.call-start
scs
__scs_entry_jumppad:
0x0: {  	(pc) =	sbr.rel $0x88, $3  }
0x1: {  	(tag) =	ssettag $0x0;
	lr =	simm.s32 $0x1  }
0x2: {  	[smem:$0x3F97] =	sst lr;
	_ =	strace $0xD0000000  }
0x3: {  	_ = 	snop  }
0x4: {  	_ = 	snop  }
0x5: {  	_ = 	snop  }
0x6: {  	_ = 	snop  }
0x7: {  	_ = 	snop  }
__scs_overlays_trampoline_lowered:
0x8: {  	[smem:$0x3FA6] =	sst s0  }
0x9: {  	[smem:$0x3FA7] =	sst s1  }
0xa: {  	[smem:$0x3FA8] =	sst s2  }
0xb: {  	[smem:$0x3FA9] =	sst s3  }
0xc: {  	[smem:$0x3FAA] =	sst s4  }
0xd: {  	[smem:$0x3FAB] =	sst s5  }
0xe: {  	[smem:$0x3FAC] =	sst s6  }
0xf: {  	[smem:$0x3FAD] =	sst s7  }
0x10: {  	[smem:$0x3FAE] =	sst s8  }
0x11: {  	[smem:$0x3FAF] =	sst s9;
	s0 =	simm.s32 @!p0 $0x0  }
0x12: {  	s1 =	sld [smem:$0x3F95];
	s0 =	simm.s32 @p0 $0x1  }
0x13: {  	[smem:$0x3FB0] =	sst s0;
	s0 =	simm.s32 @!p1 $0x0  }
0x14: {  	s2 =	sld [smem:$0x3F94];
	s0 =	simm.s32 @p1 $0x1  }
0x15: {  	[smem:$0x3FB1] =	sst s0;
	s0 =	simm.s32 @!p2 $0x0  }
0x16: {  	s3 =	sld [smem:$0x3FDB];
	s0 =	simm.s32 @p2 $0x1  }
0x17: {  	s4 =	simm.s32 $0x1BF5;
	[smem:$0x3FB3] =	sst s0  }
0x18: {  	s0 =	sld [smem:$0x3F96];
	_ =	swait.ge [sflag:s4], $0x0  }
0x19: {  	s7 =	sld [smem:$0x3F97]  }
0x1a: {  	s8 =	sadd.s32 $0xFFFFE003, lr  }
0x1b: {  	s9 =	sadd.s32 $0xFFFFFEF7, lr;
	s5 =	simm.s32 $0xFFFFFFFF;
	p2 =	slt.u32 s8, $0xFFFFF086  }
0x1c: {  	p1 =	slt.u32 s9, $0xF7A;
	s5 =	simm.s32 @!p2 $0x0  }
0x1d: {  	s5 =	simm.s32 @p1 $0x1;
	p0 =	seq.s32 s7, s2  }
0x1e: {  	s7 =	smul.u32 @!p0 $0xF7A, s2;
	p2 =	seq.s32 @!p0 s5, $0x0  }
0x1f: {  	s9 =	smul.u32 $0xF7A, s1;
	s8 =	simm.s32 @!p0 $0x1BF5;
	p2 =	por !p2, p0  }
0x20: {  	[sflag:s8] =	ssyncset.s32 @!p0 $0xFFFFF086;
	s6 =	sadd.s32 @!p0 s3, s7;
	s7 =	simm.s32 @!p0 $0x108  }
0x21: {  	s3 =	sadd.s32 s3, s9;
	s6 =	sadd.s32 @!p0 $0x88, s6;
	s7 =	simm.s32 @p2 $0x1082  }
0x22: {  	[simem:s7], [sflag:s8] =	dma.local @!p0 [hbm:s6], $0xF7A  }
0x23: {  	s9 =	sor.u32 $0xD0000000, s2;
	s6 =	simm.s32 $0x108;
	_ =	swait.ge @!p0 [sflag:s8], $0x0  }
0x24: {  	s3 =	sadd.s32 $0x88, s3;
	s6 =	simm.s32 @!p1 $0x1082;
	[sflag:s4] =	ssyncset.s32 $0xFFFFF086  }
0x25: {  	[simem:s6], [sflag:s4] =	dma.local [hbm:s3], $0xF7A  }
0x26: {  	[smem:$0x3F97] =	sst s1;
	(tag) =	ssettag s2;
	_ =	strace s9  }
0x27: {  	s1 =	sld [smem:$0x3FA7]  }
0x28: {  	s2 =	sld [smem:$0x3FA8]  }
0x29: {  	s4 =	sld [smem:$0x3FAA]  }
0x2a: {  	p0 =	seq.s32 s5, $0x0;
	s5 =	sld [smem:$0x3FAB]  }
0x2b: {  	s6 =	sld [smem:$0x3FAC]  }
0x2c: {  	s7 =	sld [smem:$0x3FAD]  }
0x2d: {  	s3 =	simm.s32 $0x108;
	s8 =	sld [smem:$0x3FAE]  }
0x2e: {  	s3 =	simm.s32 @!p0 $0x1082;
	s9 =	sld [smem:$0x3FAF]  }
0x2f: {  	lr =	sadd.s32 s0, s3;
	s0 =	sld [smem:$0x3FA6]  }
0x30: {  	s3 =	sld [smem:$0x3FA9]  }
0x31: {  	[smem:$0x3FB2] =	sst s10  }
0x32: {  	s10 =	sld [smem:$0x3FB0];
	_ =	sdelay $0x3  }
0x33: {  	p0 =	seq.s32 s10, $0x1;
	s10 =	sld [smem:$0x3FB2];
	_ =	sdelay $0x3  }
0x34: {  	[smem:$0x3FB2] =	sst s10  }
0x35: {  	s10 =	sld [smem:$0x3FB1];
	_ =	sdelay $0x3  }
0x36: {  	p1 =	seq.s32 s10, $0x1;
	s10 =	sld [smem:$0x3FB2];
	_ =	sdelay $0x3  }
0x37: {  	[smem:$0x3FB2] =	sst s10  }
0x38: {  	s10 =	sld [smem:$0x3FB3]  }
0x39: {  	_ = 	snop;
	(pc) =	sbr.ind lr, $3  }
0x3a: {  	_ = 	snop  }
0x3b: {  	_ = 	snop  }
0x3c: {  	p2 =	seq.s32 s10, $0x1;
	s10 =	sld [smem:$0x3FB2]  }
0x3d: {  	_ =	shalt  }
0x3e: {  	_ =	shalt  }
0x3f: {  	_ =	shalt  }
0x40: {  	_ =	shalt  }
0x41: {  	_ =	shalt  }
0x42: {  	_ =	shalt  }
0x43: {  	_ =	shalt  }
0x44: {  	_ =	shalt  }
0x45: {  	_ =	shalt  }
0x46: {  	_ =	shalt  }
0x47: {  	_ =	shalt  }
0x48: {  	_ =	shalt  }
0x49: {  	_ =	shalt  }
0x4a: {  	_ =	shalt  }
0x4b: {  	_ =	shalt  }
0x4c: {  	_ =	shalt  }
0x4d: {  	_ =	shalt  }
0x4e: {  	_ =	shalt  }
0x4f: {  	_ =	shalt  }
0x50: {  	_ =	shalt  }
0x51: {  	_ =	shalt  }
0x52: {  	_ =	shalt  }
0x53: {  	_ =	shalt  }
0x54: {  	_ =	shalt  }
0x55: {  	_ =	shalt  }
0x56: {  	_ =	shalt  }
0x57: {  	_ =	shalt  }
0x58: {  	_ =	shalt  }
0x59: {  	_ =	shalt  }
0x5a: {  	_ =	shalt  }
0x5b: {  	_ =	shalt  }
0x5c: {  	_ =	shalt  }
0x5d: {  	_ =	shalt  }
0x5e: {  	_ =	shalt  }
0x5f: {  	_ =	shalt  }
0x60: {  	_ =	shalt  }
0x61: {  	_ =	shalt  }
0x62: {  	_ =	shalt  }
0x63: {  	_ =	shalt  }
0x64: {  	_ =	shalt  }
0x65: {  	_ =	shalt  }
0x66: {  	_ =	shalt  }
0x67: {  	_ =	shalt  }
0x68: {  	_ =	shalt  }
0x69: {  	_ =	shalt  }
0x6a: {  	_ =	shalt  }
0x6b: {  	_ =	shalt  }
0x6c: {  	_ =	shalt  }
0x6d: {  	_ =	shalt  }
0x6e: {  	_ =	shalt  }
0x6f: {  	_ =	shalt  }
0x70: {  	_ =	shalt  }
0x71: {  	_ =	shalt  }
0x72: {  	_ =	shalt  }
0x73: {  	_ =	shalt  }
0x74: {  	_ =	shalt  }
0x75: {  	_ =	shalt  }
0x76: {  	_ =	shalt  }
0x77: {  	_ =	shalt  }
0x78: {  	_ =	shalt  }
0x79: {  	_ =	shalt  }
0x7a: {  	_ =	shalt  }
0x7b: {  	_ =	shalt  }
0x7c: {  	_ =	shalt  }
0x7d: {  	_ =	shalt  }
0x7e: {  	_ =	shalt  }
0x7f: {  	_ =	shalt  }
0x80: {  	_ =	shalt  }
0x81: {  	_ =	shalt  }
0x82: {  	_ =	shalt  }
0x83: {  	_ =	shalt  }
0x84: {  	_ =	shalt  }
0x85: {  	_ =	shalt  }
0x86: {  	_ =	shalt  }
0x87: {  	_ =	shalt  }
.Lfunc_end0:
.L_simem_size_0:
called_computation.2_lowered:
.L_overlay_start_0:
0x88: {  	s2 =	sld [smem:$0x3FD9]  }
0x89: {  	s3 =	sld [smem:$0x3FFE];
	_ =	sdelay $0x1  }
0x8a: {  	s1 =	srdreg.scid  }
0x8b: {  	s0 =	sand.u32 $0x1, s1  }
0x8c: {  	s17 =	sshll.u32 s0, $0xA;
	s2 =	sadd.s32 s3, s2  }
0x8d: {  	s2 =	sadd.s32 s2, s17  }
0x8e: {  	[smem:$0x3FBE] =	sst s2  }
0x8f: {  	_ = 	snop  }
0x90: {  	s2 =	sld [smem:$0x3FD0];
	(tm) =	ssettm $0x1  }
0x91: {  	s18 =	sld [smem:$0x3FFB];
	_ =	sdelay $0x3  }
0x92: {  	_ =	strace s18  }
0x93: {  	s3 =	sld [smem:$0x3FFC];
	_ =	sdelay $0x3  }
0x94: {  	_ =	strace s3  }
0x95: {  	s3 =	sld [smem:$0x3FFD];
	_ =	sdelay $0x3  }
0x96: {  	_ =	strace s3  }
0x97: {  	_ =	strace $0x8FFFFFFF  }
0x98: {  	s19 =	sld [smem:$0x3FDB];
	_ =	sdelay $0x1  }
0x99: {  	s4 =	simm.s32 $_scs_section_size  }
0x9a: {  	s5 =	simm.s32 $_size__tile_overlayer_lowered;
	s6 =	simm.s32 $_tile_overlayer_lowered  }
0x9b: {  	s22 =	simm.s32 $0x1BFF;
	s21 =	sshll.u32 s6, $0x1;
	s3 =	sadd.s32 s4, s19  }
0x9c: {  	s7 =	simm.s32 $0x0;
	s20 =	sshll.u32 s5, $0x1;
	s5 =	sadd.s32 s21, s3  }
0x9d: {  	[timem:s7], [sflag:s22] =	dma.local [hbm:s5], s20  }
0x9e: {  	_ =	swait.ge [sflag:s22], s20  }
0x9f: {  	s4 =	ssub.s32 $0x0, s20;
	[sflag:s22] =	ssyncset.done $0x0  }
0xa0: {  	[sflag:s22] =	ssyncadd.s32 s4;
	_ =	sdelay $0x1  }
0xa1: {  	s23 =	simm.s32 $0x1B8B  }
0xa2: {  	_ =	swait.ge [sflag:s23], $0x1  }
0xa3: {  	[sflag:s23] =	ssyncset.done $0x0  }
0xa4: {  	s25 =	simm.s32 $0x1B8E;
	s24 =	sld [smem:$0x3FFE];
	[sflag:s23] =	ssyncadd.s32 $0xFFFFFFFF  }
0xa5: {  	s26 =	simm.s32 $execute0_lowered;
	[smem:$0x3FD2] =	sst s25  }
0xa6: {  	s5 =	sshll.u32 s26, $0x1;
	_ =	strace $0x8000004C;
	[dreg:$0x1] =	wrdreg $0xFFFFFFFF  }
0xa7: {  	s28 =	simm.s32 $_size_execute0_lowered;
	s3 =	sadd.s32 s3, s5;
	[dreg:$0x0] =	wrdreg $0x0  }
0xa8: {  	s5 =	sshll.u32 s28, $0x1;
	[dreg:$0x2] =	wrdreg s3  }
0xa9: {  	[dreg:$0x3] =	wrdreg s5  }
0xaa: {  	[dreg:$0x4] =	wrdreg $0xC0  }
0xab: {  	_ =	task [dreg:s7], $0x5FFFF  }
0xac: {  	[dreg:$0x1] =	wrdreg $0xFFFFFFFF  }
0xad: {  	[dreg:$0x0] =	wrdreg $0x60  }
0xae: {  	[dreg:$0x2] =	wrdreg s2  }
0xaf: {  	[dreg:$0x3] =	wrdreg s24  }
0xb0: {  	[dreg:$0x4] =	wrdreg $0x6A800  }
0xb1: {  	[dreg:$0x5] =	wrdreg $0x9  }
0xb2: {  	_ =	task.clear_ibuf [dreg:s7], $0x6FFFF;
	_ =	strace $0x9000004C  }
0xb3: {  	s29 =	simm.s32 $0x9;
	_ =	strace $0x8000004E  }
0xb4: {  	_ =	swait.ge [sflag:s29], $0x1  }
0xb5: {  	[sflag:s29] =	ssyncadd.s32 $0xFFFFFFFF  }
0xb6: {  	_ =	strace $0x9000004E  }
0xb7: {  	_ =	sfence  }
0xb8: {  	s30 =	sld [smem:$0x0];
	_ =	sdelay $0x2  }
0xb9: {  	s31 =	sshll.u32 s1, $0xD;
	s1 =	sshrl.u32 s1, $0x2  }
0xba: {  	s3 =	sand.u32 $0x4000, s31;
	s1 =	sadd.s32 s1, s30  }
0xbb: {  	s0 =	sor.u32 s3, s0;
	s1 =	sshll.u32 s1, $0x11  }
0xbc: {  	s0 =	sor.u32 s1, s0  }
0xbd: {  	s0 =	sadd.s32 $0x8F2B, s0  }
0xbe: {  	[sflag:s0] =	ssyncadd.remote.s32 $0x1  }
0xbf: {  	_ =	sfence.sel $0xFFFF  }
0xc0: {  	[dreg:$0x0] =	wrdreg $0xFFFFFFFF;
	(pc) =	sbr.abs _section_cstart, $3  }
0xc1: {  	[dreg:$0x1] =	wrdreg $0xFFFFFFFF  }
0xc2: {  	_ =	task.clear_ibuf [dreg:s7], $0x2FFFF;
	_ =	strace $0x9FFFFFFF  }
0xc3: {  	(tm) =	ssettm $0x7FFFFFFF  }
tec
execute0_lowered:
.L_overlay_start_1:
0x0: {  	(tag) =	ssettag $0x1  }
0x1: {  	s1 =	rddreg [dreg:$0x0]  }
0x2: {  	s10 =	rddreg [dreg:$0x1]  }
0x3: {  	s2 =	rddreg [dreg:$0x2]  }
0x4: {  	s0 =	rddreg [dreg:$0x3];
	s3 =	simm.s32 $0x0  }
0x5: {  	s6 =	srdreg.scid;
	s15 =	simm.s32 $0x2AE00;
	s16 =	simm.s32 $0x5000  }
0x6: {  	s17 =	simm.s32 $0x5800;
	s18 =	simm.s32 $0x40;
	s19 =	simm.s32 $0x1  }
0x7: {  	s20 =	simm.s32 $0x6000;
	s23 =	simm.s32 $0x0;
	[smem:$0x7FF] =	sst s3  }
0x8: {  	s4 =	sadd.s32 $0x1C00, s10;
	s5 =	sadd.s32 $0x15C00, s10;
	s9 =	sand.u32 $0x1, s6  }
0x9: {  	s7 =	sadd.s32 $0x16200, s10;
	s8 =	sadd.s32 $0x16800, s10;
	s6 =	stileid.u32  }
0xa: {  	_ =	strace $0x8000004D;
	s11 =	ssub.s32 $0x2, s9;
	s13 =	sshll.u32 s9, $0x4  }
0xb: {  	s14 =	smul.u32 $0x280, s6;
	p0 =	seq.s32 s9, $0x1;
	s21 =	sshll.u32 s6, $0x6  }
0xc: {  	s12 =	sshrl.u32 s11, $0x1;
	s29 =	sor.u32 s6, s13;
	s15 =	simm.s32 @!p0 $0x2A800  }
0xd: {  	s13 =	simm.s32 $0x2;
	s21 =	sor.u32 $0x1C02, s21;
	s11 =	ssub.s32 s11, s12  }
0xe: {  	s9 =	sadd.s32 s14, s2;
	s30 =	sshrl.u32 s14, $0x3;
	s31 =	sadd.s32 s15, s10  }
0xf: {  	s10 =	smul.u32 $0x5000, s29;
	s14 =	simm.s32 $0x2800;
	s15 =	simm.s32 $0x6800  }
0x10: {  	v0 =	vimm.f32 $0.0e+00;
	s11 =	smax.u32 s11, $0x1;
	s12 =	sadd.s32 s31, s30;
	s22 =	sshrl.u32 s9, $0x3  }
.LBB2_1:
0x11: {  	[tilespmem:s3], [sflag:$0x2] =	stream.linear.gather [hbm4b:s5+s3], $0x2800, $0x38;
	[tilespmem:$0x6D00] =	vst v63  }
0x12: {  	_ =	swait.ge [sflag:s13], $0x2800  }
0x13: {  	[sflag:s13] =	ssyncset.done $0x0  }
0x14: {  	[sflag:s13] =	ssyncadd.s32 $0xFFFFD800  }
0x15: {  	[tilespmem:s14], [sflag:$0x2] =	stream.linear.gather [hbm4b:s7+s3], $0x2800, $0x38;
	[tilespmem:$0x6D00] =	vst v63  }
0x16: {  	_ =	swait.ge [sflag:s13], $0x2800  }
0x17: {  	[sflag:s13] =	ssyncset.done $0x0  }
0x18: {  	[sflag:s13] =	ssyncadd.s32 $0xFFFFD800  }
0x19: {  	[tilespmem:$0x6800] =	vst v0  }
0x1a: {  	[tilespmem:$0x6810] =	vst v0  }
0x1b: {  	[tilespmem:$0x6820] =	vst v0  }
0x1c: {  	[tilespmem:$0x6830] =	vst v0  }
0x1d: {  	[tilespmem:$0x6840] =	vst v0  }
0x1e: {  	[tilespmem:$0x6850] =	vst v0  }
0x1f: {  	[tilespmem:$0x6860] =	vst v0  }
0x20: {  	[tilespmem:$0x6870] =	vst v0  }
0x21: {  	[tilespmem:$0x6880] =	vst v0  }
0x22: {  	[tilespmem:$0x6890] =	vst v0  }
0x23: {  	[tilespmem:$0x68A0] =	vst v0  }
0x24: {  	[tilespmem:$0x68B0] =	vst v0  }
0x25: {  	[tilespmem:$0x68C0] =	vst v0  }
0x26: {  	[tilespmem:$0x68D0] =	vst v0  }
0x27: {  	[tilespmem:$0x68E0] =	vst v0  }
0x28: {  	[tilespmem:$0x68F0] =	vst v0  }
0x29: {  	[tilespmem:$0x6900] =	vst v0  }
0x2a: {  	[tilespmem:$0x6910] =	vst v0  }
0x2b: {  	[tilespmem:$0x6920] =	vst v0  }
0x2c: {  	[tilespmem:$0x6930] =	vst v0  }
0x2d: {  	[tilespmem:$0x6940] =	vst v0  }
0x2e: {  	[tilespmem:$0x6950] =	vst v0  }
0x2f: {  	[tilespmem:$0x6960] =	vst v0  }
0x30: {  	[tilespmem:$0x6970] =	vst v0  }
0x31: {  	[tilespmem:$0x6980] =	vst v0  }
0x32: {  	[tilespmem:$0x6990] =	vst v0  }
0x33: {  	[tilespmem:$0x69A0] =	vst v0  }
0x34: {  	[tilespmem:$0x69B0] =	vst v0  }
0x35: {  	[tilespmem:$0x69C0] =	vst v0  }
0x36: {  	[tilespmem:$0x69D0] =	vst v0  }
0x37: {  	[tilespmem:$0x69E0] =	vst v0  }
0x38: {  	[tilespmem:$0x69F0] =	vst v0  }
0x39: {  	[tilespmem:$0x6A00] =	vst v0  }
0x3a: {  	[tilespmem:$0x6A10] =	vst v0  }
0x3b: {  	[tilespmem:$0x6A20] =	vst v0  }
0x3c: {  	[tilespmem:$0x6A30] =	vst v0  }
0x3d: {  	[tilespmem:$0x6A40] =	vst v0  }
0x3e: {  	[tilespmem:$0x6A50] =	vst v0  }
0x3f: {  	[tilespmem:$0x6A60] =	vst v0  }
0x40: {  	[tilespmem:$0x6A70] =	vst v0  }
0x41: {  	[spmem:s9] =	stream.linear.scatter [tilespmem:s15], [sflag:$0x2], $0x280, $0x38;
	[tilespmem:$0x6D00] =	vst v63  }
0x42: {  	_ =	swait.ge [sflag:s13], $0x280  }
0x43: {  	[sflag:s13] =	ssyncset.done $0x0  }
0x44: {  	[sflag:s13] =	ssyncadd.s32 $0xFFFFFD80  }
0x45: {  	s24 =	simm.s32 $0x0;
	[bflag:$0x0] =	sbarrier.arrive $0xFFFF  }
.LBB2_2:
0x46: {  	s25 =	sshll.u32 s24, $0xB  }
0x47: {  	s25 =	sadd.s32 s10, s25  }
0x48: {  	s25 =	sshrl.u32 s25, $0x3  }
0x49: {  	s28 =	simm.s32 $0x0;
	s26 =	sadd.s32 s1, s25  }
0x4a: {  	[tilespmem:s16], [sflag:$0x2] =	stream.linear.gather [hbm4b:s26+s28], $0x800, $0x38;
	[tilespmem:$0x6D00] =	vst v63  }
0x4b: {  	_ =	swait.ge [sflag:s13], $0x800  }
0x4c: {  	[sflag:s13] =	ssyncset.done $0x0  }
0x4d: {  	s31 =	sadd.s32 s4, s25;
	[sflag:s13] =	ssyncadd.s32 $0xFFFFF800  }
0x4e: {  	[tilespmem:s17], [sflag:$0x2] =	stream.linear.gather [hbm4b:s31+s28], $0x800, $0x38;
	[tilespmem:$0x6D00] =	vst v63  }
0x4f: {  	_ =	swait.ge [sflag:s13], $0x800  }
0x50: {  	[sflag:s13] =	ssyncset.done $0x0  }
0x51: {  	s26 =	simm.s32 $0x0;
	[sflag:s13] =	ssyncadd.s32 $0xFFFFF800  }
0x52: {  	v1 =	vld [tilespmem:s26+$0x5000]  }
0x53: {  	v2 =	vld [tilespmem:s26+$0x5800];
	_ =	sdelay $0x6  }
0x54: {  	v1 =	vld.idx.msk [tilespmem:v1+s3+$0x0], $0xffff  }
0x55: {  	v2 =	vld.idx.msk [tilespmem:v2+s14+$0x0], $0xffff;
	_ =	sdelay $0x4  }
0x56: {  	v1 =	vadd.f32 v2, v1;
	_ =	sdelay $0x1  }
0x57: {  	v2 =	vmul.f32 $2.000000030e-01, v1;
	_ =	sdelay $0x1  }
0x58: {  	v1 =	vmax.f32 v1, v2  }
0x59: {  	v1 =	vmul.f32 $1.442695020e+00, v1;
	_ =	sdelay $0x1  }
0x5a: {  	(erf) = vpow2.f32 v1;
	_ =	sdelay $0x2  }
0x5b: {  	v1 =	vld [tilespmem:s26+$0x5010]  }
0x5c: {  	v2 =	vld [tilespmem:s26+$0x5810];
	_ =	sdelay $0x4  }
0x5d: {  	v3 =	vpop (erf)  }
0x5e: {  	[tilespmem:s26+$0x6000] =	vst v3  }
0x5f: {  	v1 =	vld.idx.msk [tilespmem:v1+s3+$0x0], $0xffff  }
0x60: {  	v2 =	vld.idx.msk [tilespmem:v2+s14+$0x0], $0xffff;
	_ =	sdelay $0x4  }
0x61: {  	v1 =	vadd.f32 v2, v1;
	_ =	sdelay $0x1  }
0x62: {  	v2 =	vmul.f32 $2.000000030e-01, v1;
	_ =	sdelay $0x1  }
0x63: {  	v1 =	vmax.f32 v1, v2  }
0x64: {  	v1 =	vmul.f32 $1.442695020e+00, v1;
	_ =	sdelay $0x1  }
0x65: {  	(erf) = vpow2.f32 v1;
	_ =	sdelay $0x2  }
0x66: {  	v1 =	vld [tilespmem:s26+$0x5020]  }
0x67: {  	v2 =	vld [tilespmem:s26+$0x5820];
	_ =	sdelay $0x4  }
0x68: {  	v3 =	vpop (erf)  }
0x69: {  	[tilespmem:s26+$0x6010] =	vst v3  }
0x6a: {  	v1 =	vld.idx.msk [tilespmem:v1+s3+$0x0], $0xffff  }
0x6b: {  	v2 =	vld.idx.msk [tilespmem:v2+s14+$0x0], $0xffff;
	_ =	sdelay $0x4  }
0x6c: {  	v1 =	vadd.f32 v2, v1;
	_ =	sdelay $0x1  }
0x6d: {  	v2 =	vmul.f32 $2.000000030e-01, v1;
	_ =	sdelay $0x1  }
0x6e: {  	v1 =	vmax.f32 v1, v2  }
0x6f: {  	v1 =	vmul.f32 $1.442695020e+00, v1;
	_ =	sdelay $0x1  }
0x70: {  	(erf) = vpow2.f32 v1;
	_ =	sdelay $0x2  }
0x71: {  	v1 =	vld [tilespmem:s26+$0x5030]  }
0x72: {  	v2 =	vld [tilespmem:s26+$0x5830];
	_ =	sdelay $0x4  }
0x73: {  	v3 =	vpop (erf)  }
0x74: {  	[tilespmem:s26+$0x6020] =	vst v3  }
0x75: {  	v1 =	vld.idx.msk [tilespmem:v1+s3+$0x0], $0xffff  }
0x76: {  	v2 =	vld.idx.msk [tilespmem:v2+s14+$0x0], $0xffff;
	_ =	sdelay $0x4  }
0x77: {  	v1 =	vadd.f32 v2, v1;
	_ =	sdelay $0x1  }
0x78: {  	v2 =	vmul.f32 $2.000000030e-01, v1;
	_ =	sdelay $0x1  }
0x79: {  	v1 =	vmax.f32 v1, v2  }
0x7a: {  	v1 =	vmul.f32 $1.442695020e+00, v1;
	_ =	sdelay $0x1  }
0x7b: {  	(erf) = vpow2.f32 v1;
	_ =	sdelay $0x5  }
0x7c: {  	s29 =	simm.s32 $0x5800;
	s30 =	simm.s32 $0x6000;
	s28 =	simm.s32 $0x200  }
.LBB2_3:
0x7d: {  	p0 =	sne.s32 s28, $0x1E00;
	s31 =	smov.u32 s28;
	s28 =	sadd.s32 $0x200, s28  }
0x7e: {  	_ = 	snop  }
0x7f: {  	v1 =	vpop (erf)  }
0x80: {  	[tilespmem:s26+$0x6030] =	vst v1;
	s26 =	sshra.s32 s31, $0x2  }
0x81: {  	[spmem:s2] =	stream.indirect.scatter.add.f32 [tilespmem:s30], [sflag:$0x1], $0x1, s29, s18, $0xb8;
	[tilespmem:$0x6D00] =	vst v63  }
0x82: {  	v1 =	vld [tilespmem:s26+$0x5000]  }
0x83: {  	v2 =	vld [tilespmem:s26+$0x5800];
	_ =	sdelay $0x6  }
0x84: {  	v1 =	vld.idx.msk [tilespmem:v1+s3+$0x0], $0xffff  }
0x85: {  	v2 =	vld.idx.msk [tilespmem:v2+s14+$0x0], $0xffff;
	_ =	sdelay $0x5  }
0x86: {  	v1 =	vadd.f32 v2, v1;
	_ =	sdelay $0x1  }
0x87: {  	v2 =	vmul.f32 $2.000000030e-01, v1;
	_ =	sdelay $0x1  }
0x88: {  	v1 =	vmax.f32 v1, v2  }
0x89: {  	v1 =	vmul.f32 $1.442695020e+00, v1;
	_ =	sdelay $0x1  }
0x8a: {  	(erf) = vpow2.f32 v1;
	_ =	sdelay $0x1  }
0x8b: {  	v1 =	vld [tilespmem:s26+$0x5810]  }
0x8c: {  	v2 =	vld [tilespmem:s26+$0x5010];
	_ =	sdelay $0x5  }
0x8d: {  	v3 =	vpop (erf)  }
0x8e: {  	[tilespmem:s26+$0x6000] =	vst v3  }
0x8f: {  	v2 =	vld.idx.msk [tilespmem:v2+s3+$0x0], $0xffff  }
0x90: {  	v1 =	vld.idx.msk [tilespmem:v1+s14+$0x0], $0xffff;
	_ =	sdelay $0x5  }
0x91: {  	v1 =	vadd.f32 v1, v2;
	_ =	sdelay $0x1  }
0x92: {  	v2 =	vmul.f32 $2.000000030e-01, v1;
	_ =	sdelay $0x1  }
0x93: {  	v1 =	vmax.f32 v1, v2  }
0x94: {  	v1 =	vmul.f32 $1.442695020e+00, v1;
	_ =	sdelay $0x1  }
0x95: {  	(erf) = vpow2.f32 v1;
	_ =	sdelay $0x1  }
0x96: {  	v1 =	vld [tilespmem:s26+$0x5820]  }
0x97: {  	v2 =	vld [tilespmem:s26+$0x5020];
	_ =	sdelay $0x5  }
0x98: {  	v3 =	vpop (erf)  }
0x99: {  	[tilespmem:s26+$0x6010] =	vst v3  }
0x9a: {  	v2 =	vld.idx.msk [tilespmem:v2+s3+$0x0], $0xffff  }
0x9b: {  	v1 =	vld.idx.msk [tilespmem:v1+s14+$0x0], $0xffff;
	_ =	sdelay $0x5  }
0x9c: {  	v1 =	vadd.f32 v1, v2;
	_ =	sdelay $0x1  }
0x9d: {  	v2 =	vmul.f32 $2.000000030e-01, v1;
	_ =	sdelay $0x1  }
0x9e: {  	v1 =	vmax.f32 v1, v2  }
0x9f: {  	v1 =	vmul.f32 $1.442695020e+00, v1;
	_ =	sdelay $0x1  }
0xa0: {  	(erf) = vpow2.f32 v1;
	_ =	sdelay $0x1  }
0xa1: {  	v1 =	vld [tilespmem:s26+$0x5830]  }
0xa2: {  	v2 =	vld [tilespmem:s26+$0x5030];
	_ =	sdelay $0x5  }
0xa3: {  	v3 =	vpop (erf)  }
0xa4: {  	[tilespmem:s26+$0x6020] =	vst v3  }
0xa5: {  	v2 =	vld.idx.msk [tilespmem:v2+s3+$0x0], $0xffff  }
0xa6: {  	v1 =	vld.idx.msk [tilespmem:v1+s14+$0x0], $0xffff;
	_ =	sdelay $0x5  }
0xa7: {  	v1 =	vadd.f32 v1, v2;
	_ =	sdelay $0x1  }
0xa8: {  	v2 =	vmul.f32 $2.000000030e-01, v1;
	_ =	sdelay $0x1  }
0xa9: {  	v1 =	vmax.f32 v1, v2  }
0xaa: {  	v1 =	vmul.f32 $1.442695020e+00, v1;
	_ =	sdelay $0x1  }
0xab: {  	(erf) = vpow2.f32 v1;
	_ =	sdelay $0x1  }
.Ltmp0:
0xac: {  	(pc) =	sbr.rel @p0 .LBB2_3-.Ltmp0, $2  }
0xad: {  	_ =	sdelay $0x2  }
0xae: {  	s29 =	sadd.s32 $0x5800, s26;
	s30 =	sadd.s32 $0x6000, s26  }
0xaf: {  	_ =	sdelay $0x1  }
0xb0: {  	v1 =	vpop (erf)  }
0xb1: {  	[tilespmem:s26+$0x6030] =	vst v1  }
0xb2: {  	[spmem:s2] =	stream.indirect.scatter.add.f32 [tilespmem:s30], [sflag:$0x1], $0x1, s29, s18, $0xb8;
	[tilespmem:$0x6D00] =	vst v63  }
0xb3: {  	_ =	swait.ge [sflag:s19], $0x40  }
0xb4: {  	[sflag:s19] =	ssyncset.done $0x0  }
0xb5: {  	[sflag:s19] =	ssyncadd.s32 $0xFFFFFFC0  }
0xb6: {  	_ =	swait.ge [sflag:s19], $0x40  }
0xb7: {  	[sflag:s19] =	ssyncset.done $0x0  }
0xb8: {  	[sflag:s19] =	ssyncadd.s32 $0xFFFFFFC0  }
0xb9: {  	_ =	swait.ge [sflag:s19], $0x40  }
0xba: {  	[sflag:s19] =	ssyncset.done $0x0  }
0xbb: {  	[sflag:s19] =	ssyncadd.s32 $0xFFFFFFC0  }
0xbc: {  	_ =	swait.ge [sflag:s19], $0x40  }
0xbd: {  	[sflag:s19] =	ssyncset.done $0x0  }
0xbe: {  	[sflag:s19] =	ssyncadd.s32 $0xFFFFFFC0  }
0xbf: {  	_ =	swait.ge [sflag:s19], $0x40  }
0xc0: {  	[sflag:s19] =	ssyncset.done $0x0  }
0xc1: {  	[sflag:s19] =	ssyncadd.s32 $0xFFFFFFC0  }
0xc2: {  	_ =	swait.ge [sflag:s19], $0x40  }
0xc3: {  	[sflag:s19] =	ssyncset.done $0x0  }
0xc4: {  	[sflag:s19] =	ssyncadd.s32 $0xFFFFFFC0  }
0xc5: {  	_ =	swait.ge [sflag:s19], $0x40  }
0xc6: {  	[sflag:s19] =	ssyncset.done $0x0  }
0xc7: {  	[sflag:s19] =	ssyncadd.s32 $0xFFFFFFC0  }
0xc8: {  	_ =	swait.ge [sflag:s19], $0x40  }
0xc9: {  	[sflag:s19] =	ssyncset.done $0x0  }
0xca: {  	[sflag:s19] =	ssyncadd.s32 $0xFFFFFFC0  }
0xcb: {  	_ =	swait.ge [sflag:s19], $0x40  }
0xcc: {  	[sflag:s19] =	ssyncset.done $0x0  }
0xcd: {  	[sflag:s19] =	ssyncadd.s32 $0xFFFFFFC0  }
0xce: {  	_ =	swait.ge [sflag:s19], $0x40  }
0xcf: {  	[sflag:s19] =	ssyncset.done $0x0  }
0xd0: {  	[sflag:s19] =	ssyncadd.s32 $0xFFFFFFC0  }
0xd1: {  	_ =	swait.ge [sflag:s19], $0x40  }
0xd2: {  	[sflag:s19] =	ssyncset.done $0x0  }
0xd3: {  	[sflag:s19] =	ssyncadd.s32 $0xFFFFFFC0  }
0xd4: {  	_ =	swait.ge [sflag:s19], $0x40  }
0xd5: {  	[sflag:s19] =	ssyncset.done $0x0  }
0xd6: {  	[sflag:s19] =	ssyncadd.s32 $0xFFFFFFC0  }
0xd7: {  	_ =	swait.ge [sflag:s19], $0x40  }
0xd8: {  	[sflag:s19] =	ssyncset.done $0x0  }
0xd9: {  	[sflag:s19] =	ssyncadd.s32 $0xFFFFFFC0  }
0xda: {  	_ =	swait.ge [sflag:s19], $0x40  }
0xdb: {  	[sflag:s19] =	ssyncset.done $0x0  }
0xdc: {  	[sflag:s19] =	ssyncadd.s32 $0xFFFFFFC0  }
0xdd: {  	_ =	swait.ge [sflag:s19], $0x40  }
0xde: {  	[sflag:s19] =	ssyncset.done $0x0  }
0xdf: {  	[sflag:s19] =	ssyncadd.s32 $0xFFFFFFC0  }
0xe0: {  	s24 =	sadd.s32 $0x1, s24;
	_ =	swait.ge [sflag:s19], $0x40  }
0xe1: {  	p0 =	sne.s32 s24, $0xA;
	[sflag:s19] =	ssyncset.done $0x0  }
.Ltmp1:
0xe2: {  	s25 =	sadd.s32 s8, s25;
	[sflag:s19] =	ssyncadd.s32 $0xFFFFFFC0;
	(pc) =	sbr.rel @p0 .LBB2_2-.Ltmp1, $4  }
0xe3: {  	[hbm4b:s25+s3] =	stream.linear.scatter [tilespmem:s20], [sflag:$0x2], $0x800, $0x38;
	[tilespmem:$0x6D00] =	vst v63  }
0xe4: {  	_ =	swait.ge [sflag:s13], $0x800  }
0xe5: {  	[sflag:s13] =	ssyncset.done $0x0  }
0xe6: {  	[sflag:s13] =	ssyncadd.s32 $0xFFFFF800  }
0xe7: {  	s23 =	sadd.s32 $0x1, s23  }
0xe8: {  	p0 =	sne.s32 s23, s11  }
.Ltmp2:
0xe9: {  	[bflag:$0x0] =	sbarrier.arrive $0xFFFF;
	(pc) =	sbr.rel @p0 .LBB2_1-.Ltmp2, $4  }
0xea: {  	[hbm:s12], [sflag:s21] =	dma.local [spmem:s22], $0x50  }
0xeb: {  	_ =	swait.ge [sflag:s13], $0x50  }
0xec: {  	[sflag:s13] =	ssyncset.done $0x0  }
0xed: {  	[sflag:s13] =	ssyncadd.s32 $0xFFFFFFB0  }
0xee: {  	_ =	sfence.sel $0x180000  }
0xef: {  	[bflag:$0x0] =	sbarrier.arrive $0xFFFF  }
0xf0: {  	p0 =	sne.s32 s6, $0x0;
	_ =	strace $0x9000004D  }
0xf1: {  	s0 =	sadd.s32 @!p0 $0x100000, s0;
	[bflag:$0x2] =	sbarrier.arrive $0xFFFF  }
0xf2: {  	[sflag:s0] =	ssyncadd.tile.s32 @!p0 $0x1;
	_ =	shalt  }
.Lfunc_end2:
_tile_overlayer_lowered:
.L_overlay_start_2:
0xf3: {  	(tag) =	ssettag $0x2  }
0xf4: {  	s0 =	rddreg [dreg:$0x0];
	s2 =	stileid.u32  }
0xf5: {  	s1 =	rddreg [dreg:$0x1];
	p0 =	sne.s32 s2, $0x0  }
0xf6: {  	s3 =	rddreg [dreg:$0x2];
	[bflag:$0x3] =	sbarrier.arrive $0xFFFF;
	s2 =	simm.s32 @!p0 $0x1C02  }
0xf7: {  	[timem:s3], [sflag:s2] =	dma.local @!p0 [hbm:s0], s1  }
0xf8: {  	s0 =	simm.s32 @!p0 $0x2  }
0xf9: {  	_ =	swait.ge @!p0 [sflag:s0], s1  }
0xfa: {  	s1 =	ssub.s32 @!p0 $0x0, s1;
	[sflag:s0] =	ssyncset.done @!p0 $0x0  }
0xfb: {  	[sflag:s0] =	ssyncadd.s32 @!p0 s1  }
0xfc: {  	[bflag:$0x3] =	sbarrier.arrive $0xFFFF  }
0xfd: {  	_ =	shalt  }

// kernel: kernel.18.cloned.1.call-start
scs
__scs_entry_jumppad:
0x0: {  	(pc) =	sbr.rel $0x88, $3  }
0x1: {  	(tag) =	ssettag $0x0;
	lr =	simm.s32 $0x1  }
0x2: {  	[smem:$0x3F97] =	sst lr;
	_ =	strace $0xD0000000  }
0x3: {  	_ = 	snop  }
0x4: {  	_ = 	snop  }
0x5: {  	_ = 	snop  }
0x6: {  	_ = 	snop  }
0x7: {  	_ = 	snop  }
__scs_overlays_trampoline_lowered:
0x8: {  	[smem:$0x3FA6] =	sst s0  }
0x9: {  	[smem:$0x3FA7] =	sst s1  }
0xa: {  	[smem:$0x3FA8] =	sst s2  }
0xb: {  	[smem:$0x3FA9] =	sst s3  }
0xc: {  	[smem:$0x3FAA] =	sst s4  }
0xd: {  	[smem:$0x3FAB] =	sst s5  }
0xe: {  	[smem:$0x3FAC] =	sst s6  }
0xf: {  	[smem:$0x3FAD] =	sst s7  }
0x10: {  	[smem:$0x3FAE] =	sst s8  }
0x11: {  	[smem:$0x3FAF] =	sst s9;
	s0 =	simm.s32 @!p0 $0x0  }
0x12: {  	s1 =	sld [smem:$0x3F95];
	s0 =	simm.s32 @p0 $0x1  }
0x13: {  	[smem:$0x3FB0] =	sst s0;
	s0 =	simm.s32 @!p1 $0x0  }
0x14: {  	s2 =	sld [smem:$0x3F94];
	s0 =	simm.s32 @p1 $0x1  }
0x15: {  	[smem:$0x3FB1] =	sst s0;
	s0 =	simm.s32 @!p2 $0x0  }
0x16: {  	s3 =	sld [smem:$0x3FDB];
	s0 =	simm.s32 @p2 $0x1  }
0x17: {  	s4 =	simm.s32 $0x1BF5;
	[smem:$0x3FB3] =	sst s0  }
0x18: {  	s0 =	sld [smem:$0x3F96];
	_ =	swait.ge [sflag:s4], $0x0  }
0x19: {  	s7 =	sld [smem:$0x3F97]  }
0x1a: {  	s8 =	sadd.s32 $0xFFFFE003, lr  }
0x1b: {  	s9 =	sadd.s32 $0xFFFFFEF7, lr;
	s5 =	simm.s32 $0xFFFFFFFF;
	p2 =	slt.u32 s8, $0xFFFFF086  }
0x1c: {  	p1 =	slt.u32 s9, $0xF7A;
	s5 =	simm.s32 @!p2 $0x0  }
0x1d: {  	s5 =	simm.s32 @p1 $0x1;
	p0 =	seq.s32 s7, s2  }
0x1e: {  	s7 =	smul.u32 @!p0 $0xF7A, s2;
	p2 =	seq.s32 @!p0 s5, $0x0  }
0x1f: {  	s9 =	smul.u32 $0xF7A, s1;
	s8 =	simm.s32 @!p0 $0x1BF5;
	p2 =	por !p2, p0  }
0x20: {  	[sflag:s8] =	ssyncset.s32 @!p0 $0xFFFFF086;
	s6 =	sadd.s32 @!p0 s3, s7;
	s7 =	simm.s32 @!p0 $0x108  }
0x21: {  	s3 =	sadd.s32 s3, s9;
	s6 =	sadd.s32 @!p0 $0x88, s6;
	s7 =	simm.s32 @p2 $0x1082  }
0x22: {  	[simem:s7], [sflag:s8] =	dma.local @!p0 [hbm:s6], $0xF7A  }
0x23: {  	s9 =	sor.u32 $0xD0000000, s2;
	s6 =	simm.s32 $0x108;
	_ =	swait.ge @!p0 [sflag:s8], $0x0  }
0x24: {  	s3 =	sadd.s32 $0x88, s3;
	s6 =	simm.s32 @!p1 $0x1082;
	[sflag:s4] =	ssyncset.s32 $0xFFFFF086  }
0x25: {  	[simem:s6], [sflag:s4] =	dma.local [hbm:s3], $0xF7A  }
0x26: {  	[smem:$0x3F97] =	sst s1;
	(tag) =	ssettag s2;
	_ =	strace s9  }
0x27: {  	s1 =	sld [smem:$0x3FA7]  }
0x28: {  	s2 =	sld [smem:$0x3FA8]  }
0x29: {  	s4 =	sld [smem:$0x3FAA]  }
0x2a: {  	p0 =	seq.s32 s5, $0x0;
	s5 =	sld [smem:$0x3FAB]  }
0x2b: {  	s6 =	sld [smem:$0x3FAC]  }
0x2c: {  	s7 =	sld [smem:$0x3FAD]  }
0x2d: {  	s3 =	simm.s32 $0x108;
	s8 =	sld [smem:$0x3FAE]  }
0x2e: {  	s3 =	simm.s32 @!p0 $0x1082;
	s9 =	sld [smem:$0x3FAF]  }
0x2f: {  	lr =	sadd.s32 s0, s3;
	s0 =	sld [smem:$0x3FA6]  }
0x30: {  	s3 =	sld [smem:$0x3FA9]  }
0x31: {  	[smem:$0x3FB2] =	sst s10  }
0x32: {  	s10 =	sld [smem:$0x3FB0];
	_ =	sdelay $0x3  }
0x33: {  	p0 =	seq.s32 s10, $0x1;
	s10 =	sld [smem:$0x3FB2];
	_ =	sdelay $0x3  }
0x34: {  	[smem:$0x3FB2] =	sst s10  }
0x35: {  	s10 =	sld [smem:$0x3FB1];
	_ =	sdelay $0x3  }
0x36: {  	p1 =	seq.s32 s10, $0x1;
	s10 =	sld [smem:$0x3FB2];
	_ =	sdelay $0x3  }
0x37: {  	[smem:$0x3FB2] =	sst s10  }
0x38: {  	s10 =	sld [smem:$0x3FB3]  }
0x39: {  	_ = 	snop;
	(pc) =	sbr.ind lr, $3  }
0x3a: {  	_ = 	snop  }
0x3b: {  	_ = 	snop  }
0x3c: {  	p2 =	seq.s32 s10, $0x1;
	s10 =	sld [smem:$0x3FB2]  }
0x3d: {  	_ =	shalt  }
0x3e: {  	_ =	shalt  }
0x3f: {  	_ =	shalt  }
0x40: {  	_ =	shalt  }
0x41: {  	_ =	shalt  }
0x42: {  	_ =	shalt  }
0x43: {  	_ =	shalt  }
0x44: {  	_ =	shalt  }
0x45: {  	_ =	shalt  }
0x46: {  	_ =	shalt  }
0x47: {  	_ =	shalt  }
0x48: {  	_ =	shalt  }
0x49: {  	_ =	shalt  }
0x4a: {  	_ =	shalt  }
0x4b: {  	_ =	shalt  }
0x4c: {  	_ =	shalt  }
0x4d: {  	_ =	shalt  }
0x4e: {  	_ =	shalt  }
0x4f: {  	_ =	shalt  }
0x50: {  	_ =	shalt  }
0x51: {  	_ =	shalt  }
0x52: {  	_ =	shalt  }
0x53: {  	_ =	shalt  }
0x54: {  	_ =	shalt  }
0x55: {  	_ =	shalt  }
0x56: {  	_ =	shalt  }
0x57: {  	_ =	shalt  }
0x58: {  	_ =	shalt  }
0x59: {  	_ =	shalt  }
0x5a: {  	_ =	shalt  }
0x5b: {  	_ =	shalt  }
0x5c: {  	_ =	shalt  }
0x5d: {  	_ =	shalt  }
0x5e: {  	_ =	shalt  }
0x5f: {  	_ =	shalt  }
0x60: {  	_ =	shalt  }
0x61: {  	_ =	shalt  }
0x62: {  	_ =	shalt  }
0x63: {  	_ =	shalt  }
0x64: {  	_ =	shalt  }
0x65: {  	_ =	shalt  }
0x66: {  	_ =	shalt  }
0x67: {  	_ =	shalt  }
0x68: {  	_ =	shalt  }
0x69: {  	_ =	shalt  }
0x6a: {  	_ =	shalt  }
0x6b: {  	_ =	shalt  }
0x6c: {  	_ =	shalt  }
0x6d: {  	_ =	shalt  }
0x6e: {  	_ =	shalt  }
0x6f: {  	_ =	shalt  }
0x70: {  	_ =	shalt  }
0x71: {  	_ =	shalt  }
0x72: {  	_ =	shalt  }
0x73: {  	_ =	shalt  }
0x74: {  	_ =	shalt  }
0x75: {  	_ =	shalt  }
0x76: {  	_ =	shalt  }
0x77: {  	_ =	shalt  }
0x78: {  	_ =	shalt  }
0x79: {  	_ =	shalt  }
0x7a: {  	_ =	shalt  }
0x7b: {  	_ =	shalt  }
0x7c: {  	_ =	shalt  }
0x7d: {  	_ =	shalt  }
0x7e: {  	_ =	shalt  }
0x7f: {  	_ =	shalt  }
0x80: {  	_ =	shalt  }
0x81: {  	_ =	shalt  }
0x82: {  	_ =	shalt  }
0x83: {  	_ =	shalt  }
0x84: {  	_ =	shalt  }
0x85: {  	_ =	shalt  }
0x86: {  	_ =	shalt  }
0x87: {  	_ =	shalt  }
.Lfunc_end0:
.L_simem_size_0:
called_computation.3_lowered:
.L_overlay_start_0:
0x88: {  	s2 =	sld [smem:$0x3FD9]  }
0x89: {  	s3 =	sld [smem:$0x3FFE];
	_ =	sdelay $0x1  }
0x8a: {  	s1 =	srdreg.scid  }
0x8b: {  	s0 =	sand.u32 $0x1, s1  }
0x8c: {  	s17 =	sshll.u32 s0, $0xA;
	s2 =	sadd.s32 s3, s2  }
0x8d: {  	s2 =	sadd.s32 s2, s17  }
0x8e: {  	[smem:$0x3FBE] =	sst s2  }
0x8f: {  	_ = 	snop  }
0x90: {  	s2 =	sld [smem:$0x3FD0];
	(tm) =	ssettm $0x1  }
0x91: {  	s18 =	sld [smem:$0x3FFB];
	_ =	sdelay $0x3  }
0x92: {  	_ =	strace s18  }
0x93: {  	s3 =	sld [smem:$0x3FFC];
	_ =	sdelay $0x3  }
0x94: {  	_ =	strace s3  }
0x95: {  	s3 =	sld [smem:$0x3FFD];
	_ =	sdelay $0x3  }
0x96: {  	_ =	strace s3  }
0x97: {  	_ =	strace $0x8FFFFFFF  }
0x98: {  	s19 =	sld [smem:$0x3FDB];
	_ =	sdelay $0x1  }
0x99: {  	s4 =	simm.s32 $_scs_section_size  }
0x9a: {  	s5 =	simm.s32 $_size__tile_overlayer_lowered;
	s6 =	simm.s32 $_tile_overlayer_lowered  }
0x9b: {  	s22 =	simm.s32 $0x1BFF;
	s21 =	sshll.u32 s6, $0x1;
	s3 =	sadd.s32 s4, s19  }
0x9c: {  	s7 =	simm.s32 $0x0;
	s20 =	sshll.u32 s5, $0x1;
	s5 =	sadd.s32 s21, s3  }
0x9d: {  	[timem:s7], [sflag:s22] =	dma.local [hbm:s5], s20  }
0x9e: {  	_ =	swait.ge [sflag:s22], s20  }
0x9f: {  	s4 =	ssub.s32 $0x0, s20;
	[sflag:s22] =	ssyncset.done $0x0  }
0xa0: {  	[sflag:s22] =	ssyncadd.s32 s4;
	_ =	sdelay $0x1  }
0xa1: {  	s23 =	simm.s32 $0x1B8B  }
0xa2: {  	_ =	swait.ge [sflag:s23], $0x1  }
0xa3: {  	[sflag:s23] =	ssyncset.done $0x0  }
0xa4: {  	s25 =	simm.s32 $0x1B8E;
	s24 =	sld [smem:$0x3FFE];
	[sflag:s23] =	ssyncadd.s32 $0xFFFFFFFF  }
0xa5: {  	s26 =	simm.s32 $execute0_lowered;
	[smem:$0x3FD2] =	sst s25  }
0xa6: {  	s5 =	sshll.u32 s26, $0x1;
	_ =	strace $0x8000004F;
	[dreg:$0x1] =	wrdreg $0xFFFFFFFF  }
0xa7: {  	s28 =	simm.s32 $_size_execute0_lowered;
	s3 =	sadd.s32 s3, s5;
	[dreg:$0x0] =	wrdreg $0x0  }
0xa8: {  	s5 =	sshll.u32 s28, $0x1;
	[dreg:$0x2] =	wrdreg s3  }
0xa9: {  	[dreg:$0x3] =	wrdreg s5  }
0xaa: {  	[dreg:$0x4] =	wrdreg $0xC0  }
0xab: {  	_ =	task [dreg:s7], $0x5FFFF  }
0xac: {  	[dreg:$0x1] =	wrdreg $0xFFFFFFFF  }
0xad: {  	[dreg:$0x0] =	wrdreg $0x60  }
0xae: {  	[dreg:$0x2] =	wrdreg s24  }
0xaf: {  	[dreg:$0x3] =	wrdreg s2  }
0xb0: {  	[dreg:$0x4] =	wrdreg $0x9  }
0xb1: {  	_ =	task.clear_ibuf [dreg:s7], $0x5FFFF;
	_ =	strace $0x9000004F  }
0xb2: {  	s29 =	simm.s32 $0x9;
	_ =	strace $0x80000051  }
0xb3: {  	_ =	swait.ge [sflag:s29], $0x1  }
0xb4: {  	[sflag:s29] =	ssyncadd.s32 $0xFFFFFFFF  }
0xb5: {  	_ =	strace $0x90000051  }
0xb6: {  	_ =	sfence  }
0xb7: {  	s30 =	sld [smem:$0x0];
	_ =	sdelay $0x2  }
0xb8: {  	s31 =	sshll.u32 s1, $0xD;
	s1 =	sshrl.u32 s1, $0x2  }
0xb9: {  	s3 =	sand.u32 $0x4000, s31;
	s1 =	sadd.s32 s1, s30  }
0xba: {  	s0 =	sor.u32 s3, s0;
	s1 =	sshll.u32 s1, $0x11  }
0xbb: {  	s0 =	sor.u32 s1, s0  }
0xbc: {  	s0 =	sadd.s32 $0x8F2B, s0  }
0xbd: {  	[sflag:s0] =	ssyncadd.remote.s32 $0x1  }
0xbe: {  	_ =	sfence.sel $0xFFFF  }
0xbf: {  	[dreg:$0x0] =	wrdreg $0xFFFFFFFF;
	(pc) =	sbr.abs _section_cstart, $3  }
0xc0: {  	[dreg:$0x1] =	wrdreg $0xFFFFFFFF  }
0xc1: {  	_ =	task.clear_ibuf [dreg:s7], $0x2FFFF;
	_ =	strace $0x9FFFFFFF  }
0xc2: {  	(tm) =	ssettm $0x7FFFFFFF  }
0xc3: {  	_ =	shalt  }
tec
execute0_lowered:
.L_overlay_start_1:
0x0: {  	(tag) =	ssettag $0x1  }
0x1: {  	s0 =	srdreg.scid  }
0x2: {  	s1 =	rddreg [dreg:$0x0];
	s7 =	stileid.u32;
	s0 =	sand.u32 $0x1, s0  }
0x3: {  	s2 =	rddreg [dreg:$0x1];
	s3 =	sshll.u32 s0, $0x4;
	s0 =	ssub.s32 $0x2, s0  }
0x4: {  	s5 =	sor.u32 s7, s3;
	s3 =	simm.s32 $0x0;
	s8 =	sshrl.u32 s0, $0x1  }
0x5: {  	s28 =	sadd.s32 $0x2B480, s1;
	[smem:$0x7FF] =	sst s3;
	s0 =	ssub.s32 s0, s8  }
0x6: {  	s8 =	sadd.s32 $0x2B600, s1;
	_ =	strace $0x80000050;
	[dreg:$0xc] =	wrdreg s28  }
0x7: {  	s9 =	sadd.s32 $0x2B680, s1;
	[dreg:$0xf] =	wrdreg s8  }
0x8: {  	s10 =	sadd.s32 $0x2B700, s1;
	[dreg:$0x10] =	wrdreg s9  }
0x9: {  	s11 =	sadd.s32 $0x2B780, s1;
	[dreg:$0x11] =	wrdreg s10  }
0xa: {  	s12 =	sadd.s32 $0x2B800, s1;
	[dreg:$0x12] =	wrdreg s11  }
0xb: {  	s13 =	sadd.s32 $0x2B880, s1;
	[dreg:$0x13] =	wrdreg s12  }
0xc: {  	s14 =	sadd.s32 $0x2B900, s1;
	[dreg:$0x14] =	wrdreg s13  }
0xd: {  	s15 =	sadd.s32 $0x2B980, s1;
	[dreg:$0x15] =	wrdreg s14  }
0xe: {  	s16 =	sadd.s32 $0x2BA00, s1;
	[dreg:$0x16] =	wrdreg s15  }
0xf: {  	s18 =	sshll.u32 s7, $0x9;
	s17 =	sadd.s32 $0x2BA80, s1;
	[dreg:$0x17] =	wrdreg s16  }
0x10: {  	s7 =	sand.u32 $0x200, s18;
	s18 =	sadd.s32 $0x2BB00, s1;
	[dreg:$0x18] =	wrdreg s17  }
0x11: {  	s0 =	smax.u32 s0, $0x1;
	[dreg:$0x19] =	wrdreg s18  }
0x12: {  	s28 =	sadd.s32 $0x35800, s1;
	[dreg:$0xb] =	wrdreg s0  }
0x13: {  	s8 =	sadd.s32 $0x35980, s1;
	[smem:$0x7E7] =	sst s28  }
0x14: {  	s9 =	sadd.s32 $0x35A00, s1;
	[smem:$0x7EA] =	sst s8  }
0x15: {  	s10 =	sadd.s32 $0x35A80, s1;
	[smem:$0x7EB] =	sst s9  }
0x16: {  	s11 =	sadd.s32 $0x35B00, s1;
	[smem:$0x7EC] =	sst s10  }
0x17: {  	s12 =	sadd.s32 $0x35B80, s1;
	[smem:$0x7ED] =	sst s11  }
0x18: {  	s13 =	sadd.s32 $0x80, s2;
	[smem:$0x7EE] =	sst s12  }
0x19: {  	s14 =	sadd.s32 $0x100, s2;
	[smem:$0x7EF] =	sst s13  }
0x1a: {  	s15 =	sadd.s32 $0x180, s2;
	[smem:$0x7F0] =	sst s14  }
0x1b: {  	s4 =	sshrl.u32 s5, $0x1;
	s16 =	sadd.s32 $0x200, s2;
	[smem:$0x7F1] =	sst s15  }
0x1c: {  	s6 =	smul.u32 $0x14000, s4;
	s17 =	sadd.s32 $0x280, s2;
	[smem:$0x7F2] =	sst s16  }
0x1d: {  	s19 =	smul.u32 $0x1400, s5;
	s18 =	sadd.s32 $0x300, s2;
	[smem:$0x7F3] =	sst s17  }
0x1e: {  	[smem:$0x7F4] =	sst s18;
	s28 =	sadd.s32 $0x780, s2;
	s6 =	sor.u32 s7, s6  }
0x1f: {  	s7 =	sadd.s32 s19, s1;
	s19 =	sadd.s32 $0x2BB80, s1;
	[smem:$0x7FD] =	sst s28  }
0x20: {  	s23 =	sadd.s32 $0x1C00, s7;
	[dreg:$0x1a] =	wrdreg s19  }
0x21: {  	s24 =	sadd.s32 $0x1C10, s7;
	[dreg:$0x7] =	wrdreg s23  }
0x22: {  	s25 =	sadd.s32 $0x1C20, s7;
	[dreg:$0x8] =	wrdreg s24  }
0x23: {  	s26 =	sadd.s32 $0x1C30, s7;
	[dreg:$0x9] =	wrdreg s25  }
0x24: {  	s7 =	sadd.s32 $0x2B580, s1;
	[dreg:$0xa] =	wrdreg s26  }
0x25: {  	s29 =	simm.s32 $0x16480;
	s19 =	sadd.s32 $0x380, s2;
	[dreg:$0xe] =	wrdreg s7  }
0x26: {  	s30 =	simm.s32 $0x16580;
	s23 =	sadd.s32 $0x35600, s1;
	[smem:$0x7F5] =	sst s19  }
0x27: {  	s31 =	simm.s32 $0x16680;
	s24 =	sadd.s32 $0x35680, s1;
	[dreg:$0x1e] =	wrdreg s23  }
0x28: {  	s5 =	sadd.s32 $0x35400, s1;
	s25 =	sadd.s32 $0x35700, s1;
	[dreg:$0x1f] =	wrdreg s24  }
0x29: {  	s6 =	sshrl.u32 s6, $0x3;
	s26 =	sadd.s32 $0x35780, s1;
	[smem:$0x7E5] =	sst s25  }
0x2a: {  	s6 =	sadd.s32 s6, s1;
	s7 =	sadd.s32 $0x35900, s1;
	[smem:$0x7E6] =	sst s26  }
0x2b: {  	s4 =	sadd.s32 $0x2B400, s1;
	s20 =	sadd.s32 $0x3F400, s6;
	[smem:$0x7E9] =	sst s7  }
0x2c: {  	s9 =	simm.s32 $0x2800;
	s21 =	sadd.s32 $0x3F410, s6;
	[dreg:$0x3] =	wrdreg s20  }
0x2d: {  	s10 =	simm.s32 $0x5000;
	s22 =	sadd.s32 $0x3F420, s6;
	[dreg:$0x4] =	wrdreg s21  }
0x2e: {  	s11 =	simm.s32 $0x7800;
	s6 =	sadd.s32 $0x3F430, s6;
	[dreg:$0x5] =	wrdreg s22  }
0x2f: {  	s14 =	simm.s32 $0x1;
	s23 =	sadd.s32 $0x580, s2;
	[dreg:$0x6] =	wrdreg s6  }
0x30: {  	s0 =	simm.s32 $0x16880;
	s24 =	sadd.s32 $0x600, s2;
	[smem:$0x7F9] =	sst s23  }
0x31: {  	s12 =	simm.s32 $0x16B80;
	s25 =	sadd.s32 $0x680, s2;
	[smem:$0x7FA] =	sst s24  }
0x32: {  	s13 =	simm.s32 $0x16C80;
	s26 =	sadd.s32 $0x700, s2;
	[smem:$0x7FB] =	sst s25  }
0x33: {  	s8 =	simm.s32 $0x16D80;
	s6 =	sadd.s32 $0x2B500, s1;
	[smem:$0x7FC] =	sst s26  }
0x34: {  	s15 =	simm.s32 $0x16E80;
	s20 =	sadd.s32 $0x35480, s1;
	[dreg:$0xd] =	wrdreg s6  }
0x35: {  	s16 =	simm.s32 $0x16F80;
	s21 =	sadd.s32 $0x35500, s1;
	[dreg:$0x1b] =	wrdreg s20  }
0x36: {  	s17 =	simm.s32 $0xA000;
	s22 =	sadd.s32 $0x35580, s1;
	[dreg:$0x1c] =	wrdreg s21  }
0x37: {  	s18 =	simm.s32 $0xC800;
	[dreg:$0x1d] =	wrdreg s22;
	s6 =	sadd.s32 $0x35880, s1  }
0x38: {  	s19 =	simm.s32 $0xF000;
	s20 =	sadd.s32 $0x400, s2;
	[smem:$0x7E8] =	sst s6  }
0x39: {  	s7 =	simm.s32 $0x16980;
	s21 =	sadd.s32 $0x480, s2;
	[smem:$0x7F6] =	sst s20  }
0x3a: {  	s24 =	simm.s32 $0x2;
	s22 =	sadd.s32 $0x500, s2;
	[smem:$0x7F7] =	sst s21  }
0x3b: {  	s23 =	simm.s32 $0x0;
	s1 =	simm.s32 $0x16780;
	[smem:$0x7F8] =	sst s22  }
0x3c: {  	v0 =	vimm.f32 $0.0e+00;
	s22 =	simm.s32 $0x80;
	s6 =	simm.s32 $0x16A80;
	s20 =	simm.s32 $0x11800  }
.LBB2_1:
0x3d: {  	[smem:$0x7E4] =	sst s23  }
0x3e: {  	s21 =	rddreg [dreg:$0x3];
	s23 =	simm.s32 $0x400  }
0x3f: {  	[tilespmem:s3], [sflag:$0x2] =	stream.strided.gather [hbm4b:s21+s22], $0x2800, s23, s22, $0x38;
	[tilespmem:$0x17000] =	vst v63  }
0x40: {  	_ =	swait.ge [sflag:s24], $0x2800  }
0x41: {  	[sflag:s24] =	ssyncset.done $0x0  }
0x42: {  	s25 =	rddreg [dreg:$0x4];
	[sflag:s24] =	ssyncadd.s32 $0xFFFFD800  }
0x43: {  	[tilespmem:s9], [sflag:$0x2] =	stream.strided.gather [hbm4b:s25+s22], $0x2800, s23, s22, $0x38;
	[tilespmem:$0x17000] =	vst v63  }
0x44: {  	_ =	swait.ge [sflag:s24], $0x2800  }
0x45: {  	[sflag:s24] =	ssyncset.done $0x0  }
0x46: {  	s26 =	rddreg [dreg:$0x5];
	[sflag:s24] =	ssyncadd.s32 $0xFFFFD800  }
0x47: {  	[tilespmem:s10], [sflag:$0x2] =	stream.strided.gather [hbm4b:s26+s22], $0x2800, s23, s22, $0x38;
	[tilespmem:$0x17000] =	vst v63  }
0x48: {  	_ =	swait.ge [sflag:s24], $0x2800  }
0x49: {  	[sflag:s24] =	ssyncset.done $0x0  }
0x4a: {  	s28 =	rddreg [dreg:$0x6];
	[sflag:s24] =	ssyncadd.s32 $0xFFFFD800  }
0x4b: {  	[tilespmem:s11], [sflag:$0x2] =	stream.strided.gather [hbm4b:s28+s22], $0x2800, s23, s22, $0x38;
	[tilespmem:$0x17000] =	vst v63  }
0x4c: {  	_ =	swait.ge [sflag:s24], $0x2800  }
0x4d: {  	[sflag:s24] =	ssyncset.done $0x0  }
0x4e: {  	s21 =	simm.s32 $0x0;
	s22 =	simm.s32 $0x40;
	[sflag:s24] =	ssyncadd.s32 $0xFFFFD800  }
.LBB2_2:
0x4f: {  	p0 =	sne.s32 s22, $0x9FC0;
	[tilespmem:s21+$0x11800] =	vst v0;
	s23 =	smov.u32 s22;
	s22 =	sadd.s32 $0x40, s22  }
.Ltmp0:
0x50: {  	[tilespmem:s21+$0xF000] =	vst v0;
	(pc) =	sbr.rel @p0 .LBB2_2-.Ltmp0, $3  }
0x51: {  	[tilespmem:s21+$0xA000] =	vst v0  }
0x52: {  	[tilespmem:s21+$0xC800] =	vst v0;
	_ =	sdelay $0x1  }
0x53: {  	s21 =	sshra.s32 s23, $0x2  }
0x54: {  	[tilespmem:s21+$0x11800] =	vst v0  }
0x55: {  	[tilespmem:s21+$0xF000] =	vst v0  }
0x56: {  	[tilespmem:s21+$0xA000] =	vst v0  }
0x57: {  	[tilespmem:s21+$0xC800] =	vst v0;
	s21 =	simm.s32 $0x0;
	s22 =	simm.s32 $0x14000  }
0x58: {  	[tilespmem:s22], [sflag:$0x1] =	stream.linear.gather [hbm4b:s4+s21], $0x80, $0x38;
	[tilespmem:$0x17000] =	vst v63  }
0x59: {  	s28 =	rddreg [dreg:$0xc];
	s23 =	simm.s32 $0x14100  }
0x5a: {  	[tilespmem:s23], [sflag:$0x1] =	stream.linear.gather [hbm4b:s28+s21], $0x80, $0x38;
	[tilespmem:$0x17000] =	vst v63  }
0x5b: {  	s24 =	rddreg [dreg:$0xd];
	s25 =	simm.s32 $0x14200  }
0x5c: {  	[tilespmem:s25], [sflag:$0x1] =	stream.linear.gather [hbm4b:s24+s21], $0x80, $0x38;
	[tilespmem:$0x17000] =	vst v63  }
0x5d: {  	s26 =	rddreg [dreg:$0xe];
	s28 =	simm.s32 $0x14300  }
0x5e: {  	[tilespmem:s28], [sflag:$0x1] =	stream.linear.gather [hbm4b:s26+s21], $0x80, $0x38;
	[tilespmem:$0x17000] =	vst v63  }
0x5f: {  	s24 =	rddreg [dreg:$0xf];
	s25 =	simm.s32 $0x14400  }
0x60: {  	[tilespmem:s25], [sflag:$0x1] =	stream.linear.gather [hbm4b:s24+s21], $0x80, $0x38;
	[tilespmem:$0x17000] =	vst v63  }
0x61: {  	s26 =	rddreg [dreg:$0x10];
	s28 =	simm.s32 $0x14500  }
0x62: {  	[tilespmem:s28], [sflag:$0x1] =	stream.linear.gather [hbm4b:s26+s21], $0x80, $0x38;
	[tilespmem:$0x17000] =	vst v63  }
0x63: {  	s24 =	rddreg [dreg:$0x11];
	s25 =	simm.s32 $0x14600  }
0x64: {  	[tilespmem:s25], [sflag:$0x1] =	stream.linear.gather [hbm4b:s24+s21], $0x80, $0x38;
	[tilespmem:$0x17000] =	vst v63  }
0x65: {  	s26 =	rddreg [dreg:$0x12];
	s28 =	simm.s32 $0x14700  }
0x66: {  	[tilespmem:s28], [sflag:$0x1] =	stream.linear.gather [hbm4b:s26+s21], $0x80, $0x38;
	[tilespmem:$0x17000] =	vst v63  }
0x67: {  	s24 =	rddreg [dreg:$0x13];
	s25 =	simm.s32 $0x14800  }
0x68: {  	[tilespmem:s25], [sflag:$0x1] =	stream.linear.gather [hbm4b:s24+s21], $0x80, $0x38;
	[tilespmem:$0x17000] =	vst v63  }
0x69: {  	s26 =	rddreg [dreg:$0x14];
	s28 =	simm.s32 $0x14900  }
0x6a: {  	[tilespmem:s28], [sflag:$0x1] =	stream.linear.gather [hbm4b:s26+s21], $0x80, $0x38;
	[tilespmem:$0x17000] =	vst v63  }
0x6b: {  	s24 =	rddreg [dreg:$0x15];
	s25 =	simm.s32 $0x14A00  }
0x6c: {  	[tilespmem:s25], [sflag:$0x1] =	stream.linear.gather [hbm4b:s24+s21], $0x80, $0x38;
	[tilespmem:$0x17000] =	vst v63  }
0x6d: {  	s26 =	rddreg [dreg:$0x16];
	s28 =	simm.s32 $0x14B00  }
0x6e: {  	[tilespmem:s28], [sflag:$0x1] =	stream.linear.gather [hbm4b:s26+s21], $0x80, $0x38;
	[tilespmem:$0x17000] =	vst v63  }
0x6f: {  	s24 =	rddreg [dreg:$0x17];
	s25 =	simm.s32 $0x14C00  }
0x70: {  	[tilespmem:s25], [sflag:$0x1] =	stream.linear.gather [hbm4b:s24+s21], $0x80, $0x38;
	[tilespmem:$0x17000] =	vst v63  }
0x71: {  	s26 =	rddreg [dreg:$0x18];
	s28 =	simm.s32 $0x14D00  }
0x72: {  	[tilespmem:s28], [sflag:$0x1] =	stream.linear.gather [hbm4b:s26+s21], $0x80, $0x38;
	[tilespmem:$0x17000] =	vst v63  }
0x73: {  	s24 =	rddreg [dreg:$0x19];
	s25 =	simm.s32 $0x14E00  }
0x74: {  	[tilespmem:s25], [sflag:$0x1] =	stream.linear.gather [hbm4b:s24+s21], $0x80, $0x38;
	[tilespmem:$0x17000] =	vst v63  }
0x75: {  	s26 =	rddreg [dreg:$0x1a];
	s28 =	simm.s32 $0x14F00  }
0x76: {  	[tilespmem:s28], [sflag:$0x1] =	stream.linear.gather [hbm4b:s26+s21], $0x80, $0x38;
	[tilespmem:$0x17000] =	vst v63  }
0x77: {  	s23 =	simm.s32 $0x15000;
	s24 =	rddreg [dreg:$0x1b]  }
0x78: {  	[tilespmem:s23], [sflag:$0x1] =	stream.linear.gather [hbm4b:s5+s21], $0x80, $0x38;
	[tilespmem:$0x17000] =	vst v63  }
0x79: {  	s25 =	simm.s32 $0x15100;
	s26 =	rddreg [dreg:$0x1c]  }
0x7a: {  	[tilespmem:s25], [sflag:$0x1] =	stream.linear.gather [hbm4b:s24+s21], $0x80, $0x38;
	[tilespmem:$0x17000] =	vst v63  }
0x7b: {  	s28 =	simm.s32 $0x15200;
	s24 =	rddreg [dreg:$0x1d]  }
0x7c: {  	[tilespmem:s28], [sflag:$0x1] =	stream.linear.gather [hbm4b:s26+s21], $0x80, $0x38;
	[tilespmem:$0x17000] =	vst v63  }
0x7d: {  	s25 =	simm.s32 $0x15300;
	s26 =	rddreg [dreg:$0x1e]  }
0x7e: {  	[tilespmem:s25], [sflag:$0x1] =	stream.linear.gather [hbm4b:s24+s21], $0x80, $0x38;
	[tilespmem:$0x17000] =	vst v63  }
0x7f: {  	s28 =	simm.s32 $0x15400;
	s24 =	rddreg [dreg:$0x1f]  }
0x80: {  	[tilespmem:s28], [sflag:$0x1] =	stream.linear.gather [hbm4b:s26+s21], $0x80, $0x38;
	[tilespmem:$0x17000] =	vst v63  }
0x81: {  	s25 =	simm.s32 $0x15500;
	s26 =	sld [smem:$0x7E5]  }
0x82: {  	[tilespmem:s25], [sflag:$0x1] =	stream.linear.gather [hbm4b:s24+s21], $0x80, $0x38;
	[tilespmem:$0x17000] =	vst v63  }
0x83: {  	s28 =	simm.s32 $0x15600;
	s24 =	sld [smem:$0x7E6]  }
0x84: {  	[tilespmem:s28], [sflag:$0x1] =	stream.linear.gather [hbm4b:s26+s21], $0x80, $0x38;
	[tilespmem:$0x17000] =	vst v63  }
0x85: {  	s25 =	simm.s32 $0x15700;
	s26 =	sld [smem:$0x7E7]  }
0x86: {  	[tilespmem:s25], [sflag:$0x1] =	stream.linear.gather [hbm4b:s24+s21], $0x80, $0x38;
	[tilespmem:$0x17000] =	vst v63  }
0x87: {  	s28 =	simm.s32 $0x15800;
	s24 =	sld [smem:$0x7E8]  }
0x88: {  	[tilespmem:s28], [sflag:$0x1] =	stream.linear.gather [hbm4b:s26+s21], $0x80, $0x38;
	[tilespmem:$0x17000] =	vst v63  }
0x89: {  	s25 =	simm.s32 $0x15900;
	s26 =	sld [smem:$0x7E9]  }
0x8a: {  	[tilespmem:s25], [sflag:$0x1] =	stream.linear.gather [hbm4b:s24+s21], $0x80, $0x38;
	[tilespmem:$0x17000] =	vst v63  }
0x8b: {  	s28 =	simm.s32 $0x15A00;
	s24 =	sld [smem:$0x7EA]  }
0x8c: {  	[tilespmem:s28], [sflag:$0x1] =	stream.linear.gather [hbm4b:s26+s21], $0x80, $0x38;
	[tilespmem:$0x17000] =	vst v63  }
0x8d: {  	s25 =	simm.s32 $0x15B00;
	s26 =	sld [smem:$0x7EB]  }
0x8e: {  	[tilespmem:s25], [sflag:$0x1] =	stream.linear.gather [hbm4b:s24+s21], $0x80, $0x38;
	[tilespmem:$0x17000] =	vst v63  }
0x8f: {  	s28 =	simm.s32 $0x15C00;
	s24 =	sld [smem:$0x7EC]  }
0x90: {  	[tilespmem:s28], [sflag:$0x1] =	stream.linear.gather [hbm4b:s26+s21], $0x80, $0x38;
	[tilespmem:$0x17000] =	vst v63  }
0x91: {  	s25 =	simm.s32 $0x15D00;
	s26 =	sld [smem:$0x7ED]  }
0x92: {  	[tilespmem:s25], [sflag:$0x1] =	stream.linear.gather [hbm4b:s24+s21], $0x80, $0x38;
	[tilespmem:$0x17000] =	vst v63  }
0x93: {  	s23 =	sld [smem:$0x7EE];
	s28 =	simm.s32 $0x15E00  }
0x94: {  	[tilespmem:s28], [sflag:$0x1] =	stream.linear.gather [hbm4b:s26+s21], $0x80, $0x38;
	[tilespmem:$0x17000] =	vst v63  }
0x95: {  	s24 =	simm.s32 $0x15F00  }
0x96: {  	[tilespmem:s24], [sflag:$0x1] =	stream.linear.gather [hbm4b:s23+s21], $0x80, $0x38;
	[tilespmem:$0x17000] =	vst v63  }
0x97: {  	s25 =	simm.s32 $0x16000;
	s26 =	sld [smem:$0x7EF]  }
0x98: {  	[tilespmem:s25], [sflag:$0x1] =	stream.linear.gather [hbm4b:s2+s21], $0x80, $0x38;
	[tilespmem:$0x17000] =	vst v63  }
0x99: {  	s28 =	simm.s32 $0x16100;
	s24 =	sld [smem:$0x7F0]  }
0x9a: {  	[tilespmem:s28], [sflag:$0x1] =	stream.linear.gather [hbm4b:s26+s21], $0x80, $0x38;
	[tilespmem:$0x17000] =	vst v63  }
0x9b: {  	s25 =	simm.s32 $0x16200;
	s26 =	sld [smem:$0x7F1]  }
0x9c: {  	[tilespmem:s25], [sflag:$0x1] =	stream.linear.gather [hbm4b:s24+s21], $0x80, $0x38;
	[tilespmem:$0x17000] =	vst v63  }
0x9d: {  	s28 =	simm.s32 $0x16300;
	s24 =	sld [smem:$0x7F2]  }
0x9e: {  	[tilespmem:s28], [sflag:$0x1] =	stream.linear.gather [hbm4b:s26+s21], $0x80, $0x38;
	[tilespmem:$0x17000] =	vst v63  }
0x9f: {  	s25 =	simm.s32 $0x16400;
	s26 =	sld [smem:$0x7F3]  }
0xa0: {  	[tilespmem:s25], [sflag:$0x1] =	stream.linear.gather [hbm4b:s24+s21], $0x80, $0x38;
	[tilespmem:$0x17000] =	vst v63  }
0xa1: {  	s28 =	simm.s32 $0x16500;
	s24 =	sld [smem:$0x7F4]  }
0xa2: {  	[tilespmem:s28], [sflag:$0x1] =	stream.linear.gather [hbm4b:s26+s21], $0x80, $0x38;
	[tilespmem:$0x17000] =	vst v63  }
0xa3: {  	s25 =	simm.s32 $0x16600;
	s26 =	sld [smem:$0x7F5]  }
0xa4: {  	[tilespmem:s25], [sflag:$0x1] =	stream.linear.gather [hbm4b:s24+s21], $0x80, $0x38;
	[tilespmem:$0x17000] =	vst v63  }
0xa5: {  	s28 =	simm.s32 $0x16700;
	s24 =	sld [smem:$0x7F6]  }
0xa6: {  	[tilespmem:s28], [sflag:$0x1] =	stream.linear.gather [hbm4b:s26+s21], $0x80, $0x38;
	[tilespmem:$0x17000] =	vst v63  }
0xa7: {  	s25 =	simm.s32 $0x16800;
	s26 =	sld [smem:$0x7F7]  }
0xa8: {  	[tilespmem:s25], [sflag:$0x1] =	stream.linear.gather [hbm4b:s24+s21], $0x80, $0x38;
	[tilespmem:$0x17000] =	vst v63  }
0xa9: {  	s28 =	simm.s32 $0x16900;
	s24 =	sld [smem:$0x7F8]  }
0xaa: {  	[tilespmem:s28], [sflag:$0x1] =	stream.linear.gather [hbm4b:s26+s21], $0x80, $0x38;
	[tilespmem:$0x17000] =	vst v63  }
0xab: {  	s25 =	simm.s32 $0x16A00;
	s26 =	sld [smem:$0x7F9]  }
0xac: {  	[tilespmem:s25], [sflag:$0x1] =	stream.linear.gather [hbm4b:s24+s21], $0x80, $0x38;
	[tilespmem:$0x17000] =	vst v63  }
0xad: {  	s28 =	simm.s32 $0x16B00;
	s24 =	sld [smem:$0x7FA]  }
0xae: {  	[tilespmem:s28], [sflag:$0x1] =	stream.linear.gather [hbm4b:s26+s21], $0x80, $0x38;
	[tilespmem:$0x17000] =	vst v63  }
0xaf: {  	s25 =	simm.s32 $0x16C00;
	s26 =	sld [smem:$0x7FB]  }
0xb0: {  	[tilespmem:s25], [sflag:$0x1] =	stream.linear.gather [hbm4b:s24+s21], $0x80, $0x38;
	[tilespmem:$0x17000] =	vst v63  }
0xb1: {  	s28 =	simm.s32 $0x16D00;
	s24 =	sld [smem:$0x7FC]  }
0xb2: {  	[tilespmem:s28], [sflag:$0x1] =	stream.linear.gather [hbm4b:s26+s21], $0x80, $0x38;
	[tilespmem:$0x17000] =	vst v63  }
0xb3: {  	s25 =	simm.s32 $0x16E00;
	s26 =	sld [smem:$0x7FD]  }
0xb4: {  	[tilespmem:s25], [sflag:$0x1] =	stream.linear.gather [hbm4b:s24+s21], $0x80, $0x38;
	[tilespmem:$0x17000] =	vst v63  }
0xb5: {  	s22 =	simm.s32 $0x0;
	s28 =	simm.s32 $0x16F00  }
0xb6: {  	[tilespmem:s28], [sflag:$0x1] =	stream.linear.gather [hbm4b:s26+s21], $0x80, $0x38;
	[tilespmem:$0x17000] =	vst v63  }
.LBB2_4:
0xb7: {  	_ =	swait.ge [sflag:s14], $0x800  }
0xb8: {  	[sflag:s14] =	ssyncset.done $0x0  }
0xb9: {  	[sflag:s14] =	ssyncadd.s32 $0xFFFFF800  }
0xba: {  	_ =	swait.ge [sflag:s14], $0x800  }
0xbb: {  	s23 =	sshll.u32 s22, $0x9;
	s24 =	sshll.u32 s22, $0x5;
	[sflag:s14] =	ssyncset.done $0x0  }
0xbc: {  	s23 =	sand.u32 $0xF800, s23;
	s24 =	sand.u32 $0x60, s24;
	[sflag:s14] =	ssyncadd.s32 $0xFFFFF800  }
0xbd: {  	s23 =	sor.u32 s23, s24;
	_ =	swait.ge [sflag:s14], $0x800  }
0xbe: {  	s23 =	sor.u32 $0x10, s23;
	[sflag:s14] =	ssyncset.done $0x0  }
0xbf: {  	s25 =	simm.s32 $0x14080;
	s24 =	sadd.s32 s4, s23;
	[sflag:s14] =	ssyncadd.s32 $0xFFFFF800  }
0xc0: {  	[tilespmem:s25], [sflag:$0x1] =	stream.linear.gather [hbm4b:s24+s21], $0x80, $0x38;
	[tilespmem:$0x17000] =	vst v63  }
0xc1: {  	s26 =	simm.s32 $0x14180;
	s28 =	sadd.s32 $0x80, s24  }
0xc2: {  	[tilespmem:s26], [sflag:$0x1] =	stream.linear.gather [hbm4b:s28+s21], $0x80, $0x38;
	[tilespmem:$0x17000] =	vst v63  }
0xc3: {  	s26 =	sadd.s32 $0x100, s24;
	s28 =	simm.s32 $0x14280  }
0xc4: {  	[tilespmem:s28], [sflag:$0x1] =	stream.linear.gather [hbm4b:s26+s21], $0x80, $0x38;
	[tilespmem:$0x17000] =	vst v63  }
0xc5: {  	s26 =	sadd.s32 $0x180, s24;
	s28 =	simm.s32 $0x14380  }
0xc6: {  	[tilespmem:s28], [sflag:$0x1] =	stream.linear.gather [hbm4b:s26+s21], $0x80, $0x38;
	[tilespmem:$0x17000] =	vst v63  }
0xc7: {  	s26 =	sadd.s32 $0x200, s24;
	s28 =	simm.s32 $0x14480  }
0xc8: {  	[tilespmem:s28], [sflag:$0x1] =	stream.linear.gather [hbm4b:s26+s21], $0x80, $0x38;
	[tilespmem:$0x17000] =	vst v63  }
0xc9: {  	s26 =	sadd.s32 $0x280, s24;
	s28 =	simm.s32 $0x14580  }
0xca: {  	[tilespmem:s28], [sflag:$0x1] =	stream.linear.gather [hbm4b:s26+s21], $0x80, $0x38;
	[tilespmem:$0x17000] =	vst v63  }
0xcb: {  	s26 =	sadd.s32 $0x300, s24;
	s28 =	simm.s32 $0x14680  }
0xcc: {  	[tilespmem:s28], [sflag:$0x1] =	stream.linear.gather [hbm4b:s26+s21], $0x80, $0x38;
	[tilespmem:$0x17000] =	vst v63  }
0xcd: {  	s26 =	sadd.s32 $0x380, s24;
	s28 =	simm.s32 $0x14780  }
0xce: {  	[tilespmem:s28], [sflag:$0x1] =	stream.linear.gather [hbm4b:s26+s21], $0x80, $0x38;
	[tilespmem:$0x17000] =	vst v63  }
0xcf: {  	s26 =	sadd.s32 $0x400, s24;
	s28 =	simm.s32 $0x14880  }
0xd0: {  	[tilespmem:s28], [sflag:$0x1] =	stream.linear.gather [hbm4b:s26+s21], $0x80, $0x38;
	[tilespmem:$0x17000] =	vst v63  }
0xd1: {  	s26 =	sadd.s32 $0x480, s24;
	s28 =	simm.s32 $0x14980  }
0xd2: {  	[tilespmem:s28], [sflag:$0x1] =	stream.linear.gather [hbm4b:s26+s21], $0x80, $0x38;
	[tilespmem:$0x17000] =	vst v63  }
0xd3: {  	s26 =	sadd.s32 $0x500, s24;
	s28 =	simm.s32 $0x14A80  }
0xd4: {  	[tilespmem:s28], [sflag:$0x1] =	stream.linear.gather [hbm4b:s26+s21], $0x80, $0x38;
	[tilespmem:$0x17000] =	vst v63  }
0xd5: {  	s26 =	sadd.s32 $0x580, s24;
	s28 =	simm.s32 $0x14B80  }
0xd6: {  	[tilespmem:s28], [sflag:$0x1] =	stream.linear.gather [hbm4b:s26+s21], $0x80, $0x38;
	[tilespmem:$0x17000] =	vst v63  }
0xd7: {  	s26 =	sadd.s32 $0x600, s24;
	s28 =	simm.s32 $0x14C80  }
0xd8: {  	[tilespmem:s28], [sflag:$0x1] =	stream.linear.gather [hbm4b:s26+s21], $0x80, $0x38;
	[tilespmem:$0x17000] =	vst v63  }
0xd9: {  	s26 =	sadd.s32 $0x680, s24;
	s28 =	simm.s32 $0x14D80  }
0xda: {  	[tilespmem:s28], [sflag:$0x1] =	stream.linear.gather [hbm4b:s26+s21], $0x80, $0x38;
	[tilespmem:$0x17000] =	vst v63  }
0xdb: {  	s26 =	sadd.s32 $0x700, s24;
	s28 =	simm.s32 $0x14E80  }
0xdc: {  	[tilespmem:s28], [sflag:$0x1] =	stream.linear.gather [hbm4b:s26+s21], $0x80, $0x38;
	[tilespmem:$0x17000] =	vst v63  }
0xdd: {  	s24 =	sadd.s32 $0x780, s24;
	s26 =	simm.s32 $0x14F80  }
0xde: {  	[tilespmem:s26], [sflag:$0x1] =	stream.linear.gather [hbm4b:s24+s21], $0x80, $0x38;
	[tilespmem:$0x17000] =	vst v63  }
0xdf: {  	s28 =	simm.s32 $0x15080;
	s24 =	sadd.s32 s5, s23  }
0xe0: {  	[tilespmem:s28], [sflag:$0x1] =	stream.linear.gather [hbm4b:s24+s21], $0x80, $0x38;
	[tilespmem:$0x17000] =	vst v63  }
0xe1: {  	s26 =	sadd.s32 $0x80, s24;
	s28 =	simm.s32 $0x15180  }
0xe2: {  	[tilespmem:s28], [sflag:$0x1] =	stream.linear.gather [hbm4b:s26+s21], $0x80, $0x38;
	[tilespmem:$0x17000] =	vst v63  }
0xe3: {  	s26 =	sadd.s32 $0x100, s24;
	s28 =	simm.s32 $0x15280  }
0xe4: {  	[tilespmem:s28], [sflag:$0x1] =	stream.linear.gather [hbm4b:s26+s21], $0x80, $0x38;
	[tilespmem:$0x17000] =	vst v63  }
0xe5: {  	s26 =	sadd.s32 $0x180, s24;
	s28 =	simm.s32 $0x15380  }
0xe6: {  	[tilespmem:s28], [sflag:$0x1] =	stream.linear.gather [hbm4b:s26+s21], $0x80, $0x38;
	[tilespmem:$0x17000] =	vst v63  }
0xe7: {  	s26 =	sadd.s32 $0x200, s24;
	s28 =	simm.s32 $0x15480  }
0xe8: {  	[tilespmem:s28], [sflag:$0x1] =	stream.linear.gather [hbm4b:s26+s21], $0x80, $0x38;
	[tilespmem:$0x17000] =	vst v63  }
0xe9: {  	s26 =	sadd.s32 $0x280, s24;
	s28 =	simm.s32 $0x15580  }
0xea: {  	[tilespmem:s28], [sflag:$0x1] =	stream.linear.gather [hbm4b:s26+s21], $0x80, $0x38;
	[tilespmem:$0x17000] =	vst v63  }
0xeb: {  	s26 =	sadd.s32 $0x300, s24;
	s28 =	simm.s32 $0x15680  }
0xec: {  	[tilespmem:s28], [sflag:$0x1] =	stream.linear.gather [hbm4b:s26+s21], $0x80, $0x38;
	[tilespmem:$0x17000] =	vst v63  }
0xed: {  	s26 =	sadd.s32 $0x380, s24;
	s28 =	simm.s32 $0x15780  }
0xee: {  	[tilespmem:s28], [sflag:$0x1] =	stream.linear.gather [hbm4b:s26+s21], $0x80, $0x38;
	[tilespmem:$0x17000] =	vst v63  }
0xef: {  	s26 =	sadd.s32 $0x400, s24;
	s28 =	simm.s32 $0x15880  }
0xf0: {  	[tilespmem:s28], [sflag:$0x1] =	stream.linear.gather [hbm4b:s26+s21], $0x80, $0x38;
	[tilespmem:$0x17000] =	vst v63  }
0xf1: {  	s26 =	sadd.s32 $0x480, s24;
	s28 =	simm.s32 $0x15980  }
0xf2: {  	[tilespmem:s28], [sflag:$0x1] =	stream.linear.gather [hbm4b:s26+s21], $0x80, $0x38;
	[tilespmem:$0x17000] =	vst v63  }
0xf3: {  	s26 =	sadd.s32 $0x500, s24;
	s28 =	simm.s32 $0x15A80  }
0xf4: {  	[tilespmem:s28], [sflag:$0x1] =	stream.linear.gather [hbm4b:s26+s21], $0x80, $0x38;
	[tilespmem:$0x17000] =	vst v63  }
0xf5: {  	s26 =	sadd.s32 $0x580, s24;
	s28 =	simm.s32 $0x15B80  }
0xf6: {  	[tilespmem:s28], [sflag:$0x1] =	stream.linear.gather [hbm4b:s26+s21], $0x80, $0x38;
	[tilespmem:$0x17000] =	vst v63  }
0xf7: {  	s26 =	sadd.s32 $0x600, s24;
	s28 =	simm.s32 $0x15C80  }
0xf8: {  	[tilespmem:s28], [sflag:$0x1] =	stream.linear.gather [hbm4b:s26+s21], $0x80, $0x38;
	[tilespmem:$0x17000] =	vst v63  }
0xf9: {  	s26 =	sadd.s32 $0x680, s24;
	s28 =	simm.s32 $0x15D80  }
0xfa: {  	[tilespmem:s28], [sflag:$0x1] =	stream.linear.gather [hbm4b:s26+s21], $0x80, $0x38;
	[tilespmem:$0x17000] =	vst v63  }
0xfb: {  	s26 =	sadd.s32 $0x700, s24;
	s28 =	simm.s32 $0x15E80  }
0xfc: {  	[tilespmem:s28], [sflag:$0x1] =	stream.linear.gather [hbm4b:s26+s21], $0x80, $0x38;
	[tilespmem:$0x17000] =	vst v63  }
0xfd: {  	s24 =	sadd.s32 $0x780, s24;
	s28 =	simm.s32 $0x15F80  }
0xfe: {  	[tilespmem:s28], [sflag:$0x1] =	stream.linear.gather [hbm4b:s24+s21], $0x80, $0x38;
	[tilespmem:$0x17000] =	vst v63  }
0xff: {  	s25 =	simm.s32 $0x16080;
	s23 =	sadd.s32 s2, s23  }
0x100: {  	[tilespmem:s25], [sflag:$0x1] =	stream.linear.gather [hbm4b:s23+s21], $0x80, $0x38;
	[tilespmem:$0x17000] =	vst v63  }
0x101: {  	s26 =	sadd.s32 $0x80, s23;
	s28 =	simm.s32 $0x16180  }
0x102: {  	[tilespmem:s28], [sflag:$0x1] =	stream.linear.gather [hbm4b:s26+s21], $0x80, $0x38;
	[tilespmem:$0x17000] =	vst v63  }
0x103: {  	s26 =	sadd.s32 $0x100, s23;
	s28 =	simm.s32 $0x16280  }
0x104: {  	[tilespmem:s28], [sflag:$0x1] =	stream.linear.gather [hbm4b:s26+s21], $0x80, $0x38;
	[tilespmem:$0x17000] =	vst v63  }
0x105: {  	s26 =	sadd.s32 $0x180, s23;
	s28 =	simm.s32 $0x16380  }
0x106: {  	[tilespmem:s28], [sflag:$0x1] =	stream.linear.gather [hbm4b:s26+s21], $0x80, $0x38;
	[tilespmem:$0x17000] =	vst v63  }
0x107: {  	s26 =	sadd.s32 $0x200, s23  }
0x108: {  	[tilespmem:s29], [sflag:$0x1] =	stream.linear.gather [hbm4b:s26+s21], $0x80, $0x38;
	[tilespmem:$0x17000] =	vst v63  }
0x109: {  	s28 =	sadd.s32 $0x280, s23  }
0x10a: {  	[tilespmem:s30], [sflag:$0x1] =	stream.linear.gather [hbm4b:s28+s21], $0x80, $0x38;
	[tilespmem:$0x17000] =	vst v63  }
0x10b: {  	s25 =	sadd.s32 $0x300, s23  }
0x10c: {  	[tilespmem:s31], [sflag:$0x1] =	stream.linear.gather [hbm4b:s25+s21], $0x80, $0x38;
	[tilespmem:$0x17000] =	vst v63  }
0x10d: {  	s26 =	sadd.s32 $0x380, s23  }
0x10e: {  	[tilespmem:s1], [sflag:$0x1] =	stream.linear.gather [hbm4b:s26+s21], $0x80, $0x38;
	[tilespmem:$0x17000] =	vst v63  }
0x10f: {  	s28 =	sadd.s32 $0x400, s23  }
0x110: {  	[tilespmem:s0], [sflag:$0x1] =	stream.linear.gather [hbm4b:s28+s21], $0x80, $0x38;
	[tilespmem:$0x17000] =	vst v63  }
0x111: {  	s25 =	sadd.s32 $0x480, s23  }
0x112: {  	[tilespmem:s7], [sflag:$0x1] =	stream.linear.gather [hbm4b:s25+s21], $0x80, $0x38;
	[tilespmem:$0x17000] =	vst v63  }
0x113: {  	s26 =	sadd.s32 $0x500, s23  }
0x114: {  	[tilespmem:s6], [sflag:$0x1] =	stream.linear.gather [hbm4b:s26+s21], $0x80, $0x38;
	[tilespmem:$0x17000] =	vst v63  }
0x115: {  	s28 =	sadd.s32 $0x580, s23  }
0x116: {  	[tilespmem:s12], [sflag:$0x1] =	stream.linear.gather [hbm4b:s28+s21], $0x80, $0x38;
	[tilespmem:$0x17000] =	vst v63  }
0x117: {  	s25 =	sadd.s32 $0x600, s23  }
0x118: {  	[tilespmem:s13], [sflag:$0x1] =	stream.linear.gather [hbm4b:s25+s21], $0x80, $0x38;
	[tilespmem:$0x17000] =	vst v63  }
0x119: {  	s26 =	sadd.s32 $0x680, s23  }
0x11a: {  	[tilespmem:s8], [sflag:$0x1] =	stream.linear.gather [hbm4b:s26+s21], $0x80, $0x38;
	[tilespmem:$0x17000] =	vst v63  }
0x11b: {  	s28 =	sadd.s32 $0x700, s23  }
0x11c: {  	[tilespmem:s15], [sflag:$0x1] =	stream.linear.gather [hbm4b:s28+s21], $0x80, $0x38;
	[tilespmem:$0x17000] =	vst v63  }
0x11d: {  	s23 =	sadd.s32 $0x780, s23  }
0x11e: {  	[tilespmem:s16], [sflag:$0x1] =	stream.linear.gather [hbm4b:s23+s21], $0x80, $0x38;
	[tilespmem:$0x17000] =	vst v63  }
0x11f: {  	s24 =	simm.s32 $0x0;
	s25 =	simm.s32 $0x0;
	s23 =	simm.s32 $0xFFFFFFFC  }
.LBB2_5:
0x120: {  	s26 =	sand.u32 $0x40, s24;
	s28 =	sand.u32 $0xF00, s25  }
0x121: {  	s26 =	sor.u32 s26, s28  }
0x122: {  	v1 =	vld [tilespmem:s26+$0x14000];
	_ =	sdelay $0x5  }
0x123: {  	v2 =	vld [tilespmem:s26+$0x15000]  }
0x124: {  	v3 =	vld [tilespmem:s26+$0x16000]  }
0x125: {  	v4 =	vld.idx.msk [tilespmem:v1+s3+$0x0], $0xffff  }
0x126: {  	v5 =	vld.idx.msk [tilespmem:v1+s9+$0x0], $0xffff  }
0x127: {  	v6 =	vld.idx.msk [tilespmem:v1+s10+$0x0], $0xffff  }
0x128: {  	v1 =	vld.idx.msk [tilespmem:v1+s11+$0x0], $0xffff;
	_ =	sdelay $0x1  }
0x129: {  	v4 =	vmul.f32 v4, v3  }
0x12a: {  	v5 =	vmul.f32 v5, v3  }
0x12b: {  	v57 =	vmul.f32 v6, v3;
	[tilespmem:v2+s17+$0x0] =	vst.idx.add.f32.msk $0xffff, v4  }
0x12c: {  	v1 =	vmul.f32 v1, v3;
	[tilespmem:v2+s18+$0x0] =	vst.idx.add.f32.msk $0xffff, v5  }
0x12d: {  	[tilespmem:v2+s19+$0x0] =	vst.idx.add.f32.msk $0xffff, v57  }
0x12e: {  	[tilespmem:v2+s20+$0x0] =	vst.idx.add.f32.msk $0xffff, v1  }
0x12f: {  	v1 =	vld [tilespmem:s26+$0x14010];
	_ =	sdelay $0x5  }
0x130: {  	v2 =	vld [tilespmem:s26+$0x15010]  }
0x131: {  	v3 =	vld [tilespmem:s26+$0x16010]  }
0x132: {  	v4 =	vld.idx.msk [tilespmem:v1+s3+$0x0], $0xffff  }
0x133: {  	v5 =	vld.idx.msk [tilespmem:v1+s9+$0x0], $0xffff  }
0x134: {  	v58 =	vld.idx.msk [tilespmem:v1+s10+$0x0], $0xffff  }
0x135: {  	v1 =	vld.idx.msk [tilespmem:v1+s11+$0x0], $0xffff;
	_ =	sdelay $0x1  }
0x136: {  	v4 =	vmul.f32 v4, v3  }
0x137: {  	v5 =	vmul.f32 v5, v3  }
0x138: {  	v59 =	vmul.f32 v58, v3;
	[tilespmem:v2+s17+$0x0] =	vst.idx.add.f32.msk $0xffff, v4  }
0x139: {  	v1 =	vmul.f32 v1, v3;
	[tilespmem:v2+s18+$0x0] =	vst.idx.add.f32.msk $0xffff, v5  }
0x13a: {  	[tilespmem:v2+s19+$0x0] =	vst.idx.add.f32.msk $0xffff, v59  }
0x13b: {  	[tilespmem:v2+s20+$0x0] =	vst.idx.add.f32.msk $0xffff, v1  }
0x13c: {  	v1 =	vld [tilespmem:s26+$0x14020];
	_ =	sdelay $0x5  }
0x13d: {  	v2 =	vld [tilespmem:s26+$0x15020]  }
0x13e: {  	v3 =	vld [tilespmem:s26+$0x16020]  }
0x13f: {  	v4 =	vld.idx.msk [tilespmem:v1+s3+$0x0], $0xffff  }
0x140: {  	v5 =	vld.idx.msk [tilespmem:v1+s9+$0x0], $0xffff  }
0x141: {  	v60 =	vld.idx.msk [tilespmem:v1+s10+$0x0], $0xffff  }
0x142: {  	v1 =	vld.idx.msk [tilespmem:v1+s11+$0x0], $0xffff;
	_ =	sdelay $0x1  }
0x143: {  	v4 =	vmul.f32 v4, v3  }
0x144: {  	v5 =	vmul.f32 v5, v3  }
0x145: {  	v61 =	vmul.f32 v60, v3;
	[tilespmem:v2+s17+$0x0] =	vst.idx.add.f32.msk $0xffff, v4  }
0x146: {  	v1 =	vmul.f32 v1, v3;
	[tilespmem:v2+s18+$0x0] =	vst.idx.add.f32.msk $0xffff, v5  }
0x147: {  	[tilespmem:v2+s19+$0x0] =	vst.idx.add.f32.msk $0xffff, v61  }
0x148: {  	[tilespmem:v2+s20+$0x0] =	vst.idx.add.f32.msk $0xffff, v1  }
0x149: {  	v1 =	vld [tilespmem:s26+$0x14030];
	_ =	sdelay $0x5  }
0x14a: {  	v2 =	vld [tilespmem:s26+$0x15030]  }
0x14b: {  	v3 =	vld [tilespmem:s26+$0x16030]  }
0x14c: {  	v4 =	vld.idx.msk [tilespmem:v1+s3+$0x0], $0xffff  }
0x14d: {  	v5 =	vld.idx.msk [tilespmem:v1+s9+$0x0], $0xffff  }
0x14e: {  	v62 =	vld.idx.msk [tilespmem:v1+s10+$0x0], $0xffff  }
0x14f: {  	v1 =	vld.idx.msk [tilespmem:v1+s11+$0x0], $0xffff  }
0x150: {  	s23 =	sadd.s32 $0x4, s23  }
0x151: {  	p0 =	slt.u32 s23, $0x7C;
	v4 =	vmul.f32 v4, v3  }
.Ltmp1:
0x152: {  	v5 =	vmul.f32 v5, v3;
	(pc) =	sbr.rel @p0 .LBB2_5-.Ltmp1, $4  }
0x153: {  	v63 =	vmul.f32 v62, v3;
	[tilespmem:v2+s17+$0x0] =	vst.idx.add.f32.msk $0xffff, v4  }
0x154: {  	v1 =	vmul.f32 v1, v3;
	[tilespmem:v2+s18+$0x0] =	vst.idx.add.f32.msk $0xffff, v5  }
0x155: {  	[tilespmem:v2+s19+$0x0] =	vst.idx.add.f32.msk $0xffff, v63  }
0x156: {  	s25 =	sadd.s32 $0x80, s25;
	s24 =	sadd.s32 $0x40, s24;
	[tilespmem:v2+s20+$0x0] =	vst.idx.add.f32.msk $0xffff, v1  }
0x157: {  	_ =	swait.ge [sflag:s14], $0x800  }
0x158: {  	[sflag:s14] =	ssyncset.done $0x0  }
0x159: {  	[sflag:s14] =	ssyncadd.s32 $0xFFFFF800  }
0x15a: {  	p0 =	seq.s32 s22, $0x4F;
	_ =	swait.ge [sflag:s14], $0x800  }
.Ltmp2:
0x15b: {  	[sflag:s14] =	ssyncset.done $0x0;
	(pc) =	sbr.rel @p0 .LBB2_8-.Ltmp2, $4  }
0x15c: {  	[sflag:s14] =	ssyncadd.s32 $0xFFFFF800  }
0x15d: {  	_ =	swait.ge [sflag:s14], $0x800  }
0x15e: {  	[sflag:s14] =	ssyncset.done $0x0  }
0x15f: {  	[sflag:s14] =	ssyncadd.s32 $0xFFFFF800  }
0x160: {  	s23 =	sshll.u32 s22, $0x1  }
0x161: {  	s23 =	sadd.s32 $0x2, s23  }
0x162: {  	s24 =	sshll.u32 s23, $0x8;
	s23 =	sshll.u32 s23, $0x4  }
0x163: {  	s24 =	sand.u32 $0x1F800, s24;
	s23 =	sand.u32 $0x60, s23  }
0x164: {  	s23 =	sor.u32 s23, s24  }
0x165: {  	s25 =	simm.s32 $0x14000;
	s24 =	sadd.s32 s4, s23  }
0x166: {  	[tilespmem:s25], [sflag:$0x1] =	stream.linear.gather [hbm4b:s24+s3], $0x80, $0x38;
	[tilespmem:$0x17000] =	vst v63  }
0x167: {  	s26 =	simm.s32 $0x14100;
	s28 =	sadd.s32 $0x80, s24  }
0x168: {  	[tilespmem:s26], [sflag:$0x1] =	stream.linear.gather [hbm4b:s28+s3], $0x80, $0x38;
	[tilespmem:$0x17000] =	vst v63  }
0x169: {  	s26 =	sadd.s32 $0x100, s24;
	s28 =	simm.s32 $0x14200  }
0x16a: {  	[tilespmem:s28], [sflag:$0x1] =	stream.linear.gather [hbm4b:s26+s3], $0x80, $0x38;
	[tilespmem:$0x17000] =	vst v63  }
0x16b: {  	s26 =	sadd.s32 $0x180, s24;
	s28 =	simm.s32 $0x14300  }
0x16c: {  	[tilespmem:s28], [sflag:$0x1] =	stream.linear.gather [hbm4b:s26+s3], $0x80, $0x38;
	[tilespmem:$0x17000] =	vst v63  }
0x16d: {  	s26 =	sadd.s32 $0x200, s24;
	s28 =	simm.s32 $0x14400  }
0x16e: {  	[tilespmem:s28], [sflag:$0x1] =	stream.linear.gather [hbm4b:s26+s3], $0x80, $0x38;
	[tilespmem:$0x17000] =	vst v63  }
0x16f: {  	s26 =	sadd.s32 $0x280, s24;
	s28 =	simm.s32 $0x14500  }
0x170: {  	[tilespmem:s28], [sflag:$0x1] =	stream.linear.gather [hbm4b:s26+s3], $0x80, $0x38;
	[tilespmem:$0x17000] =	vst v63  }
0x171: {  	s26 =	sadd.s32 $0x300, s24;
	s28 =	simm.s32 $0x14600  }
0x172: {  	[tilespmem:s28], [sflag:$0x1] =	stream.linear.gather [hbm4b:s26+s3], $0x80, $0x38;
	[tilespmem:$0x17000] =	vst v63  }
0x173: {  	s26 =	sadd.s32 $0x380, s24;
	s28 =	simm.s32 $0x14700  }
0x174: {  	[tilespmem:s28], [sflag:$0x1] =	stream.linear.gather [hbm4b:s26+s3], $0x80, $0x38;
	[tilespmem:$0x17000] =	vst v63  }
0x175: {  	s26 =	sadd.s32 $0x400, s24;
	s28 =	simm.s32 $0x14800  }
0x176: {  	[tilespmem:s28], [sflag:$0x1] =	stream.linear.gather [hbm4b:s26+s3], $0x80, $0x38;
	[tilespmem:$0x17000] =	vst v63  }
0x177: {  	s26 =	sadd.s32 $0x480, s24;
	s28 =	simm.s32 $0x14900  }
0x178: {  	[tilespmem:s28], [sflag:$0x1] =	stream.linear.gather [hbm4b:s26+s3], $0x80, $0x38;
	[tilespmem:$0x17000] =	vst v63  }
0x179: {  	s26 =	sadd.s32 $0x500, s24;
	s28 =	simm.s32 $0x14A00  }
0x17a: {  	[tilespmem:s28], [sflag:$0x1] =	stream.linear.gather [hbm4b:s26+s3], $0x80, $0x38;
	[tilespmem:$0x17000] =	vst v63  }
0x17b: {  	s26 =	sadd.s32 $0x580, s24;
	s28 =	simm.s32 $0x14B00  }
0x17c: {  	[tilespmem:s28], [sflag:$0x1] =	stream.linear.gather [hbm4b:s26+s3], $0x80, $0x38;
	[tilespmem:$0x17000] =	vst v63  }
0x17d: {  	s26 =	sadd.s32 $0x600, s24;
	s28 =	simm.s32 $0x14C00  }
0x17e: {  	[tilespmem:s28], [sflag:$0x1] =	stream.linear.gather [hbm4b:s26+s3], $0x80, $0x38;
	[tilespmem:$0x17000] =	vst v63  }
0x17f: {  	s26 =	sadd.s32 $0x680, s24;
	s28 =	simm.s32 $0x14D00  }
0x180: {  	[tilespmem:s28], [sflag:$0x1] =	stream.linear.gather [hbm4b:s26+s3], $0x80, $0x38;
	[tilespmem:$0x17000] =	vst v63  }
0x181: {  	s26 =	sadd.s32 $0x700, s24;
	s28 =	simm.s32 $0x14E00  }
0x182: {  	[tilespmem:s28], [sflag:$0x1] =	stream.linear.gather [hbm4b:s26+s3], $0x80, $0x38;
	[tilespmem:$0x17000] =	vst v63  }
0x183: {  	s24 =	sadd.s32 $0x780, s24;
	s26 =	simm.s32 $0x14F00  }
0x184: {  	[tilespmem:s26], [sflag:$0x1] =	stream.linear.gather [hbm4b:s24+s3], $0x80, $0x38;
	[tilespmem:$0x17000] =	vst v63  }
0x185: {  	s28 =	simm.s32 $0x15000;
	s24 =	sadd.s32 s5, s23  }
0x186: {  	[tilespmem:s28], [sflag:$0x1] =	stream.linear.gather [hbm4b:s24+s3], $0x80, $0x38;
	[tilespmem:$0x17000] =	vst v63  }
0x187: {  	s26 =	sadd.s32 $0x80, s24;
	s28 =	simm.s32 $0x15100  }
0x188: {  	[tilespmem:s28], [sflag:$0x1] =	stream.linear.gather [hbm4b:s26+s3], $0x80, $0x38;
	[tilespmem:$0x17000] =	vst v63  }
0x189: {  	s26 =	sadd.s32 $0x100, s24;
	s28 =	simm.s32 $0x15200  }
0x18a: {  	[tilespmem:s28], [sflag:$0x1] =	stream.linear.gather [hbm4b:s26+s3], $0x80, $0x38;
	[tilespmem:$0x17000] =	vst v63  }
0x18b: {  	s26 =	sadd.s32 $0x180, s24;
	s28 =	simm.s32 $0x15300  }
0x18c: {  	[tilespmem:s28], [sflag:$0x1] =	stream.linear.gather [hbm4b:s26+s3], $0x80, $0x38;
	[tilespmem:$0x17000] =	vst v63  }
0x18d: {  	s26 =	sadd.s32 $0x200, s24;
	s28 =	simm.s32 $0x15400  }
0x18e: {  	[tilespmem:s28], [sflag:$0x1] =	stream.linear.gather [hbm4b:s26+s3], $0x80, $0x38;
	[tilespmem:$0x17000] =	vst v63  }
0x18f: {  	s26 =	sadd.s32 $0x280, s24;
	s28 =	simm.s32 $0x15500  }
0x190: {  	[tilespmem:s28], [sflag:$0x1] =	stream.linear.gather [hbm4b:s26+s3], $0x80, $0x38;
	[tilespmem:$0x17000] =	vst v63  }
0x191: {  	s26 =	sadd.s32 $0x300, s24;
	s28 =	simm.s32 $0x15600  }
0x192: {  	[tilespmem:s28], [sflag:$0x1] =	stream.linear.gather [hbm4b:s26+s3], $0x80, $0x38;
	[tilespmem:$0x17000] =	vst v63  }
0x193: {  	s26 =	sadd.s32 $0x380, s24;
	s28 =	simm.s32 $0x15700  }
0x194: {  	[tilespmem:s28], [sflag:$0x1] =	stream.linear.gather [hbm4b:s26+s3], $0x80, $0x38;
	[tilespmem:$0x17000] =	vst v63  }
0x195: {  	s26 =	sadd.s32 $0x400, s24;
	s28 =	simm.s32 $0x15800  }
0x196: {  	[tilespmem:s28], [sflag:$0x1] =	stream.linear.gather [hbm4b:s26+s3], $0x80, $0x38;
	[tilespmem:$0x17000] =	vst v63  }
0x197: {  	s26 =	sadd.s32 $0x480, s24;
	s28 =	simm.s32 $0x15900  }
0x198: {  	[tilespmem:s28], [sflag:$0x1] =	stream.linear.gather [hbm4b:s26+s3], $0x80, $0x38;
	[tilespmem:$0x17000] =	vst v63  }
0x199: {  	s26 =	sadd.s32 $0x500, s24;
	s28 =	simm.s32 $0x15A00  }
0x19a: {  	[tilespmem:s28], [sflag:$0x1] =	stream.linear.gather [hbm4b:s26+s3], $0x80, $0x38;
	[tilespmem:$0x17000] =	vst v63  }
0x19b: {  	s26 =	sadd.s32 $0x580, s24;
	s28 =	simm.s32 $0x15B00  }
0x19c: {  	[tilespmem:s28], [sflag:$0x1] =	stream.linear.gather [hbm4b:s26+s3], $0x80, $0x38;
	[tilespmem:$0x17000] =	vst v63  }
0x19d: {  	s26 =	sadd.s32 $0x600, s24;
	s28 =	simm.s32 $0x15C00  }
0x19e: {  	[tilespmem:s28], [sflag:$0x1] =	stream.linear.gather [hbm4b:s26+s3], $0x80, $0x38;
	[tilespmem:$0x17000] =	vst v63  }
0x19f: {  	s26 =	sadd.s32 $0x680, s24;
	s28 =	simm.s32 $0x15D00  }
0x1a0: {  	[tilespmem:s28], [sflag:$0x1] =	stream.linear.gather [hbm4b:s26+s3], $0x80, $0x38;
	[tilespmem:$0x17000] =	vst v63  }
0x1a1: {  	s26 =	sadd.s32 $0x700, s24;
	s28 =	simm.s32 $0x15E00  }
0x1a2: {  	[tilespmem:s28], [sflag:$0x1] =	stream.linear.gather [hbm4b:s26+s3], $0x80, $0x38;
	[tilespmem:$0x17000] =	vst v63  }
0x1a3: {  	s24 =	sadd.s32 $0x780, s24;
	s28 =	simm.s32 $0x15F00  }
0x1a4: {  	[tilespmem:s28], [sflag:$0x1] =	stream.linear.gather [hbm4b:s24+s3], $0x80, $0x38;
	[tilespmem:$0x17000] =	vst v63  }
0x1a5: {  	s25 =	simm.s32 $0x16000;
	s23 =	sadd.s32 s2, s23  }
0x1a6: {  	[tilespmem:s25], [sflag:$0x1] =	stream.linear.gather [hbm4b:s23+s3], $0x80, $0x38;
	[tilespmem:$0x17000] =	vst v63  }
0x1a7: {  	s26 =	sadd.s32 $0x80, s23;
	s28 =	simm.s32 $0x16100  }
0x1a8: {  	[tilespmem:s28], [sflag:$0x1] =	stream.linear.gather [hbm4b:s26+s3], $0x80, $0x38;
	[tilespmem:$0x17000] =	vst v63  }
0x1a9: {  	s26 =	sadd.s32 $0x100, s23;
	s28 =	simm.s32 $0x16200  }
0x1aa: {  	[tilespmem:s28], [sflag:$0x1] =	stream.linear.gather [hbm4b:s26+s3], $0x80, $0x38;
	[tilespmem:$0x17000] =	vst v63  }
0x1ab: {  	s26 =	sadd.s32 $0x180, s23;
	s28 =	simm.s32 $0x16300  }
0x1ac: {  	[tilespmem:s28], [sflag:$0x1] =	stream.linear.gather [hbm4b:s26+s3], $0x80, $0x38;
	[tilespmem:$0x17000] =	vst v63  }
0x1ad: {  	s26 =	sadd.s32 $0x200, s23;
	s28 =	simm.s32 $0x16400  }
0x1ae: {  	[tilespmem:s28], [sflag:$0x1] =	stream.linear.gather [hbm4b:s26+s3], $0x80, $0x38;
	[tilespmem:$0x17000] =	vst v63  }
0x1af: {  	s26 =	sadd.s32 $0x280, s23;
	s28 =	simm.s32 $0x16500  }
0x1b0: {  	[tilespmem:s28], [sflag:$0x1] =	stream.linear.gather [hbm4b:s26+s3], $0x80, $0x38;
	[tilespmem:$0x17000] =	vst v63  }
0x1b1: {  	s26 =	sadd.s32 $0x300, s23;
	s28 =	simm.s32 $0x16600  }
0x1b2: {  	[tilespmem:s28], [sflag:$0x1] =	stream.linear.gather [hbm4b:s26+s3], $0x80, $0x38;
	[tilespmem:$0x17000] =	vst v63  }
0x1b3: {  	s26 =	sadd.s32 $0x380, s23;
	s28 =	simm.s32 $0x16700  }
0x1b4: {  	[tilespmem:s28], [sflag:$0x1] =	stream.linear.gather [hbm4b:s26+s3], $0x80, $0x38;
	[tilespmem:$0x17000] =	vst v63  }
0x1b5: {  	s26 =	sadd.s32 $0x400, s23;
	s28 =	simm.s32 $0x16800  }
0x1b6: {  	[tilespmem:s28], [sflag:$0x1] =	stream.linear.gather [hbm4b:s26+s3], $0x80, $0x38;
	[tilespmem:$0x17000] =	vst v63  }
0x1b7: {  	s26 =	sadd.s32 $0x480, s23;
	s28 =	simm.s32 $0x16900  }
0x1b8: {  	[tilespmem:s28], [sflag:$0x1] =	stream.linear.gather [hbm4b:s26+s3], $0x80, $0x38;
	[tilespmem:$0x17000] =	vst v63  }
0x1b9: {  	s26 =	sadd.s32 $0x500, s23;
	s28 =	simm.s32 $0x16A00  }
0x1ba: {  	[tilespmem:s28], [sflag:$0x1] =	stream.linear.gather [hbm4b:s26+s3], $0x80, $0x38;
	[tilespmem:$0x17000] =	vst v63  }
0x1bb: {  	s26 =	sadd.s32 $0x580, s23;
	s28 =	simm.s32 $0x16B00  }
0x1bc: {  	[tilespmem:s28], [sflag:$0x1] =	stream.linear.gather [hbm4b:s26+s3], $0x80, $0x38;
	[tilespmem:$0x17000] =	vst v63  }
0x1bd: {  	s26 =	sadd.s32 $0x600, s23;
	s28 =	simm.s32 $0x16C00  }
0x1be: {  	[tilespmem:s28], [sflag:$0x1] =	stream.linear.gather [hbm4b:s26+s3], $0x80, $0x38;
	[tilespmem:$0x17000] =	vst v63  }
0x1bf: {  	s26 =	sadd.s32 $0x680, s23;
	s28 =	simm.s32 $0x16D00  }
0x1c0: {  	[tilespmem:s28], [sflag:$0x1] =	stream.linear.gather [hbm4b:s26+s3], $0x80, $0x38;
	[tilespmem:$0x17000] =	vst v63  }
0x1c1: {  	s25 =	sadd.s32 $0x700, s23;
	s26 =	simm.s32 $0x16E00  }
0x1c2: {  	[tilespmem:s26], [sflag:$0x1] =	stream.linear.gather [hbm4b:s25+s3], $0x80, $0x38;
	[tilespmem:$0x17000] =	vst v63  }
0x1c3: {  	s23 =	sadd.s32 $0x780, s23;
	s28 =	simm.s32 $0x16F00  }
0x1c4: {  	[tilespmem:s28], [sflag:$0x1] =	stream.linear.gather [hbm4b:s23+s3], $0x80, $0x38;
	[tilespmem:$0x17000] =	vst v63  }
.LBB2_8:
0x1c5: {  	s23 =	simm.s32 $0xFFFFFFFC;
	s24 =	simm.s32 $0x0;
	p0 =	por $0x0, $0x0  }
.LBB2_9:
0x1c6: {  	s25 =	simm.s32 $0x1  }
0x1c7: {  	s25 =	simm.s32 @!p0 $0x0  }
0x1c8: {  	s25 =	sshll.u32 s25, $0x6  }
0x1c9: {  	s25 =	sadd.s32 s25, s24  }
0x1ca: {  	s26 =	sor.u32 $0x80, s25  }
0x1cb: {  	v1 =	vld [tilespmem:s26+$0x14000];
	_ =	sdelay $0x5  }
0x1cc: {  	v2 =	vld [tilespmem:s26+$0x15000]  }
0x1cd: {  	v3 =	vld [tilespmem:s26+$0x16000]  }
0x1ce: {  	v4 =	vld.idx.msk [tilespmem:v1+s3+$0x0], $0xffff  }
0x1cf: {  	v5 =	vld.idx.msk [tilespmem:v1+s9+$0x0], $0xffff  }
0x1d0: {  	v6 =	vld.idx.msk [tilespmem:v1+s10+$0x0], $0xffff  }
0x1d1: {  	v1 =	vld.idx.msk [tilespmem:v1+s11+$0x0], $0xffff;
	_ =	sdelay $0x1  }
0x1d2: {  	v4 =	vmul.f32 v4, v3  }
0x1d3: {  	v5 =	vmul.f32 v5, v3  }
0x1d4: {  	v57 =	vmul.f32 v6, v3;
	[tilespmem:v2+s17+$0x0] =	vst.idx.add.f32.msk $0xffff, v4  }
0x1d5: {  	v1 =	vmul.f32 v1, v3;
	[tilespmem:v2+s18+$0x0] =	vst.idx.add.f32.msk $0xffff, v5  }
0x1d6: {  	[tilespmem:v2+s19+$0x0] =	vst.idx.add.f32.msk $0xffff, v57  }
0x1d7: {  	s28 =	sor.u32 $0x90, s25;
	[tilespmem:v2+s20+$0x0] =	vst.idx.add.f32.msk $0xffff, v1  }
0x1d8: {  	v1 =	vld [tilespmem:s28+$0x14000];
	_ =	sdelay $0x5  }
0x1d9: {  	v2 =	vld [tilespmem:s28+$0x15000]  }
0x1da: {  	v3 =	vld [tilespmem:s28+$0x16000]  }
0x1db: {  	v4 =	vld.idx.msk [tilespmem:v1+s3+$0x0], $0xffff  }
0x1dc: {  	v5 =	vld.idx.msk [tilespmem:v1+s9+$0x0], $0xffff  }
0x1dd: {  	v58 =	vld.idx.msk [tilespmem:v1+s10+$0x0], $0xffff  }
0x1de: {  	v1 =	vld.idx.msk [tilespmem:v1+s11+$0x0], $0xffff;
	_ =	sdelay $0x1  }
0x1df: {  	v4 =	vmul.f32 v4, v3  }
0x1e0: {  	v5 =	vmul.f32 v5, v3  }
0x1e1: {  	v59 =	vmul.f32 v58, v3;
	[tilespmem:v2+s17+$0x0] =	vst.idx.add.f32.msk $0xffff, v4  }
0x1e2: {  	v1 =	vmul.f32 v1, v3;
	[tilespmem:v2+s18+$0x0] =	vst.idx.add.f32.msk $0xffff, v5  }
0x1e3: {  	[tilespmem:v2+s19+$0x0] =	vst.idx.add.f32.msk $0xffff, v59  }
0x1e4: {  	s28 =	sor.u32 $0xA0, s25;
	[tilespmem:v2+s20+$0x0] =	vst.idx.add.f32.msk $0xffff, v1  }
0x1e5: {  	v1 =	vld [tilespmem:s28+$0x14000];
	_ =	sdelay $0x5  }
0x1e6: {  	v2 =	vld [tilespmem:s28+$0x15000]  }
0x1e7: {  	v3 =	vld [tilespmem:s28+$0x16000]  }
0x1e8: {  	v4 =	vld.idx.msk [tilespmem:v1+s3+$0x0], $0xffff  }
0x1e9: {  	v5 =	vld.idx.msk [tilespmem:v1+s9+$0x0], $0xffff  }
0x1ea: {  	v60 =	vld.idx.msk [tilespmem:v1+s10+$0x0], $0xffff  }
0x1eb: {  	v1 =	vld.idx.msk [tilespmem:v1+s11+$0x0], $0xffff;
	_ =	sdelay $0x1  }
0x1ec: {  	v4 =	vmul.f32 v4, v3  }
0x1ed: {  	v5 =	vmul.f32 v5, v3  }
0x1ee: {  	v61 =	vmul.f32 v60, v3;
	[tilespmem:v2+s17+$0x0] =	vst.idx.add.f32.msk $0xffff, v4  }
0x1ef: {  	v1 =	vmul.f32 v1, v3;
	[tilespmem:v2+s18+$0x0] =	vst.idx.add.f32.msk $0xffff, v5  }
0x1f0: {  	[tilespmem:v2+s19+$0x0] =	vst.idx.add.f32.msk $0xffff, v61  }
0x1f1: {  	s25 =	sor.u32 $0xB0, s25;
	[tilespmem:v2+s20+$0x0] =	vst.idx.add.f32.msk $0xffff, v1  }
0x1f2: {  	v1 =	vld [tilespmem:s25+$0x14000];
	_ =	sdelay $0x5  }
0x1f3: {  	v2 =	vld [tilespmem:s25+$0x15000]  }
0x1f4: {  	v3 =	vld [tilespmem:s25+$0x16000]  }
0x1f5: {  	v4 =	vld.idx.msk [tilespmem:v1+s3+$0x0], $0xffff  }
0x1f6: {  	v5 =	vld.idx.msk [tilespmem:v1+s9+$0x0], $0xffff  }
0x1f7: {  	v62 =	vld.idx.msk [tilespmem:v1+s10+$0x0], $0xffff  }
0x1f8: {  	v1 =	vld.idx.msk [tilespmem:v1+s11+$0x0], $0xffff  }
0x1f9: {  	s23 =	sadd.s32 $0x4, s23  }
0x1fa: {  	p1 =	slt.u32 s23, $0x7C;
	v4 =	vmul.f32 v4, v3  }
.Ltmp3:
0x1fb: {  	v5 =	vmul.f32 v5, v3;
	(pc) =	sbr.rel @p1 .LBB2_9-.Ltmp3, $4  }
0x1fc: {  	v63 =	vmul.f32 v62, v3;
	[tilespmem:v2+s17+$0x0] =	vst.idx.add.f32.msk $0xffff, v4  }
0x1fd: {  	v1 =	vmul.f32 v1, v3;
	[tilespmem:v2+s18+$0x0] =	vst.idx.add.f32.msk $0xffff, v5  }
0x1fe: {  	[tilespmem:v2+s19+$0x0] =	vst.idx.add.f32.msk $0xffff, v63  }
0x1ff: {  	p0 =	por !p0, !p0;
	s24 =	sadd.s32 $0x80, s24;
	[tilespmem:v2+s20+$0x0] =	vst.idx.add.f32.msk $0xffff, v1  }
0x200: {  	s22 =	sadd.s32 $0x1, s22  }
0x201: {  	p0 =	sne.s32 s22, $0x50  }
.Ltmp4:
0x202: {  	_ = 	snop;
	(pc) =	sbr.rel @p0 .LBB2_4-.Ltmp4, $1  }
0x203: {  	_ =	sdelay $0x3  }
0x204: {  	s21 =	rddreg [dreg:$0x7]  }
0x205: {  	s22 =	simm.s32 $0x80;
	s23 =	simm.s32 $0x200;
	s24 =	simm.s32 $0x2  }
0x206: {  	[hbm4b:s21+s22] =	stream.strided.scatter [tilespmem:s17], [sflag:$0x2], $0x2800, s23, s22, $0x38;
	[tilespmem:$0x17000] =	vst v63  }
0x207: {  	_ =	swait.ge [sflag:s24], $0x2800  }
0x208: {  	[sflag:s24] =	ssyncset.done $0x0  }
0x209: {  	s26 =	rddreg [dreg:$0x8];
	[sflag:s24] =	ssyncadd.s32 $0xFFFFD800  }
0x20a: {  	[hbm4b:s26+s22] =	stream.strided.scatter [tilespmem:s18], [sflag:$0x2], $0x2800, s23, s22, $0x38;
	[tilespmem:$0x17000] =	vst v63  }
0x20b: {  	_ =	swait.ge [sflag:s24], $0x2800  }
0x20c: {  	[sflag:s24] =	ssyncset.done $0x0  }
0x20d: {  	s28 =	rddreg [dreg:$0x9];
	[sflag:s24] =	ssyncadd.s32 $0xFFFFD800  }
0x20e: {  	[hbm4b:s28+s22] =	stream.strided.scatter [tilespmem:s19], [sflag:$0x2], $0x2800, s23, s22, $0x38;
	[tilespmem:$0x17000] =	vst v63  }
0x20f: {  	_ =	swait.ge [sflag:s24], $0x2800  }
0x210: {  	[sflag:s24] =	ssyncset.done $0x0  }
0x211: {  	s25 =	rddreg [dreg:$0xa];
	[sflag:s24] =	ssyncadd.s32 $0xFFFFD800  }
0x212: {  	[hbm4b:s25+s22] =	stream.strided.scatter [tilespmem:s20], [sflag:$0x2], $0x2800, s23, s22, $0x38;
	[tilespmem:$0x17000] =	vst v63  }
0x213: {  	_ =	swait.ge [sflag:s24], $0x2800  }
0x214: {  	s26 =	sld [smem:$0x7E4];
	_ =	sdelay $0x2  }
0x215: {  	s28 =	rddreg [dreg:$0xb];
	s23 =	sadd.s32 $0x1, s26  }
0x216: {  	p0 =	sne.s32 s23, s28  }
.Ltmp5:
0x217: {  	_ = 	snop;
	(pc) =	sbr.rel @p0 .LBB2_1-.Ltmp5, $3  }
0x218: {  	_ =	sdelay $0x1  }
0x219: {  	[sflag:s24] =	ssyncset.done $0x0  }
0x21a: {  	[sflag:s24] =	ssyncadd.s32 $0xFFFFD800  }
0x21b: {  	_ =	sfence.sel $0x180000  }
0x21c: {  	[bflag:$0x0] =	sbarrier.arrive $0xFFFF  }
0x21d: {  	_ =	strace $0x90000050  }
0x21e: {  	s0 =	stileid.u32;
	[bflag:$0x2] =	sbarrier.arrive $0xFFFF  }
0x21f: {  	p0 =	sne.s32 s0, $0x0;
	s0 =	rddreg [dreg:$0x2]  }
0x220: {  	s0 =	sadd.s32 @!p0 $0x100000, s0  }
0x221: {  	[sflag:s0] =	ssyncadd.tile.s32 @!p0 $0x1;
	_ =	shalt  }
.Lfunc_end2:
_tile_overlayer_lowered:
.L_overlay_start_2:
0x222: {  	(tag) =	ssettag $0x2  }
0x223: {  	s0 =	rddreg [dreg:$0x0];
	s2 =	stileid.u32  }
0x224: {  	s1 =	rddreg [dreg:$0x1];
	p0 =	sne.s32 s2, $0x0  }
0x225: {  	s3 =	rddreg [dreg:$0x2];
	[bflag:$0x3] =	sbarrier.arrive $0xFFFF;
	s2 =	simm.s32 @!p0 $0x1C02  }
0x226: {  	[timem:s3], [sflag:s2] =	dma.local @!p0 [hbm:s0], s1  }
0x227: {  	s0 =	simm.s32 @!p0 $0x2  }
0x228: {  	_ =	swait.ge @!p0 [sflag:s0], s1  }
0x229: {  	s1 =	ssub.s32 @!p0 $0x0, s1;
	[sflag:s0] =	ssyncset.done @!p0 $0x0  }
0x22a: {  	[sflag:s0] =	ssyncadd.s32 @!p0 s1  }
0x22b: {  	[bflag:$0x3] =	sbarrier.arrive $0xFFFF  }
0x22c: {  	_ =	shalt  }

// kernel: kernel.9.cloned.1.call-start
scs
__scs_entry_jumppad:
0x0: {  	(pc) =	sbr.rel $0x88, $3  }
0x1: {  	(tag) =	ssettag $0x0;
	lr =	simm.s32 $0x1  }
0x2: {  	[smem:$0x3F97] =	sst lr;
	_ =	strace $0xD0000000  }
0x3: {  	_ = 	snop  }
0x4: {  	_ = 	snop  }
0x5: {  	_ = 	snop  }
0x6: {  	_ = 	snop  }
0x7: {  	_ = 	snop  }
__scs_overlays_trampoline_lowered:
0x8: {  	[smem:$0x3FA6] =	sst s0  }
0x9: {  	[smem:$0x3FA7] =	sst s1  }
0xa: {  	[smem:$0x3FA8] =	sst s2  }
0xb: {  	[smem:$0x3FA9] =	sst s3  }
0xc: {  	[smem:$0x3FAA] =	sst s4  }
0xd: {  	[smem:$0x3FAB] =	sst s5  }
0xe: {  	[smem:$0x3FAC] =	sst s6  }
0xf: {  	[smem:$0x3FAD] =	sst s7  }
0x10: {  	[smem:$0x3FAE] =	sst s8  }
0x11: {  	[smem:$0x3FAF] =	sst s9;
	s0 =	simm.s32 @!p0 $0x0  }
0x12: {  	s1 =	sld [smem:$0x3F95];
	s0 =	simm.s32 @p0 $0x1  }
0x13: {  	[smem:$0x3FB0] =	sst s0;
	s0 =	simm.s32 @!p1 $0x0  }
0x14: {  	s2 =	sld [smem:$0x3F94];
	s0 =	simm.s32 @p1 $0x1  }
0x15: {  	[smem:$0x3FB1] =	sst s0;
	s0 =	simm.s32 @!p2 $0x0  }
0x16: {  	s3 =	sld [smem:$0x3FDB];
	s0 =	simm.s32 @p2 $0x1  }
0x17: {  	s4 =	simm.s32 $0x1BF5;
	[smem:$0x3FB3] =	sst s0  }
0x18: {  	s0 =	sld [smem:$0x3F96];
	_ =	swait.ge [sflag:s4], $0x0  }
0x19: {  	s7 =	sld [smem:$0x3F97]  }
0x1a: {  	s8 =	sadd.s32 $0xFFFFE003, lr  }
0x1b: {  	s9 =	sadd.s32 $0xFFFFFEF7, lr;
	s5 =	simm.s32 $0xFFFFFFFF;
	p2 =	slt.u32 s8, $0xFFFFF086  }
0x1c: {  	p1 =	slt.u32 s9, $0xF7A;
	s5 =	simm.s32 @!p2 $0x0  }
0x1d: {  	s5 =	simm.s32 @p1 $0x1;
	p0 =	seq.s32 s7, s2  }
0x1e: {  	s7 =	smul.u32 @!p0 $0xF7A, s2;
	p2 =	seq.s32 @!p0 s5, $0x0  }
0x1f: {  	s9 =	smul.u32 $0xF7A, s1;
	s8 =	simm.s32 @!p0 $0x1BF5;
	p2 =	por !p2, p0  }
0x20: {  	[sflag:s8] =	ssyncset.s32 @!p0 $0xFFFFF086;
	s6 =	sadd.s32 @!p0 s3, s7;
	s7 =	simm.s32 @!p0 $0x108  }
0x21: {  	s3 =	sadd.s32 s3, s9;
	s6 =	sadd.s32 @!p0 $0x88, s6;
	s7 =	simm.s32 @p2 $0x1082  }
0x22: {  	[simem:s7], [sflag:s8] =	dma.local @!p0 [hbm:s6], $0xF7A  }
0x23: {  	s9 =	sor.u32 $0xD0000000, s2;
	s6 =	simm.s32 $0x108;
	_ =	swait.ge @!p0 [sflag:s8], $0x0  }
0x24: {  	s3 =	sadd.s32 $0x88, s3;
	s6 =	simm.s32 @!p1 $0x1082;
	[sflag:s4] =	ssyncset.s32 $0xFFFFF086  }
0x25: {  	[simem:s6], [sflag:s4] =	dma.local [hbm:s3], $0xF7A  }
0x26: {  	[smem:$0x3F97] =	sst s1;
	(tag) =	ssettag s2;
	_ =	strace s9  }
0x27: {  	s1 =	sld [smem:$0x3FA7]  }
0x28: {  	s2 =	sld [smem:$0x3FA8]  }
0x29: {  	s4 =	sld [smem:$0x3FAA]  }
0x2a: {  	p0 =	seq.s32 s5, $0x0;
	s5 =	sld [smem:$0x3FAB]  }
0x2b: {  	s6 =	sld [smem:$0x3FAC]  }
0x2c: {  	s7 =	sld [smem:$0x3FAD]  }
0x2d: {  	s3 =	simm.s32 $0x108;
	s8 =	sld [smem:$0x3FAE]  }
0x2e: {  	s3 =	simm.s32 @!p0 $0x1082;
	s9 =	sld [smem:$0x3FAF]  }
0x2f: {  	lr =	sadd.s32 s0, s3;
	s0 =	sld [smem:$0x3FA6]  }
0x30: {  	s3 =	sld [smem:$0x3FA9]  }
0x31: {  	[smem:$0x3FB2] =	sst s10  }
0x32: {  	s10 =	sld [smem:$0x3FB0];
	_ =	sdelay $0x3  }
0x33: {  	p0 =	seq.s32 s10, $0x1;
	s10 =	sld [smem:$0x3FB2];
	_ =	sdelay $0x3  }
0x34: {  	[smem:$0x3FB2] =	sst s10  }
0x35: {  	s10 =	sld [smem:$0x3FB1];
	_ =	sdelay $0x3  }
0x36: {  	p1 =	seq.s32 s10, $0x1;
	s10 =	sld [smem:$0x3FB2];
	_ =	sdelay $0x3  }
0x37: {  	[smem:$0x3FB2] =	sst s10  }
0x38: {  	s10 =	sld [smem:$0x3FB3]  }
0x39: {  	_ = 	snop;
	(pc) =	sbr.ind lr, $3  }
0x3a: {  	_ = 	snop  }
0x3b: {  	_ = 	snop  }
0x3c: {  	p2 =	seq.s32 s10, $0x1;
	s10 =	sld [smem:$0x3FB2]  }
0x3d: {  	_ =	shalt  }
0x3e: {  	_ =	shalt  }
0x3f: {  	_ =	shalt  }
0x40: {  	_ =	shalt  }
0x41: {  	_ =	shalt  }
0x42: {  	_ =	shalt  }
0x43: {  	_ =	shalt  }
0x44: {  	_ =	shalt  }
0x45: {  	_ =	shalt  }
0x46: {  	_ =	shalt  }
0x47: {  	_ =	shalt  }
0x48: {  	_ =	shalt  }
0x49: {  	_ =	shalt  }
0x4a: {  	_ =	shalt  }
0x4b: {  	_ =	shalt  }
0x4c: {  	_ =	shalt  }
0x4d: {  	_ =	shalt  }
0x4e: {  	_ =	shalt  }
0x4f: {  	_ =	shalt  }
0x50: {  	_ =	shalt  }
0x51: {  	_ =	shalt  }
0x52: {  	_ =	shalt  }
0x53: {  	_ =	shalt  }
0x54: {  	_ =	shalt  }
0x55: {  	_ =	shalt  }
0x56: {  	_ =	shalt  }
0x57: {  	_ =	shalt  }
0x58: {  	_ =	shalt  }
0x59: {  	_ =	shalt  }
0x5a: {  	_ =	shalt  }
0x5b: {  	_ =	shalt  }
0x5c: {  	_ =	shalt  }
0x5d: {  	_ =	shalt  }
0x5e: {  	_ =	shalt  }
0x5f: {  	_ =	shalt  }
0x60: {  	_ =	shalt  }
0x61: {  	_ =	shalt  }
0x62: {  	_ =	shalt  }
0x63: {  	_ =	shalt  }
0x64: {  	_ =	shalt  }
0x65: {  	_ =	shalt  }
0x66: {  	_ =	shalt  }
0x67: {  	_ =	shalt  }
0x68: {  	_ =	shalt  }
0x69: {  	_ =	shalt  }
0x6a: {  	_ =	shalt  }
0x6b: {  	_ =	shalt  }
0x6c: {  	_ =	shalt  }
0x6d: {  	_ =	shalt  }
0x6e: {  	_ =	shalt  }
0x6f: {  	_ =	shalt  }
0x70: {  	_ =	shalt  }
0x71: {  	_ =	shalt  }
0x72: {  	_ =	shalt  }
0x73: {  	_ =	shalt  }
0x74: {  	_ =	shalt  }
0x75: {  	_ =	shalt  }
0x76: {  	_ =	shalt  }
0x77: {  	_ =	shalt  }
0x78: {  	_ =	shalt  }
0x79: {  	_ =	shalt  }
0x7a: {  	_ =	shalt  }
0x7b: {  	_ =	shalt  }
0x7c: {  	_ =	shalt  }
0x7d: {  	_ =	shalt  }
0x7e: {  	_ =	shalt  }
0x7f: {  	_ =	shalt  }
0x80: {  	_ =	shalt  }
0x81: {  	_ =	shalt  }
0x82: {  	_ =	shalt  }
0x83: {  	_ =	shalt  }
0x84: {  	_ =	shalt  }
0x85: {  	_ =	shalt  }
0x86: {  	_ =	shalt  }
0x87: {  	_ =	shalt  }
.Lfunc_end0:
.L_simem_size_0:
called_computation_lowered:
.L_overlay_start_0:
0x88: {  	s2 =	sld [smem:$0x3FD9]  }
0x89: {  	s3 =	sld [smem:$0x3FFE];
	_ =	sdelay $0x1  }
0x8a: {  	s1 =	srdreg.scid  }
0x8b: {  	s0 =	sand.u32 $0x1, s1  }
0x8c: {  	s17 =	sshll.u32 s0, $0xA;
	s2 =	sadd.s32 s3, s2  }
0x8d: {  	s2 =	sadd.s32 s2, s17  }
0x8e: {  	[smem:$0x3FBE] =	sst s2  }
0x8f: {  	_ = 	snop  }
0x90: {  	s2 =	sld [smem:$0x3FD0];
	(tm) =	ssettm $0x1  }
0x91: {  	s18 =	sld [smem:$0x3FFB];
	_ =	sdelay $0x3  }
0x92: {  	_ =	strace s18  }
0x93: {  	s3 =	sld [smem:$0x3FFC];
	_ =	sdelay $0x3  }
0x94: {  	_ =	strace s3  }
0x95: {  	s3 =	sld [smem:$0x3FFD];
	_ =	sdelay $0x3  }
0x96: {  	_ =	strace s3  }
0x97: {  	_ =	strace $0x8FFFFFFF  }
0x98: {  	s19 =	sld [smem:$0x3FDB];
	_ =	sdelay $0x1  }
0x99: {  	s4 =	simm.s32 $_scs_section_size  }
0x9a: {  	s5 =	simm.s32 $_size__tile_overlayer_lowered;
	s6 =	simm.s32 $_tile_overlayer_lowered  }
0x9b: {  	s22 =	simm.s32 $0x1BFF;
	s21 =	sshll.u32 s6, $0x1;
	s3 =	sadd.s32 s4, s19  }
0x9c: {  	s7 =	simm.s32 $0x0;
	s20 =	sshll.u32 s5, $0x1;
	s5 =	sadd.s32 s21, s3  }
0x9d: {  	[timem:s7], [sflag:s22] =	dma.local [hbm:s5], s20  }
0x9e: {  	_ =	swait.ge [sflag:s22], s20  }
0x9f: {  	s4 =	ssub.s32 $0x0, s20;
	[sflag:s22] =	ssyncset.done $0x0  }
0xa0: {  	[sflag:s22] =	ssyncadd.s32 s4;
	_ =	sdelay $0x1  }
0xa1: {  	s23 =	simm.s32 $0x1B8B  }
0xa2: {  	_ =	swait.ge [sflag:s23], $0x1  }
0xa3: {  	[sflag:s23] =	ssyncset.done $0x0  }
0xa4: {  	s25 =	simm.s32 $0x1B8E;
	s24 =	sld [smem:$0x3FFE];
	[sflag:s23] =	ssyncadd.s32 $0xFFFFFFFF  }
0xa5: {  	s26 =	simm.s32 $execute0_lowered;
	[smem:$0x3FD2] =	sst s25  }
0xa6: {  	s5 =	sshll.u32 s26, $0x1;
	_ =	strace $0x80000046;
	[dreg:$0x1] =	wrdreg $0xFFFFFFFF  }
0xa7: {  	s28 =	simm.s32 $_size_execute0_lowered;
	s3 =	sadd.s32 s3, s5;
	[dreg:$0x0] =	wrdreg $0x0  }
0xa8: {  	s5 =	sshll.u32 s28, $0x1;
	[dreg:$0x2] =	wrdreg s3  }
0xa9: {  	[dreg:$0x3] =	wrdreg s5  }
0xaa: {  	[dreg:$0x4] =	wrdreg $0xC0  }
0xab: {  	_ =	task [dreg:s7], $0x5FFFF  }
0xac: {  	[dreg:$0x1] =	wrdreg $0xFFFFFFFF  }
0xad: {  	[dreg:$0x0] =	wrdreg $0x60  }
0xae: {  	[dreg:$0x2] =	wrdreg s2  }
0xaf: {  	[dreg:$0x3] =	wrdreg s24  }
0xb0: {  	[dreg:$0x4] =	wrdreg $0x6A800  }
0xb1: {  	[dreg:$0x5] =	wrdreg $0x9  }
0xb2: {  	_ =	task.clear_ibuf [dreg:s7], $0x6FFFF;
	_ =	strace $0x90000046  }
0xb3: {  	s29 =	simm.s32 $0x9;
	_ =	strace $0x80000048  }
0xb4: {  	_ =	swait.ge [sflag:s29], $0x1  }
0xb5: {  	[sflag:s29] =	ssyncadd.s32 $0xFFFFFFFF  }
0xb6: {  	_ =	strace $0x90000048  }
0xb7: {  	_ =	sfence  }
0xb8: {  	s30 =	sld [smem:$0x0];
	_ =	sdelay $0x2  }
0xb9: {  	s31 =	sshll.u32 s1, $0xD;
	s1 =	sshrl.u32 s1, $0x2  }
0xba: {  	s3 =	sand.u32 $0x4000, s31;
	s1 =	sadd.s32 s1, s30  }
0xbb: {  	s0 =	sor.u32 s3, s0;
	s1 =	sshll.u32 s1, $0x11  }
0xbc: {  	s0 =	sor.u32 s1, s0  }
0xbd: {  	s0 =	sadd.s32 $0x8F2B, s0  }
0xbe: {  	[sflag:s0] =	ssyncadd.remote.s32 $0x1  }
0xbf: {  	_ =	sfence.sel $0xFFFF  }
0xc0: {  	[dreg:$0x0] =	wrdreg $0xFFFFFFFF;
	(pc) =	sbr.abs _section_cstart, $3  }
0xc1: {  	[dreg:$0x1] =	wrdreg $0xFFFFFFFF  }
0xc2: {  	_ =	task.clear_ibuf [dreg:s7], $0x2FFFF;
	_ =	strace $0x9FFFFFFF  }
0xc3: {  	(tm) =	ssettm $0x7FFFFFFF  }
tec
execute0_lowered:
.L_overlay_start_1:
0x0: {  	(tag) =	ssettag $0x1  }
0x1: {  	s1 =	rddreg [dreg:$0x0]  }
0x2: {  	s10 =	rddreg [dreg:$0x1]  }
0x3: {  	s2 =	rddreg [dreg:$0x2]  }
0x4: {  	s0 =	rddreg [dreg:$0x3];
	s3 =	simm.s32 $0x0  }
0x5: {  	s6 =	srdreg.scid;
	s15 =	simm.s32 $0x2AE00;
	s16 =	simm.s32 $0x5000  }
0x6: {  	s17 =	simm.s32 $0x5800;
	s18 =	simm.s32 $0x40;
	s19 =	simm.s32 $0x1  }
0x7: {  	s20 =	simm.s32 $0x6000;
	s23 =	simm.s32 $0x0;
	[smem:$0x7FF] =	sst s3  }
0x8: {  	s4 =	sadd.s32 $0x1C00, s10;
	s5 =	sadd.s32 $0x15C00, s10;
	s9 =	sand.u32 $0x1, s6  }
0x9: {  	s7 =	sadd.s32 $0x16200, s10;
	s8 =	sadd.s32 $0x16800, s10;
	s6 =	stileid.u32  }
0xa: {  	_ =	strace $0x80000047;
	s11 =	ssub.s32 $0x2, s9;
	s13 =	sshll.u32 s9, $0x4  }
0xb: {  	s14 =	smul.u32 $0x280, s6;
	p0 =	seq.s32 s9, $0x1;
	s21 =	sshll.u32 s6, $0x6  }
0xc: {  	s12 =	sshrl.u32 s11, $0x1;
	s29 =	sor.u32 s6, s13;
	s15 =	simm.s32 @!p0 $0x2A800  }
0xd: {  	s13 =	simm.s32 $0x2;
	s21 =	sor.u32 $0x1C02, s21;
	s11 =	ssub.s32 s11, s12  }
0xe: {  	s9 =	sadd.s32 s14, s2;
	s30 =	sshrl.u32 s14, $0x3;
	s31 =	sadd.s32 s15, s10  }
0xf: {  	s10 =	smul.u32 $0x5000, s29;
	s14 =	simm.s32 $0x2800;
	s15 =	simm.s32 $0x6800  }
0x10: {  	v0 =	vimm.f32 $0.0e+00;
	s11 =	smax.u32 s11, $0x1;
	s12 =	sadd.s32 s31, s30;
	s22 =	sshrl.u32 s9, $0x3  }
.LBB2_1:
0x11: {  	[tilespmem:s3], [sflag:$0x2] =	stream.linear.gather [hbm4b:s5+s3], $0x2800, $0x38;
	[tilespmem:$0x6D00] =	vst v63  }
0x12: {  	_ =	swait.ge [sflag:s13], $0x2800  }
0x13: {  	[sflag:s13] =	ssyncset.done $0x0  }
0x14: {  	[sflag:s13] =	ssyncadd.s32 $0xFFFFD800  }
0x15: {  	[tilespmem:s14], [sflag:$0x2] =	stream.linear.gather [hbm4b:s7+s3], $0x2800, $0x38;
	[tilespmem:$0x6D00] =	vst v63  }
0x16: {  	_ =	swait.ge [sflag:s13], $0x2800  }
0x17: {  	[sflag:s13] =	ssyncset.done $0x0  }
0x18: {  	[sflag:s13] =	ssyncadd.s32 $0xFFFFD800  }
0x19: {  	[tilespmem:$0x6800] =	vst v0  }
0x1a: {  	[tilespmem:$0x6810] =	vst v0  }
0x1b: {  	[tilespmem:$0x6820] =	vst v0  }
0x1c: {  	[tilespmem:$0x6830] =	vst v0  }
0x1d: {  	[tilespmem:$0x6840] =	vst v0  }
0x1e: {  	[tilespmem:$0x6850] =	vst v0  }
0x1f: {  	[tilespmem:$0x6860] =	vst v0  }
0x20: {  	[tilespmem:$0x6870] =	vst v0  }
0x21: {  	[tilespmem:$0x6880] =	vst v0  }
0x22: {  	[tilespmem:$0x6890] =	vst v0  }
0x23: {  	[tilespmem:$0x68A0] =	vst v0  }
0x24: {  	[tilespmem:$0x68B0] =	vst v0  }
0x25: {  	[tilespmem:$0x68C0] =	vst v0  }
0x26: {  	[tilespmem:$0x68D0] =	vst v0  }
0x27: {  	[tilespmem:$0x68E0] =	vst v0  }
0x28: {  	[tilespmem:$0x68F0] =	vst v0  }
0x29: {  	[tilespmem:$0x6900] =	vst v0  }
0x2a: {  	[tilespmem:$0x6910] =	vst v0  }
0x2b: {  	[tilespmem:$0x6920] =	vst v0  }
0x2c: {  	[tilespmem:$0x6930] =	vst v0  }
0x2d: {  	[tilespmem:$0x6940] =	vst v0  }
0x2e: {  	[tilespmem:$0x6950] =	vst v0  }
0x2f: {  	[tilespmem:$0x6960] =	vst v0  }
0x30: {  	[tilespmem:$0x6970] =	vst v0  }
0x31: {  	[tilespmem:$0x6980] =	vst v0  }
0x32: {  	[tilespmem:$0x6990] =	vst v0  }
0x33: {  	[tilespmem:$0x69A0] =	vst v0  }
0x34: {  	[tilespmem:$0x69B0] =	vst v0  }
0x35: {  	[tilespmem:$0x69C0] =	vst v0  }
0x36: {  	[tilespmem:$0x69D0] =	vst v0  }
0x37: {  	[tilespmem:$0x69E0] =	vst v0  }
0x38: {  	[tilespmem:$0x69F0] =	vst v0  }
0x39: {  	[tilespmem:$0x6A00] =	vst v0  }
0x3a: {  	[tilespmem:$0x6A10] =	vst v0  }
0x3b: {  	[tilespmem:$0x6A20] =	vst v0  }
0x3c: {  	[tilespmem:$0x6A30] =	vst v0  }
0x3d: {  	[tilespmem:$0x6A40] =	vst v0  }
0x3e: {  	[tilespmem:$0x6A50] =	vst v0  }
0x3f: {  	[tilespmem:$0x6A60] =	vst v0  }
0x40: {  	[tilespmem:$0x6A70] =	vst v0  }
0x41: {  	[spmem:s9] =	stream.linear.scatter [tilespmem:s15], [sflag:$0x2], $0x280, $0x38;
	[tilespmem:$0x6D00] =	vst v63  }
0x42: {  	_ =	swait.ge [sflag:s13], $0x280  }
0x43: {  	[sflag:s13] =	ssyncset.done $0x0  }
0x44: {  	[sflag:s13] =	ssyncadd.s32 $0xFFFFFD80  }
0x45: {  	s24 =	simm.s32 $0x0;
	[bflag:$0x0] =	sbarrier.arrive $0xFFFF  }
.LBB2_2:
0x46: {  	s25 =	sshll.u32 s24, $0xB  }
0x47: {  	s25 =	sadd.s32 s10, s25  }
0x48: {  	s25 =	sshrl.u32 s25, $0x3  }
0x49: {  	s28 =	simm.s32 $0x0;
	s26 =	sadd.s32 s1, s25  }
0x4a: {  	[tilespmem:s16], [sflag:$0x2] =	stream.linear.gather [hbm4b:s26+s28], $0x800, $0x38;
	[tilespmem:$0x6D00] =	vst v63  }
0x4b: {  	_ =	swait.ge [sflag:s13], $0x800  }
0x4c: {  	[sflag:s13] =	ssyncset.done $0x0  }
0x4d: {  	s31 =	sadd.s32 s4, s25;
	[sflag:s13] =	ssyncadd.s32 $0xFFFFF800  }
0x4e: {  	[tilespmem:s17], [sflag:$0x2] =	stream.linear.gather [hbm4b:s31+s28], $0x800, $0x38;
	[tilespmem:$0x6D00] =	vst v63  }
0x4f: {  	_ =	swait.ge [sflag:s13], $0x800  }
0x50: {  	[sflag:s13] =	ssyncset.done $0x0  }
0x51: {  	s26 =	simm.s32 $0x0;
	[sflag:s13] =	ssyncadd.s32 $0xFFFFF800  }
0x52: {  	v1 =	vld [tilespmem:s26+$0x5000]  }
0x53: {  	v2 =	vld [tilespmem:s26+$0x5800];
	_ =	sdelay $0x6  }
0x54: {  	v1 =	vld.idx.msk [tilespmem:v1+s3+$0x0], $0xffff  }
0x55: {  	v2 =	vld.idx.msk [tilespmem:v2+s14+$0x0], $0xffff;
	_ =	sdelay $0x4  }
0x56: {  	v1 =	vadd.f32 v2, v1;
	_ =	sdelay $0x1  }
0x57: {  	v2 =	vmul.f32 $2.000000030e-01, v1;
	_ =	sdelay $0x1  }
0x58: {  	v1 =	vmax.f32 v1, v2  }
0x59: {  	v1 =	vmul.f32 $1.442695020e+00, v1;
	_ =	sdelay $0x1  }
0x5a: {  	(erf) = vpow2.f32 v1;
	_ =	sdelay $0x2  }
0x5b: {  	v1 =	vld [tilespmem:s26+$0x5010]  }
0x5c: {  	v2 =	vld [tilespmem:s26+$0x5810];
	_ =	sdelay $0x4  }
0x5d: {  	v3 =	vpop (erf)  }
0x5e: {  	[tilespmem:s26+$0x6000] =	vst v3  }
0x5f: {  	v1 =	vld.idx.msk [tilespmem:v1+s3+$0x0], $0xffff  }
0x60: {  	v2 =	vld.idx.msk [tilespmem:v2+s14+$0x0], $0xffff;
	_ =	sdelay $0x4  }
0x61: {  	v1 =	vadd.f32 v2, v1;
	_ =	sdelay $0x1  }
0x62: {  	v2 =	vmul.f32 $2.000000030e-01, v1;
	_ =	sdelay $0x1  }
0x63: {  	v1 =	vmax.f32 v1, v2  }
0x64: {  	v1 =	vmul.f32 $1.442695020e+00, v1;
	_ =	sdelay $0x1  }
0x65: {  	(erf) = vpow2.f32 v1;
	_ =	sdelay $0x2  }
0x66: {  	v1 =	vld [tilespmem:s26+$0x5020]  }
0x67: {  	v2 =	vld [tilespmem:s26+$0x5820];
	_ =	sdelay $0x4  }
0x68: {  	v3 =	vpop (erf)  }
0x69: {  	[tilespmem:s26+$0x6010] =	vst v3  }
0x6a: {  	v1 =	vld.idx.msk [tilespmem:v1+s3+$0x0], $0xffff  }
0x6b: {  	v2 =	vld.idx.msk [tilespmem:v2+s14+$0x0], $0xffff;
	_ =	sdelay $0x4  }
0x6c: {  	v1 =	vadd.f32 v2, v1;
	_ =	sdelay $0x1  }
0x6d: {  	v2 =	vmul.f32 $2.000000030e-01, v1;
	_ =	sdelay $0x1  }
0x6e: {  	v1 =	vmax.f32 v1, v2  }
0x6f: {  	v1 =	vmul.f32 $1.442695020e+00, v1;
	_ =	sdelay $0x1  }
0x70: {  	(erf) = vpow2.f32 v1;
	_ =	sdelay $0x2  }
0x71: {  	v1 =	vld [tilespmem:s26+$0x5030]  }
0x72: {  	v2 =	vld [tilespmem:s26+$0x5830];
	_ =	sdelay $0x4  }
0x73: {  	v3 =	vpop (erf)  }
0x74: {  	[tilespmem:s26+$0x6020] =	vst v3  }
0x75: {  	v1 =	vld.idx.msk [tilespmem:v1+s3+$0x0], $0xffff  }
0x76: {  	v2 =	vld.idx.msk [tilespmem:v2+s14+$0x0], $0xffff;
	_ =	sdelay $0x4  }
0x77: {  	v1 =	vadd.f32 v2, v1;
	_ =	sdelay $0x1  }
0x78: {  	v2 =	vmul.f32 $2.000000030e-01, v1;
	_ =	sdelay $0x1  }
0x79: {  	v1 =	vmax.f32 v1, v2  }
0x7a: {  	v1 =	vmul.f32 $1.442695020e+00, v1;
	_ =	sdelay $0x1  }
0x7b: {  	(erf) = vpow2.f32 v1;
	_ =	sdelay $0x5  }
0x7c: {  	s29 =	simm.s32 $0x5800;
	s30 =	simm.s32 $0x6000;
	s28 =	simm.s32 $0x200  }
.LBB2_3:
0x7d: {  	p0 =	sne.s32 s28, $0x1E00;
	s31 =	smov.u32 s28;
	s28 =	sadd.s32 $0x200, s28  }
0x7e: {  	_ = 	snop  }
0x7f: {  	v1 =	vpop (erf)  }
0x80: {  	[tilespmem:s26+$0x6030] =	vst v1;
	s26 =	sshra.s32 s31, $0x2  }
0x81: {  	[spmem:s2] =	stream.indirect.scatter.add.f32 [tilespmem:s30], [sflag:$0x1], $0x1, s29, s18, $0xb8;
	[tilespmem:$0x6D00] =	vst v63  }
0x82: {  	v1 =	vld [tilespmem:s26+$0x5000]  }
0x83: {  	v2 =	vld [tilespmem:s26+$0x5800];
	_ =	sdelay $0x6  }
0x84: {  	v1 =	vld.idx.msk [tilespmem:v1+s3+$0x0], $0xffff  }
0x85: {  	v2 =	vld.idx.msk [tilespmem:v2+s14+$0x0], $0xffff;
	_ =	sdelay $0x5  }
0x86: {  	v1 =	vadd.f32 v2, v1;
	_ =	sdelay $0x1  }
0x87: {  	v2 =	vmul.f32 $2.000000030e-01, v1;
	_ =	sdelay $0x1  }
0x88: {  	v1 =	vmax.f32 v1, v2  }
0x89: {  	v1 =	vmul.f32 $1.442695020e+00, v1;
	_ =	sdelay $0x1  }
0x8a: {  	(erf) = vpow2.f32 v1;
	_ =	sdelay $0x1  }
0x8b: {  	v1 =	vld [tilespmem:s26+$0x5810]  }
0x8c: {  	v2 =	vld [tilespmem:s26+$0x5010];
	_ =	sdelay $0x5  }
0x8d: {  	v3 =	vpop (erf)  }
0x8e: {  	[tilespmem:s26+$0x6000] =	vst v3  }
0x8f: {  	v2 =	vld.idx.msk [tilespmem:v2+s3+$0x0], $0xffff  }
0x90: {  	v1 =	vld.idx.msk [tilespmem:v1+s14+$0x0], $0xffff;
	_ =	sdelay $0x5  }
0x91: {  	v1 =	vadd.f32 v1, v2;
	_ =	sdelay $0x1  }
0x92: {  	v2 =	vmul.f32 $2.000000030e-01, v1;
	_ =	sdelay $0x1  }
0x93: {  	v1 =	vmax.f32 v1, v2  }
0x94: {  	v1 =	vmul.f32 $1.442695020e+00, v1;
	_ =	sdelay $0x1  }
0x95: {  	(erf) = vpow2.f32 v1;
	_ =	sdelay $0x1  }
0x96: {  	v1 =	vld [tilespmem:s26+$0x5820]  }
0x97: {  	v2 =	vld [tilespmem:s26+$0x5020];
	_ =	sdelay $0x5  }
0x98: {  	v3 =	vpop (erf)  }
0x99: {  	[tilespmem:s26+$0x6010] =	vst v3  }
0x9a: {  	v2 =	vld.idx.msk [tilespmem:v2+s3+$0x0], $0xffff  }
0x9b: {  	v1 =	vld.idx.msk [tilespmem:v1+s14+$0x0], $0xffff;
	_ =	sdelay $0x5  }
0x9c: {  	v1 =	vadd.f32 v1, v2;
	_ =	sdelay $0x1  }
0x9d: {  	v2 =	vmul.f32 $2.000000030e-01, v1;
	_ =	sdelay $0x1  }
0x9e: {  	v1 =	vmax.f32 v1, v2  }
0x9f: {  	v1 =	vmul.f32 $1.442695020e+00, v1;
	_ =	sdelay $0x1  }
0xa0: {  	(erf) = vpow2.f32 v1;
	_ =	sdelay $0x1  }
0xa1: {  	v1 =	vld [tilespmem:s26+$0x5830]  }
0xa2: {  	v2 =	vld [tilespmem:s26+$0x5030];
	_ =	sdelay $0x5  }
0xa3: {  	v3 =	vpop (erf)  }
0xa4: {  	[tilespmem:s26+$0x6020] =	vst v3  }
0xa5: {  	v2 =	vld.idx.msk [tilespmem:v2+s3+$0x0], $0xffff  }
0xa6: {  	v1 =	vld.idx.msk [tilespmem:v1+s14+$0x0], $0xffff;
	_ =	sdelay $0x5  }
0xa7: {  	v1 =	vadd.f32 v1, v2;
	_ =	sdelay $0x1  }
0xa8: {  	v2 =	vmul.f32 $2.000000030e-01, v1;
	_ =	sdelay $0x1  }
0xa9: {  	v1 =	vmax.f32 v1, v2  }
0xaa: {  	v1 =	vmul.f32 $1.442695020e+00, v1;
	_ =	sdelay $0x1  }
0xab: {  	(erf) = vpow2.f32 v1;
	_ =	sdelay $0x1  }
.Ltmp0:
0xac: {  	(pc) =	sbr.rel @p0 .LBB2_3-.Ltmp0, $2  }
0xad: {  	_ =	sdelay $0x2  }
0xae: {  	s29 =	sadd.s32 $0x5800, s26;
	s30 =	sadd.s32 $0x6000, s26  }
0xaf: {  	_ =	sdelay $0x1  }
0xb0: {  	v1 =	vpop (erf)  }
0xb1: {  	[tilespmem:s26+$0x6030] =	vst v1  }
0xb2: {  	[spmem:s2] =	stream.indirect.scatter.add.f32 [tilespmem:s30], [sflag:$0x1], $0x1, s29, s18, $0xb8;
	[tilespmem:$0x6D00] =	vst v63  }
0xb3: {  	_ =	swait.ge [sflag:s19], $0x40  }
0xb4: {  	[sflag:s19] =	ssyncset.done $0x0  }
0xb5: {  	[sflag:s19] =	ssyncadd.s32 $0xFFFFFFC0  }
0xb6: {  	_ =	swait.ge [sflag:s19], $0x40  }
0xb7: {  	[sflag:s19] =	ssyncset.done $0x0  }
0xb8: {  	[sflag:s19] =	ssyncadd.s32 $0xFFFFFFC0  }
0xb9: {  	_ =	swait.ge [sflag:s19], $0x40  }
0xba: {  	[sflag:s19] =	ssyncset.done $0x0  }
0xbb: {  	[sflag:s19] =	ssyncadd.s32 $0xFFFFFFC0  }
0xbc: {  	_ =	swait.ge [sflag:s19], $0x40  }
0xbd: {  	[sflag:s19] =	ssyncset.done $0x0  }
0xbe: {  	[sflag:s19] =	ssyncadd.s32 $0xFFFFFFC0  }
0xbf: {  	_ =	swait.ge [sflag:s19], $0x40  }
0xc0: {  	[sflag:s19] =	ssyncset.done $0x0  }
0xc1: {  	[sflag:s19] =	ssyncadd.s32 $0xFFFFFFC0  }
0xc2: {  	_ =	swait.ge [sflag:s19], $0x40  }
0xc3: {  	[sflag:s19] =	ssyncset.done $0x0  }
0xc4: {  	[sflag:s19] =	ssyncadd.s32 $0xFFFFFFC0  }
0xc5: {  	_ =	swait.ge [sflag:s19], $0x40  }
0xc6: {  	[sflag:s19] =	ssyncset.done $0x0  }
0xc7: {  	[sflag:s19] =	ssyncadd.s32 $0xFFFFFFC0  }
0xc8: {  	_ =	swait.ge [sflag:s19], $0x40  }
0xc9: {  	[sflag:s19] =	ssyncset.done $0x0  }
0xca: {  	[sflag:s19] =	ssyncadd.s32 $0xFFFFFFC0  }
0xcb: {  	_ =	swait.ge [sflag:s19], $0x40  }
0xcc: {  	[sflag:s19] =	ssyncset.done $0x0  }
0xcd: {  	[sflag:s19] =	ssyncadd.s32 $0xFFFFFFC0  }
0xce: {  	_ =	swait.ge [sflag:s19], $0x40  }
0xcf: {  	[sflag:s19] =	ssyncset.done $0x0  }
0xd0: {  	[sflag:s19] =	ssyncadd.s32 $0xFFFFFFC0  }
0xd1: {  	_ =	swait.ge [sflag:s19], $0x40  }
0xd2: {  	[sflag:s19] =	ssyncset.done $0x0  }
0xd3: {  	[sflag:s19] =	ssyncadd.s32 $0xFFFFFFC0  }
0xd4: {  	_ =	swait.ge [sflag:s19], $0x40  }
0xd5: {  	[sflag:s19] =	ssyncset.done $0x0  }
0xd6: {  	[sflag:s19] =	ssyncadd.s32 $0xFFFFFFC0  }
0xd7: {  	_ =	swait.ge [sflag:s19], $0x40  }
0xd8: {  	[sflag:s19] =	ssyncset.done $0x0  }
0xd9: {  	[sflag:s19] =	ssyncadd.s32 $0xFFFFFFC0  }
0xda: {  	_ =	swait.ge [sflag:s19], $0x40  }
0xdb: {  	[sflag:s19] =	ssyncset.done $0x0  }
0xdc: {  	[sflag:s19] =	ssyncadd.s32 $0xFFFFFFC0  }
0xdd: {  	_ =	swait.ge [sflag:s19], $0x40  }
0xde: {  	[sflag:s19] =	ssyncset.done $0x0  }
0xdf: {  	[sflag:s19] =	ssyncadd.s32 $0xFFFFFFC0  }
0xe0: {  	s24 =	sadd.s32 $0x1, s24;
	_ =	swait.ge [sflag:s19], $0x40  }
0xe1: {  	p0 =	sne.s32 s24, $0xA;
	[sflag:s19] =	ssyncset.done $0x0  }
.Ltmp1:
0xe2: {  	s25 =	sadd.s32 s8, s25;
	[sflag:s19] =	ssyncadd.s32 $0xFFFFFFC0;
	(pc) =	sbr.rel @p0 .LBB2_2-.Ltmp1, $4  }
0xe3: {  	[hbm4b:s25+s3] =	stream.linear.scatter [tilespmem:s20], [sflag:$0x2], $0x800, $0x38;
	[tilespmem:$0x6D00] =	vst v63  }
0xe4: {  	_ =	swait.ge [sflag:s13], $0x800  }
0xe5: {  	[sflag:s13] =	ssyncset.done $0x0  }
0xe6: {  	[sflag:s13] =	ssyncadd.s32 $0xFFFFF800  }
0xe7: {  	s23 =	sadd.s32 $0x1, s23  }
0xe8: {  	p0 =	sne.s32 s23, s11  }
.Ltmp2:
0xe9: {  	[bflag:$0x0] =	sbarrier.arrive $0xFFFF;
	(pc) =	sbr.rel @p0 .LBB2_1-.Ltmp2, $4  }
0xea: {  	[hbm:s12], [sflag:s21] =	dma.local [spmem:s22], $0x50  }
0xeb: {  	_ =	swait.ge [sflag:s13], $0x50  }
0xec: {  	[sflag:s13] =	ssyncset.done $0x0  }
0xed: {  	[sflag:s13] =	ssyncadd.s32 $0xFFFFFFB0  }
0xee: {  	_ =	sfence.sel $0x180000  }
0xef: {  	[bflag:$0x0] =	sbarrier.arrive $0xFFFF  }
0xf0: {  	p0 =	sne.s32 s6, $0x0;
	_ =	strace $0x90000047  }
0xf1: {  	s0 =	sadd.s32 @!p0 $0x100000, s0;
	[bflag:$0x2] =	sbarrier.arrive $0xFFFF  }
0xf2: {  	[sflag:s0] =	ssyncadd.tile.s32 @!p0 $0x1;
	_ =	shalt  }
.Lfunc_end2:
_tile_overlayer_lowered:
.L_overlay_start_2:
0xf3: {  	(tag) =	ssettag $0x2  }
0xf4: {  	s0 =	rddreg [dreg:$0x0];
	s2 =	stileid.u32  }
0xf5: {  	s1 =	rddreg [dreg:$0x1];
	p0 =	sne.s32 s2, $0x0  }
0xf6: {  	s3 =	rddreg [dreg:$0x2];
	[bflag:$0x3] =	sbarrier.arrive $0xFFFF;
	s2 =	simm.s32 @!p0 $0x1C02  }
0xf7: {  	[timem:s3], [sflag:s2] =	dma.local @!p0 [hbm:s0], s1  }
0xf8: {  	s0 =	simm.s32 @!p0 $0x2  }
0xf9: {  	_ =	swait.ge @!p0 [sflag:s0], s1  }
0xfa: {  	s1 =	ssub.s32 @!p0 $0x0, s1;
	[sflag:s0] =	ssyncset.done @!p0 $0x0  }
0xfb: {  	[sflag:s0] =	ssyncadd.s32 @!p0 s1  }
0xfc: {  	[bflag:$0x3] =	sbarrier.arrive $0xFFFF  }
0xfd: {  	_ =	shalt  }

</sc_bundles>
